<compile_context>
chip_gen: v7x
topology: tpu7x:2x2x1
jax: 0.10.2.dev20260603
libtpu: 0.0.44.dev20260713+nightly
codegen_flags: <defaults>
</compile_context>

<pallas_src>
import jax
import jax.numpy as jnp
from jax import lax
from jax.experimental import pallas as pl
from jax.experimental.pallas import tpu as pltpu
from jax.experimental.pallas import tpu_sc as plsc

_B, _F, _E = 16384, 100, 16
_FE = _F * _E
_NW = 32
_RPW = _B // _NW
_CH = 16
_NCH = _RPW // _CH


def _sc_body(cont_hbm, w_hbm, out_hbm,
             cont_v0, cont_v1, out_v0, out_v1, w_v,
             in_sem0, in_sem1, out_sem0, out_sem1):
    wid = lax.axis_index("s") * 2 + lax.axis_index("c")
    base = wid * _RPW
    pltpu.sync_copy(w_hbm, w_v)

    cont_bufs = (cont_v0, cont_v1)
    out_bufs = (out_v0, out_v1)
    in_sems = (in_sem0, in_sem1)
    out_sems = (out_sem0, out_sem1)

    def in_copy(ci, k):
        return pltpu.make_async_copy(
            cont_hbm.at[pl.ds(base + ci * _CH, _CH)], cont_bufs[k], in_sems[k])

    def out_copy(ci, k):
        return pltpu.make_async_copy(
            out_bufs[k], out_hbm.at[pl.ds(base + ci * _CH, _CH)], out_sems[k])

    in_copy(0, 0).start()

    def process(ci, k):
        @pl.when(ci + 1 < _NCH)
        def _pref():
            in_copy(ci + 1, 1 - k).start()

        in_copy(ci, k).wait()
        @pl.when(ci >= 2)
        def _drain_old():
            out_copy(ci - 2, k).wait()

        cont_v = cont_bufs[k]
        out_v = out_bufs[k]

        def row(r, _):
            for lo in (0, 16, 32, 48, 64, 80, 84):
                cvec = cont_v[r, pl.ds(lo, 16)]
                for j in (range(12, 16) if lo == 84 else range(16)):
                    f = lo + j
                    out_v[r, pl.ds(f * _E, _E)] = cvec[j] * w_v[f, :]
            return 0

        lax.fori_loop(0, _CH, row, 0, unroll=False)
        out_copy(ci, k).start()

    def chunk_pair(cj, _):
        process(2 * cj, 0)
        process(2 * cj + 1, 1)
        return 0

    lax.fori_loop(0, _NCH // 2, chunk_pair, 0, unroll=False)
    out_copy(_NCH - 2, 0).wait()
    out_copy(_NCH - 1, 1).wait()


def kernel(cont, weight):
    mesh = plsc.VectorSubcoreMesh(core_axis_name="c", subcore_axis_name="s")
    run = pl.kernel(
        _sc_body,
        mesh=mesh,
        out_type=jax.ShapeDtypeStruct((_B, _FE), jnp.float32),
        scratch_types=[
            pltpu.VMEM((_CH, _F), jnp.float32),
            pltpu.VMEM((_CH, _F), jnp.float32),
            pltpu.VMEM((_CH, _FE), jnp.float32),
            pltpu.VMEM((_CH, _FE), jnp.float32),
            pltpu.VMEM((_F, _E), jnp.float32),
            pltpu.SemaphoreType.DMA,
            pltpu.SemaphoreType.DMA,
            pltpu.SemaphoreType.DMA,
            pltpu.SemaphoreType.DMA,
        ],
    )
    return run(cont, weight).reshape(_B, _F, _E)

# --- scband reference (transcript-rebuilt; emitter-appended) ---
"""Pipeline reference for scband-linear-embedding-48808008352027 (READ-ONLY COPY).

The authoritative reference and input builder live on the scoring server;
editing this copy changes nothing except your own understanding.
"""

import jax, jax.numpy as jnp
import numpy as np

NUM_FIELDS = 100
EMB = 16
BATCH = 16384

def setup_inputs(seed: int = 0) -> dict:
    key = jax.random.key(seed)
    k1, k2 = jax.random.split(key)
    cont = jax.random.normal(k1, (BATCH, NUM_FIELDS), dtype=jnp.float32)
    # xavier_uniform init for embedding weight [num_fields, emb]
    limit = float(np.sqrt(6.0 / (NUM_FIELDS + EMB)))
    weight = jax.random.uniform(k2, (NUM_FIELDS, EMB), dtype=jnp.float32, minval=-limit, maxval=limit)
    return {"cont": cont, "weight": weight}

def reference(cont, weight):
    # LinearEmbedding.forward: embedding.weight * X.unsqueeze(-1)
    # cont: [B, F], weight: [F, E] -> out: [B, F, E]
    return weight * cont[..., None]

if __name__ == "__main__":
    import jax
    _d = setup_inputs()
    print(jax.jit(kernel)(*tuple(_d.values())))

</pallas_src>

<mosaic_0001>
#map = affine_map<(d0, d1) -> (0, 0)>
module attributes {stable_mosaic.version = 14 : i64} {
  func.func @_sc_body(%arg0: i32, %arg1: i32, %arg2: memref<16384x100xf32, #tpu.memory_space<hbm>>, %arg3: memref<100x16xf32, #tpu.memory_space<hbm>>, %arg4: memref<16384x1600xf32, #tpu.memory_space<hbm>>, %arg5: memref<16x100xf32, #tpu.memory_space<vmem>>, %arg6: memref<16x100xf32, #tpu.memory_space<vmem>>, %arg7: memref<16x1600xf32, #tpu.memory_space<vmem>>, %arg8: memref<16x1600xf32, #tpu.memory_space<vmem>>, %arg9: memref<100x16xf32, #tpu.memory_space<vmem>>, %arg10: memref<!tpu.dma_semaphore, #tpu.memory_space<semaphore_mem>>, %arg11: memref<!tpu.dma_semaphore, #tpu.memory_space<semaphore_mem>>, %arg12: memref<!tpu.dma_semaphore, #tpu.memory_space<semaphore_mem>>, %arg13: memref<!tpu.dma_semaphore, #tpu.memory_space<semaphore_mem>>) attributes {dimension_semantics = [#tpu.dimension_semantics<core_parallel>, #tpu.dimension_semantics<subcore_parallel>], iteration_bounds = array<i64: 2, 16>, scalar_prefetch = 0 : i64, scratch_operands = 9 : i64, tpu.core_type = #tpu.core_type<sc_vector_subcore>, window_params = [{transform_indices = #map}, {transform_indices = #map}, {transform_indices = #map}]} {
    %mul3A = arith.constant 2 : i32
    %mul3A_0 = arith.muli %arg1, %mul3A : i32
    %add3A = arith.addi %mul3A_0, %arg0 : i32
    %mul3A_1 = arith.constant 512 : i32
    %mul3A_2 = arith.muli %add3A, %mul3A_1 : i32
    "tpu.region"() ({
      %run_scoped3A = tpu.sem_alloc : memref<!tpu.dma_semaphore, #tpu.memory_space<semaphore_mem>>
      tpu.enqueue_dma source(%arg3 : memref<100x16xf32, #tpu.memory_space<hbm>>) target(%arg9 : memref<100x16xf32, #tpu.memory_space<vmem>>) target_semaphore(%run_scoped3A : memref<!tpu.dma_semaphore, #tpu.memory_space<semaphore_mem>>)
      tpu.wait_dma2 semaphore(%run_scoped3A : memref<!tpu.dma_semaphore, #tpu.memory_space<semaphore_mem>>) src(%arg3 : memref<100x16xf32, #tpu.memory_space<hbm>>) dst(%arg9 : memref<100x16xf32, #tpu.memory_space<vmem>>)
      tpu.yield
    }) : () -> ()
    %add3A_3 = arith.constant 0 : i32
    %add3A_4 = arith.addi %mul3A_2, %add3A_3 : i32
    %dma_start3A = arith.constant 0 : i32
    %dma_start3A_5 = tpu.memref_slice %arg2[%add3A_4, %dma_start3A] : memref<16384x100xf32, #tpu.memory_space<hbm>> -> memref<16x100xf32, #tpu.memory_space<hbm>>
    %dma_start3A_6 = arith.constant 0 : i32
    %dma_start3A_7 = tpu.memref_slice %arg2[%add3A_4, %dma_start3A_6] : memref<16384x100xf32, #tpu.memory_space<hbm>> -> memref<16x100xf32, #tpu.memory_space<hbm>>
    tpu.enqueue_dma source(%dma_start3A_7 : memref<16x100xf32, #tpu.memory_space<hbm>>) target(%arg5 : memref<16x100xf32, #tpu.memory_space<vmem>>) target_semaphore(%arg10 : memref<!tpu.dma_semaphore, #tpu.memory_space<semaphore_mem>>)
    %scan3A = arith.constant 0 : i32
    %scan3A_8 = arith.constant 0 : i32
    %scan3A_9 = arith.constant 16 : i32
    %scan3A_10 = arith.addi %scan3A_8, %scan3A_9 : i32
    %scan3A_11 = arith.constant 1 : i32
    %scan3A_12 = scf.for %scan3A_25 = %scan3A_8 to %scan3A_10 step %scan3A_11 iter_args(%scan3A_26 = %scan3A) -> (i32)  : i32 {
      %mul3A_27 = arith.constant 2 : i32
      %mul3A_28 = arith.muli %mul3A_27, %scan3A_25 : i32
      %add3A_29 = arith.constant 1 : i32
      %add3A_30 = arith.addi %mul3A_28, %add3A_29 : i32
      %lt3A = arith.constant 32 : i32
      %lt3A_31 = arith.cmpi slt, %add3A_30, %lt3A : i32
      %convert_element_type3A = arith.extui %lt3A_31 : i1 to i32
      %cond3A = arith.constant 0 : i32
      %cond3A_32 = arith.cmpi ne, %convert_element_type3A, %cond3A : i32
      scf.if %cond3A_32 {
        %add3A_96 = arith.constant 1 : i32
        %add3A_97 = arith.addi %mul3A_28, %add3A_96 : i32
        %mul3A_98 = arith.constant 16 : i32
        %mul3A_99 = arith.muli %add3A_97, %mul3A_98 : i32
        %add3A_100 = arith.addi %mul3A_2, %mul3A_99 : i32
        %dma_start3A_101 = arith.constant 0 : i32
        %dma_start3A_102 = tpu.memref_slice %arg2[%add3A_100, %dma_start3A_101] : memref<16384x100xf32, #tpu.memory_space<hbm>> -> memref<16x100xf32, #tpu.memory_space<hbm>>
        %dma_start3A_103 = arith.constant 0 : i32
        %dma_start3A_104 = tpu.memref_slice %arg2[%add3A_100, %dma_start3A_103] : memref<16384x100xf32, #tpu.memory_space<hbm>> -> memref<16x100xf32, #tpu.memory_space<hbm>>
        tpu.enqueue_dma source(%dma_start3A_104 : memref<16x100xf32, #tpu.memory_space<hbm>>) target(%arg6 : memref<16x100xf32, #tpu.memory_space<vmem>>) target_semaphore(%arg11 : memref<!tpu.dma_semaphore, #tpu.memory_space<semaphore_mem>>)
      } else {
      }
      %mul3A_33 = arith.constant 16 : i32
      %mul3A_34 = arith.muli %mul3A_28, %mul3A_33 : i32
      %add3A_35 = arith.addi %mul3A_2, %mul3A_34 : i32
      %dma_wait3A_36 = arith.constant 0 : i32
      %dma_wait3A_37 = tpu.memref_slice %arg2[%add3A_35, %dma_wait3A_36] : memref<16384x100xf32, #tpu.memory_space<hbm>> -> memref<16x100xf32, #tpu.memory_space<hbm>>
      %dma_wait3A_38 = arith.constant 0 : i32
      %dma_wait3A_39 = tpu.memref_slice %arg2[%add3A_35, %dma_wait3A_38] : memref<16384x100xf32, #tpu.memory_space<hbm>> -> memref<16x100xf32, #tpu.memory_space<hbm>>
      tpu.wait_dma2 semaphore(%arg10 : memref<!tpu.dma_semaphore, #tpu.memory_space<semaphore_mem>>) src(%dma_wait3A_39 : memref<16x100xf32, #tpu.memory_space<hbm>>) dst(%arg5 : memref<16x100xf32, #tpu.memory_space<vmem>>)
      %ge3A = arith.constant 2 : i32
      %ge3A_40 = arith.cmpi sge, %mul3A_28, %ge3A : i32
      %convert_element_type3A_41 = arith.extui %ge3A_40 : i1 to i32
      %cond3A_42 = arith.constant 0 : i32
      %cond3A_43 = arith.cmpi ne, %convert_element_type3A_41, %cond3A_42 : i32
      scf.if %cond3A_43 {
        %sub3A = arith.constant 2 : i32
        %sub3A_96 = arith.subi %mul3A_28, %sub3A : i32
        %mul3A_97 = arith.constant 16 : i32
        %mul3A_98 = arith.muli %sub3A_96, %mul3A_97 : i32
        %add3A_99 = arith.addi %mul3A_2, %mul3A_98 : i32
        %dma_wait3A_100 = arith.constant 0 : i32
        %dma_wait3A_101 = tpu.memref_slice %arg4[%add3A_99, %dma_wait3A_100] : memref<16384x1600xf32, #tpu.memory_space<hbm>> -> memref<16x1600xf32, #tpu.memory_space<hbm>>
        %dma_wait3A_102 = arith.constant 0 : i32
        %dma_wait3A_103 = tpu.memref_slice %arg4[%add3A_99, %dma_wait3A_102] : memref<16384x1600xf32, #tpu.memory_space<hbm>> -> memref<16x1600xf32, #tpu.memory_space<hbm>>
        tpu.wait_dma2 semaphore(%arg12 : memref<!tpu.dma_semaphore, #tpu.memory_space<semaphore_mem>>) src(%arg7 : memref<16x1600xf32, #tpu.memory_space<vmem>>) dst(%dma_wait3A_103 : memref<16x1600xf32, #tpu.memory_space<hbm>>)
      } else {
      }
      %scan3A_44 = arith.constant 0 : i32
      %scan3A_45 = arith.constant 0 : i32
      %scan3A_46 = arith.constant 16 : i32
      %scan3A_47 = arith.addi %scan3A_45, %scan3A_46 : i32
      %scan3A_48 = arith.constant 1 : i32
      %scan3A_49 = scf.for %scan3A_96 = %scan3A_45 to %scan3A_47 step %scan3A_48 iter_args(%scan3A_97 = %scan3A_44) -> (i32)  : i32 {
        %get3A = arith.index_cast %scan3A_96 : i32 to index
        %get3A_98 = arith.constant 0 : index
        %get3A_99 = tpu.vector_load %arg5[%get3A, %get3A_98] {strides = array<i32>} : memref<16x100xf32, #tpu.memory_space<vmem>>, vector<1x16xf32>,
        %get3A_100 = vector.shape_cast %get3A_99 : vector<1x16xf32> to vector<16xf32>
        %slice3A = vector.extract_strided_slice %get3A_100 {offsets = [0], sizes = [1], strides = [1]} : vector<16xf32> to vector<1xf32>
        %squeeze3A = vector.extract %slice3A[0] : f32 from vector<1xf32>
        %get3A_101 = arith.constant 0 : i32
        %get3A_102 = arith.index_cast %get3A_101 : i32 to index
        %get3A_103 = arith.constant 0 : index
        %get3A_104 = tpu.vector_load %arg9[%get3A_102, %get3A_103] {strides = array<i32>} : memref<100x16xf32, #tpu.memory_space<vmem>>, vector<1x16xf32>,
        %get3A_105 = vector.shape_cast %get3A_104 : vector<1x16xf32> to vector<16xf32>
        %mul3A_106 = vector.broadcast %squeeze3A : f32 to vector<16xf32>
        %mul3A_107 = arith.mulf %mul3A_106, %get3A_105 : vector<16xf32>
        %swap3A = arith.index_cast %scan3A_96 : i32 to index
        %swap3A_108 = arith.constant 0 : index
        %swap3A_109 = tpu.vector_load %arg7[%swap3A, %swap3A_108] {strides = array<i32>} : memref<16x1600xf32, #tpu.memory_space<vmem>>, vector<1x16xf32>,
        %swap3A_110 = vector.shape_cast %swap3A_109 : vector<1x16xf32> to vector<16xf32>
        %swap3A_111 = vector.shape_cast %mul3A_107 : vector<16xf32> to vector<1x16xf32>
        tpu.vector_store %arg7[%swap3A, %swap3A_108], %swap3A_111 {strides = array<i32>} : memref<16x1600xf32, #tpu.memory_space<vmem>>, vector<1x16xf32>,
        %slice3A_112 = vector.extract_strided_slice %get3A_100 {offsets = [1], sizes = [1], strides = [1]} : vector<16xf32> to vector<1xf32>
        %squeeze3A_113 = vector.extract %slice3A_112[0] : f32 from vector<1xf32>
        %get3A_114 = arith.constant 1 : i32
        %get3A_115 = arith.index_cast %get3A_114 : i32 to index
        %get3A_116 = arith.constant 0 : index
        %get3A_117 = tpu.vector_load %arg9[%get3A_115, %get3A_116] {strides = array<i32>} : memref<100x16xf32, #tpu.memory_space<vmem>>, vector<1x16xf32>,
        %get3A_118 = vector.shape_cast %get3A_117 : vector<1x16xf32> to vector<16xf32>
        %mul3A_119 = vector.broadcast %squeeze3A_113 : f32 to vector<16xf32>
        %mul3A_120 = arith.mulf %mul3A_119, %get3A_118 : vector<16xf32>
        %swap3A_121 = arith.index_cast %scan3A_96 : i32 to index
        %swap3A_122 = arith.constant 16 : index
        %swap3A_123 = tpu.vector_load %arg7[%swap3A_121, %swap3A_122] {strides = array<i32>} : memref<16x1600xf32, #tpu.memory_space<vmem>>, vector<1x16xf32>,
        %swap3A_124 = vector.shape_cast %swap3A_123 : vector<1x16xf32> to vector<16xf32>
        %swap3A_125 = vector.shape_cast %mul3A_120 : vector<16xf32> to vector<1x16xf32>
        tpu.vector_store %arg7[%swap3A_121, %swap3A_122], %swap3A_125 {strides = array<i32>} : memref<16x1600xf32, #tpu.memory_space<vmem>>, vector<1x16xf32>,
        %slice3A_126 = vector.extract_strided_slice %get3A_100 {offsets = [2], sizes = [1], strides = [1]} : vector<16xf32> to vector<1xf32>
        %squeeze3A_127 = vector.extract %slice3A_126[0] : f32 from vector<1xf32>
        %get3A_128 = arith.constant 2 : i32
        %get3A_129 = arith.index_cast %get3A_128 : i32 to index
        %get3A_130 = arith.constant 0 : index
        %get3A_131 = tpu.vector_load %arg9[%get3A_129, %get3A_130] {strides = array<i32>} : memref<100x16xf32, #tpu.memory_space<vmem>>, vector<1x16xf32>,
        %get3A_132 = vector.shape_cast %get3A_131 : vector<1x16xf32> to vector<16xf32>
        %mul3A_133 = vector.broadcast %squeeze3A_127 : f32 to vector<16xf32>
        %mul3A_134 = arith.mulf %mul3A_133, %get3A_132 : vector<16xf32>
        %swap3A_135 = arith.index_cast %scan3A_96 : i32 to index
        %swap3A_136 = arith.constant 32 : index
        %swap3A_137 = tpu.vector_load %arg7[%swap3A_135, %swap3A_136] {strides = array<i32>} : memref<16x1600xf32, #tpu.memory_space<vmem>>, vector<1x16xf32>,
        %swap3A_138 = vector.shape_cast %swap3A_137 : vector<1x16xf32> to vector<16xf32>
        %swap3A_139 = vector.shape_cast %mul3A_134 : vector<16xf32> to vector<1x16xf32>
        tpu.vector_store %arg7[%swap3A_135, %swap3A_136], %swap3A_139 {strides = array<i32>} : memref<16x1600xf32, #tpu.memory_space<vmem>>, vector<1x16xf32>,
        %slice3A_140 = vector.extract_strided_slice %get3A_100 {offsets = [3], sizes = [1], strides = [1]} : vector<16xf32> to vector<1xf32>
        %squeeze3A_141 = vector.extract %slice3A_140[0] : f32 from vector<1xf32>
        %get3A_142 = arith.constant 3 : i32
        %get3A_143 = arith.index_cast %get3A_142 : i32 to index
        %get3A_144 = arith.constant 0 : index
        %get3A_145 = tpu.vector_load %arg9[%get3A_143, %get3A_144] {strides = array<i32>} : memref<100x16xf32, #tpu.memory_space<vmem>>, vector<1x16xf32>,
        %get3A_146 = vector.shape_cast %get3A_145 : vector<1x16xf32> to vector<16xf32>
        %mul3A_147 = vector.broadcast %squeeze3A_141 : f32 to vector<16xf32>
        %mul3A_148 = arith.mulf %mul3A_147, %get3A_146 : vector<16xf32>
        %swap3A_149 = arith.index_cast %scan3A_96 : i32 to index
        %swap3A_150 = arith.constant 48 : index
        %swap3A_151 = tpu.vector_load %arg7[%swap3A_149, %swap3A_150] {strides = array<i32>} : memref<16x1600xf32, #tpu.memory_space<vmem>>, vector<1x16xf32>,
        %swap3A_152 = vector.shape_cast %swap3A_151 : vector<1x16xf32> to vector<16xf32>
        %swap3A_153 = vector.shape_cast %mul3A_148 : vector<16xf32> to vector<1x16xf32>
        tpu.vector_store %arg7[%swap3A_149, %swap3A_150], %swap3A_153 {strides = array<i32>} : memref<16x1600xf32, #tpu.memory_space<vmem>>, vector<1x16xf32>,
        %slice3A_154 = vector.extract_strided_slice %get3A_100 {offsets = [4], sizes = [1], strides = [1]} : vector<16xf32> to vector<1xf32>
        %squeeze3A_155 = vector.extract %slice3A_154[0] : f32 from vector<1xf32>
        %get3A_156 = arith.constant 4 : i32
        %get3A_157 = arith.index_cast %get3A_156 : i32 to index
        %get3A_158 = arith.constant 0 : index
        %get3A_159 = tpu.vector_load %arg9[%get3A_157, %get3A_158] {strides = array<i32>} : memref<100x16xf32, #tpu.memory_space<vmem>>, vector<1x16xf32>,
        %get3A_160 = vector.shape_cast %get3A_159 : vector<1x16xf32> to vector<16xf32>
        %mul3A_161 = vector.broadcast %squeeze3A_155 : f32 to vector<16xf32>
        %mul3A_162 = arith.mulf %mul3A_161, %get3A_160 : vector<16xf32>
        %swap3A_163 = arith.index_cast %scan3A_96 : i32 to index
        %swap3A_164 = arith.constant 64 : index
        %swap3A_165 = tpu.vector_load %arg7[%swap3A_163, %swap3A_164] {strides = array<i32>} : memref<16x1600xf32, #tpu.memory_space<vmem>>, vector<1x16xf32>,
        %swap3A_166 = vector.shape_cast %swap3A_165 : vector<1x16xf32> to vector<16xf32>
        %swap3A_167 = vector.shape_cast %mul3A_162 : vector<16xf32> to vector<1x16xf32>
        tpu.vector_store %arg7[%swap3A_163, %swap3A_164], %swap3A_167 {strides = array<i32>} : memref<16x1600xf32, #tpu.memory_space<vmem>>, vector<1x16xf32>,
        %slice3A_168 = vector.extract_strided_slice %get3A_100 {offsets = [5], sizes = [1], strides = [1]} : vector<16xf32> to vector<1xf32>
        %squeeze3A_169 = vector.extract %slice3A_168[0] : f32 from vector<1xf32>
        %get3A_170 = arith.constant 5 : i32
        %get3A_171 = arith.index_cast %get3A_170 : i32 to index
        %get3A_172 = arith.constant 0 : index
        %get3A_173 = tpu.vector_load %arg9[%get3A_171, %get3A_172] {strides = array<i32>} : memref<100x16xf32, #tpu.memory_space<vmem>>, vector<1x16xf32>,
        %get3A_174 = vector.shape_cast %get3A_173 : vector<1x16xf32> to vector<16xf32>
        %mul3A_175 = vector.broadcast %squeeze3A_169 : f32 to vector<16xf32>
        %mul3A_176 = arith.mulf %mul3A_175, %get3A_174 : vector<16xf32>
        %swap3A_177 = arith.index_cast %scan3A_96 : i32 to index
        %swap3A_178 = arith.constant 80 : index
        %swap3A_179 = tpu.vector_load %arg7[%swap3A_177, %swap3A_178] {strides = array<i32>} : memref<16x1600xf32, #tpu.memory_space<vmem>>, vector<1x16xf32>,
        %swap3A_180 = vector.shape_cast %swap3A_179 : vector<1x16xf32> to vector<16xf32>
        %swap3A_181 = vector.shape_cast %mul3A_176 : vector<16xf32> to vector<1x16xf32>
        tpu.vector_store %arg7[%swap3A_177, %swap3A_178], %swap3A_181 {strides = array<i32>} : memref<16x1600xf32, #tpu.memory_space<vmem>>, vector<1x16xf32>,
        %slice3A_182 = vector.extract_strided_slice %get3A_100 {offsets = [6], sizes = [1], strides = [1]} : vector<16xf32> to vector<1xf32>
        %squeeze3A_183 = vector.extract %slice3A_182[0] : f32 from vector<1xf32>
        %get3A_184 = arith.constant 6 : i32
        %get3A_185 = arith.index_cast %get3A_184 : i32 to index
        %get3A_186 = arith.constant 0 : index
        %get3A_187 = tpu.vector_load %arg9[%get3A_185, %get3A_186] {strides = array<i32>} : memref<100x16xf32, #tpu.memory_space<vmem>>, vector<1x16xf32>,
        %get3A_188 = vector.shape_cast %get3A_187 : vector<1x16xf32> to vector<16xf32>
        %mul3A_189 = vector.broadcast %squeeze3A_183 : f32 to vector<16xf32>
        %mul3A_190 = arith.mulf %mul3A_189, %get3A_188 : vector<16xf32>
        %swap3A_191 = arith.index_cast %scan3A_96 : i32 to index
        %swap3A_192 = arith.constant 96 : index
        %swap3A_193 = tpu.vector_load %arg7[%swap3A_191, %swap3A_192] {strides = array<i32>} : memref<16x1600xf32, #tpu.memory_space<vmem>>, vector<1x16xf32>,
        %swap3A_194 = vector.shape_cast %swap3A_193 : vector<1x16xf32> to vector<16xf32>
        %swap3A_195 = vector.shape_cast %mul3A_190 : vector<16xf32> to vector<1x16xf32>
        tpu.vector_store %arg7[%swap3A_191, %swap3A_192], %swap3A_195 {strides = array<i32>} : memref<16x1600xf32, #tpu.memory_space<vmem>>, vector<1x16xf32>,
        %slice3A_196 = vector.extract_strided_slice %get3A_100 {offsets = [7], sizes = [1], strides = [1]} : vector<16xf32> to vector<1xf32>
        %squeeze3A_197 = vector.extract %slice3A_196[0] : f32 from vector<1xf32>
        %get3A_198 = arith.constant 7 : i32
        %get3A_199 = arith.index_cast %get3A_198 : i32 to index
        %get3A_200 = arith.constant 0 : index
        %get3A_201 = tpu.vector_load %arg9[%get3A_199, %get3A_200] {strides = array<i32>} : memref<100x16xf32, #tpu.memory_space<vmem>>, vector<1x16xf32>,
        %get3A_202 = vector.shape_cast %get3A_201 : vector<1x16xf32> to vector<16xf32>
        %mul3A_203 = vector.broadcast %squeeze3A_197 : f32 to vector<16xf32>
        %mul3A_204 = arith.mulf %mul3A_203, %get3A_202 : vector<16xf32>
        %swap3A_205 = arith.index_cast %scan3A_96 : i32 to index
        %swap3A_206 = arith.constant 112 : index
        %swap3A_207 = tpu.vector_load %arg7[%swap3A_205, %swap3A_206] {strides = array<i32>} : memref<16x1600xf32, #tpu.memory_space<vmem>>, vector<1x16xf32>,
        %swap3A_208 = vector.shape_cast %swap3A_207 : vector<1x16xf32> to vector<16xf32>
        %swap3A_209 = vector.shape_cast %mul3A_204 : vector<16xf32> to vector<1x16xf32>
        tpu.vector_store %arg7[%swap3A_205, %swap3A_206], %swap3A_209 {strides = array<i32>} : memref<16x1600xf32, #tpu.memory_space<vmem>>, vector<1x16xf32>,
        %slice3A_210 = vector.extract_strided_slice %get3A_100 {offsets = [8], sizes = [1], strides = [1]} : vector<16xf32> to vector<1xf32>
        %squeeze3A_211 = vector.extract %slice3A_210[0] : f32 from vector<1xf32>
        %get3A_212 = arith.constant 8 : i32
        %get3A_213 = arith.index_cast %get3A_212 : i32 to index
        %get3A_214 = arith.constant 0 : index
        %get3A_215 = tpu.vector_load %arg9[%get3A_213, %get3A_214] {strides = array<i32>} : memref<100x16xf32, #tpu.memory_space<vmem>>, vector<1x16xf32>,
        %get3A_216 = vector.shape_cast %get3A_215 : vector<1x16xf32> to vector<16xf32>
        %mul3A_217 = vector.broadcast %squeeze3A_211 : f32 to vector<16xf32>
        %mul3A_218 = arith.mulf %mul3A_217, %get3A_216 : vector<16xf32>
        %swap3A_219 = arith.index_cast %scan3A_96 : i32 to index
        %swap3A_220 = arith.constant 128 : index
        %swap3A_221 = tpu.vector_load %arg7[%swap3A_219, %swap3A_220] {strides = array<i32>} : memref<16x1600xf32, #tpu.memory_space<vmem>>, vector<1x16xf32>,
        %swap3A_222 = vector.shape_cast %swap3A_221 : vector<1x16xf32> to vector<16xf32>
        %swap3A_223 = vector.shape_cast %mul3A_218 : vector<16xf32> to vector<1x16xf32>
        tpu.vector_store %arg7[%swap3A_219, %swap3A_220], %swap3A_223 {strides = array<i32>} : memref<16x1600xf32, #tpu.memory_space<vmem>>, vector<1x16xf32>,
        %slice3A_224 = vector.extract_strided_slice %get3A_100 {offsets = [9], sizes = [1], strides = [1]} : vector<16xf32> to vector<1xf32>
        %squeeze3A_225 = vector.extract %slice3A_224[0] : f32 from vector<1xf32>
        %get3A_226 = arith.constant 9 : i32
        %get3A_227 = arith.index_cast %get3A_226 : i32 to index
        %get3A_228 = arith.constant 0 : index
        %get3A_229 = tpu.vector_load %arg9[%get3A_227, %get3A_228] {strides = array<i32>} : memref<100x16xf32, #tpu.memory_space<vmem>>, vector<1x16xf32>,
        %get3A_230 = vector.shape_cast %get3A_229 : vector<1x16xf32> to vector<16xf32>
        %mul3A_231 = vector.broadcast %squeeze3A_225 : f32 to vector<16xf32>
        %mul3A_232 = arith.mulf %mul3A_231, %get3A_230 : vector<16xf32>
        %swap3A_233 = arith.index_cast %scan3A_96 : i32 to index
        %swap3A_234 = arith.constant 144 : index
        %swap3A_235 = tpu.vector_load %arg7[%swap3A_233, %swap3A_234] {strides = array<i32>} : memref<16x1600xf32, #tpu.memory_space<vmem>>, vector<1x16xf32>,
        %swap3A_236 = vector.shape_cast %swap3A_235 : vector<1x16xf32> to vector<16xf32>
        %swap3A_237 = vector.shape_cast %mul3A_232 : vector<16xf32> to vector<1x16xf32>
        tpu.vector_store %arg7[%swap3A_233, %swap3A_234], %swap3A_237 {strides = array<i32>} : memref<16x1600xf32, #tpu.memory_space<vmem>>, vector<1x16xf32>,
        %slice3A_238 = vector.extract_strided_slice %get3A_100 {offsets = [10], sizes = [1], strides = [1]} : vector<16xf32> to vector<1xf32>
        %squeeze3A_239 = vector.extract %slice3A_238[0] : f32 from vector<1xf32>
        %get3A_240 = arith.constant 10 : i32
        %get3A_241 = arith.index_cast %get3A_240 : i32 to index
        %get3A_242 = arith.constant 0 : index
        %get3A_243 = tpu.vector_load %arg9[%get3A_241, %get3A_242] {strides = array<i32>} : memref<100x16xf32, #tpu.memory_space<vmem>>, vector<1x16xf32>,
        %get3A_244 = vector.shape_cast %get3A_243 : vector<1x16xf32> to vector<16xf32>
        %mul3A_245 = vector.broadcast %squeeze3A_239 : f32 to vector<16xf32>
        %mul3A_246 = arith.mulf %mul3A_245, %get3A_244 : vector<16xf32>
        %swap3A_247 = arith.index_cast %scan3A_96 : i32 to index
        %swap3A_248 = arith.constant 160 : index
        %swap3A_249 = tpu.vector_load %arg7[%swap3A_247, %swap3A_248] {strides = array<i32>} : memref<16x1600xf32, #tpu.memory_space<vmem>>, vector<1x16xf32>,
        %swap3A_250 = vector.shape_cast %swap3A_249 : vector<1x16xf32> to vector<16xf32>
        %swap3A_251 = vector.shape_cast %mul3A_246 : vector<16xf32> to vector<1x16xf32>
        tpu.vector_store %arg7[%swap3A_247, %swap3A_248], %swap3A_251 {strides = array<i32>} : memref<16x1600xf32, #tpu.memory_space<vmem>>, vector<1x16xf32>,
        %slice3A_252 = vector.extract_strided_slice %get3A_100 {offsets = [11], sizes = [1], strides = [1]} : vector<16xf32> to vector<1xf32>
        %squeeze3A_253 = vector.extract %slice3A_252[0] : f32 from vector<1xf32>
        %get3A_254 = arith.constant 11 : i32
        %get3A_255 = arith.index_cast %get3A_254 : i32 to index
        %get3A_256 = arith.constant 0 : index
        %get3A_257 = tpu.vector_load %arg9[%get3A_255, %get3A_256] {strides = array<i32>} : memref<100x16xf32, #tpu.memory_space<vmem>>, vector<1x16xf32>,
        %get3A_258 = vector.shape_cast %get3A_257 : vector<1x16xf32> to vector<16xf32>
        %mul3A_259 = vector.broadcast %squeeze3A_253 : f32 to vector<16xf32>
        %mul3A_260 = arith.mulf %mul3A_259, %get3A_258 : vector<16xf32>
        %swap3A_261 = arith.index_cast %scan3A_96 : i32 to index
        %swap3A_262 = arith.constant 176 : index
        %swap3A_263 = tpu.vector_load %arg7[%swap3A_261, %swap3A_262] {strides = array<i32>} : memref<16x1600xf32, #tpu.memory_space<vmem>>, vector<1x16xf32>,
        %swap3A_264 = vector.shape_cast %swap3A_263 : vector<1x16xf32> to vector<16xf32>
        %swap3A_265 = vector.shape_cast %mul3A_260 : vector<16xf32> to vector<1x16xf32>
        tpu.vector_store %arg7[%swap3A_261, %swap3A_262], %swap3A_265 {strides = array<i32>} : memref<16x1600xf32, #tpu.memory_space<vmem>>, vector<1x16xf32>,
        %slice3A_266 = vector.extract_strided_slice %get3A_100 {offsets = [12], sizes = [1], strides = [1]} : vector<16xf32> to vector<1xf32>
        %squeeze3A_267 = vector.extract %slice3A_266[0] : f32 from vector<1xf32>
        %get3A_268 = arith.constant 12 : i32
        %get3A_269 = arith.index_cast %get3A_268 : i32 to index
        %get3A_270 = arith.constant 0 : index
        %get3A_271 = tpu.vector_load %arg9[%get3A_269, %get3A_270] {strides = array<i32>} : memref<100x16xf32, #tpu.memory_space<vmem>>, vector<1x16xf32>,
        %get3A_272 = vector.shape_cast %get3A_271 : vector<1x16xf32> to vector<16xf32>
        %mul3A_273 = vector.broadcast %squeeze3A_267 : f32 to vector<16xf32>
        %mul3A_274 = arith.mulf %mul3A_273, %get3A_272 : vector<16xf32>
        %swap3A_275 = arith.index_cast %scan3A_96 : i32 to index
        %swap3A_276 = arith.constant 192 : index
        %swap3A_277 = tpu.vector_load %arg7[%swap3A_275, %swap3A_276] {strides = array<i32>} : memref<16x1600xf32, #tpu.memory_space<vmem>>, vector<1x16xf32>,
        %swap3A_278 = vector.shape_cast %swap3A_277 : vector<1x16xf32> to vector<16xf32>
        %swap3A_279 = vector.shape_cast %mul3A_274 : vector<16xf32> to vector<1x16xf32>
        tpu.vector_store %arg7[%swap3A_275, %swap3A_276], %swap3A_279 {strides = array<i32>} : memref<16x1600xf32, #tpu.memory_space<vmem>>, vector<1x16xf32>,
        %slice3A_280 = vector.extract_strided_slice %get3A_100 {offsets = [13], sizes = [1], strides = [1]} : vector<16xf32> to vector<1xf32>
        %squeeze3A_281 = vector.extract %slice3A_280[0] : f32 from vector<1xf32>
        %get3A_282 = arith.constant 13 : i32
        %get3A_283 = arith.index_cast %get3A_282 : i32 to index
        %get3A_284 = arith.constant 0 : index
        %get3A_285 = tpu.vector_load %arg9[%get3A_283, %get3A_284] {strides = array<i32>} : memref<100x16xf32, #tpu.memory_space<vmem>>, vector<1x16xf32>,
        %get3A_286 = vector.shape_cast %get3A_285 : vector<1x16xf32> to vector<16xf32>
        %mul3A_287 = vector.broadcast %squeeze3A_281 : f32 to vector<16xf32>
        %mul3A_288 = arith.mulf %mul3A_287, %get3A_286 : vector<16xf32>
        %swap3A_289 = arith.index_cast %scan3A_96 : i32 to index
        %swap3A_290 = arith.constant 208 : index
        %swap3A_291 = tpu.vector_load %arg7[%swap3A_289, %swap3A_290] {strides = array<i32>} : memref<16x1600xf32, #tpu.memory_space<vmem>>, vector<1x16xf32>,
        %swap3A_292 = vector.shape_cast %swap3A_291 : vector<1x16xf32> to vector<16xf32>
        %swap3A_293 = vector.shape_cast %mul3A_288 : vector<16xf32> to vector<1x16xf32>
        tpu.vector_store %arg7[%swap3A_289, %swap3A_290], %swap3A_293 {strides = array<i32>} : memref<16x1600xf32, #tpu.memory_space<vmem>>, vector<1x16xf32>,
        %slice3A_294 = vector.extract_strided_slice %get3A_100 {offsets = [14], sizes = [1], strides = [1]} : vector<16xf32> to vector<1xf32>
        %squeeze3A_295 = vector.extract %slice3A_294[0] : f32 from vector<1xf32>
        %get3A_296 = arith.constant 14 : i32
        %get3A_297 = arith.index_cast %get3A_296 : i32 to index
        %get3A_298 = arith.constant 0 : index
        %get3A_299 = tpu.vector_load %arg9[%get3A_297, %get3A_298] {strides = array<i32>} : memref<100x16xf32, #tpu.memory_space<vmem>>, vector<1x16xf32>,
        %get3A_300 = vector.shape_cast %get3A_299 : vector<1x16xf32> to vector<16xf32>
        %mul3A_301 = vector.broadcast %squeeze3A_295 : f32 to vector<16xf32>
        %mul3A_302 = arith.mulf %mul3A_301, %get3A_300 : vector<16xf32>
        %swap3A_303 = arith.index_cast %scan3A_96 : i32 to index
        %swap3A_304 = arith.constant 224 : index
        %swap3A_305 = tpu.vector_load %arg7[%swap3A_303, %swap3A_304] {strides = array<i32>} : memref<16x1600xf32, #tpu.memory_space<vmem>>, vector<1x16xf32>,
        %swap3A_306 = vector.shape_cast %swap3A_305 : vector<1x16xf32> to vector<16xf32>
        %swap3A_307 = vector.shape_cast %mul3A_302 : vector<16xf32> to vector<1x16xf32>
        tpu.vector_store %arg7[%swap3A_303, %swap3A_304], %swap3A_307 {strides = array<i32>} : memref<16x1600xf32, #tpu.memory_space<vmem>>, vector<1x16xf32>,
        %slice3A_308 = vector.extract_strided_slice %get3A_100 {offsets = [15], sizes = [1], strides = [1]} : vector<16xf32> to vector<1xf32>
        %squeeze3A_309 = vector.extract %slice3A_308[0] : f32 from vector<1xf32>
        %get3A_310 = arith.constant 15 : i32
        %get3A_311 = arith.index_cast %get3A_310 : i32 to index
        %get3A_312 = arith.constant 0 : index
        %get3A_313 = tpu.vector_load %arg9[%get3A_311, %get3A_312] {strides = array<i32>} : memref<100x16xf32, #tpu.memory_space<vmem>>, vector<1x16xf32>,
        %get3A_314 = vector.shape_cast %get3A_313 : vector<1x16xf32> to vector<16xf32>
        %mul3A_315 = vector.broadcast %squeeze3A_309 : f32 to vector<16xf32>
        %mul3A_316 = arith.mulf %mul3A_315, %get3A_314 : vector<16xf32>
        %swap3A_317 = arith.index_cast %scan3A_96 : i32 to index
        %swap3A_318 = arith.constant 240 : index
        %swap3A_319 = tpu.vector_load %arg7[%swap3A_317, %swap3A_318] {strides = array<i32>} : memref<16x1600xf32, #tpu.memory_space<vmem>>, vector<1x16xf32>,
        %swap3A_320 = vector.shape_cast %swap3A_319 : vector<1x16xf32> to vector<16xf32>
        %swap3A_321 = vector.shape_cast %mul3A_316 : vector<16xf32> to vector<1x16xf32>
        tpu.vector_store %arg7[%swap3A_317, %swap3A_318], %swap3A_321 {strides = array<i32>} : memref<16x1600xf32, #tpu.memory_space<vmem>>, vector<1x16xf32>,
        %get3A_322 = arith.index_cast %scan3A_96 : i32 to index
        %get3A_323 = arith.constant 16 : index
        %get3A_324 = tpu.vector_load %arg5[%get3A_322, %get3A_323] {strides = array<i32>} : memref<16x100xf32, #tpu.memory_space<vmem>>, vector<1x16xf32>,
        %get3A_325 = vector.shape_cast %get3A_324 : vector<1x16xf32> to vector<16xf32>
        %slice3A_326 = vector.extract_strided_slice %get3A_325 {offsets = [0], sizes = [1], strides = [1]} : vector<16xf32> to vector<1xf32>
        %squeeze3A_327 = vector.extract %slice3A_326[0] : f32 from vector<1xf32>
        %get3A_328 = arith.constant 16 : i32
        %get3A_329 = arith.index_cast %get3A_328 : i32 to index
        %get3A_330 = arith.constant 0 : index
        %get3A_331 = tpu.vector_load %arg9[%get3A_329, %get3A_330] {strides = array<i32>} : memref<100x16xf32, #tpu.memory_space<vmem>>, vector<1x16xf32>,
        %get3A_332 = vector.shape_cast %get3A_331 : vector<1x16xf32> to vector<16xf32>
        %mul3A_333 = vector.broadcast %squeeze3A_327 : f32 to vector<16xf32>
        %mul3A_334 = arith.mulf %mul3A_333, %get3A_332 : vector<16xf32>
        %swap3A_335 = arith.index_cast %scan3A_96 : i32 to index
        %swap3A_336 = arith.constant 256 : index
        %swap3A_337 = tpu.vector_load %arg7[%swap3A_335, %swap3A_336] {strides = array<i32>} : memref<16x1600xf32, #tpu.memory_space<vmem>>, vector<1x16xf32>,
        %swap3A_338 = vector.shape_cast %swap3A_337 : vector<1x16xf32> to vector<16xf32>
        %swap3A_339 = vector.shape_cast %mul3A_334 : vector<16xf32> to vector<1x16xf32>
        tpu.vector_store %arg7[%swap3A_335, %swap3A_336], %swap3A_339 {strides = array<i32>} : memref<16x1600xf32, #tpu.memory_space<vmem>>, vector<1x16xf32>,
        %slice3A_340 = vector.extract_strided_slice %get3A_325 {offsets = [1], sizes = [1], strides = [1]} : vector<16xf32> to vector<1xf32>
        %squeeze3A_341 = vector.extract %slice3A_340[0] : f32 from vector<1xf32>
        %get3A_342 = arith.constant 17 : i32
        %get3A_343 = arith.index_cast %get3A_342 : i32 to index
        %get3A_344 = arith.constant 0 : index
        %get3A_345 = tpu.vector_load %arg9[%get3A_343, %get3A_344] {strides = array<i32>} : memref<100x16xf32, #tpu.memory_space<vmem>>, vector<1x16xf32>,
        %get3A_346 = vector.shape_cast %get3A_345 : vector<1x16xf32> to vector<16xf32>
        %mul3A_347 = vector.broadcast %squeeze3A_341 : f32 to vector<16xf32>
        %mul3A_348 = arith.mulf %mul3A_347, %get3A_346 : vector<16xf32>
        %swap3A_349 = arith.index_cast %scan3A_96 : i32 to index
        %swap3A_350 = arith.constant 272 : index
        %swap3A_351 = tpu.vector_load %arg7[%swap3A_349, %swap3A_350] {strides = array<i32>} : memref<16x1600xf32, #tpu.memory_space<vmem>>, vector<1x16xf32>,
        %swap3A_352 = vector.shape_cast %swap3A_351 : vector<1x16xf32> to vector<16xf32>
        %swap3A_353 = vector.shape_cast %mul3A_348 : vector<16xf32> to vector<1x16xf32>
        tpu.vector_store %arg7[%swap3A_349, %swap3A_350], %swap3A_353 {strides = array<i32>} : memref<16x1600xf32, #tpu.memory_space<vmem>>, vector<1x16xf32>,
        %slice3A_354 = vector.extract_strided_slice %get3A_325 {offsets = [2], sizes = [1], strides = [1]} : vector<16xf32> to vector<1xf32>
        %squeeze3A_355 = vector.extract %slice3A_354[0] : f32 from vector<1xf32>
        %get3A_356 = arith.constant 18 : i32
        %get3A_357 = arith.index_cast %get3A_356 : i32 to index
        %get3A_358 = arith.constant 0 : index
        %get3A_359 = tpu.vector_load %arg9[%get3A_357, %get3A_358] {strides = array<i32>} : memref<100x16xf32, #tpu.memory_space<vmem>>, vector<1x16xf32>,
        %get3A_360 = vector.shape_cast %get3A_359 : vector<1x16xf32> to vector<16xf32>
        %mul3A_361 = vector.broadcast %squeeze3A_355 : f32 to vector<16xf32>
        %mul3A_362 = arith.mulf %mul3A_361, %get3A_360 : vector<16xf32>
        %swap3A_363 = arith.index_cast %scan3A_96 : i32 to index
        %swap3A_364 = arith.constant 288 : index
        %swap3A_365 = tpu.vector_load %arg7[%swap3A_363, %swap3A_364] {strides = array<i32>} : memref<16x1600xf32, #tpu.memory_space<vmem>>, vector<1x16xf32>,
        %swap3A_366 = vector.shape_cast %swap3A_365 : vector<1x16xf32> to vector<16xf32>
        %swap3A_367 = vector.shape_cast %mul3A_362 : vector<16xf32> to vector<1x16xf32>
        tpu.vector_store %arg7[%swap3A_363, %swap3A_364], %swap3A_367 {strides = array<i32>} : memref<16x1600xf32, #tpu.memory_space<vmem>>, vector<1x16xf32>,
        %slice3A_368 = vector.extract_strided_slice %get3A_325 {offsets = [3], sizes = [1], strides = [1]} : vector<16xf32> to vector<1xf32>
        %squeeze3A_369 = vector.extract %slice3A_368[0] : f32 from vector<1xf32>
        %get3A_370 = arith.constant 19 : i32
        %get3A_371 = arith.index_cast %get3A_370 : i32 to index
        %get3A_372 = arith.constant 0 : index
        %get3A_373 = tpu.vector_load %arg9[%get3A_371, %get3A_372] {strides = array<i32>} : memref<100x16xf32, #tpu.memory_space<vmem>>, vector<1x16xf32>,
        %get3A_374 = vector.shape_cast %get3A_373 : vector<1x16xf32> to vector<16xf32>
        %mul3A_375 = vector.broadcast %squeeze3A_369 : f32 to vector<16xf32>
        %mul3A_376 = arith.mulf %mul3A_375, %get3A_374 : vector<16xf32>
        %swap3A_377 = arith.index_cast %scan3A_96 : i32 to index
        %swap3A_378 = arith.constant 304 : index
        %swap3A_379 = tpu.vector_load %arg7[%swap3A_377, %swap3A_378] {strides = array<i32>} : memref<16x1600xf32, #tpu.memory_space<vmem>>, vector<1x16xf32>,
        %swap3A_380 = vector.shape_cast %swap3A_379 : vector<1x16xf32> to vector<16xf32>
        %swap3A_381 = vector.shape_cast %mul3A_376 : vector<16xf32> to vector<1x16xf32>
        tpu.vector_store %arg7[%swap3A_377, %swap3A_378], %swap3A_381 {strides = array<i32>} : memref<16x1600xf32, #tpu.memory_space<vmem>>, vector<1x16xf32>,
        %slice3A_382 = vector.extract_strided_slice %get3A_325 {offsets = [4], sizes = [1], strides = [1]} : vector<16xf32> to vector<1xf32>
        %squeeze3A_383 = vector.extract %slice3A_382[0] : f32 from vector<1xf32>
        %get3A_384 = arith.constant 20 : i32
        %get3A_385 = arith.index_cast %get3A_384 : i32 to index
        %get3A_386 = arith.constant 0 : index
        %get3A_387 = tpu.vector_load %arg9[%get3A_385, %get3A_386] {strides = array<i32>} : memref<100x16xf32, #tpu.memory_space<vmem>>, vector<1x16xf32>,
        %get3A_388 = vector.shape_cast %get3A_387 : vector<1x16xf32> to vector<16xf32>
        %mul3A_389 = vector.broadcast %squeeze3A_383 : f32 to vector<16xf32>
        %mul3A_390 = arith.mulf %mul3A_389, %get3A_388 : vector<16xf32>
        %swap3A_391 = arith.index_cast %scan3A_96 : i32 to index
        %swap3A_392 = arith.constant 320 : index
        %swap3A_393 = tpu.vector_load %arg7[%swap3A_391, %swap3A_392] {strides = array<i32>} : memref<16x1600xf32, #tpu.memory_space<vmem>>, vector<1x16xf32>,
        %swap3A_394 = vector.shape_cast %swap3A_393 : vector<1x16xf32> to vector<16xf32>
        %swap3A_395 = vector.shape_cast %mul3A_390 : vector<16xf32> to vector<1x16xf32>
        tpu.vector_store %arg7[%swap3A_391, %swap3A_392], %swap3A_395 {strides = array<i32>} : memref<16x1600xf32, #tpu.memory_space<vmem>>, vector<1x16xf32>,
        %slice3A_396 = vector.extract_strided_slice %get3A_325 {offsets = [5], sizes = [1], strides = [1]} : vector<16xf32> to vector<1xf32>
        %squeeze3A_397 = vector.extract %slice3A_396[0] : f32 from vector<1xf32>
        %get3A_398 = arith.constant 21 : i32
        %get3A_399 = arith.index_cast %get3A_398 : i32 to index
        %get3A_400 = arith.constant 0 : index
        %get3A_401 = tpu.vector_load %arg9[%get3A_399, %get3A_400] {strides = array<i32>} : memref<100x16xf32, #tpu.memory_space<vmem>>, vector<1x16xf32>,
        %get3A_402 = vector.shape_cast %get3A_401 : vector<1x16xf32> to vector<16xf32>
        %mul3A_403 = vector.broadcast %squeeze3A_397 : f32 to vector<16xf32>
        %mul3A_404 = arith.mulf %mul3A_403, %get3A_402 : vector<16xf32>
        %swap3A_405 = arith.index_cast %scan3A_96 : i32 to index
        %swap3A_406 = arith.constant 336 : index
        %swap3A_407 = tpu.vector_load %arg7[%swap3A_405, %swap3A_406] {strides = array<i32>} : memref<16x1600xf32, #tpu.memory_space<vmem>>, vector<1x16xf32>,
        %swap3A_408 = vector.shape_cast %swap3A_407 : vector<1x16xf32> to vector<16xf32>
        %swap3A_409 = vector.shape_cast %mul3A_404 : vector<16xf32> to vector<1x16xf32>
        tpu.vector_store %arg7[%swap3A_405, %swap3A_406], %swap3A_409 {strides = array<i32>} : memref<16x1600xf32, #tpu.memory_space<vmem>>, vector<1x16xf32>,
        %slice3A_410 = vector.extract_strided_slice %get3A_325 {offsets = [6], sizes = [1], strides = [1]} : vector<16xf32> to vector<1xf32>
        %squeeze3A_411 = vector.extract %slice3A_410[0] : f32 from vector<1xf32>
        %get3A_412 = arith.constant 22 : i32
        %get3A_413 = arith.index_cast %get3A_412 : i32 to index
        %get3A_414 = arith.constant 0 : index
        %get3A_415 = tpu.vector_load %arg9[%get3A_413, %get3A_414] {strides = array<i32>} : memref<100x16xf32, #tpu.memory_space<vmem>>, vector<1x16xf32>,
        %get3A_416 = vector.shape_cast %get3A_415 : vector<1x16xf32> to vector<16xf32>
        %mul3A_417 = vector.broadcast %squeeze3A_411 : f32 to vector<16xf32>
        %mul3A_418 = arith.mulf %mul3A_417, %get3A_416 : vector<16xf32>
        %swap3A_419 = arith.index_cast %scan3A_96 : i32 to index
        %swap3A_420 = arith.constant 352 : index
        %swap3A_421 = tpu.vector_load %arg7[%swap3A_419, %swap3A_420] {strides = array<i32>} : memref<16x1600xf32, #tpu.memory_space<vmem>>, vector<1x16xf32>,
        %swap3A_422 = vector.shape_cast %swap3A_421 : vector<1x16xf32> to vector<16xf32>
        %swap3A_423 = vector.shape_cast %mul3A_418 : vector<16xf32> to vector<1x16xf32>
        tpu.vector_store %arg7[%swap3A_419, %swap3A_420], %swap3A_423 {strides = array<i32>} : memref<16x1600xf32, #tpu.memory_space<vmem>>, vector<1x16xf32>,
        %slice3A_424 = vector.extract_strided_slice %get3A_325 {offsets = [7], sizes = [1], strides = [1]} : vector<16xf32> to vector<1xf32>
        %squeeze3A_425 = vector.extract %slice3A_424[0] : f32 from vector<1xf32>
        %get3A_426 = arith.constant 23 : i32
        %get3A_427 = arith.index_cast %get3A_426 : i32 to index
        %get3A_428 = arith.constant 0 : index
        %get3A_429 = tpu.vector_load %arg9[%get3A_427, %get3A_428] {strides = array<i32>} : memref<100x16xf32, #tpu.memory_space<vmem>>, vector<1x16xf32>,
        %get3A_430 = vector.shape_cast %get3A_429 : vector<1x16xf32> to vector<16xf32>
        %mul3A_431 = vector.broadcast %squeeze3A_425 : f32 to vector<16xf32>
        %mul3A_432 = arith.mulf %mul3A_431, %get3A_430 : vector<16xf32>
        %swap3A_433 = arith.index_cast %scan3A_96 : i32 to index
        %swap3A_434 = arith.constant 368 : index
        %swap3A_435 = tpu.vector_load %arg7[%swap3A_433, %swap3A_434] {strides = array<i32>} : memref<16x1600xf32, #tpu.memory_space<vmem>>, vector<1x16xf32>,
        %swap3A_436 = vector.shape_cast %swap3A_435 : vector<1x16xf32> to vector<16xf32>
        %swap3A_437 = vector.shape_cast %mul3A_432 : vector<16xf32> to vector<1x16xf32>
        tpu.vector_store %arg7[%swap3A_433, %swap3A_434], %swap3A_437 {strides = array<i32>} : memref<16x1600xf32, #tpu.memory_space<vmem>>, vector<1x16xf32>,
        %slice3A_438 = vector.extract_strided_slice %get3A_325 {offsets = [8], sizes = [1], strides = [1]} : vector<16xf32> to vector<1xf32>
        %squeeze3A_439 = vector.extract %slice3A_438[0] : f32 from vector<1xf32>
        %get3A_440 = arith.constant 24 : i32
        %get3A_441 = arith.index_cast %get3A_440 : i32 to index
        %get3A_442 = arith.constant 0 : index
        %get3A_443 = tpu.vector_load %arg9[%get3A_441, %get3A_442] {strides = array<i32>} : memref<100x16xf32, #tpu.memory_space<vmem>>, vector<1x16xf32>,
        %get3A_444 = vector.shape_cast %get3A_443 : vector<1x16xf32> to vector<16xf32>
        %mul3A_445 = vector.broadcast %squeeze3A_439 : f32 to vector<16xf32>
        %mul3A_446 = arith.mulf %mul3A_445, %get3A_444 : vector<16xf32>
        %swap3A_447 = arith.index_cast %scan3A_96 : i32 to index
        %swap3A_448 = arith.constant 384 : index
        %swap3A_449 = tpu.vector_load %arg7[%swap3A_447, %swap3A_448] {strides = array<i32>} : memref<16x1600xf32, #tpu.memory_space<vmem>>, vector<1x16xf32>,
        %swap3A_450 = vector.shape_cast %swap3A_449 : vector<1x16xf32> to vector<16xf32>
        %swap3A_451 = vector.shape_cast %mul3A_446 : vector<16xf32> to vector<1x16xf32>
        tpu.vector_store %arg7[%swap3A_447, %swap3A_448], %swap3A_451 {strides = array<i32>} : memref<16x1600xf32, #tpu.memory_space<vmem>>, vector<1x16xf32>,
        %slice3A_452 = vector.extract_strided_slice %get3A_325 {offsets = [9], sizes = [1], strides = [1]} : vector<16xf32> to vector<1xf32>
        %squeeze3A_453 = vector.extract %slice3A_452[0] : f32 from vector<1xf32>
        %get3A_454 = arith.constant 25 : i32
        %get3A_455 = arith.index_cast %get3A_454 : i32 to index
        %get3A_456 = arith.constant 0 : index
        %get3A_457 = tpu.vector_load %arg9[%get3A_455, %get3A_456] {strides = array<i32>} : memref<100x16xf32, #tpu.memory_space<vmem>>, vector<1x16xf32>,
        %get3A_458 = vector.shape_cast %get3A_457 : vector<1x16xf32> to vector<16xf32>
        %mul3A_459 = vector.broadcast %squeeze3A_453 : f32 to vector<16xf32>
        %mul3A_460 = arith.mulf %mul3A_459, %get3A_458 : vector<16xf32>
        %swap3A_461 = arith.index_cast %scan3A_96 : i32 to index
        %swap3A_462 = arith.constant 400 : index
        %swap3A_463 = tpu.vector_load %arg7[%swap3A_461, %swap3A_462] {strides = array<i32>} : memref<16x1600xf32, #tpu.memory_space<vmem>>, vector<1x16xf32>,
        %swap3A_464 = vector.shape_cast %swap3A_463 : vector<1x16xf32> to vector<16xf32>
        %swap3A_465 = vector.shape_cast %mul3A_460 : vector<16xf32> to vector<1x16xf32>
        tpu.vector_store %arg7[%swap3A_461, %swap3A_462], %swap3A_465 {strides = array<i32>} : memref<16x1600xf32, #tpu.memory_space<vmem>>, vector<1x16xf32>,
        %slice3A_466 = vector.extract_strided_slice %get3A_325 {offsets = [10], sizes = [1], strides = [1]} : vector<16xf32> to vector<1xf32>
        %squeeze3A_467 = vector.extract %slice3A_466[0] : f32 from vector<1xf32>
        %get3A_468 = arith.constant 26 : i32
        %get3A_469 = arith.index_cast %get3A_468 : i32 to index
        %get3A_470 = arith.constant 0 : index
        %get3A_471 = tpu.vector_load %arg9[%get3A_469, %get3A_470] {strides = array<i32>} : memref<100x16xf32, #tpu.memory_space<vmem>>, vector<1x16xf32>,
        %get3A_472 = vector.shape_cast %get3A_471 : vector<1x16xf32> to vector<16xf32>
        %mul3A_473 = vector.broadcast %squeeze3A_467 : f32 to vector<16xf32>
        %mul3A_474 = arith.mulf %mul3A_473, %get3A_472 : vector<16xf32>
        %swap3A_475 = arith.index_cast %scan3A_96 : i32 to index
        %swap3A_476 = arith.constant 416 : index
        %swap3A_477 = tpu.vector_load %arg7[%swap3A_475, %swap3A_476] {strides = array<i32>} : memref<16x1600xf32, #tpu.memory_space<vmem>>, vector<1x16xf32>,
        %swap3A_478 = vector.shape_cast %swap3A_477 : vector<1x16xf32> to vector<16xf32>
        %swap3A_479 = vector.shape_cast %mul3A_474 : vector<16xf32> to vector<1x16xf32>
        tpu.vector_store %arg7[%swap3A_475, %swap3A_476], %swap3A_479 {strides = array<i32>} : memref<16x1600xf32, #tpu.memory_space<vmem>>, vector<1x16xf32>,
        %slice3A_480 = vector.extract_strided_slice %get3A_325 {offsets = [11], sizes = [1], strides = [1]} : vector<16xf32> to vector<1xf32>
        %squeeze3A_481 = vector.extract %slice3A_480[0] : f32 from vector<1xf32>
        %get3A_482 = arith.constant 27 : i32
        %get3A_483 = arith.index_cast %get3A_482 : i32 to index
        %get3A_484 = arith.constant 0 : index
        %get3A_485 = tpu.vector_load %arg9[%get3A_483, %get3A_484] {strides = array<i32>} : memref<100x16xf32, #tpu.memory_space<vmem>>, vector<1x16xf32>,
        %get3A_486 = vector.shape_cast %get3A_485 : vector<1x16xf32> to vector<16xf32>
        %mul3A_487 = vector.broadcast %squeeze3A_481 : f32 to vector<16xf32>
        %mul3A_488 = arith.mulf %mul3A_487, %get3A_486 : vector<16xf32>
        %swap3A_489 = arith.index_cast %scan3A_96 : i32 to index
        %swap3A_490 = arith.constant 432 : index
        %swap3A_491 = tpu.vector_load %arg7[%swap3A_489, %swap3A_490] {strides = array<i32>} : memref<16x1600xf32, #tpu.memory_space<vmem>>, vector<1x16xf32>,
        %swap3A_492 = vector.shape_cast %swap3A_491 : vector<1x16xf32> to vector<16xf32>
        %swap3A_493 = vector.shape_cast %mul3A_488 : vector<16xf32> to vector<1x16xf32>
        tpu.vector_store %arg7[%swap3A_489, %swap3A_490], %swap3A_493 {strides = array<i32>} : memref<16x1600xf32, #tpu.memory_space<vmem>>, vector<1x16xf32>,
        %slice3A_494 = vector.extract_strided_slice %get3A_325 {offsets = [12], sizes = [1], strides = [1]} : vector<16xf32> to vector<1xf32>
        %squeeze3A_495 = vector.extract %slice3A_494[0] : f32 from vector<1xf32>
        %get3A_496 = arith.constant 28 : i32
        %get3A_497 = arith.index_cast %get3A_496 : i32 to index
        %get3A_498 = arith.constant 0 : index
        %get3A_499 = tpu.vector_load %arg9[%get3A_497, %get3A_498] {strides = array<i32>} : memref<100x16xf32, #tpu.memory_space<vmem>>, vector<1x16xf32>,
        %get3A_500 = vector.shape_cast %get3A_499 : vector<1x16xf32> to vector<16xf32>
        %mul3A_501 = vector.broadcast %squeeze3A_495 : f32 to vector<16xf32>
        %mul3A_502 = arith.mulf %mul3A_501, %get3A_500 : vector<16xf32>
        %swap3A_503 = arith.index_cast %scan3A_96 : i32 to index
        %swap3A_504 = arith.constant 448 : index
        %swap3A_505 = tpu.vector_load %arg7[%swap3A_503, %swap3A_504] {strides = array<i32>} : memref<16x1600xf32, #tpu.memory_space<vmem>>, vector<1x16xf32>,
        %swap3A_506 = vector.shape_cast %swap3A_505 : vector<1x16xf32> to vector<16xf32>
        %swap3A_507 = vector.shape_cast %mul3A_502 : vector<16xf32> to vector<1x16xf32>
        tpu.vector_store %arg7[%swap3A_503, %swap3A_504], %swap3A_507 {strides = array<i32>} : memref<16x1600xf32, #tpu.memory_space<vmem>>, vector<1x16xf32>,
        %slice3A_508 = vector.extract_strided_slice %get3A_325 {offsets = [13], sizes = [1], strides = [1]} : vector<16xf32> to vector<1xf32>
        %squeeze3A_509 = vector.extract %slice3A_508[0] : f32 from vector<1xf32>
        %get3A_510 = arith.constant 29 : i32
        %get3A_511 = arith.index_cast %get3A_510 : i32 to index
        %get3A_512 = arith.constant 0 : index
        %get3A_513 = tpu.vector_load %arg9[%get3A_511, %get3A_512] {strides = array<i32>} : memref<100x16xf32, #tpu.memory_space<vmem>>, vector<1x16xf32>,
        %get3A_514 = vector.shape_cast %get3A_513 : vector<1x16xf32> to vector<16xf32>
        %mul3A_515 = vector.broadcast %squeeze3A_509 : f32 to vector<16xf32>
        %mul3A_516 = arith.mulf %mul3A_515, %get3A_514 : vector<16xf32>
        %swap3A_517 = arith.index_cast %scan3A_96 : i32 to index
        %swap3A_518 = arith.constant 464 : index
        %swap3A_519 = tpu.vector_load %arg7[%swap3A_517, %swap3A_518] {strides = array<i32>} : memref<16x1600xf32, #tpu.memory_space<vmem>>, vector<1x16xf32>,
        %swap3A_520 = vector.shape_cast %swap3A_519 : vector<1x16xf32> to vector<16xf32>
        %swap3A_521 = vector.shape_cast %mul3A_516 : vector<16xf32> to vector<1x16xf32>
        tpu.vector_store %arg7[%swap3A_517, %swap3A_518], %swap3A_521 {strides = array<i32>} : memref<16x1600xf32, #tpu.memory_space<vmem>>, vector<1x16xf32>,
        %slice3A_522 = vector.extract_strided_slice %get3A_325 {offsets = [14], sizes = [1], strides = [1]} : vector<16xf32> to vector<1xf32>
        %squeeze3A_523 = vector.extract %slice3A_522[0] : f32 from vector<1xf32>
        %get3A_524 = arith.constant 30 : i32
        %get3A_525 = arith.index_cast %get3A_524 : i32 to index
        %get3A_526 = arith.constant 0 : index
        %get3A_527 = tpu.vector_load %arg9[%get3A_525, %get3A_526] {strides = array<i32>} : memref<100x16xf32, #tpu.memory_space<vmem>>, vector<1x16xf32>,
        %get3A_528 = vector.shape_cast %get3A_527 : vector<1x16xf32> to vector<16xf32>
        %mul3A_529 = vector.broadcast %squeeze3A_523 : f32 to vector<16xf32>
        %mul3A_530 = arith.mulf %mul3A_529, %get3A_528 : vector<16xf32>
        %swap3A_531 = arith.index_cast %scan3A_96 : i32 to index
        %swap3A_532 = arith.constant 480 : index
        %swap3A_533 = tpu.vector_load %arg7[%swap3A_531, %swap3A_532] {strides = array<i32>} : memref<16x1600xf32, #tpu.memory_space<vmem>>, vector<1x16xf32>,
        %swap3A_534 = vector.shape_cast %swap3A_533 : vector<1x16xf32> to vector<16xf32>
        %swap3A_535 = vector.shape_cast %mul3A_530 : vector<16xf32> to vector<1x16xf32>
        tpu.vector_store %arg7[%swap3A_531, %swap3A_532], %swap3A_535 {strides = array<i32>} : memref<16x1600xf32, #tpu.memory_space<vmem>>, vector<1x16xf32>,
        %slice3A_536 = vector.extract_strided_slice %get3A_325 {offsets = [15], sizes = [1], strides = [1]} : vector<16xf32> to vector<1xf32>
        %squeeze3A_537 = vector.extract %slice3A_536[0] : f32 from vector<1xf32>
        %get3A_538 = arith.constant 31 : i32
        %get3A_539 = arith.index_cast %get3A_538 : i32 to index
        %get3A_540 = arith.constant 0 : index
        %get3A_541 = tpu.vector_load %arg9[%get3A_539, %get3A_540] {strides = array<i32>} : memref<100x16xf32, #tpu.memory_space<vmem>>, vector<1x16xf32>,
        %get3A_542 = vector.shape_cast %get3A_541 : vector<1x16xf32> to vector<16xf32>
        %mul3A_543 = vector.broadcast %squeeze3A_537 : f32 to vector<16xf32>
        %mul3A_544 = arith.mulf %mul3A_543, %get3A_542 : vector<16xf32>
        %swap3A_545 = arith.index_cast %scan3A_96 : i32 to index
        %swap3A_546 = arith.constant 496 : index
        %swap3A_547 = tpu.vector_load %arg7[%swap3A_545, %swap3A_546] {strides = array<i32>} : memref<16x1600xf32, #tpu.memory_space<vmem>>, vector<1x16xf32>,
        %swap3A_548 = vector.shape_cast %swap3A_547 : vector<1x16xf32> to vector<16xf32>
        %swap3A_549 = vector.shape_cast %mul3A_544 : vector<16xf32> to vector<1x16xf32>
        tpu.vector_store %arg7[%swap3A_545, %swap3A_546], %swap3A_549 {strides = array<i32>} : memref<16x1600xf32, #tpu.memory_space<vmem>>, vector<1x16xf32>,
        %get3A_550 = arith.index_cast %scan3A_96 : i32 to index
        %get3A_551 = arith.constant 32 : index
        %get3A_552 = tpu.vector_load %arg5[%get3A_550, %get3A_551] {strides = array<i32>} : memref<16x100xf32, #tpu.memory_space<vmem>>, vector<1x16xf32>,
        %get3A_553 = vector.shape_cast %get3A_552 : vector<1x16xf32> to vector<16xf32>
        %slice3A_554 = vector.extract_strided_slice %get3A_553 {offsets = [0], sizes = [1], strides = [1]} : vector<16xf32> to vector<1xf32>
        %squeeze3A_555 = vector.extract %slice3A_554[0] : f32 from vector<1xf32>
        %get3A_556 = arith.constant 32 : i32
        %get3A_557 = arith.index_cast %get3A_556 : i32 to index
        %get3A_558 = arith.constant 0 : index
        %get3A_559 = tpu.vector_load %arg9[%get3A_557, %get3A_558] {strides = array<i32>} : memref<100x16xf32, #tpu.memory_space<vmem>>, vector<1x16xf32>,
        %get3A_560 = vector.shape_cast %get3A_559 : vector<1x16xf32> to vector<16xf32>
        %mul3A_561 = vector.broadcast %squeeze3A_555 : f32 to vector<16xf32>
        %mul3A_562 = arith.mulf %mul3A_561, %get3A_560 : vector<16xf32>
        %swap3A_563 = arith.index_cast %scan3A_96 : i32 to index
        %swap3A_564 = arith.constant 512 : index
        %swap3A_565 = tpu.vector_load %arg7[%swap3A_563, %swap3A_564] {strides = array<i32>} : memref<16x1600xf32, #tpu.memory_space<vmem>>, vector<1x16xf32>,
        %swap3A_566 = vector.shape_cast %swap3A_565 : vector<1x16xf32> to vector<16xf32>
        %swap3A_567 = vector.shape_cast %mul3A_562 : vector<16xf32> to vector<1x16xf32>
        tpu.vector_store %arg7[%swap3A_563, %swap3A_564], %swap3A_567 {strides = array<i32>} : memref<16x1600xf32, #tpu.memory_space<vmem>>, vector<1x16xf32>,
        %slice3A_568 = vector.extract_strided_slice %get3A_553 {offsets = [1], sizes = [1], strides = [1]} : vector<16xf32> to vector<1xf32>
        %squeeze3A_569 = vector.extract %slice3A_568[0] : f32 from vector<1xf32>
        %get3A_570 = arith.constant 33 : i32
        %get3A_571 = arith.index_cast %get3A_570 : i32 to index
        %get3A_572 = arith.constant 0 : index
        %get3A_573 = tpu.vector_load %arg9[%get3A_571, %get3A_572] {strides = array<i32>} : memref<100x16xf32, #tpu.memory_space<vmem>>, vector<1x16xf32>,
        %get3A_574 = vector.shape_cast %get3A_573 : vector<1x16xf32> to vector<16xf32>
        %mul3A_575 = vector.broadcast %squeeze3A_569 : f32 to vector<16xf32>
        %mul3A_576 = arith.mulf %mul3A_575, %get3A_574 : vector<16xf32>
        %swap3A_577 = arith.index_cast %scan3A_96 : i32 to index
        %swap3A_578 = arith.constant 528 : index
        %swap3A_579 = tpu.vector_load %arg7[%swap3A_577, %swap3A_578] {strides = array<i32>} : memref<16x1600xf32, #tpu.memory_space<vmem>>, vector<1x16xf32>,
        %swap3A_580 = vector.shape_cast %swap3A_579 : vector<1x16xf32> to vector<16xf32>
        %swap3A_581 = vector.shape_cast %mul3A_576 : vector<16xf32> to vector<1x16xf32>
        tpu.vector_store %arg7[%swap3A_577, %swap3A_578], %swap3A_581 {strides = array<i32>} : memref<16x1600xf32, #tpu.memory_space<vmem>>, vector<1x16xf32>,
        %slice3A_582 = vector.extract_strided_slice %get3A_553 {offsets = [2], sizes = [1], strides = [1]} : vector<16xf32> to vector<1xf32>
        %squeeze3A_583 = vector.extract %slice3A_582[0] : f32 from vector<1xf32>
        %get3A_584 = arith.constant 34 : i32
        %get3A_585 = arith.index_cast %get3A_584 : i32 to index
        %get3A_586 = arith.constant 0 : index
        %get3A_587 = tpu.vector_load %arg9[%get3A_585, %get3A_586] {strides = array<i32>} : memref<100x16xf32, #tpu.memory_space<vmem>>, vector<1x16xf32>,
        %get3A_588 = vector.shape_cast %get3A_587 : vector<1x16xf32> to vector<16xf32>
        %mul3A_589 = vector.broadcast %squeeze3A_583 : f32 to vector<16xf32>
        %mul3A_590 = arith.mulf %mul3A_589, %get3A_588 : vector<16xf32>
        %swap3A_591 = arith.index_cast %scan3A_96 : i32 to index
        %swap3A_592 = arith.constant 544 : index
        %swap3A_593 = tpu.vector_load %arg7[%swap3A_591, %swap3A_592] {strides = array<i32>} : memref<16x1600xf32, #tpu.memory_space<vmem>>, vector<1x16xf32>,
        %swap3A_594 = vector.shape_cast %swap3A_593 : vector<1x16xf32> to vector<16xf32>
        %swap3A_595 = vector.shape_cast %mul3A_590 : vector<16xf32> to vector<1x16xf32>
        tpu.vector_store %arg7[%swap3A_591, %swap3A_592], %swap3A_595 {strides = array<i32>} : memref<16x1600xf32, #tpu.memory_space<vmem>>, vector<1x16xf32>,
        %slice3A_596 = vector.extract_strided_slice %get3A_553 {offsets = [3], sizes = [1], strides = [1]} : vector<16xf32> to vector<1xf32>
        %squeeze3A_597 = vector.extract %slice3A_596[0] : f32 from vector<1xf32>
        %get3A_598 = arith.constant 35 : i32
        %get3A_599 = arith.index_cast %get3A_598 : i32 to index
        %get3A_600 = arith.constant 0 : index
        %get3A_601 = tpu.vector_load %arg9[%get3A_599, %get3A_600] {strides = array<i32>} : memref<100x16xf32, #tpu.memory_space<vmem>>, vector<1x16xf32>,
        %get3A_602 = vector.shape_cast %get3A_601 : vector<1x16xf32> to vector<16xf32>
        %mul3A_603 = vector.broadcast %squeeze3A_597 : f32 to vector<16xf32>
        %mul3A_604 = arith.mulf %mul3A_603, %get3A_602 : vector<16xf32>
        %swap3A_605 = arith.index_cast %scan3A_96 : i32 to index
        %swap3A_606 = arith.constant 560 : index
        %swap3A_607 = tpu.vector_load %arg7[%swap3A_605, %swap3A_606] {strides = array<i32>} : memref<16x1600xf32, #tpu.memory_space<vmem>>, vector<1x16xf32>,
        %swap3A_608 = vector.shape_cast %swap3A_607 : vector<1x16xf32> to vector<16xf32>
        %swap3A_609 = vector.shape_cast %mul3A_604 : vector<16xf32> to vector<1x16xf32>
        tpu.vector_store %arg7[%swap3A_605, %swap3A_606], %swap3A_609 {strides = array<i32>} : memref<16x1600xf32, #tpu.memory_space<vmem>>, vector<1x16xf32>,
        %slice3A_610 = vector.extract_strided_slice %get3A_553 {offsets = [4], sizes = [1], strides = [1]} : vector<16xf32> to vector<1xf32>
        %squeeze3A_611 = vector.extract %slice3A_610[0] : f32 from vector<1xf32>
        %get3A_612 = arith.constant 36 : i32
        %get3A_613 = arith.index_cast %get3A_612 : i32 to index
        %get3A_614 = arith.constant 0 : index
        %get3A_615 = tpu.vector_load %arg9[%get3A_613, %get3A_614] {strides = array<i32>} : memref<100x16xf32, #tpu.memory_space<vmem>>, vector<1x16xf32>,
        %get3A_616 = vector.shape_cast %get3A_615 : vector<1x16xf32> to vector<16xf32>
        %mul3A_617 = vector.broadcast %squeeze3A_611 : f32 to vector<16xf32>
        %mul3A_618 = arith.mulf %mul3A_617, %get3A_616 : vector<16xf32>
        %swap3A_619 = arith.index_cast %scan3A_96 : i32 to index
        %swap3A_620 = arith.constant 576 : index
        %swap3A_621 = tpu.vector_load %arg7[%swap3A_619, %swap3A_620] {strides = array<i32>} : memref<16x1600xf32, #tpu.memory_space<vmem>>, vector<1x16xf32>,
        %swap3A_622 = vector.shape_cast %swap3A_621 : vector<1x16xf32> to vector<16xf32>
        %swap3A_623 = vector.shape_cast %mul3A_618 : vector<16xf32> to vector<1x16xf32>
        tpu.vector_store %arg7[%swap3A_619, %swap3A_620], %swap3A_623 {strides = array<i32>} : memref<16x1600xf32, #tpu.memory_space<vmem>>, vector<1x16xf32>,
        %slice3A_624 = vector.extract_strided_slice %get3A_553 {offsets = [5], sizes = [1], strides = [1]} : vector<16xf32> to vector<1xf32>
        %squeeze3A_625 = vector.extract %slice3A_624[0] : f32 from vector<1xf32>
        %get3A_626 = arith.constant 37 : i32
        %get3A_627 = arith.index_cast %get3A_626 : i32 to index
        %get3A_628 = arith.constant 0 : index
        %get3A_629 = tpu.vector_load %arg9[%get3A_627, %get3A_628] {strides = array<i32>} : memref<100x16xf32, #tpu.memory_space<vmem>>, vector<1x16xf32>,
        %get3A_630 = vector.shape_cast %get3A_629 : vector<1x16xf32> to vector<16xf32>
        %mul3A_631 = vector.broadcast %squeeze3A_625 : f32 to vector<16xf32>
        %mul3A_632 = arith.mulf %mul3A_631, %get3A_630 : vector<16xf32>
        %swap3A_633 = arith.index_cast %scan3A_96 : i32 to index
        %swap3A_634 = arith.constant 592 : index
        %swap3A_635 = tpu.vector_load %arg7[%swap3A_633, %swap3A_634] {strides = array<i32>} : memref<16x1600xf32, #tpu.memory_space<vmem>>, vector<1x16xf32>,
        %swap3A_636 = vector.shape_cast %swap3A_635 : vector<1x16xf32> to vector<16xf32>
        %swap3A_637 = vector.shape_cast %mul3A_632 : vector<16xf32> to vector<1x16xf32>
        tpu.vector_store %arg7[%swap3A_633, %swap3A_634], %swap3A_637 {strides = array<i32>} : memref<16x1600xf32, #tpu.memory_space<vmem>>, vector<1x16xf32>,
        %slice3A_638 = vector.extract_strided_slice %get3A_553 {offsets = [6], sizes = [1], strides = [1]} : vector<16xf32> to vector<1xf32>
        %squeeze3A_639 = vector.extract %slice3A_638[0] : f32 from vector<1xf32>
        %get3A_640 = arith.constant 38 : i32
        %get3A_641 = arith.index_cast %get3A_640 : i32 to index
        %get3A_642 = arith.constant 0 : index
        %get3A_643 = tpu.vector_load %arg9[%get3A_641, %get3A_642] {strides = array<i32>} : memref<100x16xf32, #tpu.memory_space<vmem>>, vector<1x16xf32>,
        %get3A_644 = vector.shape_cast %get3A_643 : vector<1x16xf32> to vector<16xf32>
        %mul3A_645 = vector.broadcast %squeeze3A_639 : f32 to vector<16xf32>
        %mul3A_646 = arith.mulf %mul3A_645, %get3A_644 : vector<16xf32>
        %swap3A_647 = arith.index_cast %scan3A_96 : i32 to index
        %swap3A_648 = arith.constant 608 : index
        %swap3A_649 = tpu.vector_load %arg7[%swap3A_647, %swap3A_648] {strides = array<i32>} : memref<16x1600xf32, #tpu.memory_space<vmem>>, vector<1x16xf32>,
        %swap3A_650 = vector.shape_cast %swap3A_649 : vector<1x16xf32> to vector<16xf32>
        %swap3A_651 = vector.shape_cast %mul3A_646 : vector<16xf32> to vector<1x16xf32>
        tpu.vector_store %arg7[%swap3A_647, %swap3A_648], %swap3A_651 {strides = array<i32>} : memref<16x1600xf32, #tpu.memory_space<vmem>>, vector<1x16xf32>,
        %slice3A_652 = vector.extract_strided_slice %get3A_553 {offsets = [7], sizes = [1], strides = [1]} : vector<16xf32> to vector<1xf32>
        %squeeze3A_653 = vector.extract %slice3A_652[0] : f32 from vector<1xf32>
        %get3A_654 = arith.constant 39 : i32
        %get3A_655 = arith.index_cast %get3A_654 : i32 to index
        %get3A_656 = arith.constant 0 : index
        %get3A_657 = tpu.vector_load %arg9[%get3A_655, %get3A_656] {strides = array<i32>} : memref<100x16xf32, #tpu.memory_space<vmem>>, vector<1x16xf32>,
        %get3A_658 = vector.shape_cast %get3A_657 : vector<1x16xf32> to vector<16xf32>
        %mul3A_659 = vector.broadcast %squeeze3A_653 : f32 to vector<16xf32>
        %mul3A_660 = arith.mulf %mul3A_659, %get3A_658 : vector<16xf32>
        %swap3A_661 = arith.index_cast %scan3A_96 : i32 to index
        %swap3A_662 = arith.constant 624 : index
        %swap3A_663 = tpu.vector_load %arg7[%swap3A_661, %swap3A_662] {strides = array<i32>} : memref<16x1600xf32, #tpu.memory_space<vmem>>, vector<1x16xf32>,
        %swap3A_664 = vector.shape_cast %swap3A_663 : vector<1x16xf32> to vector<16xf32>
        %swap3A_665 = vector.shape_cast %mul3A_660 : vector<16xf32> to vector<1x16xf32>
        tpu.vector_store %arg7[%swap3A_661, %swap3A_662], %swap3A_665 {strides = array<i32>} : memref<16x1600xf32, #tpu.memory_space<vmem>>, vector<1x16xf32>,
        %slice3A_666 = vector.extract_strided_slice %get3A_553 {offsets = [8], sizes = [1], strides = [1]} : vector<16xf32> to vector<1xf32>
        %squeeze3A_667 = vector.extract %slice3A_666[0] : f32 from vector<1xf32>
        %get3A_668 = arith.constant 40 : i32
        %get3A_669 = arith.index_cast %get3A_668 : i32 to index
        %get3A_670 = arith.constant 0 : index
        %get3A_671 = tpu.vector_load %arg9[%get3A_669, %get3A_670] {strides = array<i32>} : memref<100x16xf32, #tpu.memory_space<vmem>>, vector<1x16xf32>,
        %get3A_672 = vector.shape_cast %get3A_671 : vector<1x16xf32> to vector<16xf32>
        %mul3A_673 = vector.broadcast %squeeze3A_667 : f32 to vector<16xf32>
        %mul3A_674 = arith.mulf %mul3A_673, %get3A_672 : vector<16xf32>
        %swap3A_675 = arith.index_cast %scan3A_96 : i32 to index
        %swap3A_676 = arith.constant 640 : index
        %swap3A_677 = tpu.vector_load %arg7[%swap3A_675, %swap3A_676] {strides = array<i32>} : memref<16x1600xf32, #tpu.memory_space<vmem>>, vector<1x16xf32>,
        %swap3A_678 = vector.shape_cast %swap3A_677 : vector<1x16xf32> to vector<16xf32>
        %swap3A_679 = vector.shape_cast %mul3A_674 : vector<16xf32> to vector<1x16xf32>
        tpu.vector_store %arg7[%swap3A_675, %swap3A_676], %swap3A_679 {strides = array<i32>} : memref<16x1600xf32, #tpu.memory_space<vmem>>, vector<1x16xf32>,
        %slice3A_680 = vector.extract_strided_slice %get3A_553 {offsets = [9], sizes = [1], strides = [1]} : vector<16xf32> to vector<1xf32>
        %squeeze3A_681 = vector.extract %slice3A_680[0] : f32 from vector<1xf32>
        %get3A_682 = arith.constant 41 : i32
        %get3A_683 = arith.index_cast %get3A_682 : i32 to index
        %get3A_684 = arith.constant 0 : index
        %get3A_685 = tpu.vector_load %arg9[%get3A_683, %get3A_684] {strides = array<i32>} : memref<100x16xf32, #tpu.memory_space<vmem>>, vector<1x16xf32>,
        %get3A_686 = vector.shape_cast %get3A_685 : vector<1x16xf32> to vector<16xf32>
        %mul3A_687 = vector.broadcast %squeeze3A_681 : f32 to vector<16xf32>
        %mul3A_688 = arith.mulf %mul3A_687, %get3A_686 : vector<16xf32>
        %swap3A_689 = arith.index_cast %scan3A_96 : i32 to index
        %swap3A_690 = arith.constant 656 : index
        %swap3A_691 = tpu.vector_load %arg7[%swap3A_689, %swap3A_690] {strides = array<i32>} : memref<16x1600xf32, #tpu.memory_space<vmem>>, vector<1x16xf32>,
        %swap3A_692 = vector.shape_cast %swap3A_691 : vector<1x16xf32> to vector<16xf32>
        %swap3A_693 = vector.shape_cast %mul3A_688 : vector<16xf32> to vector<1x16xf32>
        tpu.vector_store %arg7[%swap3A_689, %swap3A_690], %swap3A_693 {strides = array<i32>} : memref<16x1600xf32, #tpu.memory_space<vmem>>, vector<1x16xf32>,
        %slice3A_694 = vector.extract_strided_slice %get3A_553 {offsets = [10], sizes = [1], strides = [1]} : vector<16xf32> to vector<1xf32>
        %squeeze3A_695 = vector.extract %slice3A_694[0] : f32 from vector<1xf32>
        %get3A_696 = arith.constant 42 : i32
        %get3A_697 = arith.index_cast %get3A_696 : i32 to index
        %get3A_698 = arith.constant 0 : index
        %get3A_699 = tpu.vector_load %arg9[%get3A_697, %get3A_698] {strides = array<i32>} : memref<100x16xf32, #tpu.memory_space<vmem>>, vector<1x16xf32>,
        %get3A_700 = vector.shape_cast %get3A_699 : vector<1x16xf32> to vector<16xf32>
        %mul3A_701 = vector.broadcast %squeeze3A_695 : f32 to vector<16xf32>
        %mul3A_702 = arith.mulf %mul3A_701, %get3A_700 : vector<16xf32>
        %swap3A_703 = arith.index_cast %scan3A_96 : i32 to index
        %swap3A_704 = arith.constant 672 : index
        %swap3A_705 = tpu.vector_load %arg7[%swap3A_703, %swap3A_704] {strides = array<i32>} : memref<16x1600xf32, #tpu.memory_space<vmem>>, vector<1x16xf32>,
        %swap3A_706 = vector.shape_cast %swap3A_705 : vector<1x16xf32> to vector<16xf32>
        %swap3A_707 = vector.shape_cast %mul3A_702 : vector<16xf32> to vector<1x16xf32>
        tpu.vector_store %arg7[%swap3A_703, %swap3A_704], %swap3A_707 {strides = array<i32>} : memref<16x1600xf32, #tpu.memory_space<vmem>>, vector<1x16xf32>,
        %slice3A_708 = vector.extract_strided_slice %get3A_553 {offsets = [11], sizes = [1], strides = [1]} : vector<16xf32> to vector<1xf32>
        %squeeze3A_709 = vector.extract %slice3A_708[0] : f32 from vector<1xf32>
        %get3A_710 = arith.constant 43 : i32
        %get3A_711 = arith.index_cast %get3A_710 : i32 to index
        %get3A_712 = arith.constant 0 : index
        %get3A_713 = tpu.vector_load %arg9[%get3A_711, %get3A_712] {strides = array<i32>} : memref<100x16xf32, #tpu.memory_space<vmem>>, vector<1x16xf32>,
        %get3A_714 = vector.shape_cast %get3A_713 : vector<1x16xf32> to vector<16xf32>
        %mul3A_715 = vector.broadcast %squeeze3A_709 : f32 to vector<16xf32>
        %mul3A_716 = arith.mulf %mul3A_715, %get3A_714 : vector<16xf32>
        %swap3A_717 = arith.index_cast %scan3A_96 : i32 to index
        %swap3A_718 = arith.constant 688 : index
        %swap3A_719 = tpu.vector_load %arg7[%swap3A_717, %swap3A_718] {strides = array<i32>} : memref<16x1600xf32, #tpu.memory_space<vmem>>, vector<1x16xf32>,
        %swap3A_720 = vector.shape_cast %swap3A_719 : vector<1x16xf32> to vector<16xf32>
        %swap3A_721 = vector.shape_cast %mul3A_716 : vector<16xf32> to vector<1x16xf32>
        tpu.vector_store %arg7[%swap3A_717, %swap3A_718], %swap3A_721 {strides = array<i32>} : memref<16x1600xf32, #tpu.memory_space<vmem>>, vector<1x16xf32>,
        %slice3A_722 = vector.extract_strided_slice %get3A_553 {offsets = [12], sizes = [1], strides = [1]} : vector<16xf32> to vector<1xf32>
        %squeeze3A_723 = vector.extract %slice3A_722[0] : f32 from vector<1xf32>
        %get3A_724 = arith.constant 44 : i32
        %get3A_725 = arith.index_cast %get3A_724 : i32 to index
        %get3A_726 = arith.constant 0 : index
        %get3A_727 = tpu.vector_load %arg9[%get3A_725, %get3A_726] {strides = array<i32>} : memref<100x16xf32, #tpu.memory_space<vmem>>, vector<1x16xf32>,
        %get3A_728 = vector.shape_cast %get3A_727 : vector<1x16xf32> to vector<16xf32>
        %mul3A_729 = vector.broadcast %squeeze3A_723 : f32 to vector<16xf32>
        %mul3A_730 = arith.mulf %mul3A_729, %get3A_728 : vector<16xf32>
        %swap3A_731 = arith.index_cast %scan3A_96 : i32 to index
        %swap3A_732 = arith.constant 704 : index
        %swap3A_733 = tpu.vector_load %arg7[%swap3A_731, %swap3A_732] {strides = array<i32>} : memref<16x1600xf32, #tpu.memory_space<vmem>>, vector<1x16xf32>,
        %swap3A_734 = vector.shape_cast %swap3A_733 : vector<1x16xf32> to vector<16xf32>
        %swap3A_735 = vector.shape_cast %mul3A_730 : vector<16xf32> to vector<1x16xf32>
        tpu.vector_store %arg7[%swap3A_731, %swap3A_732], %swap3A_735 {strides = array<i32>} : memref<16x1600xf32, #tpu.memory_space<vmem>>, vector<1x16xf32>,
        %slice3A_736 = vector.extract_strided_slice %get3A_553 {offsets = [13], sizes = [1], strides = [1]} : vector<16xf32> to vector<1xf32>
        %squeeze3A_737 = vector.extract %slice3A_736[0] : f32 from vector<1xf32>
        %get3A_738 = arith.constant 45 : i32
        %get3A_739 = arith.index_cast %get3A_738 : i32 to index
        %get3A_740 = arith.constant 0 : index
        %get3A_741 = tpu.vector_load %arg9[%get3A_739, %get3A_740] {strides = array<i32>} : memref<100x16xf32, #tpu.memory_space<vmem>>, vector<1x16xf32>,
        %get3A_742 = vector.shape_cast %get3A_741 : vector<1x16xf32> to vector<16xf32>
        %mul3A_743 = vector.broadcast %squeeze3A_737 : f32 to vector<16xf32>
        %mul3A_744 = arith.mulf %mul3A_743, %get3A_742 : vector<16xf32>
        %swap3A_745 = arith.index_cast %scan3A_96 : i32 to index
        %swap3A_746 = arith.constant 720 : index
        %swap3A_747 = tpu.vector_load %arg7[%swap3A_745, %swap3A_746] {strides = array<i32>} : memref<16x1600xf32, #tpu.memory_space<vmem>>, vector<1x16xf32>,
        %swap3A_748 = vector.shape_cast %swap3A_747 : vector<1x16xf32> to vector<16xf32>
        %swap3A_749 = vector.shape_cast %mul3A_744 : vector<16xf32> to vector<1x16xf32>
        tpu.vector_store %arg7[%swap3A_745, %swap3A_746], %swap3A_749 {strides = array<i32>} : memref<16x1600xf32, #tpu.memory_space<vmem>>, vector<1x16xf32>,
        %slice3A_750 = vector.extract_strided_slice %get3A_553 {offsets = [14], sizes = [1], strides = [1]} : vector<16xf32> to vector<1xf32>
        %squeeze3A_751 = vector.extract %slice3A_750[0] : f32 from vector<1xf32>
        %get3A_752 = arith.constant 46 : i32
        %get3A_753 = arith.index_cast %get3A_752 : i32 to index
        %get3A_754 = arith.constant 0 : index
        %get3A_755 = tpu.vector_load %arg9[%get3A_753, %get3A_754] {strides = array<i32>} : memref<100x16xf32, #tpu.memory_space<vmem>>, vector<1x16xf32>,
        %get3A_756 = vector.shape_cast %get3A_755 : vector<1x16xf32> to vector<16xf32>
        %mul3A_757 = vector.broadcast %squeeze3A_751 : f32 to vector<16xf32>
        %mul3A_758 = arith.mulf %mul3A_757, %get3A_756 : vector<16xf32>
        %swap3A_759 = arith.index_cast %scan3A_96 : i32 to index
        %swap3A_760 = arith.constant 736 : index
        %swap3A_761 = tpu.vector_load %arg7[%swap3A_759, %swap3A_760] {strides = array<i32>} : memref<16x1600xf32, #tpu.memory_space<vmem>>, vector<1x16xf32>,
        %swap3A_762 = vector.shape_cast %swap3A_761 : vector<1x16xf32> to vector<16xf32>
        %swap3A_763 = vector.shape_cast %mul3A_758 : vector<16xf32> to vector<1x16xf32>
        tpu.vector_store %arg7[%swap3A_759, %swap3A_760], %swap3A_763 {strides = array<i32>} : memref<16x1600xf32, #tpu.memory_space<vmem>>, vector<1x16xf32>,
        %slice3A_764 = vector.extract_strided_slice %get3A_553 {offsets = [15], sizes = [1], strides = [1]} : vector<16xf32> to vector<1xf32>
        %squeeze3A_765 = vector.extract %slice3A_764[0] : f32 from vector<1xf32>
        %get3A_766 = arith.constant 47 : i32
        %get3A_767 = arith.index_cast %get3A_766 : i32 to index
        %get3A_768 = arith.constant 0 : index
        %get3A_769 = tpu.vector_load %arg9[%get3A_767, %get3A_768] {strides = array<i32>} : memref<100x16xf32, #tpu.memory_space<vmem>>, vector<1x16xf32>,
        %get3A_770 = vector.shape_cast %get3A_769 : vector<1x16xf32> to vector<16xf32>
        %mul3A_771 = vector.broadcast %squeeze3A_765 : f32 to vector<16xf32>
        %mul3A_772 = arith.mulf %mul3A_771, %get3A_770 : vector<16xf32>
        %swap3A_773 = arith.index_cast %scan3A_96 : i32 to index
        %swap3A_774 = arith.constant 752 : index
        %swap3A_775 = tpu.vector_load %arg7[%swap3A_773, %swap3A_774] {strides = array<i32>} : memref<16x1600xf32, #tpu.memory_space<vmem>>, vector<1x16xf32>,
        %swap3A_776 = vector.shape_cast %swap3A_775 : vector<1x16xf32> to vector<16xf32>
        %swap3A_777 = vector.shape_cast %mul3A_772 : vector<16xf32> to vector<1x16xf32>
        tpu.vector_store %arg7[%swap3A_773, %swap3A_774], %swap3A_777 {strides = array<i32>} : memref<16x1600xf32, #tpu.memory_space<vmem>>, vector<1x16xf32>,
        %get3A_778 = arith.index_cast %scan3A_96 : i32 to index
        %get3A_779 = arith.constant 48 : index
        %get3A_780 = tpu.vector_load %arg5[%get3A_778, %get3A_779] {strides = array<i32>} : memref<16x100xf32, #tpu.memory_space<vmem>>, vector<1x16xf32>,
        %get3A_781 = vector.shape_cast %get3A_780 : vector<1x16xf32> to vector<16xf32>
        %slice3A_782 = vector.extract_strided_slice %get3A_781 {offsets = [0], sizes = [1], strides = [1]} : vector<16xf32> to vector<1xf32>
        %squeeze3A_783 = vector.extract %slice3A_782[0] : f32 from vector<1xf32>
        %get3A_784 = arith.constant 48 : i32
        %get3A_785 = arith.index_cast %get3A_784 : i32 to index
        %get3A_786 = arith.constant 0 : index
        %get3A_787 = tpu.vector_load %arg9[%get3A_785, %get3A_786] {strides = array<i32>} : memref<100x16xf32, #tpu.memory_space<vmem>>, vector<1x16xf32>,
        %get3A_788 = vector.shape_cast %get3A_787 : vector<1x16xf32> to vector<16xf32>
        %mul3A_789 = vector.broadcast %squeeze3A_783 : f32 to vector<16xf32>
        %mul3A_790 = arith.mulf %mul3A_789, %get3A_788 : vector<16xf32>
        %swap3A_791 = arith.index_cast %scan3A_96 : i32 to index
        %swap3A_792 = arith.constant 768 : index
        %swap3A_793 = tpu.vector_load %arg7[%swap3A_791, %swap3A_792] {strides = array<i32>} : memref<16x1600xf32, #tpu.memory_space<vmem>>, vector<1x16xf32>,
        %swap3A_794 = vector.shape_cast %swap3A_793 : vector<1x16xf32> to vector<16xf32>
        %swap3A_795 = vector.shape_cast %mul3A_790 : vector<16xf32> to vector<1x16xf32>
        tpu.vector_store %arg7[%swap3A_791, %swap3A_792], %swap3A_795 {strides = array<i32>} : memref<16x1600xf32, #tpu.memory_space<vmem>>, vector<1x16xf32>,
        %slice3A_796 = vector.extract_strided_slice %get3A_781 {offsets = [1], sizes = [1], strides = [1]} : vector<16xf32> to vector<1xf32>
        %squeeze3A_797 = vector.extract %slice3A_796[0] : f32 from vector<1xf32>
        %get3A_798 = arith.constant 49 : i32
        %get3A_799 = arith.index_cast %get3A_798 : i32 to index
        %get3A_800 = arith.constant 0 : index
        %get3A_801 = tpu.vector_load %arg9[%get3A_799, %get3A_800] {strides = array<i32>} : memref<100x16xf32, #tpu.memory_space<vmem>>, vector<1x16xf32>,
        %get3A_802 = vector.shape_cast %get3A_801 : vector<1x16xf32> to vector<16xf32>
        %mul3A_803 = vector.broadcast %squeeze3A_797 : f32 to vector<16xf32>
        %mul3A_804 = arith.mulf %mul3A_803, %get3A_802 : vector<16xf32>
        %swap3A_805 = arith.index_cast %scan3A_96 : i32 to index
        %swap3A_806 = arith.constant 784 : index
        %swap3A_807 = tpu.vector_load %arg7[%swap3A_805, %swap3A_806] {strides = array<i32>} : memref<16x1600xf32, #tpu.memory_space<vmem>>, vector<1x16xf32>,
        %swap3A_808 = vector.shape_cast %swap3A_807 : vector<1x16xf32> to vector<16xf32>
        %swap3A_809 = vector.shape_cast %mul3A_804 : vector<16xf32> to vector<1x16xf32>
        tpu.vector_store %arg7[%swap3A_805, %swap3A_806], %swap3A_809 {strides = array<i32>} : memref<16x1600xf32, #tpu.memory_space<vmem>>, vector<1x16xf32>,
        %slice3A_810 = vector.extract_strided_slice %get3A_781 {offsets = [2], sizes = [1], strides = [1]} : vector<16xf32> to vector<1xf32>
        %squeeze3A_811 = vector.extract %slice3A_810[0] : f32 from vector<1xf32>
        %get3A_812 = arith.constant 50 : i32
        %get3A_813 = arith.index_cast %get3A_812 : i32 to index
        %get3A_814 = arith.constant 0 : index
        %get3A_815 = tpu.vector_load %arg9[%get3A_813, %get3A_814] {strides = array<i32>} : memref<100x16xf32, #tpu.memory_space<vmem>>, vector<1x16xf32>,
        %get3A_816 = vector.shape_cast %get3A_815 : vector<1x16xf32> to vector<16xf32>
        %mul3A_817 = vector.broadcast %squeeze3A_811 : f32 to vector<16xf32>
        %mul3A_818 = arith.mulf %mul3A_817, %get3A_816 : vector<16xf32>
        %swap3A_819 = arith.index_cast %scan3A_96 : i32 to index
        %swap3A_820 = arith.constant 800 : index
        %swap3A_821 = tpu.vector_load %arg7[%swap3A_819, %swap3A_820] {strides = array<i32>} : memref<16x1600xf32, #tpu.memory_space<vmem>>, vector<1x16xf32>,
        %swap3A_822 = vector.shape_cast %swap3A_821 : vector<1x16xf32> to vector<16xf32>
        %swap3A_823 = vector.shape_cast %mul3A_818 : vector<16xf32> to vector<1x16xf32>
        tpu.vector_store %arg7[%swap3A_819, %swap3A_820], %swap3A_823 {strides = array<i32>} : memref<16x1600xf32, #tpu.memory_space<vmem>>, vector<1x16xf32>,
        %slice3A_824 = vector.extract_strided_slice %get3A_781 {offsets = [3], sizes = [1], strides = [1]} : vector<16xf32> to vector<1xf32>
        %squeeze3A_825 = vector.extract %slice3A_824[0] : f32 from vector<1xf32>
        %get3A_826 = arith.constant 51 : i32
        %get3A_827 = arith.index_cast %get3A_826 : i32 to index
        %get3A_828 = arith.constant 0 : index
        %get3A_829 = tpu.vector_load %arg9[%get3A_827, %get3A_828] {strides = array<i32>} : memref<100x16xf32, #tpu.memory_space<vmem>>, vector<1x16xf32>,
        %get3A_830 = vector.shape_cast %get3A_829 : vector<1x16xf32> to vector<16xf32>
        %mul3A_831 = vector.broadcast %squeeze3A_825 : f32 to vector<16xf32>
        %mul3A_832 = arith.mulf %mul3A_831, %get3A_830 : vector<16xf32>
        %swap3A_833 = arith.index_cast %scan3A_96 : i32 to index
        %swap3A_834 = arith.constant 816 : index
        %swap3A_835 = tpu.vector_load %arg7[%swap3A_833, %swap3A_834] {strides = array<i32>} : memref<16x1600xf32, #tpu.memory_space<vmem>>, vector<1x16xf32>,
        %swap3A_836 = vector.shape_cast %swap3A_835 : vector<1x16xf32> to vector<16xf32>
        %swap3A_837 = vector.shape_cast %mul3A_832 : vector<16xf32> to vector<1x16xf32>
        tpu.vector_store %arg7[%swap3A_833, %swap3A_834], %swap3A_837 {strides = array<i32>} : memref<16x1600xf32, #tpu.memory_space<vmem>>, vector<1x16xf32>,
        %slice3A_838 = vector.extract_strided_slice %get3A_781 {offsets = [4], sizes = [1], strides = [1]} : vector<16xf32> to vector<1xf32>
        %squeeze3A_839 = vector.extract %slice3A_838[0] : f32 from vector<1xf32>
        %get3A_840 = arith.constant 52 : i32
        %get3A_841 = arith.index_cast %get3A_840 : i32 to index
        %get3A_842 = arith.constant 0 : index
        %get3A_843 = tpu.vector_load %arg9[%get3A_841, %get3A_842] {strides = array<i32>} : memref<100x16xf32, #tpu.memory_space<vmem>>, vector<1x16xf32>,
        %get3A_844 = vector.shape_cast %get3A_843 : vector<1x16xf32> to vector<16xf32>
        %mul3A_845 = vector.broadcast %squeeze3A_839 : f32 to vector<16xf32>
        %mul3A_846 = arith.mulf %mul3A_845, %get3A_844 : vector<16xf32>
        %swap3A_847 = arith.index_cast %scan3A_96 : i32 to index
        %swap3A_848 = arith.constant 832 : index
        %swap3A_849 = tpu.vector_load %arg7[%swap3A_847, %swap3A_848] {strides = array<i32>} : memref<16x1600xf32, #tpu.memory_space<vmem>>, vector<1x16xf32>,
        %swap3A_850 = vector.shape_cast %swap3A_849 : vector<1x16xf32> to vector<16xf32>
        %swap3A_851 = vector.shape_cast %mul3A_846 : vector<16xf32> to vector<1x16xf32>
        tpu.vector_store %arg7[%swap3A_847, %swap3A_848], %swap3A_851 {strides = array<i32>} : memref<16x1600xf32, #tpu.memory_space<vmem>>, vector<1x16xf32>,
        %slice3A_852 = vector.extract_strided_slice %get3A_781 {offsets = [5], sizes = [1], strides = [1]} : vector<16xf32> to vector<1xf32>
        %squeeze3A_853 = vector.extract %slice3A_852[0] : f32 from vector<1xf32>
        %get3A_854 = arith.constant 53 : i32
        %get3A_855 = arith.index_cast %get3A_854 : i32 to index
        %get3A_856 = arith.constant 0 : index
        %get3A_857 = tpu.vector_load %arg9[%get3A_855, %get3A_856] {strides = array<i32>} : memref<100x16xf32, #tpu.memory_space<vmem>>, vector<1x16xf32>,
        %get3A_858 = vector.shape_cast %get3A_857 : vector<1x16xf32> to vector<16xf32>
        %mul3A_859 = vector.broadcast %squeeze3A_853 : f32 to vector<16xf32>
        %mul3A_860 = arith.mulf %mul3A_859, %get3A_858 : vector<16xf32>
        %swap3A_861 = arith.index_cast %scan3A_96 : i32 to index
        %swap3A_862 = arith.constant 848 : index
        %swap3A_863 = tpu.vector_load %arg7[%swap3A_861, %swap3A_862] {strides = array<i32>} : memref<16x1600xf32, #tpu.memory_space<vmem>>, vector<1x16xf32>,
        %swap3A_864 = vector.shape_cast %swap3A_863 : vector<1x16xf32> to vector<16xf32>
        %swap3A_865 = vector.shape_cast %mul3A_860 : vector<16xf32> to vector<1x16xf32>
        tpu.vector_store %arg7[%swap3A_861, %swap3A_862], %swap3A_865 {strides = array<i32>} : memref<16x1600xf32, #tpu.memory_space<vmem>>, vector<1x16xf32>,
        %slice3A_866 = vector.extract_strided_slice %get3A_781 {offsets = [6], sizes = [1], strides = [1]} : vector<16xf32> to vector<1xf32>
        %squeeze3A_867 = vector.extract %slice3A_866[0] : f32 from vector<1xf32>
        %get3A_868 = arith.constant 54 : i32
        %get3A_869 = arith.index_cast %get3A_868 : i32 to index
        %get3A_870 = arith.constant 0 : index
        %get3A_871 = tpu.vector_load %arg9[%get3A_869, %get3A_870] {strides = array<i32>} : memref<100x16xf32, #tpu.memory_space<vmem>>, vector<1x16xf32>,
        %get3A_872 = vector.shape_cast %get3A_871 : vector<1x16xf32> to vector<16xf32>
        %mul3A_873 = vector.broadcast %squeeze3A_867 : f32 to vector<16xf32>
        %mul3A_874 = arith.mulf %mul3A_873, %get3A_872 : vector<16xf32>
        %swap3A_875 = arith.index_cast %scan3A_96 : i32 to index
        %swap3A_876 = arith.constant 864 : index
        %swap3A_877 = tpu.vector_load %arg7[%swap3A_875, %swap3A_876] {strides = array<i32>} : memref<16x1600xf32, #tpu.memory_space<vmem>>, vector<1x16xf32>,
        %swap3A_878 = vector.shape_cast %swap3A_877 : vector<1x16xf32> to vector<16xf32>
        %swap3A_879 = vector.shape_cast %mul3A_874 : vector<16xf32> to vector<1x16xf32>
        tpu.vector_store %arg7[%swap3A_875, %swap3A_876], %swap3A_879 {strides = array<i32>} : memref<16x1600xf32, #tpu.memory_space<vmem>>, vector<1x16xf32>,
        %slice3A_880 = vector.extract_strided_slice %get3A_781 {offsets = [7], sizes = [1], strides = [1]} : vector<16xf32> to vector<1xf32>
        %squeeze3A_881 = vector.extract %slice3A_880[0] : f32 from vector<1xf32>
        %get3A_882 = arith.constant 55 : i32
        %get3A_883 = arith.index_cast %get3A_882 : i32 to index
        %get3A_884 = arith.constant 0 : index
        %get3A_885 = tpu.vector_load %arg9[%get3A_883, %get3A_884] {strides = array<i32>} : memref<100x16xf32, #tpu.memory_space<vmem>>, vector<1x16xf32>,
        %get3A_886 = vector.shape_cast %get3A_885 : vector<1x16xf32> to vector<16xf32>
        %mul3A_887 = vector.broadcast %squeeze3A_881 : f32 to vector<16xf32>
        %mul3A_888 = arith.mulf %mul3A_887, %get3A_886 : vector<16xf32>
        %swap3A_889 = arith.index_cast %scan3A_96 : i32 to index
        %swap3A_890 = arith.constant 880 : index
        %swap3A_891 = tpu.vector_load %arg7[%swap3A_889, %swap3A_890] {strides = array<i32>} : memref<16x1600xf32, #tpu.memory_space<vmem>>, vector<1x16xf32>,
        %swap3A_892 = vector.shape_cast %swap3A_891 : vector<1x16xf32> to vector<16xf32>
        %swap3A_893 = vector.shape_cast %mul3A_888 : vector<16xf32> to vector<1x16xf32>
        tpu.vector_store %arg7[%swap3A_889, %swap3A_890], %swap3A_893 {strides = array<i32>} : memref<16x1600xf32, #tpu.memory_space<vmem>>, vector<1x16xf32>,
        %slice3A_894 = vector.extract_strided_slice %get3A_781 {offsets = [8], sizes = [1], strides = [1]} : vector<16xf32> to vector<1xf32>
        %squeeze3A_895 = vector.extract %slice3A_894[0] : f32 from vector<1xf32>
        %get3A_896 = arith.constant 56 : i32
        %get3A_897 = arith.index_cast %get3A_896 : i32 to index
        %get3A_898 = arith.constant 0 : index
        %get3A_899 = tpu.vector_load %arg9[%get3A_897, %get3A_898] {strides = array<i32>} : memref<100x16xf32, #tpu.memory_space<vmem>>, vector<1x16xf32>,
        %get3A_900 = vector.shape_cast %get3A_899 : vector<1x16xf32> to vector<16xf32>
        %mul3A_901 = vector.broadcast %squeeze3A_895 : f32 to vector<16xf32>
        %mul3A_902 = arith.mulf %mul3A_901, %get3A_900 : vector<16xf32>
        %swap3A_903 = arith.index_cast %scan3A_96 : i32 to index
        %swap3A_904 = arith.constant 896 : index
        %swap3A_905 = tpu.vector_load %arg7[%swap3A_903, %swap3A_904] {strides = array<i32>} : memref<16x1600xf32, #tpu.memory_space<vmem>>, vector<1x16xf32>,
        %swap3A_906 = vector.shape_cast %swap3A_905 : vector<1x16xf32> to vector<16xf32>
        %swap3A_907 = vector.shape_cast %mul3A_902 : vector<16xf32> to vector<1x16xf32>
        tpu.vector_store %arg7[%swap3A_903, %swap3A_904], %swap3A_907 {strides = array<i32>} : memref<16x1600xf32, #tpu.memory_space<vmem>>, vector<1x16xf32>,
        %slice3A_908 = vector.extract_strided_slice %get3A_781 {offsets = [9], sizes = [1], strides = [1]} : vector<16xf32> to vector<1xf32>
        %squeeze3A_909 = vector.extract %slice3A_908[0] : f32 from vector<1xf32>
        %get3A_910 = arith.constant 57 : i32
        %get3A_911 = arith.index_cast %get3A_910 : i32 to index
        %get3A_912 = arith.constant 0 : index
        %get3A_913 = tpu.vector_load %arg9[%get3A_911, %get3A_912] {strides = array<i32>} : memref<100x16xf32, #tpu.memory_space<vmem>>, vector<1x16xf32>,
        %get3A_914 = vector.shape_cast %get3A_913 : vector<1x16xf32> to vector<16xf32>
        %mul3A_915 = vector.broadcast %squeeze3A_909 : f32 to vector<16xf32>
        %mul3A_916 = arith.mulf %mul3A_915, %get3A_914 : vector<16xf32>
        %swap3A_917 = arith.index_cast %scan3A_96 : i32 to index
        %swap3A_918 = arith.constant 912 : index
        %swap3A_919 = tpu.vector_load %arg7[%swap3A_917, %swap3A_918] {strides = array<i32>} : memref<16x1600xf32, #tpu.memory_space<vmem>>, vector<1x16xf32>,
        %swap3A_920 = vector.shape_cast %swap3A_919 : vector<1x16xf32> to vector<16xf32>
        %swap3A_921 = vector.shape_cast %mul3A_916 : vector<16xf32> to vector<1x16xf32>
        tpu.vector_store %arg7[%swap3A_917, %swap3A_918], %swap3A_921 {strides = array<i32>} : memref<16x1600xf32, #tpu.memory_space<vmem>>, vector<1x16xf32>,
        %slice3A_922 = vector.extract_strided_slice %get3A_781 {offsets = [10], sizes = [1], strides = [1]} : vector<16xf32> to vector<1xf32>
        %squeeze3A_923 = vector.extract %slice3A_922[0] : f32 from vector<1xf32>
        %get3A_924 = arith.constant 58 : i32
        %get3A_925 = arith.index_cast %get3A_924 : i32 to index
        %get3A_926 = arith.constant 0 : index
        %get3A_927 = tpu.vector_load %arg9[%get3A_925, %get3A_926] {strides = array<i32>} : memref<100x16xf32, #tpu.memory_space<vmem>>, vector<1x16xf32>,
        %get3A_928 = vector.shape_cast %get3A_927 : vector<1x16xf32> to vector<16xf32>
        %mul3A_929 = vector.broadcast %squeeze3A_923 : f32 to vector<16xf32>
        %mul3A_930 = arith.mulf %mul3A_929, %get3A_928 : vector<16xf32>
        %swap3A_931 = arith.index_cast %scan3A_96 : i32 to index
        %swap3A_932 = arith.constant 928 : index
        %swap3A_933 = tpu.vector_load %arg7[%swap3A_931, %swap3A_932] {strides = array<i32>} : memref<16x1600xf32, #tpu.memory_space<vmem>>, vector<1x16xf32>,
        %swap3A_934 = vector.shape_cast %swap3A_933 : vector<1x16xf32> to vector<16xf32>
        %swap3A_935 = vector.shape_cast %mul3A_930 : vector<16xf32> to vector<1x16xf32>
        tpu.vector_store %arg7[%swap3A_931, %swap3A_932], %swap3A_935 {strides = array<i32>} : memref<16x1600xf32, #tpu.memory_space<vmem>>, vector<1x16xf32>,
        %slice3A_936 = vector.extract_strided_slice %get3A_781 {offsets = [11], sizes = [1], strides = [1]} : vector<16xf32> to vector<1xf32>
        %squeeze3A_937 = vector.extract %slice3A_936[0] : f32 from vector<1xf32>
        %get3A_938 = arith.constant 59 : i32
        %get3A_939 = arith.index_cast %get3A_938 : i32 to index
        %get3A_940 = arith.constant 0 : index
        %get3A_941 = tpu.vector_load %arg9[%get3A_939, %get3A_940] {strides = array<i32>} : memref<100x16xf32, #tpu.memory_space<vmem>>, vector<1x16xf32>,
        %get3A_942 = vector.shape_cast %get3A_941 : vector<1x16xf32> to vector<16xf32>
        %mul3A_943 = vector.broadcast %squeeze3A_937 : f32 to vector<16xf32>
        %mul3A_944 = arith.mulf %mul3A_943, %get3A_942 : vector<16xf32>
        %swap3A_945 = arith.index_cast %scan3A_96 : i32 to index
        %swap3A_946 = arith.constant 944 : index
        %swap3A_947 = tpu.vector_load %arg7[%swap3A_945, %swap3A_946] {strides = array<i32>} : memref<16x1600xf32, #tpu.memory_space<vmem>>, vector<1x16xf32>,
        %swap3A_948 = vector.shape_cast %swap3A_947 : vector<1x16xf32> to vector<16xf32>
        %swap3A_949 = vector.shape_cast %mul3A_944 : vector<16xf32> to vector<1x16xf32>
        tpu.vector_store %arg7[%swap3A_945, %swap3A_946], %swap3A_949 {strides = array<i32>} : memref<16x1600xf32, #tpu.memory_space<vmem>>, vector<1x16xf32>,
        %slice3A_950 = vector.extract_strided_slice %get3A_781 {offsets = [12], sizes = [1], strides = [1]} : vector<16xf32> to vector<1xf32>
        %squeeze3A_951 = vector.extract %slice3A_950[0] : f32 from vector<1xf32>
        %get3A_952 = arith.constant 60 : i32
        %get3A_953 = arith.index_cast %get3A_952 : i32 to index
        %get3A_954 = arith.constant 0 : index
        %get3A_955 = tpu.vector_load %arg9[%get3A_953, %get3A_954] {strides = array<i32>} : memref<100x16xf32, #tpu.memory_space<vmem>>, vector<1x16xf32>,
        %get3A_956 = vector.shape_cast %get3A_955 : vector<1x16xf32> to vector<16xf32>
        %mul3A_957 = vector.broadcast %squeeze3A_951 : f32 to vector<16xf32>
        %mul3A_958 = arith.mulf %mul3A_957, %get3A_956 : vector<16xf32>
        %swap3A_959 = arith.index_cast %scan3A_96 : i32 to index
        %swap3A_960 = arith.constant 960 : index
        %swap3A_961 = tpu.vector_load %arg7[%swap3A_959, %swap3A_960] {strides = array<i32>} : memref<16x1600xf32, #tpu.memory_space<vmem>>, vector<1x16xf32>,
        %swap3A_962 = vector.shape_cast %swap3A_961 : vector<1x16xf32> to vector<16xf32>
        %swap3A_963 = vector.shape_cast %mul3A_958 : vector<16xf32> to vector<1x16xf32>
        tpu.vector_store %arg7[%swap3A_959, %swap3A_960], %swap3A_963 {strides = array<i32>} : memref<16x1600xf32, #tpu.memory_space<vmem>>, vector<1x16xf32>,
        %slice3A_964 = vector.extract_strided_slice %get3A_781 {offsets = [13], sizes = [1], strides = [1]} : vector<16xf32> to vector<1xf32>
        %squeeze3A_965 = vector.extract %slice3A_964[0] : f32 from vector<1xf32>
        %get3A_966 = arith.constant 61 : i32
        %get3A_967 = arith.index_cast %get3A_966 : i32 to index
        %get3A_968 = arith.constant 0 : index
        %get3A_969 = tpu.vector_load %arg9[%get3A_967, %get3A_968] {strides = array<i32>} : memref<100x16xf32, #tpu.memory_space<vmem>>, vector<1x16xf32>,
        %get3A_970 = vector.shape_cast %get3A_969 : vector<1x16xf32> to vector<16xf32>
        %mul3A_971 = vector.broadcast %squeeze3A_965 : f32 to vector<16xf32>
        %mul3A_972 = arith.mulf %mul3A_971, %get3A_970 : vector<16xf32>
        %swap3A_973 = arith.index_cast %scan3A_96 : i32 to index
        %swap3A_974 = arith.constant 976 : index
        %swap3A_975 = tpu.vector_load %arg7[%swap3A_973, %swap3A_974] {strides = array<i32>} : memref<16x1600xf32, #tpu.memory_space<vmem>>, vector<1x16xf32>,
        %swap3A_976 = vector.shape_cast %swap3A_975 : vector<1x16xf32> to vector<16xf32>
        %swap3A_977 = vector.shape_cast %mul3A_972 : vector<16xf32> to vector<1x16xf32>
        tpu.vector_store %arg7[%swap3A_973, %swap3A_974], %swap3A_977 {strides = array<i32>} : memref<16x1600xf32, #tpu.memory_space<vmem>>, vector<1x16xf32>,
        %slice3A_978 = vector.extract_strided_slice %get3A_781 {offsets = [14], sizes = [1], strides = [1]} : vector<16xf32> to vector<1xf32>
        %squeeze3A_979 = vector.extract %slice3A_978[0] : f32 from vector<1xf32>
        %get3A_980 = arith.constant 62 : i32
        %get3A_981 = arith.index_cast %get3A_980 : i32 to index
        %get3A_982 = arith.constant 0 : index
        %get3A_983 = tpu.vector_load %arg9[%get3A_981, %get3A_982] {strides = array<i32>} : memref<100x16xf32, #tpu.memory_space<vmem>>, vector<1x16xf32>,
        %get3A_984 = vector.shape_cast %get3A_983 : vector<1x16xf32> to vector<16xf32>
        %mul3A_985 = vector.broadcast %squeeze3A_979 : f32 to vector<16xf32>
        %mul3A_986 = arith.mulf %mul3A_985, %get3A_984 : vector<16xf32>
        %swap3A_987 = arith.index_cast %scan3A_96 : i32 to index
        %swap3A_988 = arith.constant 992 : index
        %swap3A_989 = tpu.vector_load %arg7[%swap3A_987, %swap3A_988] {strides = array<i32>} : memref<16x1600xf32, #tpu.memory_space<vmem>>, vector<1x16xf32>,
        %swap3A_990 = vector.shape_cast %swap3A_989 : vector<1x16xf32> to vector<16xf32>
        %swap3A_991 = vector.shape_cast %mul3A_986 : vector<16xf32> to vector<1x16xf32>
        tpu.vector_store %arg7[%swap3A_987, %swap3A_988], %swap3A_991 {strides = array<i32>} : memref<16x1600xf32, #tpu.memory_space<vmem>>, vector<1x16xf32>,
        %slice3A_992 = vector.extract_strided_slice %get3A_781 {offsets = [15], sizes = [1], strides = [1]} : vector<16xf32> to vector<1xf32>
        %squeeze3A_993 = vector.extract %slice3A_992[0] : f32 from vector<1xf32>
        %get3A_994 = arith.constant 63 : i32
        %get3A_995 = arith.index_cast %get3A_994 : i32 to index
        %get3A_996 = arith.constant 0 : index
        %get3A_997 = tpu.vector_load %arg9[%get3A_995, %get3A_996] {strides = array<i32>} : memref<100x16xf32, #tpu.memory_space<vmem>>, vector<1x16xf32>,
        %get3A_998 = vector.shape_cast %get3A_997 : vector<1x16xf32> to vector<16xf32>
        %mul3A_999 = vector.broadcast %squeeze3A_993 : f32 to vector<16xf32>
        %mul3A_1000 = arith.mulf %mul3A_999, %get3A_998 : vector<16xf32>
        %swap3A_1001 = arith.index_cast %scan3A_96 : i32 to index
        %swap3A_1002 = arith.constant 1008 : index
        %swap3A_1003 = tpu.vector_load %arg7[%swap3A_1001, %swap3A_1002] {strides = array<i32>} : memref<16x1600xf32, #tpu.memory_space<vmem>>, vector<1x16xf32>,
        %swap3A_1004 = vector.shape_cast %swap3A_1003 : vector<1x16xf32> to vector<16xf32>
        %swap3A_1005 = vector.shape_cast %mul3A_1000 : vector<16xf32> to vector<1x16xf32>
        tpu.vector_store %arg7[%swap3A_1001, %swap3A_1002], %swap3A_1005 {strides = array<i32>} : memref<16x1600xf32, #tpu.memory_space<vmem>>, vector<1x16xf32>,
        %get3A_1006 = arith.index_cast %scan3A_96 : i32 to index
        %get3A_1007 = arith.constant 64 : index
        %get3A_1008 = tpu.vector_load %arg5[%get3A_1006, %get3A_1007] {strides = array<i32>} : memref<16x100xf32, #tpu.memory_space<vmem>>, vector<1x16xf32>,
        %get3A_1009 = vector.shape_cast %get3A_1008 : vector<1x16xf32> to vector<16xf32>
        %slice3A_1010 = vector.extract_strided_slice %get3A_1009 {offsets = [0], sizes = [1], strides = [1]} : vector<16xf32> to vector<1xf32>
        %squeeze3A_1011 = vector.extract %slice3A_1010[0] : f32 from vector<1xf32>
        %get3A_1012 = arith.constant 64 : i32
        %get3A_1013 = arith.index_cast %get3A_1012 : i32 to index
        %get3A_1014 = arith.constant 0 : index
        %get3A_1015 = tpu.vector_load %arg9[%get3A_1013, %get3A_1014] {strides = array<i32>} : memref<100x16xf32, #tpu.memory_space<vmem>>, vector<1x16xf32>,
        %get3A_1016 = vector.shape_cast %get3A_1015 : vector<1x16xf32> to vector<16xf32>
        %mul3A_1017 = vector.broadcast %squeeze3A_1011 : f32 to vector<16xf32>
        %mul3A_1018 = arith.mulf %mul3A_1017, %get3A_1016 : vector<16xf32>
        %swap3A_1019 = arith.index_cast %scan3A_96 : i32 to index
        %swap3A_1020 = arith.constant 1024 : index
        %swap3A_1021 = tpu.vector_load %arg7[%swap3A_1019, %swap3A_1020] {strides = array<i32>} : memref<16x1600xf32, #tpu.memory_space<vmem>>, vector<1x16xf32>,
        %swap3A_1022 = vector.shape_cast %swap3A_1021 : vector<1x16xf32> to vector<16xf32>
        %swap3A_1023 = vector.shape_cast %mul3A_1018 : vector<16xf32> to vector<1x16xf32>
        tpu.vector_store %arg7[%swap3A_1019, %swap3A_1020], %swap3A_1023 {strides = array<i32>} : memref<16x1600xf32, #tpu.memory_space<vmem>>, vector<1x16xf32>,
        %slice3A_1024 = vector.extract_strided_slice %get3A_1009 {offsets = [1], sizes = [1], strides = [1]} : vector<16xf32> to vector<1xf32>
        %squeeze3A_1025 = vector.extract %slice3A_1024[0] : f32 from vector<1xf32>
        %get3A_1026 = arith.constant 65 : i32
        %get3A_1027 = arith.index_cast %get3A_1026 : i32 to index
        %get3A_1028 = arith.constant 0 : index
        %get3A_1029 = tpu.vector_load %arg9[%get3A_1027, %get3A_1028] {strides = array<i32>} : memref<100x16xf32, #tpu.memory_space<vmem>>, vector<1x16xf32>,
        %get3A_1030 = vector.shape_cast %get3A_1029 : vector<1x16xf32> to vector<16xf32>
        %mul3A_1031 = vector.broadcast %squeeze3A_1025 : f32 to vector<16xf32>
        %mul3A_1032 = arith.mulf %mul3A_1031, %get3A_1030 : vector<16xf32>
        %swap3A_1033 = arith.index_cast %scan3A_96 : i32 to index
        %swap3A_1034 = arith.constant 1040 : index
        %swap3A_1035 = tpu.vector_load %arg7[%swap3A_1033, %swap3A_1034] {strides = array<i32>} : memref<16x1600xf32, #tpu.memory_space<vmem>>, vector<1x16xf32>,
        %swap3A_1036 = vector.shape_cast %swap3A_1035 : vector<1x16xf32> to vector<16xf32>
        %swap3A_1037 = vector.shape_cast %mul3A_1032 : vector<16xf32> to vector<1x16xf32>
        tpu.vector_store %arg7[%swap3A_1033, %swap3A_1034], %swap3A_1037 {strides = array<i32>} : memref<16x1600xf32, #tpu.memory_space<vmem>>, vector<1x16xf32>,
        %slice3A_1038 = vector.extract_strided_slice %get3A_1009 {offsets = [2], sizes = [1], strides = [1]} : vector<16xf32> to vector<1xf32>
        %squeeze3A_1039 = vector.extract %slice3A_1038[0] : f32 from vector<1xf32>
        %get3A_1040 = arith.constant 66 : i32
        %get3A_1041 = arith.index_cast %get3A_1040 : i32 to index
        %get3A_1042 = arith.constant 0 : index
        %get3A_1043 = tpu.vector_load %arg9[%get3A_1041, %get3A_1042] {strides = array<i32>} : memref<100x16xf32, #tpu.memory_space<vmem>>, vector<1x16xf32>,
        %get3A_1044 = vector.shape_cast %get3A_1043 : vector<1x16xf32> to vector<16xf32>
        %mul3A_1045 = vector.broadcast %squeeze3A_1039 : f32 to vector<16xf32>
        %mul3A_1046 = arith.mulf %mul3A_1045, %get3A_1044 : vector<16xf32>
        %swap3A_1047 = arith.index_cast %scan3A_96 : i32 to index
        %swap3A_1048 = arith.constant 1056 : index
        %swap3A_1049 = tpu.vector_load %arg7[%swap3A_1047, %swap3A_1048] {strides = array<i32>} : memref<16x1600xf32, #tpu.memory_space<vmem>>, vector<1x16xf32>,
        %swap3A_1050 = vector.shape_cast %swap3A_1049 : vector<1x16xf32> to vector<16xf32>
        %swap3A_1051 = vector.shape_cast %mul3A_1046 : vector<16xf32> to vector<1x16xf32>
        tpu.vector_store %arg7[%swap3A_1047, %swap3A_1048], %swap3A_1051 {strides = array<i32>} : memref<16x1600xf32, #tpu.memory_space<vmem>>, vector<1x16xf32>,
        %slice3A_1052 = vector.extract_strided_slice %get3A_1009 {offsets = [3], sizes = [1], strides = [1]} : vector<16xf32> to vector<1xf32>
        %squeeze3A_1053 = vector.extract %slice3A_1052[0] : f32 from vector<1xf32>
        %get3A_1054 = arith.constant 67 : i32
        %get3A_1055 = arith.index_cast %get3A_1054 : i32 to index
        %get3A_1056 = arith.constant 0 : index
        %get3A_1057 = tpu.vector_load %arg9[%get3A_1055, %get3A_1056] {strides = array<i32>} : memref<100x16xf32, #tpu.memory_space<vmem>>, vector<1x16xf32>,
        %get3A_1058 = vector.shape_cast %get3A_1057 : vector<1x16xf32> to vector<16xf32>
        %mul3A_1059 = vector.broadcast %squeeze3A_1053 : f32 to vector<16xf32>
        %mul3A_1060 = arith.mulf %mul3A_1059, %get3A_1058 : vector<16xf32>
        %swap3A_1061 = arith.index_cast %scan3A_96 : i32 to index
        %swap3A_1062 = arith.constant 1072 : index
        %swap3A_1063 = tpu.vector_load %arg7[%swap3A_1061, %swap3A_1062] {strides = array<i32>} : memref<16x1600xf32, #tpu.memory_space<vmem>>, vector<1x16xf32>,
        %swap3A_1064 = vector.shape_cast %swap3A_1063 : vector<1x16xf32> to vector<16xf32>
        %swap3A_1065 = vector.shape_cast %mul3A_1060 : vector<16xf32> to vector<1x16xf32>
        tpu.vector_store %arg7[%swap3A_1061, %swap3A_1062], %swap3A_1065 {strides = array<i32>} : memref<16x1600xf32, #tpu.memory_space<vmem>>, vector<1x16xf32>,
        %slice3A_1066 = vector.extract_strided_slice %get3A_1009 {offsets = [4], sizes = [1], strides = [1]} : vector<16xf32> to vector<1xf32>
        %squeeze3A_1067 = vector.extract %slice3A_1066[0] : f32 from vector<1xf32>
        %get3A_1068 = arith.constant 68 : i32
        %get3A_1069 = arith.index_cast %get3A_1068 : i32 to index
        %get3A_1070 = arith.constant 0 : index
        %get3A_1071 = tpu.vector_load %arg9[%get3A_1069, %get3A_1070] {strides = array<i32>} : memref<100x16xf32, #tpu.memory_space<vmem>>, vector<1x16xf32>,
        %get3A_1072 = vector.shape_cast %get3A_1071 : vector<1x16xf32> to vector<16xf32>
        %mul3A_1073 = vector.broadcast %squeeze3A_1067 : f32 to vector<16xf32>
        %mul3A_1074 = arith.mulf %mul3A_1073, %get3A_1072 : vector<16xf32>
        %swap3A_1075 = arith.index_cast %scan3A_96 : i32 to index
        %swap3A_1076 = arith.constant 1088 : index
        %swap3A_1077 = tpu.vector_load %arg7[%swap3A_1075, %swap3A_1076] {strides = array<i32>} : memref<16x1600xf32, #tpu.memory_space<vmem>>, vector<1x16xf32>,
        %swap3A_1078 = vector.shape_cast %swap3A_1077 : vector<1x16xf32> to vector<16xf32>
        %swap3A_1079 = vector.shape_cast %mul3A_1074 : vector<16xf32> to vector<1x16xf32>
        tpu.vector_store %arg7[%swap3A_1075, %swap3A_1076], %swap3A_1079 {strides = array<i32>} : memref<16x1600xf32, #tpu.memory_space<vmem>>, vector<1x16xf32>,
        %slice3A_1080 = vector.extract_strided_slice %get3A_1009 {offsets = [5], sizes = [1], strides = [1]} : vector<16xf32> to vector<1xf32>
        %squeeze3A_1081 = vector.extract %slice3A_1080[0] : f32 from vector<1xf32>
        %get3A_1082 = arith.constant 69 : i32
        %get3A_1083 = arith.index_cast %get3A_1082 : i32 to index
        %get3A_1084 = arith.constant 0 : index
        %get3A_1085 = tpu.vector_load %arg9[%get3A_1083, %get3A_1084] {strides = array<i32>} : memref<100x16xf32, #tpu.memory_space<vmem>>, vector<1x16xf32>,
        %get3A_1086 = vector.shape_cast %get3A_1085 : vector<1x16xf32> to vector<16xf32>
        %mul3A_1087 = vector.broadcast %squeeze3A_1081 : f32 to vector<16xf32>
        %mul3A_1088 = arith.mulf %mul3A_1087, %get3A_1086 : vector<16xf32>
        %swap3A_1089 = arith.index_cast %scan3A_96 : i32 to index
        %swap3A_1090 = arith.constant 1104 : index
        %swap3A_1091 = tpu.vector_load %arg7[%swap3A_1089, %swap3A_1090] {strides = array<i32>} : memref<16x1600xf32, #tpu.memory_space<vmem>>, vector<1x16xf32>,
        %swap3A_1092 = vector.shape_cast %swap3A_1091 : vector<1x16xf32> to vector<16xf32>
        %swap3A_1093 = vector.shape_cast %mul3A_1088 : vector<16xf32> to vector<1x16xf32>
        tpu.vector_store %arg7[%swap3A_1089, %swap3A_1090], %swap3A_1093 {strides = array<i32>} : memref<16x1600xf32, #tpu.memory_space<vmem>>, vector<1x16xf32>,
        %slice3A_1094 = vector.extract_strided_slice %get3A_1009 {offsets = [6], sizes = [1], strides = [1]} : vector<16xf32> to vector<1xf32>
        %squeeze3A_1095 = vector.extract %slice3A_1094[0] : f32 from vector<1xf32>
        %get3A_1096 = arith.constant 70 : i32
        %get3A_1097 = arith.index_cast %get3A_1096 : i32 to index
        %get3A_1098 = arith.constant 0 : index
        %get3A_1099 = tpu.vector_load %arg9[%get3A_1097, %get3A_1098] {strides = array<i32>} : memref<100x16xf32, #tpu.memory_space<vmem>>, vector<1x16xf32>,
        %get3A_1100 = vector.shape_cast %get3A_1099 : vector<1x16xf32> to vector<16xf32>
        %mul3A_1101 = vector.broadcast %squeeze3A_1095 : f32 to vector<16xf32>
        %mul3A_1102 = arith.mulf %mul3A_1101, %get3A_1100 : vector<16xf32>
        %swap3A_1103 = arith.index_cast %scan3A_96 : i32 to index
        %swap3A_1104 = arith.constant 1120 : index
        %swap3A_1105 = tpu.vector_load %arg7[%swap3A_1103, %swap3A_1104] {strides = array<i32>} : memref<16x1600xf32, #tpu.memory_space<vmem>>, vector<1x16xf32>,
        %swap3A_1106 = vector.shape_cast %swap3A_1105 : vector<1x16xf32> to vector<16xf32>
        %swap3A_1107 = vector.shape_cast %mul3A_1102 : vector<16xf32> to vector<1x16xf32>
        tpu.vector_store %arg7[%swap3A_1103, %swap3A_1104], %swap3A_1107 {strides = array<i32>} : memref<16x1600xf32, #tpu.memory_space<vmem>>, vector<1x16xf32>,
        %slice3A_1108 = vector.extract_strided_slice %get3A_1009 {offsets = [7], sizes = [1], strides = [1]} : vector<16xf32> to vector<1xf32>
        %squeeze3A_1109 = vector.extract %slice3A_1108[0] : f32 from vector<1xf32>
        %get3A_1110 = arith.constant 71 : i32
        %get3A_1111 = arith.index_cast %get3A_1110 : i32 to index
        %get3A_1112 = arith.constant 0 : index
        %get3A_1113 = tpu.vector_load %arg9[%get3A_1111, %get3A_1112] {strides = array<i32>} : memref<100x16xf32, #tpu.memory_space<vmem>>, vector<1x16xf32>,
        %get3A_1114 = vector.shape_cast %get3A_1113 : vector<1x16xf32> to vector<16xf32>
        %mul3A_1115 = vector.broadcast %squeeze3A_1109 : f32 to vector<16xf32>
        %mul3A_1116 = arith.mulf %mul3A_1115, %get3A_1114 : vector<16xf32>
        %swap3A_1117 = arith.index_cast %scan3A_96 : i32 to index
        %swap3A_1118 = arith.constant 1136 : index
        %swap3A_1119 = tpu.vector_load %arg7[%swap3A_1117, %swap3A_1118] {strides = array<i32>} : memref<16x1600xf32, #tpu.memory_space<vmem>>, vector<1x16xf32>,
        %swap3A_1120 = vector.shape_cast %swap3A_1119 : vector<1x16xf32> to vector<16xf32>
        %swap3A_1121 = vector.shape_cast %mul3A_1116 : vector<16xf32> to vector<1x16xf32>
        tpu.vector_store %arg7[%swap3A_1117, %swap3A_1118], %swap3A_1121 {strides = array<i32>} : memref<16x1600xf32, #tpu.memory_space<vmem>>, vector<1x16xf32>,
        %slice3A_1122 = vector.extract_strided_slice %get3A_1009 {offsets = [8], sizes = [1], strides = [1]} : vector<16xf32> to vector<1xf32>
        %squeeze3A_1123 = vector.extract %slice3A_1122[0] : f32 from vector<1xf32>
        %get3A_1124 = arith.constant 72 : i32
        %get3A_1125 = arith.index_cast %get3A_1124 : i32 to index
        %get3A_1126 = arith.constant 0 : index
        %get3A_1127 = tpu.vector_load %arg9[%get3A_1125, %get3A_1126] {strides = array<i32>} : memref<100x16xf32, #tpu.memory_space<vmem>>, vector<1x16xf32>,
        %get3A_1128 = vector.shape_cast %get3A_1127 : vector<1x16xf32> to vector<16xf32>
        %mul3A_1129 = vector.broadcast %squeeze3A_1123 : f32 to vector<16xf32>
        %mul3A_1130 = arith.mulf %mul3A_1129, %get3A_1128 : vector<16xf32>
        %swap3A_1131 = arith.index_cast %scan3A_96 : i32 to index
        %swap3A_1132 = arith.constant 1152 : index
        %swap3A_1133 = tpu.vector_load %arg7[%swap3A_1131, %swap3A_1132] {strides = array<i32>} : memref<16x1600xf32, #tpu.memory_space<vmem>>, vector<1x16xf32>,
        %swap3A_1134 = vector.shape_cast %swap3A_1133 : vector<1x16xf32> to vector<16xf32>
        %swap3A_1135 = vector.shape_cast %mul3A_1130 : vector<16xf32> to vector<1x16xf32>
        tpu.vector_store %arg7[%swap3A_1131, %swap3A_1132], %swap3A_1135 {strides = array<i32>} : memref<16x1600xf32, #tpu.memory_space<vmem>>, vector<1x16xf32>,
        %slice3A_1136 = vector.extract_strided_slice %get3A_1009 {offsets = [9], sizes = [1], strides = [1]} : vector<16xf32> to vector<1xf32>
        %squeeze3A_1137 = vector.extract %slice3A_1136[0] : f32 from vector<1xf32>
        %get3A_1138 = arith.constant 73 : i32
        %get3A_1139 = arith.index_cast %get3A_1138 : i32 to index
        %get3A_1140 = arith.constant 0 : index
        %get3A_1141 = tpu.vector_load %arg9[%get3A_1139, %get3A_1140] {strides = array<i32>} : memref<100x16xf32, #tpu.memory_space<vmem>>, vector<1x16xf32>,
        %get3A_1142 = vector.shape_cast %get3A_1141 : vector<1x16xf32> to vector<16xf32>
        %mul3A_1143 = vector.broadcast %squeeze3A_1137 : f32 to vector<16xf32>
        %mul3A_1144 = arith.mulf %mul3A_1143, %get3A_1142 : vector<16xf32>
        %swap3A_1145 = arith.index_cast %scan3A_96 : i32 to index
        %swap3A_1146 = arith.constant 1168 : index
        %swap3A_1147 = tpu.vector_load %arg7[%swap3A_1145, %swap3A_1146] {strides = array<i32>} : memref<16x1600xf32, #tpu.memory_space<vmem>>, vector<1x16xf32>,
        %swap3A_1148 = vector.shape_cast %swap3A_1147 : vector<1x16xf32> to vector<16xf32>
        %swap3A_1149 = vector.shape_cast %mul3A_1144 : vector<16xf32> to vector<1x16xf32>
        tpu.vector_store %arg7[%swap3A_1145, %swap3A_1146], %swap3A_1149 {strides = array<i32>} : memref<16x1600xf32, #tpu.memory_space<vmem>>, vector<1x16xf32>,
        %slice3A_1150 = vector.extract_strided_slice %get3A_1009 {offsets = [10], sizes = [1], strides = [1]} : vector<16xf32> to vector<1xf32>
        %squeeze3A_1151 = vector.extract %slice3A_1150[0] : f32 from vector<1xf32>
        %get3A_1152 = arith.constant 74 : i32
        %get3A_1153 = arith.index_cast %get3A_1152 : i32 to index
        %get3A_1154 = arith.constant 0 : index
        %get3A_1155 = tpu.vector_load %arg9[%get3A_1153, %get3A_1154] {strides = array<i32>} : memref<100x16xf32, #tpu.memory_space<vmem>>, vector<1x16xf32>,
        %get3A_1156 = vector.shape_cast %get3A_1155 : vector<1x16xf32> to vector<16xf32>
        %mul3A_1157 = vector.broadcast %squeeze3A_1151 : f32 to vector<16xf32>
        %mul3A_1158 = arith.mulf %mul3A_1157, %get3A_1156 : vector<16xf32>
        %swap3A_1159 = arith.index_cast %scan3A_96 : i32 to index
        %swap3A_1160 = arith.constant 1184 : index
        %swap3A_1161 = tpu.vector_load %arg7[%swap3A_1159, %swap3A_1160] {strides = array<i32>} : memref<16x1600xf32, #tpu.memory_space<vmem>>, vector<1x16xf32>,
        %swap3A_1162 = vector.shape_cast %swap3A_1161 : vector<1x16xf32> to vector<16xf32>
        %swap3A_1163 = vector.shape_cast %mul3A_1158 : vector<16xf32> to vector<1x16xf32>
        tpu.vector_store %arg7[%swap3A_1159, %swap3A_1160], %swap3A_1163 {strides = array<i32>} : memref<16x1600xf32, #tpu.memory_space<vmem>>, vector<1x16xf32>,
        %slice3A_1164 = vector.extract_strided_slice %get3A_1009 {offsets = [11], sizes = [1], strides = [1]} : vector<16xf32> to vector<1xf32>
        %squeeze3A_1165 = vector.extract %slice3A_1164[0] : f32 from vector<1xf32>
        %get3A_1166 = arith.constant 75 : i32
        %get3A_1167 = arith.index_cast %get3A_1166 : i32 to index
        %get3A_1168 = arith.constant 0 : index
        %get3A_1169 = tpu.vector_load %arg9[%get3A_1167, %get3A_1168] {strides = array<i32>} : memref<100x16xf32, #tpu.memory_space<vmem>>, vector<1x16xf32>,
        %get3A_1170 = vector.shape_cast %get3A_1169 : vector<1x16xf32> to vector<16xf32>
        %mul3A_1171 = vector.broadcast %squeeze3A_1165 : f32 to vector<16xf32>
        %mul3A_1172 = arith.mulf %mul3A_1171, %get3A_1170 : vector<16xf32>
        %swap3A_1173 = arith.index_cast %scan3A_96 : i32 to index
        %swap3A_1174 = arith.constant 1200 : index
        %swap3A_1175 = tpu.vector_load %arg7[%swap3A_1173, %swap3A_1174] {strides = array<i32>} : memref<16x1600xf32, #tpu.memory_space<vmem>>, vector<1x16xf32>,
        %swap3A_1176 = vector.shape_cast %swap3A_1175 : vector<1x16xf32> to vector<16xf32>
        %swap3A_1177 = vector.shape_cast %mul3A_1172 : vector<16xf32> to vector<1x16xf32>
        tpu.vector_store %arg7[%swap3A_1173, %swap3A_1174], %swap3A_1177 {strides = array<i32>} : memref<16x1600xf32, #tpu.memory_space<vmem>>, vector<1x16xf32>,
        %slice3A_1178 = vector.extract_strided_slice %get3A_1009 {offsets = [12], sizes = [1], strides = [1]} : vector<16xf32> to vector<1xf32>
        %squeeze3A_1179 = vector.extract %slice3A_1178[0] : f32 from vector<1xf32>
        %get3A_1180 = arith.constant 76 : i32
        %get3A_1181 = arith.index_cast %get3A_1180 : i32 to index
        %get3A_1182 = arith.constant 0 : index
        %get3A_1183 = tpu.vector_load %arg9[%get3A_1181, %get3A_1182] {strides = array<i32>} : memref<100x16xf32, #tpu.memory_space<vmem>>, vector<1x16xf32>,
        %get3A_1184 = vector.shape_cast %get3A_1183 : vector<1x16xf32> to vector<16xf32>
        %mul3A_1185 = vector.broadcast %squeeze3A_1179 : f32 to vector<16xf32>
        %mul3A_1186 = arith.mulf %mul3A_1185, %get3A_1184 : vector<16xf32>
        %swap3A_1187 = arith.index_cast %scan3A_96 : i32 to index
        %swap3A_1188 = arith.constant 1216 : index
        %swap3A_1189 = tpu.vector_load %arg7[%swap3A_1187, %swap3A_1188] {strides = array<i32>} : memref<16x1600xf32, #tpu.memory_space<vmem>>, vector<1x16xf32>,
        %swap3A_1190 = vector.shape_cast %swap3A_1189 : vector<1x16xf32> to vector<16xf32>
        %swap3A_1191 = vector.shape_cast %mul3A_1186 : vector<16xf32> to vector<1x16xf32>
        tpu.vector_store %arg7[%swap3A_1187, %swap3A_1188], %swap3A_1191 {strides = array<i32>} : memref<16x1600xf32, #tpu.memory_space<vmem>>, vector<1x16xf32>,
        %slice3A_1192 = vector.extract_strided_slice %get3A_1009 {offsets = [13], sizes = [1], strides = [1]} : vector<16xf32> to vector<1xf32>
        %squeeze3A_1193 = vector.extract %slice3A_1192[0] : f32 from vector<1xf32>
        %get3A_1194 = arith.constant 77 : i32
        %get3A_1195 = arith.index_cast %get3A_1194 : i32 to index
        %get3A_1196 = arith.constant 0 : index
        %get3A_1197 = tpu.vector_load %arg9[%get3A_1195, %get3A_1196] {strides = array<i32>} : memref<100x16xf32, #tpu.memory_space<vmem>>, vector<1x16xf32>,
        %get3A_1198 = vector.shape_cast %get3A_1197 : vector<1x16xf32> to vector<16xf32>
        %mul3A_1199 = vector.broadcast %squeeze3A_1193 : f32 to vector<16xf32>
        %mul3A_1200 = arith.mulf %mul3A_1199, %get3A_1198 : vector<16xf32>
        %swap3A_1201 = arith.index_cast %scan3A_96 : i32 to index
        %swap3A_1202 = arith.constant 1232 : index
        %swap3A_1203 = tpu.vector_load %arg7[%swap3A_1201, %swap3A_1202] {strides = array<i32>} : memref<16x1600xf32, #tpu.memory_space<vmem>>, vector<1x16xf32>,
        %swap3A_1204 = vector.shape_cast %swap3A_1203 : vector<1x16xf32> to vector<16xf32>
        %swap3A_1205 = vector.shape_cast %mul3A_1200 : vector<16xf32> to vector<1x16xf32>
        tpu.vector_store %arg7[%swap3A_1201, %swap3A_1202], %swap3A_1205 {strides = array<i32>} : memref<16x1600xf32, #tpu.memory_space<vmem>>, vector<1x16xf32>,
        %slice3A_1206 = vector.extract_strided_slice %get3A_1009 {offsets = [14], sizes = [1], strides = [1]} : vector<16xf32> to vector<1xf32>
        %squeeze3A_1207 = vector.extract %slice3A_1206[0] : f32 from vector<1xf32>
        %get3A_1208 = arith.constant 78 : i32
        %get3A_1209 = arith.index_cast %get3A_1208 : i32 to index
        %get3A_1210 = arith.constant 0 : index
        %get3A_1211 = tpu.vector_load %arg9[%get3A_1209, %get3A_1210] {strides = array<i32>} : memref<100x16xf32, #tpu.memory_space<vmem>>, vector<1x16xf32>,
        %get3A_1212 = vector.shape_cast %get3A_1211 : vector<1x16xf32> to vector<16xf32>
        %mul3A_1213 = vector.broadcast %squeeze3A_1207 : f32 to vector<16xf32>
        %mul3A_1214 = arith.mulf %mul3A_1213, %get3A_1212 : vector<16xf32>
        %swap3A_1215 = arith.index_cast %scan3A_96 : i32 to index
        %swap3A_1216 = arith.constant 1248 : index
        %swap3A_1217 = tpu.vector_load %arg7[%swap3A_1215, %swap3A_1216] {strides = array<i32>} : memref<16x1600xf32, #tpu.memory_space<vmem>>, vector<1x16xf32>,
        %swap3A_1218 = vector.shape_cast %swap3A_1217 : vector<1x16xf32> to vector<16xf32>
        %swap3A_1219 = vector.shape_cast %mul3A_1214 : vector<16xf32> to vector<1x16xf32>
        tpu.vector_store %arg7[%swap3A_1215, %swap3A_1216], %swap3A_1219 {strides = array<i32>} : memref<16x1600xf32, #tpu.memory_space<vmem>>, vector<1x16xf32>,
        %slice3A_1220 = vector.extract_strided_slice %get3A_1009 {offsets = [15], sizes = [1], strides = [1]} : vector<16xf32> to vector<1xf32>
        %squeeze3A_1221 = vector.extract %slice3A_1220[0] : f32 from vector<1xf32>
        %get3A_1222 = arith.constant 79 : i32
        %get3A_1223 = arith.index_cast %get3A_1222 : i32 to index
        %get3A_1224 = arith.constant 0 : index
        %get3A_1225 = tpu.vector_load %arg9[%get3A_1223, %get3A_1224] {strides = array<i32>} : memref<100x16xf32, #tpu.memory_space<vmem>>, vector<1x16xf32>,
        %get3A_1226 = vector.shape_cast %get3A_1225 : vector<1x16xf32> to vector<16xf32>
        %mul3A_1227 = vector.broadcast %squeeze3A_1221 : f32 to vector<16xf32>
        %mul3A_1228 = arith.mulf %mul3A_1227, %get3A_1226 : vector<16xf32>
        %swap3A_1229 = arith.index_cast %scan3A_96 : i32 to index
        %swap3A_1230 = arith.constant 1264 : index
        %swap3A_1231 = tpu.vector_load %arg7[%swap3A_1229, %swap3A_1230] {strides = array<i32>} : memref<16x1600xf32, #tpu.memory_space<vmem>>, vector<1x16xf32>,
        %swap3A_1232 = vector.shape_cast %swap3A_1231 : vector<1x16xf32> to vector<16xf32>
        %swap3A_1233 = vector.shape_cast %mul3A_1228 : vector<16xf32> to vector<1x16xf32>
        tpu.vector_store %arg7[%swap3A_1229, %swap3A_1230], %swap3A_1233 {strides = array<i32>} : memref<16x1600xf32, #tpu.memory_space<vmem>>, vector<1x16xf32>,
        %get3A_1234 = arith.index_cast %scan3A_96 : i32 to index
        %get3A_1235 = arith.constant 80 : index
        %get3A_1236 = tpu.vector_load %arg5[%get3A_1234, %get3A_1235] {strides = array<i32>} : memref<16x100xf32, #tpu.memory_space<vmem>>, vector<1x16xf32>,
        %get3A_1237 = vector.shape_cast %get3A_1236 : vector<1x16xf32> to vector<16xf32>
        %slice3A_1238 = vector.extract_strided_slice %get3A_1237 {offsets = [0], sizes = [1], strides = [1]} : vector<16xf32> to vector<1xf32>
        %squeeze3A_1239 = vector.extract %slice3A_1238[0] : f32 from vector<1xf32>
        %get3A_1240 = arith.constant 80 : i32
        %get3A_1241 = arith.index_cast %get3A_1240 : i32 to index
        %get3A_1242 = arith.constant 0 : index
        %get3A_1243 = tpu.vector_load %arg9[%get3A_1241, %get3A_1242] {strides = array<i32>} : memref<100x16xf32, #tpu.memory_space<vmem>>, vector<1x16xf32>,
        %get3A_1244 = vector.shape_cast %get3A_1243 : vector<1x16xf32> to vector<16xf32>
        %mul3A_1245 = vector.broadcast %squeeze3A_1239 : f32 to vector<16xf32>
        %mul3A_1246 = arith.mulf %mul3A_1245, %get3A_1244 : vector<16xf32>
        %swap3A_1247 = arith.index_cast %scan3A_96 : i32 to index
        %swap3A_1248 = arith.constant 1280 : index
        %swap3A_1249 = tpu.vector_load %arg7[%swap3A_1247, %swap3A_1248] {strides = array<i32>} : memref<16x1600xf32, #tpu.memory_space<vmem>>, vector<1x16xf32>,
        %swap3A_1250 = vector.shape_cast %swap3A_1249 : vector<1x16xf32> to vector<16xf32>
        %swap3A_1251 = vector.shape_cast %mul3A_1246 : vector<16xf32> to vector<1x16xf32>
        tpu.vector_store %arg7[%swap3A_1247, %swap3A_1248], %swap3A_1251 {strides = array<i32>} : memref<16x1600xf32, #tpu.memory_space<vmem>>, vector<1x16xf32>,
        %slice3A_1252 = vector.extract_strided_slice %get3A_1237 {offsets = [1], sizes = [1], strides = [1]} : vector<16xf32> to vector<1xf32>
        %squeeze3A_1253 = vector.extract %slice3A_1252[0] : f32 from vector<1xf32>
        %get3A_1254 = arith.constant 81 : i32
        %get3A_1255 = arith.index_cast %get3A_1254 : i32 to index
        %get3A_1256 = arith.constant 0 : index
        %get3A_1257 = tpu.vector_load %arg9[%get3A_1255, %get3A_1256] {strides = array<i32>} : memref<100x16xf32, #tpu.memory_space<vmem>>, vector<1x16xf32>,
        %get3A_1258 = vector.shape_cast %get3A_1257 : vector<1x16xf32> to vector<16xf32>
        %mul3A_1259 = vector.broadcast %squeeze3A_1253 : f32 to vector<16xf32>
        %mul3A_1260 = arith.mulf %mul3A_1259, %get3A_1258 : vector<16xf32>
        %swap3A_1261 = arith.index_cast %scan3A_96 : i32 to index
        %swap3A_1262 = arith.constant 1296 : index
        %swap3A_1263 = tpu.vector_load %arg7[%swap3A_1261, %swap3A_1262] {strides = array<i32>} : memref<16x1600xf32, #tpu.memory_space<vmem>>, vector<1x16xf32>,
        %swap3A_1264 = vector.shape_cast %swap3A_1263 : vector<1x16xf32> to vector<16xf32>
        %swap3A_1265 = vector.shape_cast %mul3A_1260 : vector<16xf32> to vector<1x16xf32>
        tpu.vector_store %arg7[%swap3A_1261, %swap3A_1262], %swap3A_1265 {strides = array<i32>} : memref<16x1600xf32, #tpu.memory_space<vmem>>, vector<1x16xf32>,
        %slice3A_1266 = vector.extract_strided_slice %get3A_1237 {offsets = [2], sizes = [1], strides = [1]} : vector<16xf32> to vector<1xf32>
        %squeeze3A_1267 = vector.extract %slice3A_1266[0] : f32 from vector<1xf32>
        %get3A_1268 = arith.constant 82 : i32
        %get3A_1269 = arith.index_cast %get3A_1268 : i32 to index
        %get3A_1270 = arith.constant 0 : index
        %get3A_1271 = tpu.vector_load %arg9[%get3A_1269, %get3A_1270] {strides = array<i32>} : memref<100x16xf32, #tpu.memory_space<vmem>>, vector<1x16xf32>,
        %get3A_1272 = vector.shape_cast %get3A_1271 : vector<1x16xf32> to vector<16xf32>
        %mul3A_1273 = vector.broadcast %squeeze3A_1267 : f32 to vector<16xf32>
        %mul3A_1274 = arith.mulf %mul3A_1273, %get3A_1272 : vector<16xf32>
        %swap3A_1275 = arith.index_cast %scan3A_96 : i32 to index
        %swap3A_1276 = arith.constant 1312 : index
        %swap3A_1277 = tpu.vector_load %arg7[%swap3A_1275, %swap3A_1276] {strides = array<i32>} : memref<16x1600xf32, #tpu.memory_space<vmem>>, vector<1x16xf32>,
        %swap3A_1278 = vector.shape_cast %swap3A_1277 : vector<1x16xf32> to vector<16xf32>
        %swap3A_1279 = vector.shape_cast %mul3A_1274 : vector<16xf32> to vector<1x16xf32>
        tpu.vector_store %arg7[%swap3A_1275, %swap3A_1276], %swap3A_1279 {strides = array<i32>} : memref<16x1600xf32, #tpu.memory_space<vmem>>, vector<1x16xf32>,
        %slice3A_1280 = vector.extract_strided_slice %get3A_1237 {offsets = [3], sizes = [1], strides = [1]} : vector<16xf32> to vector<1xf32>
        %squeeze3A_1281 = vector.extract %slice3A_1280[0] : f32 from vector<1xf32>
        %get3A_1282 = arith.constant 83 : i32
        %get3A_1283 = arith.index_cast %get3A_1282 : i32 to index
        %get3A_1284 = arith.constant 0 : index
        %get3A_1285 = tpu.vector_load %arg9[%get3A_1283, %get3A_1284] {strides = array<i32>} : memref<100x16xf32, #tpu.memory_space<vmem>>, vector<1x16xf32>,
        %get3A_1286 = vector.shape_cast %get3A_1285 : vector<1x16xf32> to vector<16xf32>
        %mul3A_1287 = vector.broadcast %squeeze3A_1281 : f32 to vector<16xf32>
        %mul3A_1288 = arith.mulf %mul3A_1287, %get3A_1286 : vector<16xf32>
        %swap3A_1289 = arith.index_cast %scan3A_96 : i32 to index
        %swap3A_1290 = arith.constant 1328 : index
        %swap3A_1291 = tpu.vector_load %arg7[%swap3A_1289, %swap3A_1290] {strides = array<i32>} : memref<16x1600xf32, #tpu.memory_space<vmem>>, vector<1x16xf32>,
        %swap3A_1292 = vector.shape_cast %swap3A_1291 : vector<1x16xf32> to vector<16xf32>
        %swap3A_1293 = vector.shape_cast %mul3A_1288 : vector<16xf32> to vector<1x16xf32>
        tpu.vector_store %arg7[%swap3A_1289, %swap3A_1290], %swap3A_1293 {strides = array<i32>} : memref<16x1600xf32, #tpu.memory_space<vmem>>, vector<1x16xf32>,
        %slice3A_1294 = vector.extract_strided_slice %get3A_1237 {offsets = [4], sizes = [1], strides = [1]} : vector<16xf32> to vector<1xf32>
        %squeeze3A_1295 = vector.extract %slice3A_1294[0] : f32 from vector<1xf32>
        %get3A_1296 = arith.constant 84 : i32
        %get3A_1297 = arith.index_cast %get3A_1296 : i32 to index
        %get3A_1298 = arith.constant 0 : index
        %get3A_1299 = tpu.vector_load %arg9[%get3A_1297, %get3A_1298] {strides = array<i32>} : memref<100x16xf32, #tpu.memory_space<vmem>>, vector<1x16xf32>,
        %get3A_1300 = vector.shape_cast %get3A_1299 : vector<1x16xf32> to vector<16xf32>
        %mul3A_1301 = vector.broadcast %squeeze3A_1295 : f32 to vector<16xf32>
        %mul3A_1302 = arith.mulf %mul3A_1301, %get3A_1300 : vector<16xf32>
        %swap3A_1303 = arith.index_cast %scan3A_96 : i32 to index
        %swap3A_1304 = arith.constant 1344 : index
        %swap3A_1305 = tpu.vector_load %arg7[%swap3A_1303, %swap3A_1304] {strides = array<i32>} : memref<16x1600xf32, #tpu.memory_space<vmem>>, vector<1x16xf32>,
        %swap3A_1306 = vector.shape_cast %swap3A_1305 : vector<1x16xf32> to vector<16xf32>
        %swap3A_1307 = vector.shape_cast %mul3A_1302 : vector<16xf32> to vector<1x16xf32>
        tpu.vector_store %arg7[%swap3A_1303, %swap3A_1304], %swap3A_1307 {strides = array<i32>} : memref<16x1600xf32, #tpu.memory_space<vmem>>, vector<1x16xf32>,
        %slice3A_1308 = vector.extract_strided_slice %get3A_1237 {offsets = [5], sizes = [1], strides = [1]} : vector<16xf32> to vector<1xf32>
        %squeeze3A_1309 = vector.extract %slice3A_1308[0] : f32 from vector<1xf32>
        %get3A_1310 = arith.constant 85 : i32
        %get3A_1311 = arith.index_cast %get3A_1310 : i32 to index
        %get3A_1312 = arith.constant 0 : index
        %get3A_1313 = tpu.vector_load %arg9[%get3A_1311, %get3A_1312] {strides = array<i32>} : memref<100x16xf32, #tpu.memory_space<vmem>>, vector<1x16xf32>,
        %get3A_1314 = vector.shape_cast %get3A_1313 : vector<1x16xf32> to vector<16xf32>
        %mul3A_1315 = vector.broadcast %squeeze3A_1309 : f32 to vector<16xf32>
        %mul3A_1316 = arith.mulf %mul3A_1315, %get3A_1314 : vector<16xf32>
        %swap3A_1317 = arith.index_cast %scan3A_96 : i32 to index
        %swap3A_1318 = arith.constant 1360 : index
        %swap3A_1319 = tpu.vector_load %arg7[%swap3A_1317, %swap3A_1318] {strides = array<i32>} : memref<16x1600xf32, #tpu.memory_space<vmem>>, vector<1x16xf32>,
        %swap3A_1320 = vector.shape_cast %swap3A_1319 : vector<1x16xf32> to vector<16xf32>
        %swap3A_1321 = vector.shape_cast %mul3A_1316 : vector<16xf32> to vector<1x16xf32>
        tpu.vector_store %arg7[%swap3A_1317, %swap3A_1318], %swap3A_1321 {strides = array<i32>} : memref<16x1600xf32, #tpu.memory_space<vmem>>, vector<1x16xf32>,
        %slice3A_1322 = vector.extract_strided_slice %get3A_1237 {offsets = [6], sizes = [1], strides = [1]} : vector<16xf32> to vector<1xf32>
        %squeeze3A_1323 = vector.extract %slice3A_1322[0] : f32 from vector<1xf32>
        %get3A_1324 = arith.constant 86 : i32
        %get3A_1325 = arith.index_cast %get3A_1324 : i32 to index
        %get3A_1326 = arith.constant 0 : index
        %get3A_1327 = tpu.vector_load %arg9[%get3A_1325, %get3A_1326] {strides = array<i32>} : memref<100x16xf32, #tpu.memory_space<vmem>>, vector<1x16xf32>,
        %get3A_1328 = vector.shape_cast %get3A_1327 : vector<1x16xf32> to vector<16xf32>
        %mul3A_1329 = vector.broadcast %squeeze3A_1323 : f32 to vector<16xf32>
        %mul3A_1330 = arith.mulf %mul3A_1329, %get3A_1328 : vector<16xf32>
        %swap3A_1331 = arith.index_cast %scan3A_96 : i32 to index
        %swap3A_1332 = arith.constant 1376 : index
        %swap3A_1333 = tpu.vector_load %arg7[%swap3A_1331, %swap3A_1332] {strides = array<i32>} : memref<16x1600xf32, #tpu.memory_space<vmem>>, vector<1x16xf32>,
        %swap3A_1334 = vector.shape_cast %swap3A_1333 : vector<1x16xf32> to vector<16xf32>
        %swap3A_1335 = vector.shape_cast %mul3A_1330 : vector<16xf32> to vector<1x16xf32>
        tpu.vector_store %arg7[%swap3A_1331, %swap3A_1332], %swap3A_1335 {strides = array<i32>} : memref<16x1600xf32, #tpu.memory_space<vmem>>, vector<1x16xf32>,
        %slice3A_1336 = vector.extract_strided_slice %get3A_1237 {offsets = [7], sizes = [1], strides = [1]} : vector<16xf32> to vector<1xf32>
        %squeeze3A_1337 = vector.extract %slice3A_1336[0] : f32 from vector<1xf32>
        %get3A_1338 = arith.constant 87 : i32
        %get3A_1339 = arith.index_cast %get3A_1338 : i32 to index
        %get3A_1340 = arith.constant 0 : index
        %get3A_1341 = tpu.vector_load %arg9[%get3A_1339, %get3A_1340] {strides = array<i32>} : memref<100x16xf32, #tpu.memory_space<vmem>>, vector<1x16xf32>,
        %get3A_1342 = vector.shape_cast %get3A_1341 : vector<1x16xf32> to vector<16xf32>
        %mul3A_1343 = vector.broadcast %squeeze3A_1337 : f32 to vector<16xf32>
        %mul3A_1344 = arith.mulf %mul3A_1343, %get3A_1342 : vector<16xf32>
        %swap3A_1345 = arith.index_cast %scan3A_96 : i32 to index
        %swap3A_1346 = arith.constant 1392 : index
        %swap3A_1347 = tpu.vector_load %arg7[%swap3A_1345, %swap3A_1346] {strides = array<i32>} : memref<16x1600xf32, #tpu.memory_space<vmem>>, vector<1x16xf32>,
        %swap3A_1348 = vector.shape_cast %swap3A_1347 : vector<1x16xf32> to vector<16xf32>
        %swap3A_1349 = vector.shape_cast %mul3A_1344 : vector<16xf32> to vector<1x16xf32>
        tpu.vector_store %arg7[%swap3A_1345, %swap3A_1346], %swap3A_1349 {strides = array<i32>} : memref<16x1600xf32, #tpu.memory_space<vmem>>, vector<1x16xf32>,
        %slice3A_1350 = vector.extract_strided_slice %get3A_1237 {offsets = [8], sizes = [1], strides = [1]} : vector<16xf32> to vector<1xf32>
        %squeeze3A_1351 = vector.extract %slice3A_1350[0] : f32 from vector<1xf32>
        %get3A_1352 = arith.constant 88 : i32
        %get3A_1353 = arith.index_cast %get3A_1352 : i32 to index
        %get3A_1354 = arith.constant 0 : index
        %get3A_1355 = tpu.vector_load %arg9[%get3A_1353, %get3A_1354] {strides = array<i32>} : memref<100x16xf32, #tpu.memory_space<vmem>>, vector<1x16xf32>,
        %get3A_1356 = vector.shape_cast %get3A_1355 : vector<1x16xf32> to vector<16xf32>
        %mul3A_1357 = vector.broadcast %squeeze3A_1351 : f32 to vector<16xf32>
        %mul3A_1358 = arith.mulf %mul3A_1357, %get3A_1356 : vector<16xf32>
        %swap3A_1359 = arith.index_cast %scan3A_96 : i32 to index
        %swap3A_1360 = arith.constant 1408 : index
        %swap3A_1361 = tpu.vector_load %arg7[%swap3A_1359, %swap3A_1360] {strides = array<i32>} : memref<16x1600xf32, #tpu.memory_space<vmem>>, vector<1x16xf32>,
        %swap3A_1362 = vector.shape_cast %swap3A_1361 : vector<1x16xf32> to vector<16xf32>
        %swap3A_1363 = vector.shape_cast %mul3A_1358 : vector<16xf32> to vector<1x16xf32>
        tpu.vector_store %arg7[%swap3A_1359, %swap3A_1360], %swap3A_1363 {strides = array<i32>} : memref<16x1600xf32, #tpu.memory_space<vmem>>, vector<1x16xf32>,
        %slice3A_1364 = vector.extract_strided_slice %get3A_1237 {offsets = [9], sizes = [1], strides = [1]} : vector<16xf32> to vector<1xf32>
        %squeeze3A_1365 = vector.extract %slice3A_1364[0] : f32 from vector<1xf32>
        %get3A_1366 = arith.constant 89 : i32
        %get3A_1367 = arith.index_cast %get3A_1366 : i32 to index
        %get3A_1368 = arith.constant 0 : index
        %get3A_1369 = tpu.vector_load %arg9[%get3A_1367, %get3A_1368] {strides = array<i32>} : memref<100x16xf32, #tpu.memory_space<vmem>>, vector<1x16xf32>,
        %get3A_1370 = vector.shape_cast %get3A_1369 : vector<1x16xf32> to vector<16xf32>
        %mul3A_1371 = vector.broadcast %squeeze3A_1365 : f32 to vector<16xf32>
        %mul3A_1372 = arith.mulf %mul3A_1371, %get3A_1370 : vector<16xf32>
        %swap3A_1373 = arith.index_cast %scan3A_96 : i32 to index
        %swap3A_1374 = arith.constant 1424 : index
        %swap3A_1375 = tpu.vector_load %arg7[%swap3A_1373, %swap3A_1374] {strides = array<i32>} : memref<16x1600xf32, #tpu.memory_space<vmem>>, vector<1x16xf32>,
        %swap3A_1376 = vector.shape_cast %swap3A_1375 : vector<1x16xf32> to vector<16xf32>
        %swap3A_1377 = vector.shape_cast %mul3A_1372 : vector<16xf32> to vector<1x16xf32>
        tpu.vector_store %arg7[%swap3A_1373, %swap3A_1374], %swap3A_1377 {strides = array<i32>} : memref<16x1600xf32, #tpu.memory_space<vmem>>, vector<1x16xf32>,
        %slice3A_1378 = vector.extract_strided_slice %get3A_1237 {offsets = [10], sizes = [1], strides = [1]} : vector<16xf32> to vector<1xf32>
        %squeeze3A_1379 = vector.extract %slice3A_1378[0] : f32 from vector<1xf32>
        %get3A_1380 = arith.constant 90 : i32
        %get3A_1381 = arith.index_cast %get3A_1380 : i32 to index
        %get3A_1382 = arith.constant 0 : index
        %get3A_1383 = tpu.vector_load %arg9[%get3A_1381, %get3A_1382] {strides = array<i32>} : memref<100x16xf32, #tpu.memory_space<vmem>>, vector<1x16xf32>,
        %get3A_1384 = vector.shape_cast %get3A_1383 : vector<1x16xf32> to vector<16xf32>
        %mul3A_1385 = vector.broadcast %squeeze3A_1379 : f32 to vector<16xf32>
        %mul3A_1386 = arith.mulf %mul3A_1385, %get3A_1384 : vector<16xf32>
        %swap3A_1387 = arith.index_cast %scan3A_96 : i32 to index
        %swap3A_1388 = arith.constant 1440 : index
        %swap3A_1389 = tpu.vector_load %arg7[%swap3A_1387, %swap3A_1388] {strides = array<i32>} : memref<16x1600xf32, #tpu.memory_space<vmem>>, vector<1x16xf32>,
        %swap3A_1390 = vector.shape_cast %swap3A_1389 : vector<1x16xf32> to vector<16xf32>
        %swap3A_1391 = vector.shape_cast %mul3A_1386 : vector<16xf32> to vector<1x16xf32>
        tpu.vector_store %arg7[%swap3A_1387, %swap3A_1388], %swap3A_1391 {strides = array<i32>} : memref<16x1600xf32, #tpu.memory_space<vmem>>, vector<1x16xf32>,
        %slice3A_1392 = vector.extract_strided_slice %get3A_1237 {offsets = [11], sizes = [1], strides = [1]} : vector<16xf32> to vector<1xf32>
        %squeeze3A_1393 = vector.extract %slice3A_1392[0] : f32 from vector<1xf32>
        %get3A_1394 = arith.constant 91 : i32
        %get3A_1395 = arith.index_cast %get3A_1394 : i32 to index
        %get3A_1396 = arith.constant 0 : index
        %get3A_1397 = tpu.vector_load %arg9[%get3A_1395, %get3A_1396] {strides = array<i32>} : memref<100x16xf32, #tpu.memory_space<vmem>>, vector<1x16xf32>,
        %get3A_1398 = vector.shape_cast %get3A_1397 : vector<1x16xf32> to vector<16xf32>
        %mul3A_1399 = vector.broadcast %squeeze3A_1393 : f32 to vector<16xf32>
        %mul3A_1400 = arith.mulf %mul3A_1399, %get3A_1398 : vector<16xf32>
        %swap3A_1401 = arith.index_cast %scan3A_96 : i32 to index
        %swap3A_1402 = arith.constant 1456 : index
        %swap3A_1403 = tpu.vector_load %arg7[%swap3A_1401, %swap3A_1402] {strides = array<i32>} : memref<16x1600xf32, #tpu.memory_space<vmem>>, vector<1x16xf32>,
        %swap3A_1404 = vector.shape_cast %swap3A_1403 : vector<1x16xf32> to vector<16xf32>
        %swap3A_1405 = vector.shape_cast %mul3A_1400 : vector<16xf32> to vector<1x16xf32>
        tpu.vector_store %arg7[%swap3A_1401, %swap3A_1402], %swap3A_1405 {strides = array<i32>} : memref<16x1600xf32, #tpu.memory_space<vmem>>, vector<1x16xf32>,
        %slice3A_1406 = vector.extract_strided_slice %get3A_1237 {offsets = [12], sizes = [1], strides = [1]} : vector<16xf32> to vector<1xf32>
        %squeeze3A_1407 = vector.extract %slice3A_1406[0] : f32 from vector<1xf32>
        %get3A_1408 = arith.constant 92 : i32
        %get3A_1409 = arith.index_cast %get3A_1408 : i32 to index
        %get3A_1410 = arith.constant 0 : index
        %get3A_1411 = tpu.vector_load %arg9[%get3A_1409, %get3A_1410] {strides = array<i32>} : memref<100x16xf32, #tpu.memory_space<vmem>>, vector<1x16xf32>,
        %get3A_1412 = vector.shape_cast %get3A_1411 : vector<1x16xf32> to vector<16xf32>
        %mul3A_1413 = vector.broadcast %squeeze3A_1407 : f32 to vector<16xf32>
        %mul3A_1414 = arith.mulf %mul3A_1413, %get3A_1412 : vector<16xf32>
        %swap3A_1415 = arith.index_cast %scan3A_96 : i32 to index
        %swap3A_1416 = arith.constant 1472 : index
        %swap3A_1417 = tpu.vector_load %arg7[%swap3A_1415, %swap3A_1416] {strides = array<i32>} : memref<16x1600xf32, #tpu.memory_space<vmem>>, vector<1x16xf32>,
        %swap3A_1418 = vector.shape_cast %swap3A_1417 : vector<1x16xf32> to vector<16xf32>
        %swap3A_1419 = vector.shape_cast %mul3A_1414 : vector<16xf32> to vector<1x16xf32>
        tpu.vector_store %arg7[%swap3A_1415, %swap3A_1416], %swap3A_1419 {strides = array<i32>} : memref<16x1600xf32, #tpu.memory_space<vmem>>, vector<1x16xf32>,
        %slice3A_1420 = vector.extract_strided_slice %get3A_1237 {offsets = [13], sizes = [1], strides = [1]} : vector<16xf32> to vector<1xf32>
        %squeeze3A_1421 = vector.extract %slice3A_1420[0] : f32 from vector<1xf32>
        %get3A_1422 = arith.constant 93 : i32
        %get3A_1423 = arith.index_cast %get3A_1422 : i32 to index
        %get3A_1424 = arith.constant 0 : index
        %get3A_1425 = tpu.vector_load %arg9[%get3A_1423, %get3A_1424] {strides = array<i32>} : memref<100x16xf32, #tpu.memory_space<vmem>>, vector<1x16xf32>,
        %get3A_1426 = vector.shape_cast %get3A_1425 : vector<1x16xf32> to vector<16xf32>
        %mul3A_1427 = vector.broadcast %squeeze3A_1421 : f32 to vector<16xf32>
        %mul3A_1428 = arith.mulf %mul3A_1427, %get3A_1426 : vector<16xf32>
        %swap3A_1429 = arith.index_cast %scan3A_96 : i32 to index
        %swap3A_1430 = arith.constant 1488 : index
        %swap3A_1431 = tpu.vector_load %arg7[%swap3A_1429, %swap3A_1430] {strides = array<i32>} : memref<16x1600xf32, #tpu.memory_space<vmem>>, vector<1x16xf32>,
        %swap3A_1432 = vector.shape_cast %swap3A_1431 : vector<1x16xf32> to vector<16xf32>
        %swap3A_1433 = vector.shape_cast %mul3A_1428 : vector<16xf32> to vector<1x16xf32>
        tpu.vector_store %arg7[%swap3A_1429, %swap3A_1430], %swap3A_1433 {strides = array<i32>} : memref<16x1600xf32, #tpu.memory_space<vmem>>, vector<1x16xf32>,
        %slice3A_1434 = vector.extract_strided_slice %get3A_1237 {offsets = [14], sizes = [1], strides = [1]} : vector<16xf32> to vector<1xf32>
        %squeeze3A_1435 = vector.extract %slice3A_1434[0] : f32 from vector<1xf32>
        %get3A_1436 = arith.constant 94 : i32
        %get3A_1437 = arith.index_cast %get3A_1436 : i32 to index
        %get3A_1438 = arith.constant 0 : index
        %get3A_1439 = tpu.vector_load %arg9[%get3A_1437, %get3A_1438] {strides = array<i32>} : memref<100x16xf32, #tpu.memory_space<vmem>>, vector<1x16xf32>,
        %get3A_1440 = vector.shape_cast %get3A_1439 : vector<1x16xf32> to vector<16xf32>
        %mul3A_1441 = vector.broadcast %squeeze3A_1435 : f32 to vector<16xf32>
        %mul3A_1442 = arith.mulf %mul3A_1441, %get3A_1440 : vector<16xf32>
        %swap3A_1443 = arith.index_cast %scan3A_96 : i32 to index
        %swap3A_1444 = arith.constant 1504 : index
        %swap3A_1445 = tpu.vector_load %arg7[%swap3A_1443, %swap3A_1444] {strides = array<i32>} : memref<16x1600xf32, #tpu.memory_space<vmem>>, vector<1x16xf32>,
        %swap3A_1446 = vector.shape_cast %swap3A_1445 : vector<1x16xf32> to vector<16xf32>
        %swap3A_1447 = vector.shape_cast %mul3A_1442 : vector<16xf32> to vector<1x16xf32>
        tpu.vector_store %arg7[%swap3A_1443, %swap3A_1444], %swap3A_1447 {strides = array<i32>} : memref<16x1600xf32, #tpu.memory_space<vmem>>, vector<1x16xf32>,
        %slice3A_1448 = vector.extract_strided_slice %get3A_1237 {offsets = [15], sizes = [1], strides = [1]} : vector<16xf32> to vector<1xf32>
        %squeeze3A_1449 = vector.extract %slice3A_1448[0] : f32 from vector<1xf32>
        %get3A_1450 = arith.constant 95 : i32
        %get3A_1451 = arith.index_cast %get3A_1450 : i32 to index
        %get3A_1452 = arith.constant 0 : index
        %get3A_1453 = tpu.vector_load %arg9[%get3A_1451, %get3A_1452] {strides = array<i32>} : memref<100x16xf32, #tpu.memory_space<vmem>>, vector<1x16xf32>,
        %get3A_1454 = vector.shape_cast %get3A_1453 : vector<1x16xf32> to vector<16xf32>
        %mul3A_1455 = vector.broadcast %squeeze3A_1449 : f32 to vector<16xf32>
        %mul3A_1456 = arith.mulf %mul3A_1455, %get3A_1454 : vector<16xf32>
        %swap3A_1457 = arith.index_cast %scan3A_96 : i32 to index
        %swap3A_1458 = arith.constant 1520 : index
        %swap3A_1459 = tpu.vector_load %arg7[%swap3A_1457, %swap3A_1458] {strides = array<i32>} : memref<16x1600xf32, #tpu.memory_space<vmem>>, vector<1x16xf32>,
        %swap3A_1460 = vector.shape_cast %swap3A_1459 : vector<1x16xf32> to vector<16xf32>
        %swap3A_1461 = vector.shape_cast %mul3A_1456 : vector<16xf32> to vector<1x16xf32>
        tpu.vector_store %arg7[%swap3A_1457, %swap3A_1458], %swap3A_1461 {strides = array<i32>} : memref<16x1600xf32, #tpu.memory_space<vmem>>, vector<1x16xf32>,
        %get3A_1462 = arith.index_cast %scan3A_96 : i32 to index
        %get3A_1463 = arith.constant 84 : index
        %get3A_1464 = tpu.vector_load %arg5[%get3A_1462, %get3A_1463] {strides = array<i32>} : memref<16x100xf32, #tpu.memory_space<vmem>>, vector<1x16xf32>,
        %get3A_1465 = vector.shape_cast %get3A_1464 : vector<1x16xf32> to vector<16xf32>
        %slice3A_1466 = vector.extract_strided_slice %get3A_1465 {offsets = [12], sizes = [1], strides = [1]} : vector<16xf32> to vector<1xf32>
        %squeeze3A_1467 = vector.extract %slice3A_1466[0] : f32 from vector<1xf32>
        %get3A_1468 = arith.constant 96 : i32
        %get3A_1469 = arith.index_cast %get3A_1468 : i32 to index
        %get3A_1470 = arith.constant 0 : index
        %get3A_1471 = tpu.vector_load %arg9[%get3A_1469, %get3A_1470] {strides = array<i32>} : memref<100x16xf32, #tpu.memory_space<vmem>>, vector<1x16xf32>,
        %get3A_1472 = vector.shape_cast %get3A_1471 : vector<1x16xf32> to vector<16xf32>
        %mul3A_1473 = vector.broadcast %squeeze3A_1467 : f32 to vector<16xf32>
        %mul3A_1474 = arith.mulf %mul3A_1473, %get3A_1472 : vector<16xf32>
        %swap3A_1475 = arith.index_cast %scan3A_96 : i32 to index
        %swap3A_1476 = arith.constant 1536 : index
        %swap3A_1477 = tpu.vector_load %arg7[%swap3A_1475, %swap3A_1476] {strides = array<i32>} : memref<16x1600xf32, #tpu.memory_space<vmem>>, vector<1x16xf32>,
        %swap3A_1478 = vector.shape_cast %swap3A_1477 : vector<1x16xf32> to vector<16xf32>
        %swap3A_1479 = vector.shape_cast %mul3A_1474 : vector<16xf32> to vector<1x16xf32>
        tpu.vector_store %arg7[%swap3A_1475, %swap3A_1476], %swap3A_1479 {strides = array<i32>} : memref<16x1600xf32, #tpu.memory_space<vmem>>, vector<1x16xf32>,
        %slice3A_1480 = vector.extract_strided_slice %get3A_1465 {offsets = [13], sizes = [1], strides = [1]} : vector<16xf32> to vector<1xf32>
        %squeeze3A_1481 = vector.extract %slice3A_1480[0] : f32 from vector<1xf32>
        %get3A_1482 = arith.constant 97 : i32
        %get3A_1483 = arith.index_cast %get3A_1482 : i32 to index
        %get3A_1484 = arith.constant 0 : index
        %get3A_1485 = tpu.vector_load %arg9[%get3A_1483, %get3A_1484] {strides = array<i32>} : memref<100x16xf32, #tpu.memory_space<vmem>>, vector<1x16xf32>,
        %get3A_1486 = vector.shape_cast %get3A_1485 : vector<1x16xf32> to vector<16xf32>
        %mul3A_1487 = vector.broadcast %squeeze3A_1481 : f32 to vector<16xf32>
        %mul3A_1488 = arith.mulf %mul3A_1487, %get3A_1486 : vector<16xf32>
        %swap3A_1489 = arith.index_cast %scan3A_96 : i32 to index
        %swap3A_1490 = arith.constant 1552 : index
        %swap3A_1491 = tpu.vector_load %arg7[%swap3A_1489, %swap3A_1490] {strides = array<i32>} : memref<16x1600xf32, #tpu.memory_space<vmem>>, vector<1x16xf32>,
        %swap3A_1492 = vector.shape_cast %swap3A_1491 : vector<1x16xf32> to vector<16xf32>
        %swap3A_1493 = vector.shape_cast %mul3A_1488 : vector<16xf32> to vector<1x16xf32>
        tpu.vector_store %arg7[%swap3A_1489, %swap3A_1490], %swap3A_1493 {strides = array<i32>} : memref<16x1600xf32, #tpu.memory_space<vmem>>, vector<1x16xf32>,
        %slice3A_1494 = vector.extract_strided_slice %get3A_1465 {offsets = [14], sizes = [1], strides = [1]} : vector<16xf32> to vector<1xf32>
        %squeeze3A_1495 = vector.extract %slice3A_1494[0] : f32 from vector<1xf32>
        %get3A_1496 = arith.constant 98 : i32
        %get3A_1497 = arith.index_cast %get3A_1496 : i32 to index
        %get3A_1498 = arith.constant 0 : index
        %get3A_1499 = tpu.vector_load %arg9[%get3A_1497, %get3A_1498] {strides = array<i32>} : memref<100x16xf32, #tpu.memory_space<vmem>>, vector<1x16xf32>,
        %get3A_1500 = vector.shape_cast %get3A_1499 : vector<1x16xf32> to vector<16xf32>
        %mul3A_1501 = vector.broadcast %squeeze3A_1495 : f32 to vector<16xf32>
        %mul3A_1502 = arith.mulf %mul3A_1501, %get3A_1500 : vector<16xf32>
        %swap3A_1503 = arith.index_cast %scan3A_96 : i32 to index
        %swap3A_1504 = arith.constant 1568 : index
        %swap3A_1505 = tpu.vector_load %arg7[%swap3A_1503, %swap3A_1504] {strides = array<i32>} : memref<16x1600xf32, #tpu.memory_space<vmem>>, vector<1x16xf32>,
        %swap3A_1506 = vector.shape_cast %swap3A_1505 : vector<1x16xf32> to vector<16xf32>
        %swap3A_1507 = vector.shape_cast %mul3A_1502 : vector<16xf32> to vector<1x16xf32>
        tpu.vector_store %arg7[%swap3A_1503, %swap3A_1504], %swap3A_1507 {strides = array<i32>} : memref<16x1600xf32, #tpu.memory_space<vmem>>, vector<1x16xf32>,
        %slice3A_1508 = vector.extract_strided_slice %get3A_1465 {offsets = [15], sizes = [1], strides = [1]} : vector<16xf32> to vector<1xf32>
        %squeeze3A_1509 = vector.extract %slice3A_1508[0] : f32 from vector<1xf32>
        %get3A_1510 = arith.constant 99 : i32
        %get3A_1511 = arith.index_cast %get3A_1510 : i32 to index
        %get3A_1512 = arith.constant 0 : index
        %get3A_1513 = tpu.vector_load %arg9[%get3A_1511, %get3A_1512] {strides = array<i32>} : memref<100x16xf32, #tpu.memory_space<vmem>>, vector<1x16xf32>,
        %get3A_1514 = vector.shape_cast %get3A_1513 : vector<1x16xf32> to vector<16xf32>
        %mul3A_1515 = vector.broadcast %squeeze3A_1509 : f32 to vector<16xf32>
        %mul3A_1516 = arith.mulf %mul3A_1515, %get3A_1514 : vector<16xf32>
        %swap3A_1517 = arith.index_cast %scan3A_96 : i32 to index
        %swap3A_1518 = arith.constant 1584 : index
        %swap3A_1519 = tpu.vector_load %arg7[%swap3A_1517, %swap3A_1518] {strides = array<i32>} : memref<16x1600xf32, #tpu.memory_space<vmem>>, vector<1x16xf32>,
        %swap3A_1520 = vector.shape_cast %swap3A_1519 : vector<1x16xf32> to vector<16xf32>
        %swap3A_1521 = vector.shape_cast %mul3A_1516 : vector<16xf32> to vector<1x16xf32>
        tpu.vector_store %arg7[%swap3A_1517, %swap3A_1518], %swap3A_1521 {strides = array<i32>} : memref<16x1600xf32, #tpu.memory_space<vmem>>, vector<1x16xf32>,
        %scan3A_1522 = arith.constant 0 : i32
        scf.yield %scan3A_1522 : i32
      }
      %scan3A_50 = arith.constant 16 : i32
      %mul3A_51 = arith.constant 16 : i32
      %mul3A_52 = arith.muli %mul3A_28, %mul3A_51 : i32
      %add3A_53 = arith.addi %mul3A_2, %mul3A_52 : i32
      %dma_start3A_54 = arith.constant 0 : i32
      %dma_start3A_55 = tpu.memref_slice %arg4[%add3A_53, %dma_start3A_54] : memref<16384x1600xf32, #tpu.memory_space<hbm>> -> memref<16x1600xf32, #tpu.memory_space<hbm>>
      %dma_start3A_56 = arith.constant 0 : i32
      %dma_start3A_57 = tpu.memref_slice %arg4[%add3A_53, %dma_start3A_56] : memref<16384x1600xf32, #tpu.memory_space<hbm>> -> memref<16x1600xf32, #tpu.memory_space<hbm>>
      tpu.enqueue_dma source(%arg7 : memref<16x1600xf32, #tpu.memory_space<vmem>>) target(%dma_start3A_57 : memref<16x1600xf32, #tpu.memory_space<hbm>>) target_semaphore(%arg12 : memref<!tpu.dma_semaphore, #tpu.memory_space<semaphore_mem>>)
      %mul3A_58 = arith.constant 2 : i32
      %mul3A_59 = arith.muli %mul3A_58, %scan3A_25 : i32
      %add3A_60 = arith.constant 1 : i32
      %add3A_61 = arith.addi %mul3A_59, %add3A_60 : i32
      %add3A_62 = arith.constant 1 : i32
      %add3A_63 = arith.addi %add3A_61, %add3A_62 : i32
      %lt3A_64 = arith.constant 32 : i32
      %lt3A_65 = arith.cmpi slt, %add3A_63, %lt3A_64 : i32
      %convert_element_type3A_66 = arith.extui %lt3A_65 : i1 to i32
      %cond3A_67 = arith.constant 0 : i32
      %cond3A_68 = arith.cmpi ne, %convert_element_type3A_66, %cond3A_67 : i32
      scf.if %cond3A_68 {
        %add3A_96 = arith.constant 1 : i32
        %add3A_97 = arith.addi %add3A_61, %add3A_96 : i32
        %mul3A_98 = arith.constant 16 : i32
        %mul3A_99 = arith.muli %add3A_97, %mul3A_98 : i32
        %add3A_100 = arith.addi %mul3A_2, %mul3A_99 : i32
        %dma_start3A_101 = arith.constant 0 : i32
        %dma_start3A_102 = tpu.memref_slice %arg2[%add3A_100, %dma_start3A_101] : memref<16384x100xf32, #tpu.memory_space<hbm>> -> memref<16x100xf32, #tpu.memory_space<hbm>>
        %dma_start3A_103 = arith.constant 0 : i32
        %dma_start3A_104 = tpu.memref_slice %arg2[%add3A_100, %dma_start3A_103] : memref<16384x100xf32, #tpu.memory_space<hbm>> -> memref<16x100xf32, #tpu.memory_space<hbm>>
        tpu.enqueue_dma source(%dma_start3A_104 : memref<16x100xf32, #tpu.memory_space<hbm>>) target(%arg5 : memref<16x100xf32, #tpu.memory_space<vmem>>) target_semaphore(%arg10 : memref<!tpu.dma_semaphore, #tpu.memory_space<semaphore_mem>>)
      } else {
      }
      %mul3A_69 = arith.constant 16 : i32
      %mul3A_70 = arith.muli %add3A_61, %mul3A_69 : i32
      %add3A_71 = arith.addi %mul3A_2, %mul3A_70 : i32
      %dma_wait3A_72 = arith.constant 0 : i32
      %dma_wait3A_73 = tpu.memref_slice %arg2[%add3A_71, %dma_wait3A_72] : memref<16384x100xf32, #tpu.memory_space<hbm>> -> memref<16x100xf32, #tpu.memory_space<hbm>>
      %dma_wait3A_74 = arith.constant 0 : i32
      %dma_wait3A_75 = tpu.memref_slice %arg2[%add3A_71, %dma_wait3A_74] : memref<16384x100xf32, #tpu.memory_space<hbm>> -> memref<16x100xf32, #tpu.memory_space<hbm>>
      tpu.wait_dma2 semaphore(%arg11 : memref<!tpu.dma_semaphore, #tpu.memory_space<semaphore_mem>>) src(%dma_wait3A_75 : memref<16x100xf32, #tpu.memory_space<hbm>>) dst(%arg6 : memref<16x100xf32, #tpu.memory_space<vmem>>)
      %ge3A_76 = arith.constant 2 : i32
      %ge3A_77 = arith.cmpi sge, %add3A_61, %ge3A_76 : i32
      %convert_element_type3A_78 = arith.extui %ge3A_77 : i1 to i32
      %cond3A_79 = arith.constant 0 : i32
      %cond3A_80 = arith.cmpi ne, %convert_element_type3A_78, %cond3A_79 : i32
      scf.if %cond3A_80 {
        %sub3A = arith.constant 2 : i32
        %sub3A_96 = arith.subi %add3A_61, %sub3A : i32
        %mul3A_97 = arith.constant 16 : i32
        %mul3A_98 = arith.muli %sub3A_96, %mul3A_97 : i32
        %add3A_99 = arith.addi %mul3A_2, %mul3A_98 : i32
        %dma_wait3A_100 = arith.constant 0 : i32
        %dma_wait3A_101 = tpu.memref_slice %arg4[%add3A_99, %dma_wait3A_100] : memref<16384x1600xf32, #tpu.memory_space<hbm>> -> memref<16x1600xf32, #tpu.memory_space<hbm>>
        %dma_wait3A_102 = arith.constant 0 : i32
        %dma_wait3A_103 = tpu.memref_slice %arg4[%add3A_99, %dma_wait3A_102] : memref<16384x1600xf32, #tpu.memory_space<hbm>> -> memref<16x1600xf32, #tpu.memory_space<hbm>>
        tpu.wait_dma2 semaphore(%arg13 : memref<!tpu.dma_semaphore, #tpu.memory_space<semaphore_mem>>) src(%arg8 : memref<16x1600xf32, #tpu.memory_space<vmem>>) dst(%dma_wait3A_103 : memref<16x1600xf32, #tpu.memory_space<hbm>>)
      } else {
      }
      %scan3A_81 = arith.constant 0 : i32
      %scan3A_82 = arith.constant 0 : i32
      %scan3A_83 = arith.constant 16 : i32
      %scan3A_84 = arith.addi %scan3A_82, %scan3A_83 : i32
      %scan3A_85 = arith.constant 1 : i32
      %scan3A_86 = scf.for %scan3A_96 = %scan3A_82 to %scan3A_84 step %scan3A_85 iter_args(%scan3A_97 = %scan3A_81) -> (i32)  : i32 {
        %get3A = arith.index_cast %scan3A_96 : i32 to index
        %get3A_98 = arith.constant 0 : index
        %get3A_99 = tpu.vector_load %arg6[%get3A, %get3A_98] {strides = array<i32>} : memref<16x100xf32, #tpu.memory_space<vmem>>, vector<1x16xf32>,
        %get3A_100 = vector.shape_cast %get3A_99 : vector<1x16xf32> to vector<16xf32>
        %slice3A = vector.extract_strided_slice %get3A_100 {offsets = [0], sizes = [1], strides = [1]} : vector<16xf32> to vector<1xf32>
        %squeeze3A = vector.extract %slice3A[0] : f32 from vector<1xf32>
        %get3A_101 = arith.constant 0 : i32
        %get3A_102 = arith.index_cast %get3A_101 : i32 to index
        %get3A_103 = arith.constant 0 : index
        %get3A_104 = tpu.vector_load %arg9[%get3A_102, %get3A_103] {strides = array<i32>} : memref<100x16xf32, #tpu.memory_space<vmem>>, vector<1x16xf32>,
        %get3A_105 = vector.shape_cast %get3A_104 : vector<1x16xf32> to vector<16xf32>
        %mul3A_106 = vector.broadcast %squeeze3A : f32 to vector<16xf32>
        %mul3A_107 = arith.mulf %mul3A_106, %get3A_105 : vector<16xf32>
        %swap3A = arith.index_cast %scan3A_96 : i32 to index
        %swap3A_108 = arith.constant 0 : index
        %swap3A_109 = tpu.vector_load %arg8[%swap3A, %swap3A_108] {strides = array<i32>} : memref<16x1600xf32, #tpu.memory_space<vmem>>, vector<1x16xf32>,
        %swap3A_110 = vector.shape_cast %swap3A_109 : vector<1x16xf32> to vector<16xf32>
        %swap3A_111 = vector.shape_cast %mul3A_107 : vector<16xf32> to vector<1x16xf32>
        tpu.vector_store %arg8[%swap3A, %swap3A_108], %swap3A_111 {strides = array<i32>} : memref<16x1600xf32, #tpu.memory_space<vmem>>, vector<1x16xf32>,
        %slice3A_112 = vector.extract_strided_slice %get3A_100 {offsets = [1], sizes = [1], strides = [1]} : vector<16xf32> to vector<1xf32>
        %squeeze3A_113 = vector.extract %slice3A_112[0] : f32 from vector<1xf32>
        %get3A_114 = arith.constant 1 : i32
        %get3A_115 = arith.index_cast %get3A_114 : i32 to index
        %get3A_116 = arith.constant 0 : index
        %get3A_117 = tpu.vector_load %arg9[%get3A_115, %get3A_116] {strides = array<i32>} : memref<100x16xf32, #tpu.memory_space<vmem>>, vector<1x16xf32>,
        %get3A_118 = vector.shape_cast %get3A_117 : vector<1x16xf32> to vector<16xf32>
        %mul3A_119 = vector.broadcast %squeeze3A_113 : f32 to vector<16xf32>
        %mul3A_120 = arith.mulf %mul3A_119, %get3A_118 : vector<16xf32>
        %swap3A_121 = arith.index_cast %scan3A_96 : i32 to index
        %swap3A_122 = arith.constant 16 : index
        %swap3A_123 = tpu.vector_load %arg8[%swap3A_121, %swap3A_122] {strides = array<i32>} : memref<16x1600xf32, #tpu.memory_space<vmem>>, vector<1x16xf32>,
        %swap3A_124 = vector.shape_cast %swap3A_123 : vector<1x16xf32> to vector<16xf32>
        %swap3A_125 = vector.shape_cast %mul3A_120 : vector<16xf32> to vector<1x16xf32>
        tpu.vector_store %arg8[%swap3A_121, %swap3A_122], %swap3A_125 {strides = array<i32>} : memref<16x1600xf32, #tpu.memory_space<vmem>>, vector<1x16xf32>,
        %slice3A_126 = vector.extract_strided_slice %get3A_100 {offsets = [2], sizes = [1], strides = [1]} : vector<16xf32> to vector<1xf32>
        %squeeze3A_127 = vector.extract %slice3A_126[0] : f32 from vector<1xf32>
        %get3A_128 = arith.constant 2 : i32
        %get3A_129 = arith.index_cast %get3A_128 : i32 to index
        %get3A_130 = arith.constant 0 : index
        %get3A_131 = tpu.vector_load %arg9[%get3A_129, %get3A_130] {strides = array<i32>} : memref<100x16xf32, #tpu.memory_space<vmem>>, vector<1x16xf32>,
        %get3A_132 = vector.shape_cast %get3A_131 : vector<1x16xf32> to vector<16xf32>
        %mul3A_133 = vector.broadcast %squeeze3A_127 : f32 to vector<16xf32>
        %mul3A_134 = arith.mulf %mul3A_133, %get3A_132 : vector<16xf32>
        %swap3A_135 = arith.index_cast %scan3A_96 : i32 to index
        %swap3A_136 = arith.constant 32 : index
        %swap3A_137 = tpu.vector_load %arg8[%swap3A_135, %swap3A_136] {strides = array<i32>} : memref<16x1600xf32, #tpu.memory_space<vmem>>, vector<1x16xf32>,
        %swap3A_138 = vector.shape_cast %swap3A_137 : vector<1x16xf32> to vector<16xf32>
        %swap3A_139 = vector.shape_cast %mul3A_134 : vector<16xf32> to vector<1x16xf32>
        tpu.vector_store %arg8[%swap3A_135, %swap3A_136], %swap3A_139 {strides = array<i32>} : memref<16x1600xf32, #tpu.memory_space<vmem>>, vector<1x16xf32>,
        %slice3A_140 = vector.extract_strided_slice %get3A_100 {offsets = [3], sizes = [1], strides = [1]} : vector<16xf32> to vector<1xf32>
        %squeeze3A_141 = vector.extract %slice3A_140[0] : f32 from vector<1xf32>
        %get3A_142 = arith.constant 3 : i32
        %get3A_143 = arith.index_cast %get3A_142 : i32 to index
        %get3A_144 = arith.constant 0 : index
        %get3A_145 = tpu.vector_load %arg9[%get3A_143, %get3A_144] {strides = array<i32>} : memref<100x16xf32, #tpu.memory_space<vmem>>, vector<1x16xf32>,
        %get3A_146 = vector.shape_cast %get3A_145 : vector<1x16xf32> to vector<16xf32>
        %mul3A_147 = vector.broadcast %squeeze3A_141 : f32 to vector<16xf32>
        %mul3A_148 = arith.mulf %mul3A_147, %get3A_146 : vector<16xf32>
        %swap3A_149 = arith.index_cast %scan3A_96 : i32 to index
        %swap3A_150 = arith.constant 48 : index
        %swap3A_151 = tpu.vector_load %arg8[%swap3A_149, %swap3A_150] {strides = array<i32>} : memref<16x1600xf32, #tpu.memory_space<vmem>>, vector<1x16xf32>,
        %swap3A_152 = vector.shape_cast %swap3A_151 : vector<1x16xf32> to vector<16xf32>
        %swap3A_153 = vector.shape_cast %mul3A_148 : vector<16xf32> to vector<1x16xf32>
        tpu.vector_store %arg8[%swap3A_149, %swap3A_150], %swap3A_153 {strides = array<i32>} : memref<16x1600xf32, #tpu.memory_space<vmem>>, vector<1x16xf32>,
        %slice3A_154 = vector.extract_strided_slice %get3A_100 {offsets = [4], sizes = [1], strides = [1]} : vector<16xf32> to vector<1xf32>
        %squeeze3A_155 = vector.extract %slice3A_154[0] : f32 from vector<1xf32>
        %get3A_156 = arith.constant 4 : i32
        %get3A_157 = arith.index_cast %get3A_156 : i32 to index
        %get3A_158 = arith.constant 0 : index
        %get3A_159 = tpu.vector_load %arg9[%get3A_157, %get3A_158] {strides = array<i32>} : memref<100x16xf32, #tpu.memory_space<vmem>>, vector<1x16xf32>,
        %get3A_160 = vector.shape_cast %get3A_159 : vector<1x16xf32> to vector<16xf32>
        %mul3A_161 = vector.broadcast %squeeze3A_155 : f32 to vector<16xf32>
        %mul3A_162 = arith.mulf %mul3A_161, %get3A_160 : vector<16xf32>
        %swap3A_163 = arith.index_cast %scan3A_96 : i32 to index
        %swap3A_164 = arith.constant 64 : index
        %swap3A_165 = tpu.vector_load %arg8[%swap3A_163, %swap3A_164] {strides = array<i32>} : memref<16x1600xf32, #tpu.memory_space<vmem>>, vector<1x16xf32>,
        %swap3A_166 = vector.shape_cast %swap3A_165 : vector<1x16xf32> to vector<16xf32>
        %swap3A_167 = vector.shape_cast %mul3A_162 : vector<16xf32> to vector<1x16xf32>
        tpu.vector_store %arg8[%swap3A_163, %swap3A_164], %swap3A_167 {strides = array<i32>} : memref<16x1600xf32, #tpu.memory_space<vmem>>, vector<1x16xf32>,
        %slice3A_168 = vector.extract_strided_slice %get3A_100 {offsets = [5], sizes = [1], strides = [1]} : vector<16xf32> to vector<1xf32>
        %squeeze3A_169 = vector.extract %slice3A_168[0] : f32 from vector<1xf32>
        %get3A_170 = arith.constant 5 : i32
        %get3A_171 = arith.index_cast %get3A_170 : i32 to index
        %get3A_172 = arith.constant 0 : index
        %get3A_173 = tpu.vector_load %arg9[%get3A_171, %get3A_172] {strides = array<i32>} : memref<100x16xf32, #tpu.memory_space<vmem>>, vector<1x16xf32>,
        %get3A_174 = vector.shape_cast %get3A_173 : vector<1x16xf32> to vector<16xf32>
        %mul3A_175 = vector.broadcast %squeeze3A_169 : f32 to vector<16xf32>
        %mul3A_176 = arith.mulf %mul3A_175, %get3A_174 : vector<16xf32>
        %swap3A_177 = arith.index_cast %scan3A_96 : i32 to index
        %swap3A_178 = arith.constant 80 : index
        %swap3A_179 = tpu.vector_load %arg8[%swap3A_177, %swap3A_178] {strides = array<i32>} : memref<16x1600xf32, #tpu.memory_space<vmem>>, vector<1x16xf32>,
        %swap3A_180 = vector.shape_cast %swap3A_179 : vector<1x16xf32> to vector<16xf32>
        %swap3A_181 = vector.shape_cast %mul3A_176 : vector<16xf32> to vector<1x16xf32>
        tpu.vector_store %arg8[%swap3A_177, %swap3A_178], %swap3A_181 {strides = array<i32>} : memref<16x1600xf32, #tpu.memory_space<vmem>>, vector<1x16xf32>,
        %slice3A_182 = vector.extract_strided_slice %get3A_100 {offsets = [6], sizes = [1], strides = [1]} : vector<16xf32> to vector<1xf32>
        %squeeze3A_183 = vector.extract %slice3A_182[0] : f32 from vector<1xf32>
        %get3A_184 = arith.constant 6 : i32
        %get3A_185 = arith.index_cast %get3A_184 : i32 to index
        %get3A_186 = arith.constant 0 : index
        %get3A_187 = tpu.vector_load %arg9[%get3A_185, %get3A_186] {strides = array<i32>} : memref<100x16xf32, #tpu.memory_space<vmem>>, vector<1x16xf32>,
        %get3A_188 = vector.shape_cast %get3A_187 : vector<1x16xf32> to vector<16xf32>
        %mul3A_189 = vector.broadcast %squeeze3A_183 : f32 to vector<16xf32>
        %mul3A_190 = arith.mulf %mul3A_189, %get3A_188 : vector<16xf32>
        %swap3A_191 = arith.index_cast %scan3A_96 : i32 to index
        %swap3A_192 = arith.constant 96 : index
        %swap3A_193 = tpu.vector_load %arg8[%swap3A_191, %swap3A_192] {strides = array<i32>} : memref<16x1600xf32, #tpu.memory_space<vmem>>, vector<1x16xf32>,
        %swap3A_194 = vector.shape_cast %swap3A_193 : vector<1x16xf32> to vector<16xf32>
        %swap3A_195 = vector.shape_cast %mul3A_190 : vector<16xf32> to vector<1x16xf32>
        tpu.vector_store %arg8[%swap3A_191, %swap3A_192], %swap3A_195 {strides = array<i32>} : memref<16x1600xf32, #tpu.memory_space<vmem>>, vector<1x16xf32>,
        %slice3A_196 = vector.extract_strided_slice %get3A_100 {offsets = [7], sizes = [1], strides = [1]} : vector<16xf32> to vector<1xf32>
        %squeeze3A_197 = vector.extract %slice3A_196[0] : f32 from vector<1xf32>
        %get3A_198 = arith.constant 7 : i32
        %get3A_199 = arith.index_cast %get3A_198 : i32 to index
        %get3A_200 = arith.constant 0 : index
        %get3A_201 = tpu.vector_load %arg9[%get3A_199, %get3A_200] {strides = array<i32>} : memref<100x16xf32, #tpu.memory_space<vmem>>, vector<1x16xf32>,
        %get3A_202 = vector.shape_cast %get3A_201 : vector<1x16xf32> to vector<16xf32>
        %mul3A_203 = vector.broadcast %squeeze3A_197 : f32 to vector<16xf32>
        %mul3A_204 = arith.mulf %mul3A_203, %get3A_202 : vector<16xf32>
        %swap3A_205 = arith.index_cast %scan3A_96 : i32 to index
        %swap3A_206 = arith.constant 112 : index
        %swap3A_207 = tpu.vector_load %arg8[%swap3A_205, %swap3A_206] {strides = array<i32>} : memref<16x1600xf32, #tpu.memory_space<vmem>>, vector<1x16xf32>,
        %swap3A_208 = vector.shape_cast %swap3A_207 : vector<1x16xf32> to vector<16xf32>
        %swap3A_209 = vector.shape_cast %mul3A_204 : vector<16xf32> to vector<1x16xf32>
        tpu.vector_store %arg8[%swap3A_205, %swap3A_206], %swap3A_209 {strides = array<i32>} : memref<16x1600xf32, #tpu.memory_space<vmem>>, vector<1x16xf32>,
        %slice3A_210 = vector.extract_strided_slice %get3A_100 {offsets = [8], sizes = [1], strides = [1]} : vector<16xf32> to vector<1xf32>
        %squeeze3A_211 = vector.extract %slice3A_210[0] : f32 from vector<1xf32>
        %get3A_212 = arith.constant 8 : i32
        %get3A_213 = arith.index_cast %get3A_212 : i32 to index
        %get3A_214 = arith.constant 0 : index
        %get3A_215 = tpu.vector_load %arg9[%get3A_213, %get3A_214] {strides = array<i32>} : memref<100x16xf32, #tpu.memory_space<vmem>>, vector<1x16xf32>,
        %get3A_216 = vector.shape_cast %get3A_215 : vector<1x16xf32> to vector<16xf32>
        %mul3A_217 = vector.broadcast %squeeze3A_211 : f32 to vector<16xf32>
        %mul3A_218 = arith.mulf %mul3A_217, %get3A_216 : vector<16xf32>
        %swap3A_219 = arith.index_cast %scan3A_96 : i32 to index
        %swap3A_220 = arith.constant 128 : index
        %swap3A_221 = tpu.vector_load %arg8[%swap3A_219, %swap3A_220] {strides = array<i32>} : memref<16x1600xf32, #tpu.memory_space<vmem>>, vector<1x16xf32>,
        %swap3A_222 = vector.shape_cast %swap3A_221 : vector<1x16xf32> to vector<16xf32>
        %swap3A_223 = vector.shape_cast %mul3A_218 : vector<16xf32> to vector<1x16xf32>
        tpu.vector_store %arg8[%swap3A_219, %swap3A_220], %swap3A_223 {strides = array<i32>} : memref<16x1600xf32, #tpu.memory_space<vmem>>, vector<1x16xf32>,
        %slice3A_224 = vector.extract_strided_slice %get3A_100 {offsets = [9], sizes = [1], strides = [1]} : vector<16xf32> to vector<1xf32>
        %squeeze3A_225 = vector.extract %slice3A_224[0] : f32 from vector<1xf32>
        %get3A_226 = arith.constant 9 : i32
        %get3A_227 = arith.index_cast %get3A_226 : i32 to index
        %get3A_228 = arith.constant 0 : index
        %get3A_229 = tpu.vector_load %arg9[%get3A_227, %get3A_228] {strides = array<i32>} : memref<100x16xf32, #tpu.memory_space<vmem>>, vector<1x16xf32>,
        %get3A_230 = vector.shape_cast %get3A_229 : vector<1x16xf32> to vector<16xf32>
        %mul3A_231 = vector.broadcast %squeeze3A_225 : f32 to vector<16xf32>
        %mul3A_232 = arith.mulf %mul3A_231, %get3A_230 : vector<16xf32>
        %swap3A_233 = arith.index_cast %scan3A_96 : i32 to index
        %swap3A_234 = arith.constant 144 : index
        %swap3A_235 = tpu.vector_load %arg8[%swap3A_233, %swap3A_234] {strides = array<i32>} : memref<16x1600xf32, #tpu.memory_space<vmem>>, vector<1x16xf32>,
        %swap3A_236 = vector.shape_cast %swap3A_235 : vector<1x16xf32> to vector<16xf32>
        %swap3A_237 = vector.shape_cast %mul3A_232 : vector<16xf32> to vector<1x16xf32>
        tpu.vector_store %arg8[%swap3A_233, %swap3A_234], %swap3A_237 {strides = array<i32>} : memref<16x1600xf32, #tpu.memory_space<vmem>>, vector<1x16xf32>,
        %slice3A_238 = vector.extract_strided_slice %get3A_100 {offsets = [10], sizes = [1], strides = [1]} : vector<16xf32> to vector<1xf32>
        %squeeze3A_239 = vector.extract %slice3A_238[0] : f32 from vector<1xf32>
        %get3A_240 = arith.constant 10 : i32
        %get3A_241 = arith.index_cast %get3A_240 : i32 to index
        %get3A_242 = arith.constant 0 : index
        %get3A_243 = tpu.vector_load %arg9[%get3A_241, %get3A_242] {strides = array<i32>} : memref<100x16xf32, #tpu.memory_space<vmem>>, vector<1x16xf32>,
        %get3A_244 = vector.shape_cast %get3A_243 : vector<1x16xf32> to vector<16xf32>
        %mul3A_245 = vector.broadcast %squeeze3A_239 : f32 to vector<16xf32>
        %mul3A_246 = arith.mulf %mul3A_245, %get3A_244 : vector<16xf32>
        %swap3A_247 = arith.index_cast %scan3A_96 : i32 to index
        %swap3A_248 = arith.constant 160 : index
        %swap3A_249 = tpu.vector_load %arg8[%swap3A_247, %swap3A_248] {strides = array<i32>} : memref<16x1600xf32, #tpu.memory_space<vmem>>, vector<1x16xf32>,
        %swap3A_250 = vector.shape_cast %swap3A_249 : vector<1x16xf32> to vector<16xf32>
        %swap3A_251 = vector.shape_cast %mul3A_246 : vector<16xf32> to vector<1x16xf32>
        tpu.vector_store %arg8[%swap3A_247, %swap3A_248], %swap3A_251 {strides = array<i32>} : memref<16x1600xf32, #tpu.memory_space<vmem>>, vector<1x16xf32>,
        %slice3A_252 = vector.extract_strided_slice %get3A_100 {offsets = [11], sizes = [1], strides = [1]} : vector<16xf32> to vector<1xf32>
        %squeeze3A_253 = vector.extract %slice3A_252[0] : f32 from vector<1xf32>
        %get3A_254 = arith.constant 11 : i32
        %get3A_255 = arith.index_cast %get3A_254 : i32 to index
        %get3A_256 = arith.constant 0 : index
        %get3A_257 = tpu.vector_load %arg9[%get3A_255, %get3A_256] {strides = array<i32>} : memref<100x16xf32, #tpu.memory_space<vmem>>, vector<1x16xf32>,
        %get3A_258 = vector.shape_cast %get3A_257 : vector<1x16xf32> to vector<16xf32>
        %mul3A_259 = vector.broadcast %squeeze3A_253 : f32 to vector<16xf32>
        %mul3A_260 = arith.mulf %mul3A_259, %get3A_258 : vector<16xf32>
        %swap3A_261 = arith.index_cast %scan3A_96 : i32 to index
        %swap3A_262 = arith.constant 176 : index
        %swap3A_263 = tpu.vector_load %arg8[%swap3A_261, %swap3A_262] {strides = array<i32>} : memref<16x1600xf32, #tpu.memory_space<vmem>>, vector<1x16xf32>,
        %swap3A_264 = vector.shape_cast %swap3A_263 : vector<1x16xf32> to vector<16xf32>
        %swap3A_265 = vector.shape_cast %mul3A_260 : vector<16xf32> to vector<1x16xf32>
        tpu.vector_store %arg8[%swap3A_261, %swap3A_262], %swap3A_265 {strides = array<i32>} : memref<16x1600xf32, #tpu.memory_space<vmem>>, vector<1x16xf32>,
        %slice3A_266 = vector.extract_strided_slice %get3A_100 {offsets = [12], sizes = [1], strides = [1]} : vector<16xf32> to vector<1xf32>
        %squeeze3A_267 = vector.extract %slice3A_266[0] : f32 from vector<1xf32>
        %get3A_268 = arith.constant 12 : i32
        %get3A_269 = arith.index_cast %get3A_268 : i32 to index
        %get3A_270 = arith.constant 0 : index
        %get3A_271 = tpu.vector_load %arg9[%get3A_269, %get3A_270] {strides = array<i32>} : memref<100x16xf32, #tpu.memory_space<vmem>>, vector<1x16xf32>,
        %get3A_272 = vector.shape_cast %get3A_271 : vector<1x16xf32> to vector<16xf32>
        %mul3A_273 = vector.broadcast %squeeze3A_267 : f32 to vector<16xf32>
        %mul3A_274 = arith.mulf %mul3A_273, %get3A_272 : vector<16xf32>
        %swap3A_275 = arith.index_cast %scan3A_96 : i32 to index
        %swap3A_276 = arith.constant 192 : index
        %swap3A_277 = tpu.vector_load %arg8[%swap3A_275, %swap3A_276] {strides = array<i32>} : memref<16x1600xf32, #tpu.memory_space<vmem>>, vector<1x16xf32>,
        %swap3A_278 = vector.shape_cast %swap3A_277 : vector<1x16xf32> to vector<16xf32>
        %swap3A_279 = vector.shape_cast %mul3A_274 : vector<16xf32> to vector<1x16xf32>
        tpu.vector_store %arg8[%swap3A_275, %swap3A_276], %swap3A_279 {strides = array<i32>} : memref<16x1600xf32, #tpu.memory_space<vmem>>, vector<1x16xf32>,
        %slice3A_280 = vector.extract_strided_slice %get3A_100 {offsets = [13], sizes = [1], strides = [1]} : vector<16xf32> to vector<1xf32>
        %squeeze3A_281 = vector.extract %slice3A_280[0] : f32 from vector<1xf32>
        %get3A_282 = arith.constant 13 : i32
        %get3A_283 = arith.index_cast %get3A_282 : i32 to index
        %get3A_284 = arith.constant 0 : index
        %get3A_285 = tpu.vector_load %arg9[%get3A_283, %get3A_284] {strides = array<i32>} : memref<100x16xf32, #tpu.memory_space<vmem>>, vector<1x16xf32>,
        %get3A_286 = vector.shape_cast %get3A_285 : vector<1x16xf32> to vector<16xf32>
        %mul3A_287 = vector.broadcast %squeeze3A_281 : f32 to vector<16xf32>
        %mul3A_288 = arith.mulf %mul3A_287, %get3A_286 : vector<16xf32>
        %swap3A_289 = arith.index_cast %scan3A_96 : i32 to index
        %swap3A_290 = arith.constant 208 : index
        %swap3A_291 = tpu.vector_load %arg8[%swap3A_289, %swap3A_290] {strides = array<i32>} : memref<16x1600xf32, #tpu.memory_space<vmem>>, vector<1x16xf32>,
        %swap3A_292 = vector.shape_cast %swap3A_291 : vector<1x16xf32> to vector<16xf32>
        %swap3A_293 = vector.shape_cast %mul3A_288 : vector<16xf32> to vector<1x16xf32>
        tpu.vector_store %arg8[%swap3A_289, %swap3A_290], %swap3A_293 {strides = array<i32>} : memref<16x1600xf32, #tpu.memory_space<vmem>>, vector<1x16xf32>,
        %slice3A_294 = vector.extract_strided_slice %get3A_100 {offsets = [14], sizes = [1], strides = [1]} : vector<16xf32> to vector<1xf32>
        %squeeze3A_295 = vector.extract %slice3A_294[0] : f32 from vector<1xf32>
        %get3A_296 = arith.constant 14 : i32
        %get3A_297 = arith.index_cast %get3A_296 : i32 to index
        %get3A_298 = arith.constant 0 : index
        %get3A_299 = tpu.vector_load %arg9[%get3A_297, %get3A_298] {strides = array<i32>} : memref<100x16xf32, #tpu.memory_space<vmem>>, vector<1x16xf32>,
        %get3A_300 = vector.shape_cast %get3A_299 : vector<1x16xf32> to vector<16xf32>
        %mul3A_301 = vector.broadcast %squeeze3A_295 : f32 to vector<16xf32>
        %mul3A_302 = arith.mulf %mul3A_301, %get3A_300 : vector<16xf32>
        %swap3A_303 = arith.index_cast %scan3A_96 : i32 to index
        %swap3A_304 = arith.constant 224 : index
        %swap3A_305 = tpu.vector_load %arg8[%swap3A_303, %swap3A_304] {strides = array<i32>} : memref<16x1600xf32, #tpu.memory_space<vmem>>, vector<1x16xf32>,
        %swap3A_306 = vector.shape_cast %swap3A_305 : vector<1x16xf32> to vector<16xf32>
        %swap3A_307 = vector.shape_cast %mul3A_302 : vector<16xf32> to vector<1x16xf32>
        tpu.vector_store %arg8[%swap3A_303, %swap3A_304], %swap3A_307 {strides = array<i32>} : memref<16x1600xf32, #tpu.memory_space<vmem>>, vector<1x16xf32>,
        %slice3A_308 = vector.extract_strided_slice %get3A_100 {offsets = [15], sizes = [1], strides = [1]} : vector<16xf32> to vector<1xf32>
        %squeeze3A_309 = vector.extract %slice3A_308[0] : f32 from vector<1xf32>
        %get3A_310 = arith.constant 15 : i32
        %get3A_311 = arith.index_cast %get3A_310 : i32 to index
        %get3A_312 = arith.constant 0 : index
        %get3A_313 = tpu.vector_load %arg9[%get3A_311, %get3A_312] {strides = array<i32>} : memref<100x16xf32, #tpu.memory_space<vmem>>, vector<1x16xf32>,
        %get3A_314 = vector.shape_cast %get3A_313 : vector<1x16xf32> to vector<16xf32>
        %mul3A_315 = vector.broadcast %squeeze3A_309 : f32 to vector<16xf32>
        %mul3A_316 = arith.mulf %mul3A_315, %get3A_314 : vector<16xf32>
        %swap3A_317 = arith.index_cast %scan3A_96 : i32 to index
        %swap3A_318 = arith.constant 240 : index
        %swap3A_319 = tpu.vector_load %arg8[%swap3A_317, %swap3A_318] {strides = array<i32>} : memref<16x1600xf32, #tpu.memory_space<vmem>>, vector<1x16xf32>,
        %swap3A_320 = vector.shape_cast %swap3A_319 : vector<1x16xf32> to vector<16xf32>
        %swap3A_321 = vector.shape_cast %mul3A_316 : vector<16xf32> to vector<1x16xf32>
        tpu.vector_store %arg8[%swap3A_317, %swap3A_318], %swap3A_321 {strides = array<i32>} : memref<16x1600xf32, #tpu.memory_space<vmem>>, vector<1x16xf32>,
        %get3A_322 = arith.index_cast %scan3A_96 : i32 to index
        %get3A_323 = arith.constant 16 : index
        %get3A_324 = tpu.vector_load %arg6[%get3A_322, %get3A_323] {strides = array<i32>} : memref<16x100xf32, #tpu.memory_space<vmem>>, vector<1x16xf32>,
        %get3A_325 = vector.shape_cast %get3A_324 : vector<1x16xf32> to vector<16xf32>
        %slice3A_326 = vector.extract_strided_slice %get3A_325 {offsets = [0], sizes = [1], strides = [1]} : vector<16xf32> to vector<1xf32>
        %squeeze3A_327 = vector.extract %slice3A_326[0] : f32 from vector<1xf32>
        %get3A_328 = arith.constant 16 : i32
        %get3A_329 = arith.index_cast %get3A_328 : i32 to index
        %get3A_330 = arith.constant 0 : index
        %get3A_331 = tpu.vector_load %arg9[%get3A_329, %get3A_330] {strides = array<i32>} : memref<100x16xf32, #tpu.memory_space<vmem>>, vector<1x16xf32>,
        %get3A_332 = vector.shape_cast %get3A_331 : vector<1x16xf32> to vector<16xf32>
        %mul3A_333 = vector.broadcast %squeeze3A_327 : f32 to vector<16xf32>
        %mul3A_334 = arith.mulf %mul3A_333, %get3A_332 : vector<16xf32>
        %swap3A_335 = arith.index_cast %scan3A_96 : i32 to index
        %swap3A_336 = arith.constant 256 : index
        %swap3A_337 = tpu.vector_load %arg8[%swap3A_335, %swap3A_336] {strides = array<i32>} : memref<16x1600xf32, #tpu.memory_space<vmem>>, vector<1x16xf32>,
        %swap3A_338 = vector.shape_cast %swap3A_337 : vector<1x16xf32> to vector<16xf32>
        %swap3A_339 = vector.shape_cast %mul3A_334 : vector<16xf32> to vector<1x16xf32>
        tpu.vector_store %arg8[%swap3A_335, %swap3A_336], %swap3A_339 {strides = array<i32>} : memref<16x1600xf32, #tpu.memory_space<vmem>>, vector<1x16xf32>,
        %slice3A_340 = vector.extract_strided_slice %get3A_325 {offsets = [1], sizes = [1], strides = [1]} : vector<16xf32> to vector<1xf32>
        %squeeze3A_341 = vector.extract %slice3A_340[0] : f32 from vector<1xf32>
        %get3A_342 = arith.constant 17 : i32
        %get3A_343 = arith.index_cast %get3A_342 : i32 to index
        %get3A_344 = arith.constant 0 : index
        %get3A_345 = tpu.vector_load %arg9[%get3A_343, %get3A_344] {strides = array<i32>} : memref<100x16xf32, #tpu.memory_space<vmem>>, vector<1x16xf32>,
        %get3A_346 = vector.shape_cast %get3A_345 : vector<1x16xf32> to vector<16xf32>
        %mul3A_347 = vector.broadcast %squeeze3A_341 : f32 to vector<16xf32>
        %mul3A_348 = arith.mulf %mul3A_347, %get3A_346 : vector<16xf32>
        %swap3A_349 = arith.index_cast %scan3A_96 : i32 to index
        %swap3A_350 = arith.constant 272 : index
        %swap3A_351 = tpu.vector_load %arg8[%swap3A_349, %swap3A_350] {strides = array<i32>} : memref<16x1600xf32, #tpu.memory_space<vmem>>, vector<1x16xf32>,
        %swap3A_352 = vector.shape_cast %swap3A_351 : vector<1x16xf32> to vector<16xf32>
        %swap3A_353 = vector.shape_cast %mul3A_348 : vector<16xf32> to vector<1x16xf32>
        tpu.vector_store %arg8[%swap3A_349, %swap3A_350], %swap3A_353 {strides = array<i32>} : memref<16x1600xf32, #tpu.memory_space<vmem>>, vector<1x16xf32>,
        %slice3A_354 = vector.extract_strided_slice %get3A_325 {offsets = [2], sizes = [1], strides = [1]} : vector<16xf32> to vector<1xf32>
        %squeeze3A_355 = vector.extract %slice3A_354[0] : f32 from vector<1xf32>
        %get3A_356 = arith.constant 18 : i32
        %get3A_357 = arith.index_cast %get3A_356 : i32 to index
        %get3A_358 = arith.constant 0 : index
        %get3A_359 = tpu.vector_load %arg9[%get3A_357, %get3A_358] {strides = array<i32>} : memref<100x16xf32, #tpu.memory_space<vmem>>, vector<1x16xf32>,
        %get3A_360 = vector.shape_cast %get3A_359 : vector<1x16xf32> to vector<16xf32>
        %mul3A_361 = vector.broadcast %squeeze3A_355 : f32 to vector<16xf32>
        %mul3A_362 = arith.mulf %mul3A_361, %get3A_360 : vector<16xf32>
        %swap3A_363 = arith.index_cast %scan3A_96 : i32 to index
        %swap3A_364 = arith.constant 288 : index
        %swap3A_365 = tpu.vector_load %arg8[%swap3A_363, %swap3A_364] {strides = array<i32>} : memref<16x1600xf32, #tpu.memory_space<vmem>>, vector<1x16xf32>,
        %swap3A_366 = vector.shape_cast %swap3A_365 : vector<1x16xf32> to vector<16xf32>
        %swap3A_367 = vector.shape_cast %mul3A_362 : vector<16xf32> to vector<1x16xf32>
        tpu.vector_store %arg8[%swap3A_363, %swap3A_364], %swap3A_367 {strides = array<i32>} : memref<16x1600xf32, #tpu.memory_space<vmem>>, vector<1x16xf32>,
        %slice3A_368 = vector.extract_strided_slice %get3A_325 {offsets = [3], sizes = [1], strides = [1]} : vector<16xf32> to vector<1xf32>
        %squeeze3A_369 = vector.extract %slice3A_368[0] : f32 from vector<1xf32>
        %get3A_370 = arith.constant 19 : i32
        %get3A_371 = arith.index_cast %get3A_370 : i32 to index
        %get3A_372 = arith.constant 0 : index
        %get3A_373 = tpu.vector_load %arg9[%get3A_371, %get3A_372] {strides = array<i32>} : memref<100x16xf32, #tpu.memory_space<vmem>>, vector<1x16xf32>,
        %get3A_374 = vector.shape_cast %get3A_373 : vector<1x16xf32> to vector<16xf32>
        %mul3A_375 = vector.broadcast %squeeze3A_369 : f32 to vector<16xf32>
        %mul3A_376 = arith.mulf %mul3A_375, %get3A_374 : vector<16xf32>
        %swap3A_377 = arith.index_cast %scan3A_96 : i32 to index
        %swap3A_378 = arith.constant 304 : index
        %swap3A_379 = tpu.vector_load %arg8[%swap3A_377, %swap3A_378] {strides = array<i32>} : memref<16x1600xf32, #tpu.memory_space<vmem>>, vector<1x16xf32>,
        %swap3A_380 = vector.shape_cast %swap3A_379 : vector<1x16xf32> to vector<16xf32>
        %swap3A_381 = vector.shape_cast %mul3A_376 : vector<16xf32> to vector<1x16xf32>
        tpu.vector_store %arg8[%swap3A_377, %swap3A_378], %swap3A_381 {strides = array<i32>} : memref<16x1600xf32, #tpu.memory_space<vmem>>, vector<1x16xf32>,
        %slice3A_382 = vector.extract_strided_slice %get3A_325 {offsets = [4], sizes = [1], strides = [1]} : vector<16xf32> to vector<1xf32>
        %squeeze3A_383 = vector.extract %slice3A_382[0] : f32 from vector<1xf32>
        %get3A_384 = arith.constant 20 : i32
        %get3A_385 = arith.index_cast %get3A_384 : i32 to index
        %get3A_386 = arith.constant 0 : index
        %get3A_387 = tpu.vector_load %arg9[%get3A_385, %get3A_386] {strides = array<i32>} : memref<100x16xf32, #tpu.memory_space<vmem>>, vector<1x16xf32>,
        %get3A_388 = vector.shape_cast %get3A_387 : vector<1x16xf32> to vector<16xf32>
        %mul3A_389 = vector.broadcast %squeeze3A_383 : f32 to vector<16xf32>
        %mul3A_390 = arith.mulf %mul3A_389, %get3A_388 : vector<16xf32>
        %swap3A_391 = arith.index_cast %scan3A_96 : i32 to index
        %swap3A_392 = arith.constant 320 : index
        %swap3A_393 = tpu.vector_load %arg8[%swap3A_391, %swap3A_392] {strides = array<i32>} : memref<16x1600xf32, #tpu.memory_space<vmem>>, vector<1x16xf32>,
        %swap3A_394 = vector.shape_cast %swap3A_393 : vector<1x16xf32> to vector<16xf32>
        %swap3A_395 = vector.shape_cast %mul3A_390 : vector<16xf32> to vector<1x16xf32>
        tpu.vector_store %arg8[%swap3A_391, %swap3A_392], %swap3A_395 {strides = array<i32>} : memref<16x1600xf32, #tpu.memory_space<vmem>>, vector<1x16xf32>,
        %slice3A_396 = vector.extract_strided_slice %get3A_325 {offsets = [5], sizes = [1], strides = [1]} : vector<16xf32> to vector<1xf32>
        %squeeze3A_397 = vector.extract %slice3A_396[0] : f32 from vector<1xf32>
        %get3A_398 = arith.constant 21 : i32
        %get3A_399 = arith.index_cast %get3A_398 : i32 to index
        %get3A_400 = arith.constant 0 : index
        %get3A_401 = tpu.vector_load %arg9[%get3A_399, %get3A_400] {strides = array<i32>} : memref<100x16xf32, #tpu.memory_space<vmem>>, vector<1x16xf32>,
        %get3A_402 = vector.shape_cast %get3A_401 : vector<1x16xf32> to vector<16xf32>
        %mul3A_403 = vector.broadcast %squeeze3A_397 : f32 to vector<16xf32>
        %mul3A_404 = arith.mulf %mul3A_403, %get3A_402 : vector<16xf32>
        %swap3A_405 = arith.index_cast %scan3A_96 : i32 to index
        %swap3A_406 = arith.constant 336 : index
        %swap3A_407 = tpu.vector_load %arg8[%swap3A_405, %swap3A_406] {strides = array<i32>} : memref<16x1600xf32, #tpu.memory_space<vmem>>, vector<1x16xf32>,
        %swap3A_408 = vector.shape_cast %swap3A_407 : vector<1x16xf32> to vector<16xf32>
        %swap3A_409 = vector.shape_cast %mul3A_404 : vector<16xf32> to vector<1x16xf32>
        tpu.vector_store %arg8[%swap3A_405, %swap3A_406], %swap3A_409 {strides = array<i32>} : memref<16x1600xf32, #tpu.memory_space<vmem>>, vector<1x16xf32>,
        %slice3A_410 = vector.extract_strided_slice %get3A_325 {offsets = [6], sizes = [1], strides = [1]} : vector<16xf32> to vector<1xf32>
        %squeeze3A_411 = vector.extract %slice3A_410[0] : f32 from vector<1xf32>
        %get3A_412 = arith.constant 22 : i32
        %get3A_413 = arith.index_cast %get3A_412 : i32 to index
        %get3A_414 = arith.constant 0 : index
        %get3A_415 = tpu.vector_load %arg9[%get3A_413, %get3A_414] {strides = array<i32>} : memref<100x16xf32, #tpu.memory_space<vmem>>, vector<1x16xf32>,
        %get3A_416 = vector.shape_cast %get3A_415 : vector<1x16xf32> to vector<16xf32>
        %mul3A_417 = vector.broadcast %squeeze3A_411 : f32 to vector<16xf32>
        %mul3A_418 = arith.mulf %mul3A_417, %get3A_416 : vector<16xf32>
        %swap3A_419 = arith.index_cast %scan3A_96 : i32 to index
        %swap3A_420 = arith.constant 352 : index
        %swap3A_421 = tpu.vector_load %arg8[%swap3A_419, %swap3A_420] {strides = array<i32>} : memref<16x1600xf32, #tpu.memory_space<vmem>>, vector<1x16xf32>,
        %swap3A_422 = vector.shape_cast %swap3A_421 : vector<1x16xf32> to vector<16xf32>
        %swap3A_423 = vector.shape_cast %mul3A_418 : vector<16xf32> to vector<1x16xf32>
        tpu.vector_store %arg8[%swap3A_419, %swap3A_420], %swap3A_423 {strides = array<i32>} : memref<16x1600xf32, #tpu.memory_space<vmem>>, vector<1x16xf32>,
        %slice3A_424 = vector.extract_strided_slice %get3A_325 {offsets = [7], sizes = [1], strides = [1]} : vector<16xf32> to vector<1xf32>
        %squeeze3A_425 = vector.extract %slice3A_424[0] : f32 from vector<1xf32>
        %get3A_426 = arith.constant 23 : i32
        %get3A_427 = arith.index_cast %get3A_426 : i32 to index
        %get3A_428 = arith.constant 0 : index
        %get3A_429 = tpu.vector_load %arg9[%get3A_427, %get3A_428] {strides = array<i32>} : memref<100x16xf32, #tpu.memory_space<vmem>>, vector<1x16xf32>,
        %get3A_430 = vector.shape_cast %get3A_429 : vector<1x16xf32> to vector<16xf32>
        %mul3A_431 = vector.broadcast %squeeze3A_425 : f32 to vector<16xf32>
        %mul3A_432 = arith.mulf %mul3A_431, %get3A_430 : vector<16xf32>
        %swap3A_433 = arith.index_cast %scan3A_96 : i32 to index
        %swap3A_434 = arith.constant 368 : index
        %swap3A_435 = tpu.vector_load %arg8[%swap3A_433, %swap3A_434] {strides = array<i32>} : memref<16x1600xf32, #tpu.memory_space<vmem>>, vector<1x16xf32>,
        %swap3A_436 = vector.shape_cast %swap3A_435 : vector<1x16xf32> to vector<16xf32>
        %swap3A_437 = vector.shape_cast %mul3A_432 : vector<16xf32> to vector<1x16xf32>
        tpu.vector_store %arg8[%swap3A_433, %swap3A_434], %swap3A_437 {strides = array<i32>} : memref<16x1600xf32, #tpu.memory_space<vmem>>, vector<1x16xf32>,
        %slice3A_438 = vector.extract_strided_slice %get3A_325 {offsets = [8], sizes = [1], strides = [1]} : vector<16xf32> to vector<1xf32>
        %squeeze3A_439 = vector.extract %slice3A_438[0] : f32 from vector<1xf32>
        %get3A_440 = arith.constant 24 : i32
        %get3A_441 = arith.index_cast %get3A_440 : i32 to index
        %get3A_442 = arith.constant 0 : index
        %get3A_443 = tpu.vector_load %arg9[%get3A_441, %get3A_442] {strides = array<i32>} : memref<100x16xf32, #tpu.memory_space<vmem>>, vector<1x16xf32>,
        %get3A_444 = vector.shape_cast %get3A_443 : vector<1x16xf32> to vector<16xf32>
        %mul3A_445 = vector.broadcast %squeeze3A_439 : f32 to vector<16xf32>
        %mul3A_446 = arith.mulf %mul3A_445, %get3A_444 : vector<16xf32>
        %swap3A_447 = arith.index_cast %scan3A_96 : i32 to index
        %swap3A_448 = arith.constant 384 : index
        %swap3A_449 = tpu.vector_load %arg8[%swap3A_447, %swap3A_448] {strides = array<i32>} : memref<16x1600xf32, #tpu.memory_space<vmem>>, vector<1x16xf32>,
        %swap3A_450 = vector.shape_cast %swap3A_449 : vector<1x16xf32> to vector<16xf32>
        %swap3A_451 = vector.shape_cast %mul3A_446 : vector<16xf32> to vector<1x16xf32>
        tpu.vector_store %arg8[%swap3A_447, %swap3A_448], %swap3A_451 {strides = array<i32>} : memref<16x1600xf32, #tpu.memory_space<vmem>>, vector<1x16xf32>,
        %slice3A_452 = vector.extract_strided_slice %get3A_325 {offsets = [9], sizes = [1], strides = [1]} : vector<16xf32> to vector<1xf32>
        %squeeze3A_453 = vector.extract %slice3A_452[0] : f32 from vector<1xf32>
        %get3A_454 = arith.constant 25 : i32
        %get3A_455 = arith.index_cast %get3A_454 : i32 to index
        %get3A_456 = arith.constant 0 : index
        %get3A_457 = tpu.vector_load %arg9[%get3A_455, %get3A_456] {strides = array<i32>} : memref<100x16xf32, #tpu.memory_space<vmem>>, vector<1x16xf32>,
        %get3A_458 = vector.shape_cast %get3A_457 : vector<1x16xf32> to vector<16xf32>
        %mul3A_459 = vector.broadcast %squeeze3A_453 : f32 to vector<16xf32>
        %mul3A_460 = arith.mulf %mul3A_459, %get3A_458 : vector<16xf32>
        %swap3A_461 = arith.index_cast %scan3A_96 : i32 to index
        %swap3A_462 = arith.constant 400 : index
        %swap3A_463 = tpu.vector_load %arg8[%swap3A_461, %swap3A_462] {strides = array<i32>} : memref<16x1600xf32, #tpu.memory_space<vmem>>, vector<1x16xf32>,
        %swap3A_464 = vector.shape_cast %swap3A_463 : vector<1x16xf32> to vector<16xf32>
        %swap3A_465 = vector.shape_cast %mul3A_460 : vector<16xf32> to vector<1x16xf32>
        tpu.vector_store %arg8[%swap3A_461, %swap3A_462], %swap3A_465 {strides = array<i32>} : memref<16x1600xf32, #tpu.memory_space<vmem>>, vector<1x16xf32>,
        %slice3A_466 = vector.extract_strided_slice %get3A_325 {offsets = [10], sizes = [1], strides = [1]} : vector<16xf32> to vector<1xf32>
        %squeeze3A_467 = vector.extract %slice3A_466[0] : f32 from vector<1xf32>
        %get3A_468 = arith.constant 26 : i32
        %get3A_469 = arith.index_cast %get3A_468 : i32 to index
        %get3A_470 = arith.constant 0 : index
        %get3A_471 = tpu.vector_load %arg9[%get3A_469, %get3A_470] {strides = array<i32>} : memref<100x16xf32, #tpu.memory_space<vmem>>, vector<1x16xf32>,
        %get3A_472 = vector.shape_cast %get3A_471 : vector<1x16xf32> to vector<16xf32>
        %mul3A_473 = vector.broadcast %squeeze3A_467 : f32 to vector<16xf32>
        %mul3A_474 = arith.mulf %mul3A_473, %get3A_472 : vector<16xf32>
        %swap3A_475 = arith.index_cast %scan3A_96 : i32 to index
        %swap3A_476 = arith.constant 416 : index
        %swap3A_477 = tpu.vector_load %arg8[%swap3A_475, %swap3A_476] {strides = array<i32>} : memref<16x1600xf32, #tpu.memory_space<vmem>>, vector<1x16xf32>,
        %swap3A_478 = vector.shape_cast %swap3A_477 : vector<1x16xf32> to vector<16xf32>
        %swap3A_479 = vector.shape_cast %mul3A_474 : vector<16xf32> to vector<1x16xf32>
        tpu.vector_store %arg8[%swap3A_475, %swap3A_476], %swap3A_479 {strides = array<i32>} : memref<16x1600xf32, #tpu.memory_space<vmem>>, vector<1x16xf32>,
        %slice3A_480 = vector.extract_strided_slice %get3A_325 {offsets = [11], sizes = [1], strides = [1]} : vector<16xf32> to vector<1xf32>
        %squeeze3A_481 = vector.extract %slice3A_480[0] : f32 from vector<1xf32>
        %get3A_482 = arith.constant 27 : i32
        %get3A_483 = arith.index_cast %get3A_482 : i32 to index
        %get3A_484 = arith.constant 0 : index
        %get3A_485 = tpu.vector_load %arg9[%get3A_483, %get3A_484] {strides = array<i32>} : memref<100x16xf32, #tpu.memory_space<vmem>>, vector<1x16xf32>,
        %get3A_486 = vector.shape_cast %get3A_485 : vector<1x16xf32> to vector<16xf32>
        %mul3A_487 = vector.broadcast %squeeze3A_481 : f32 to vector<16xf32>
        %mul3A_488 = arith.mulf %mul3A_487, %get3A_486 : vector<16xf32>
        %swap3A_489 = arith.index_cast %scan3A_96 : i32 to index
        %swap3A_490 = arith.constant 432 : index
        %swap3A_491 = tpu.vector_load %arg8[%swap3A_489, %swap3A_490] {strides = array<i32>} : memref<16x1600xf32, #tpu.memory_space<vmem>>, vector<1x16xf32>,
        %swap3A_492 = vector.shape_cast %swap3A_491 : vector<1x16xf32> to vector<16xf32>
        %swap3A_493 = vector.shape_cast %mul3A_488 : vector<16xf32> to vector<1x16xf32>
        tpu.vector_store %arg8[%swap3A_489, %swap3A_490], %swap3A_493 {strides = array<i32>} : memref<16x1600xf32, #tpu.memory_space<vmem>>, vector<1x16xf32>,
        %slice3A_494 = vector.extract_strided_slice %get3A_325 {offsets = [12], sizes = [1], strides = [1]} : vector<16xf32> to vector<1xf32>
        %squeeze3A_495 = vector.extract %slice3A_494[0] : f32 from vector<1xf32>
        %get3A_496 = arith.constant 28 : i32
        %get3A_497 = arith.index_cast %get3A_496 : i32 to index
        %get3A_498 = arith.constant 0 : index
        %get3A_499 = tpu.vector_load %arg9[%get3A_497, %get3A_498] {strides = array<i32>} : memref<100x16xf32, #tpu.memory_space<vmem>>, vector<1x16xf32>,
        %get3A_500 = vector.shape_cast %get3A_499 : vector<1x16xf32> to vector<16xf32>
        %mul3A_501 = vector.broadcast %squeeze3A_495 : f32 to vector<16xf32>
        %mul3A_502 = arith.mulf %mul3A_501, %get3A_500 : vector<16xf32>
        %swap3A_503 = arith.index_cast %scan3A_96 : i32 to index
        %swap3A_504 = arith.constant 448 : index
        %swap3A_505 = tpu.vector_load %arg8[%swap3A_503, %swap3A_504] {strides = array<i32>} : memref<16x1600xf32, #tpu.memory_space<vmem>>, vector<1x16xf32>,
        %swap3A_506 = vector.shape_cast %swap3A_505 : vector<1x16xf32> to vector<16xf32>
        %swap3A_507 = vector.shape_cast %mul3A_502 : vector<16xf32> to vector<1x16xf32>
        tpu.vector_store %arg8[%swap3A_503, %swap3A_504], %swap3A_507 {strides = array<i32>} : memref<16x1600xf32, #tpu.memory_space<vmem>>, vector<1x16xf32>,
        %slice3A_508 = vector.extract_strided_slice %get3A_325 {offsets = [13], sizes = [1], strides = [1]} : vector<16xf32> to vector<1xf32>
        %squeeze3A_509 = vector.extract %slice3A_508[0] : f32 from vector<1xf32>
        %get3A_510 = arith.constant 29 : i32
        %get3A_511 = arith.index_cast %get3A_510 : i32 to index
        %get3A_512 = arith.constant 0 : index
        %get3A_513 = tpu.vector_load %arg9[%get3A_511, %get3A_512] {strides = array<i32>} : memref<100x16xf32, #tpu.memory_space<vmem>>, vector<1x16xf32>,
        %get3A_514 = vector.shape_cast %get3A_513 : vector<1x16xf32> to vector<16xf32>
        %mul3A_515 = vector.broadcast %squeeze3A_509 : f32 to vector<16xf32>
        %mul3A_516 = arith.mulf %mul3A_515, %get3A_514 : vector<16xf32>
        %swap3A_517 = arith.index_cast %scan3A_96 : i32 to index
        %swap3A_518 = arith.constant 464 : index
        %swap3A_519 = tpu.vector_load %arg8[%swap3A_517, %swap3A_518] {strides = array<i32>} : memref<16x1600xf32, #tpu.memory_space<vmem>>, vector<1x16xf32>,
        %swap3A_520 = vector.shape_cast %swap3A_519 : vector<1x16xf32> to vector<16xf32>
        %swap3A_521 = vector.shape_cast %mul3A_516 : vector<16xf32> to vector<1x16xf32>
        tpu.vector_store %arg8[%swap3A_517, %swap3A_518], %swap3A_521 {strides = array<i32>} : memref<16x1600xf32, #tpu.memory_space<vmem>>, vector<1x16xf32>,
        %slice3A_522 = vector.extract_strided_slice %get3A_325 {offsets = [14], sizes = [1], strides = [1]} : vector<16xf32> to vector<1xf32>
        %squeeze3A_523 = vector.extract %slice3A_522[0] : f32 from vector<1xf32>
        %get3A_524 = arith.constant 30 : i32
        %get3A_525 = arith.index_cast %get3A_524 : i32 to index
        %get3A_526 = arith.constant 0 : index
        %get3A_527 = tpu.vector_load %arg9[%get3A_525, %get3A_526] {strides = array<i32>} : memref<100x16xf32, #tpu.memory_space<vmem>>, vector<1x16xf32>,
        %get3A_528 = vector.shape_cast %get3A_527 : vector<1x16xf32> to vector<16xf32>
        %mul3A_529 = vector.broadcast %squeeze3A_523 : f32 to vector<16xf32>
        %mul3A_530 = arith.mulf %mul3A_529, %get3A_528 : vector<16xf32>
        %swap3A_531 = arith.index_cast %scan3A_96 : i32 to index
        %swap3A_532 = arith.constant 480 : index
        %swap3A_533 = tpu.vector_load %arg8[%swap3A_531, %swap3A_532] {strides = array<i32>} : memref<16x1600xf32, #tpu.memory_space<vmem>>, vector<1x16xf32>,
        %swap3A_534 = vector.shape_cast %swap3A_533 : vector<1x16xf32> to vector<16xf32>
        %swap3A_535 = vector.shape_cast %mul3A_530 : vector<16xf32> to vector<1x16xf32>
        tpu.vector_store %arg8[%swap3A_531, %swap3A_532], %swap3A_535 {strides = array<i32>} : memref<16x1600xf32, #tpu.memory_space<vmem>>, vector<1x16xf32>,
        %slice3A_536 = vector.extract_strided_slice %get3A_325 {offsets = [15], sizes = [1], strides = [1]} : vector<16xf32> to vector<1xf32>
        %squeeze3A_537 = vector.extract %slice3A_536[0] : f32 from vector<1xf32>
        %get3A_538 = arith.constant 31 : i32
        %get3A_539 = arith.index_cast %get3A_538 : i32 to index
        %get3A_540 = arith.constant 0 : index
        %get3A_541 = tpu.vector_load %arg9[%get3A_539, %get3A_540] {strides = array<i32>} : memref<100x16xf32, #tpu.memory_space<vmem>>, vector<1x16xf32>,
        %get3A_542 = vector.shape_cast %get3A_541 : vector<1x16xf32> to vector<16xf32>
        %mul3A_543 = vector.broadcast %squeeze3A_537 : f32 to vector<16xf32>
        %mul3A_544 = arith.mulf %mul3A_543, %get3A_542 : vector<16xf32>
        %swap3A_545 = arith.index_cast %scan3A_96 : i32 to index
        %swap3A_546 = arith.constant 496 : index
        %swap3A_547 = tpu.vector_load %arg8[%swap3A_545, %swap3A_546] {strides = array<i32>} : memref<16x1600xf32, #tpu.memory_space<vmem>>, vector<1x16xf32>,
        %swap3A_548 = vector.shape_cast %swap3A_547 : vector<1x16xf32> to vector<16xf32>
        %swap3A_549 = vector.shape_cast %mul3A_544 : vector<16xf32> to vector<1x16xf32>
        tpu.vector_store %arg8[%swap3A_545, %swap3A_546], %swap3A_549 {strides = array<i32>} : memref<16x1600xf32, #tpu.memory_space<vmem>>, vector<1x16xf32>,
        %get3A_550 = arith.index_cast %scan3A_96 : i32 to index
        %get3A_551 = arith.constant 32 : index
        %get3A_552 = tpu.vector_load %arg6[%get3A_550, %get3A_551] {strides = array<i32>} : memref<16x100xf32, #tpu.memory_space<vmem>>, vector<1x16xf32>,
        %get3A_553 = vector.shape_cast %get3A_552 : vector<1x16xf32> to vector<16xf32>
        %slice3A_554 = vector.extract_strided_slice %get3A_553 {offsets = [0], sizes = [1], strides = [1]} : vector<16xf32> to vector<1xf32>
        %squeeze3A_555 = vector.extract %slice3A_554[0] : f32 from vector<1xf32>
        %get3A_556 = arith.constant 32 : i32
        %get3A_557 = arith.index_cast %get3A_556 : i32 to index
        %get3A_558 = arith.constant 0 : index
        %get3A_559 = tpu.vector_load %arg9[%get3A_557, %get3A_558] {strides = array<i32>} : memref<100x16xf32, #tpu.memory_space<vmem>>, vector<1x16xf32>,
        %get3A_560 = vector.shape_cast %get3A_559 : vector<1x16xf32> to vector<16xf32>
        %mul3A_561 = vector.broadcast %squeeze3A_555 : f32 to vector<16xf32>
        %mul3A_562 = arith.mulf %mul3A_561, %get3A_560 : vector<16xf32>
        %swap3A_563 = arith.index_cast %scan3A_96 : i32 to index
        %swap3A_564 = arith.constant 512 : index
        %swap3A_565 = tpu.vector_load %arg8[%swap3A_563, %swap3A_564] {strides = array<i32>} : memref<16x1600xf32, #tpu.memory_space<vmem>>, vector<1x16xf32>,
        %swap3A_566 = vector.shape_cast %swap3A_565 : vector<1x16xf32> to vector<16xf32>
        %swap3A_567 = vector.shape_cast %mul3A_562 : vector<16xf32> to vector<1x16xf32>
        tpu.vector_store %arg8[%swap3A_563, %swap3A_564], %swap3A_567 {strides = array<i32>} : memref<16x1600xf32, #tpu.memory_space<vmem>>, vector<1x16xf32>,
        %slice3A_568 = vector.extract_strided_slice %get3A_553 {offsets = [1], sizes = [1], strides = [1]} : vector<16xf32> to vector<1xf32>
        %squeeze3A_569 = vector.extract %slice3A_568[0] : f32 from vector<1xf32>
        %get3A_570 = arith.constant 33 : i32
        %get3A_571 = arith.index_cast %get3A_570 : i32 to index
        %get3A_572 = arith.constant 0 : index
        %get3A_573 = tpu.vector_load %arg9[%get3A_571, %get3A_572] {strides = array<i32>} : memref<100x16xf32, #tpu.memory_space<vmem>>, vector<1x16xf32>,
        %get3A_574 = vector.shape_cast %get3A_573 : vector<1x16xf32> to vector<16xf32>
        %mul3A_575 = vector.broadcast %squeeze3A_569 : f32 to vector<16xf32>
        %mul3A_576 = arith.mulf %mul3A_575, %get3A_574 : vector<16xf32>
        %swap3A_577 = arith.index_cast %scan3A_96 : i32 to index
        %swap3A_578 = arith.constant 528 : index
        %swap3A_579 = tpu.vector_load %arg8[%swap3A_577, %swap3A_578] {strides = array<i32>} : memref<16x1600xf32, #tpu.memory_space<vmem>>, vector<1x16xf32>,
        %swap3A_580 = vector.shape_cast %swap3A_579 : vector<1x16xf32> to vector<16xf32>
        %swap3A_581 = vector.shape_cast %mul3A_576 : vector<16xf32> to vector<1x16xf32>
        tpu.vector_store %arg8[%swap3A_577, %swap3A_578], %swap3A_581 {strides = array<i32>} : memref<16x1600xf32, #tpu.memory_space<vmem>>, vector<1x16xf32>,
        %slice3A_582 = vector.extract_strided_slice %get3A_553 {offsets = [2], sizes = [1], strides = [1]} : vector<16xf32> to vector<1xf32>
        %squeeze3A_583 = vector.extract %slice3A_582[0] : f32 from vector<1xf32>
        %get3A_584 = arith.constant 34 : i32
        %get3A_585 = arith.index_cast %get3A_584 : i32 to index
        %get3A_586 = arith.constant 0 : index
        %get3A_587 = tpu.vector_load %arg9[%get3A_585, %get3A_586] {strides = array<i32>} : memref<100x16xf32, #tpu.memory_space<vmem>>, vector<1x16xf32>,
        %get3A_588 = vector.shape_cast %get3A_587 : vector<1x16xf32> to vector<16xf32>
        %mul3A_589 = vector.broadcast %squeeze3A_583 : f32 to vector<16xf32>
        %mul3A_590 = arith.mulf %mul3A_589, %get3A_588 : vector<16xf32>
        %swap3A_591 = arith.index_cast %scan3A_96 : i32 to index
        %swap3A_592 = arith.constant 544 : index
        %swap3A_593 = tpu.vector_load %arg8[%swap3A_591, %swap3A_592] {strides = array<i32>} : memref<16x1600xf32, #tpu.memory_space<vmem>>, vector<1x16xf32>,
        %swap3A_594 = vector.shape_cast %swap3A_593 : vector<1x16xf32> to vector<16xf32>
        %swap3A_595 = vector.shape_cast %mul3A_590 : vector<16xf32> to vector<1x16xf32>
        tpu.vector_store %arg8[%swap3A_591, %swap3A_592], %swap3A_595 {strides = array<i32>} : memref<16x1600xf32, #tpu.memory_space<vmem>>, vector<1x16xf32>,
        %slice3A_596 = vector.extract_strided_slice %get3A_553 {offsets = [3], sizes = [1], strides = [1]} : vector<16xf32> to vector<1xf32>
        %squeeze3A_597 = vector.extract %slice3A_596[0] : f32 from vector<1xf32>
        %get3A_598 = arith.constant 35 : i32
        %get3A_599 = arith.index_cast %get3A_598 : i32 to index
        %get3A_600 = arith.constant 0 : index
        %get3A_601 = tpu.vector_load %arg9[%get3A_599, %get3A_600] {strides = array<i32>} : memref<100x16xf32, #tpu.memory_space<vmem>>, vector<1x16xf32>,
        %get3A_602 = vector.shape_cast %get3A_601 : vector<1x16xf32> to vector<16xf32>
        %mul3A_603 = vector.broadcast %squeeze3A_597 : f32 to vector<16xf32>
        %mul3A_604 = arith.mulf %mul3A_603, %get3A_602 : vector<16xf32>
        %swap3A_605 = arith.index_cast %scan3A_96 : i32 to index
        %swap3A_606 = arith.constant 560 : index
        %swap3A_607 = tpu.vector_load %arg8[%swap3A_605, %swap3A_606] {strides = array<i32>} : memref<16x1600xf32, #tpu.memory_space<vmem>>, vector<1x16xf32>,
        %swap3A_608 = vector.shape_cast %swap3A_607 : vector<1x16xf32> to vector<16xf32>
        %swap3A_609 = vector.shape_cast %mul3A_604 : vector<16xf32> to vector<1x16xf32>
        tpu.vector_store %arg8[%swap3A_605, %swap3A_606], %swap3A_609 {strides = array<i32>} : memref<16x1600xf32, #tpu.memory_space<vmem>>, vector<1x16xf32>,
        %slice3A_610 = vector.extract_strided_slice %get3A_553 {offsets = [4], sizes = [1], strides = [1]} : vector<16xf32> to vector<1xf32>
        %squeeze3A_611 = vector.extract %slice3A_610[0] : f32 from vector<1xf32>
        %get3A_612 = arith.constant 36 : i32
        %get3A_613 = arith.index_cast %get3A_612 : i32 to index
        %get3A_614 = arith.constant 0 : index
        %get3A_615 = tpu.vector_load %arg9[%get3A_613, %get3A_614] {strides = array<i32>} : memref<100x16xf32, #tpu.memory_space<vmem>>, vector<1x16xf32>,
        %get3A_616 = vector.shape_cast %get3A_615 : vector<1x16xf32> to vector<16xf32>
        %mul3A_617 = vector.broadcast %squeeze3A_611 : f32 to vector<16xf32>
        %mul3A_618 = arith.mulf %mul3A_617, %get3A_616 : vector<16xf32>
        %swap3A_619 = arith.index_cast %scan3A_96 : i32 to index
        %swap3A_620 = arith.constant 576 : index
        %swap3A_621 = tpu.vector_load %arg8[%swap3A_619, %swap3A_620] {strides = array<i32>} : memref<16x1600xf32, #tpu.memory_space<vmem>>, vector<1x16xf32>,
        %swap3A_622 = vector.shape_cast %swap3A_621 : vector<1x16xf32> to vector<16xf32>
        %swap3A_623 = vector.shape_cast %mul3A_618 : vector<16xf32> to vector<1x16xf32>
        tpu.vector_store %arg8[%swap3A_619, %swap3A_620], %swap3A_623 {strides = array<i32>} : memref<16x1600xf32, #tpu.memory_space<vmem>>, vector<1x16xf32>,
        %slice3A_624 = vector.extract_strided_slice %get3A_553 {offsets = [5], sizes = [1], strides = [1]} : vector<16xf32> to vector<1xf32>
        %squeeze3A_625 = vector.extract %slice3A_624[0] : f32 from vector<1xf32>
        %get3A_626 = arith.constant 37 : i32
        %get3A_627 = arith.index_cast %get3A_626 : i32 to index
        %get3A_628 = arith.constant 0 : index
        %get3A_629 = tpu.vector_load %arg9[%get3A_627, %get3A_628] {strides = array<i32>} : memref<100x16xf32, #tpu.memory_space<vmem>>, vector<1x16xf32>,
        %get3A_630 = vector.shape_cast %get3A_629 : vector<1x16xf32> to vector<16xf32>
        %mul3A_631 = vector.broadcast %squeeze3A_625 : f32 to vector<16xf32>
        %mul3A_632 = arith.mulf %mul3A_631, %get3A_630 : vector<16xf32>
        %swap3A_633 = arith.index_cast %scan3A_96 : i32 to index
        %swap3A_634 = arith.constant 592 : index
        %swap3A_635 = tpu.vector_load %arg8[%swap3A_633, %swap3A_634] {strides = array<i32>} : memref<16x1600xf32, #tpu.memory_space<vmem>>, vector<1x16xf32>,
        %swap3A_636 = vector.shape_cast %swap3A_635 : vector<1x16xf32> to vector<16xf32>
        %swap3A_637 = vector.shape_cast %mul3A_632 : vector<16xf32> to vector<1x16xf32>
        tpu.vector_store %arg8[%swap3A_633, %swap3A_634], %swap3A_637 {strides = array<i32>} : memref<16x1600xf32, #tpu.memory_space<vmem>>, vector<1x16xf32>,
        %slice3A_638 = vector.extract_strided_slice %get3A_553 {offsets = [6], sizes = [1], strides = [1]} : vector<16xf32> to vector<1xf32>
        %squeeze3A_639 = vector.extract %slice3A_638[0] : f32 from vector<1xf32>
        %get3A_640 = arith.constant 38 : i32
        %get3A_641 = arith.index_cast %get3A_640 : i32 to index
        %get3A_642 = arith.constant 0 : index
        %get3A_643 = tpu.vector_load %arg9[%get3A_641, %get3A_642] {strides = array<i32>} : memref<100x16xf32, #tpu.memory_space<vmem>>, vector<1x16xf32>,
        %get3A_644 = vector.shape_cast %get3A_643 : vector<1x16xf32> to vector<16xf32>
        %mul3A_645 = vector.broadcast %squeeze3A_639 : f32 to vector<16xf32>
        %mul3A_646 = arith.mulf %mul3A_645, %get3A_644 : vector<16xf32>
        %swap3A_647 = arith.index_cast %scan3A_96 : i32 to index
        %swap3A_648 = arith.constant 608 : index
        %swap3A_649 = tpu.vector_load %arg8[%swap3A_647, %swap3A_648] {strides = array<i32>} : memref<16x1600xf32, #tpu.memory_space<vmem>>, vector<1x16xf32>,
        %swap3A_650 = vector.shape_cast %swap3A_649 : vector<1x16xf32> to vector<16xf32>
        %swap3A_651 = vector.shape_cast %mul3A_646 : vector<16xf32> to vector<1x16xf32>
        tpu.vector_store %arg8[%swap3A_647, %swap3A_648], %swap3A_651 {strides = array<i32>} : memref<16x1600xf32, #tpu.memory_space<vmem>>, vector<1x16xf32>,
        %slice3A_652 = vector.extract_strided_slice %get3A_553 {offsets = [7], sizes = [1], strides = [1]} : vector<16xf32> to vector<1xf32>
        %squeeze3A_653 = vector.extract %slice3A_652[0] : f32 from vector<1xf32>
        %get3A_654 = arith.constant 39 : i32
        %get3A_655 = arith.index_cast %get3A_654 : i32 to index
        %get3A_656 = arith.constant 0 : index
        %get3A_657 = tpu.vector_load %arg9[%get3A_655, %get3A_656] {strides = array<i32>} : memref<100x16xf32, #tpu.memory_space<vmem>>, vector<1x16xf32>,
        %get3A_658 = vector.shape_cast %get3A_657 : vector<1x16xf32> to vector<16xf32>
        %mul3A_659 = vector.broadcast %squeeze3A_653 : f32 to vector<16xf32>
        %mul3A_660 = arith.mulf %mul3A_659, %get3A_658 : vector<16xf32>
        %swap3A_661 = arith.index_cast %scan3A_96 : i32 to index
        %swap3A_662 = arith.constant 624 : index
        %swap3A_663 = tpu.vector_load %arg8[%swap3A_661, %swap3A_662] {strides = array<i32>} : memref<16x1600xf32, #tpu.memory_space<vmem>>, vector<1x16xf32>,
        %swap3A_664 = vector.shape_cast %swap3A_663 : vector<1x16xf32> to vector<16xf32>
        %swap3A_665 = vector.shape_cast %mul3A_660 : vector<16xf32> to vector<1x16xf32>
        tpu.vector_store %arg8[%swap3A_661, %swap3A_662], %swap3A_665 {strides = array<i32>} : memref<16x1600xf32, #tpu.memory_space<vmem>>, vector<1x16xf32>,
        %slice3A_666 = vector.extract_strided_slice %get3A_553 {offsets = [8], sizes = [1], strides = [1]} : vector<16xf32> to vector<1xf32>
        %squeeze3A_667 = vector.extract %slice3A_666[0] : f32 from vector<1xf32>
        %get3A_668 = arith.constant 40 : i32
        %get3A_669 = arith.index_cast %get3A_668 : i32 to index
        %get3A_670 = arith.constant 0 : index
        %get3A_671 = tpu.vector_load %arg9[%get3A_669, %get3A_670] {strides = array<i32>} : memref<100x16xf32, #tpu.memory_space<vmem>>, vector<1x16xf32>,
        %get3A_672 = vector.shape_cast %get3A_671 : vector<1x16xf32> to vector<16xf32>
        %mul3A_673 = vector.broadcast %squeeze3A_667 : f32 to vector<16xf32>
        %mul3A_674 = arith.mulf %mul3A_673, %get3A_672 : vector<16xf32>
        %swap3A_675 = arith.index_cast %scan3A_96 : i32 to index
        %swap3A_676 = arith.constant 640 : index
        %swap3A_677 = tpu.vector_load %arg8[%swap3A_675, %swap3A_676] {strides = array<i32>} : memref<16x1600xf32, #tpu.memory_space<vmem>>, vector<1x16xf32>,
        %swap3A_678 = vector.shape_cast %swap3A_677 : vector<1x16xf32> to vector<16xf32>
        %swap3A_679 = vector.shape_cast %mul3A_674 : vector<16xf32> to vector<1x16xf32>
        tpu.vector_store %arg8[%swap3A_675, %swap3A_676], %swap3A_679 {strides = array<i32>} : memref<16x1600xf32, #tpu.memory_space<vmem>>, vector<1x16xf32>,
        %slice3A_680 = vector.extract_strided_slice %get3A_553 {offsets = [9], sizes = [1], strides = [1]} : vector<16xf32> to vector<1xf32>
        %squeeze3A_681 = vector.extract %slice3A_680[0] : f32 from vector<1xf32>
        %get3A_682 = arith.constant 41 : i32
        %get3A_683 = arith.index_cast %get3A_682 : i32 to index
        %get3A_684 = arith.constant 0 : index
        %get3A_685 = tpu.vector_load %arg9[%get3A_683, %get3A_684] {strides = array<i32>} : memref<100x16xf32, #tpu.memory_space<vmem>>, vector<1x16xf32>,
        %get3A_686 = vector.shape_cast %get3A_685 : vector<1x16xf32> to vector<16xf32>
        %mul3A_687 = vector.broadcast %squeeze3A_681 : f32 to vector<16xf32>
        %mul3A_688 = arith.mulf %mul3A_687, %get3A_686 : vector<16xf32>
        %swap3A_689 = arith.index_cast %scan3A_96 : i32 to index
        %swap3A_690 = arith.constant 656 : index
        %swap3A_691 = tpu.vector_load %arg8[%swap3A_689, %swap3A_690] {strides = array<i32>} : memref<16x1600xf32, #tpu.memory_space<vmem>>, vector<1x16xf32>,
        %swap3A_692 = vector.shape_cast %swap3A_691 : vector<1x16xf32> to vector<16xf32>
        %swap3A_693 = vector.shape_cast %mul3A_688 : vector<16xf32> to vector<1x16xf32>
        tpu.vector_store %arg8[%swap3A_689, %swap3A_690], %swap3A_693 {strides = array<i32>} : memref<16x1600xf32, #tpu.memory_space<vmem>>, vector<1x16xf32>,
        %slice3A_694 = vector.extract_strided_slice %get3A_553 {offsets = [10], sizes = [1], strides = [1]} : vector<16xf32> to vector<1xf32>
        %squeeze3A_695 = vector.extract %slice3A_694[0] : f32 from vector<1xf32>
        %get3A_696 = arith.constant 42 : i32
        %get3A_697 = arith.index_cast %get3A_696 : i32 to index
        %get3A_698 = arith.constant 0 : index
        %get3A_699 = tpu.vector_load %arg9[%get3A_697, %get3A_698] {strides = array<i32>} : memref<100x16xf32, #tpu.memory_space<vmem>>, vector<1x16xf32>,
        %get3A_700 = vector.shape_cast %get3A_699 : vector<1x16xf32> to vector<16xf32>
        %mul3A_701 = vector.broadcast %squeeze3A_695 : f32 to vector<16xf32>
        %mul3A_702 = arith.mulf %mul3A_701, %get3A_700 : vector<16xf32>
        %swap3A_703 = arith.index_cast %scan3A_96 : i32 to index
        %swap3A_704 = arith.constant 672 : index
        %swap3A_705 = tpu.vector_load %arg8[%swap3A_703, %swap3A_704] {strides = array<i32>} : memref<16x1600xf32, #tpu.memory_space<vmem>>, vector<1x16xf32>,
        %swap3A_706 = vector.shape_cast %swap3A_705 : vector<1x16xf32> to vector<16xf32>
        %swap3A_707 = vector.shape_cast %mul3A_702 : vector<16xf32> to vector<1x16xf32>
        tpu.vector_store %arg8[%swap3A_703, %swap3A_704], %swap3A_707 {strides = array<i32>} : memref<16x1600xf32, #tpu.memory_space<vmem>>, vector<1x16xf32>,
        %slice3A_708 = vector.extract_strided_slice %get3A_553 {offsets = [11], sizes = [1], strides = [1]} : vector<16xf32> to vector<1xf32>
        %squeeze3A_709 = vector.extract %slice3A_708[0] : f32 from vector<1xf32>
        %get3A_710 = arith.constant 43 : i32
        %get3A_711 = arith.index_cast %get3A_710 : i32 to index
        %get3A_712 = arith.constant 0 : index
        %get3A_713 = tpu.vector_load %arg9[%get3A_711, %get3A_712] {strides = array<i32>} : memref<100x16xf32, #tpu.memory_space<vmem>>, vector<1x16xf32>,
        %get3A_714 = vector.shape_cast %get3A_713 : vector<1x16xf32> to vector<16xf32>
        %mul3A_715 = vector.broadcast %squeeze3A_709 : f32 to vector<16xf32>
        %mul3A_716 = arith.mulf %mul3A_715, %get3A_714 : vector<16xf32>
        %swap3A_717 = arith.index_cast %scan3A_96 : i32 to index
        %swap3A_718 = arith.constant 688 : index
        %swap3A_719 = tpu.vector_load %arg8[%swap3A_717, %swap3A_718] {strides = array<i32>} : memref<16x1600xf32, #tpu.memory_space<vmem>>, vector<1x16xf32>,
        %swap3A_720 = vector.shape_cast %swap3A_719 : vector<1x16xf32> to vector<16xf32>
        %swap3A_721 = vector.shape_cast %mul3A_716 : vector<16xf32> to vector<1x16xf32>
        tpu.vector_store %arg8[%swap3A_717, %swap3A_718], %swap3A_721 {strides = array<i32>} : memref<16x1600xf32, #tpu.memory_space<vmem>>, vector<1x16xf32>,
        %slice3A_722 = vector.extract_strided_slice %get3A_553 {offsets = [12], sizes = [1], strides = [1]} : vector<16xf32> to vector<1xf32>
        %squeeze3A_723 = vector.extract %slice3A_722[0] : f32 from vector<1xf32>
        %get3A_724 = arith.constant 44 : i32
        %get3A_725 = arith.index_cast %get3A_724 : i32 to index
        %get3A_726 = arith.constant 0 : index
        %get3A_727 = tpu.vector_load %arg9[%get3A_725, %get3A_726] {strides = array<i32>} : memref<100x16xf32, #tpu.memory_space<vmem>>, vector<1x16xf32>,
        %get3A_728 = vector.shape_cast %get3A_727 : vector<1x16xf32> to vector<16xf32>
        %mul3A_729 = vector.broadcast %squeeze3A_723 : f32 to vector<16xf32>
        %mul3A_730 = arith.mulf %mul3A_729, %get3A_728 : vector<16xf32>
        %swap3A_731 = arith.index_cast %scan3A_96 : i32 to index
        %swap3A_732 = arith.constant 704 : index
        %swap3A_733 = tpu.vector_load %arg8[%swap3A_731, %swap3A_732] {strides = array<i32>} : memref<16x1600xf32, #tpu.memory_space<vmem>>, vector<1x16xf32>,
        %swap3A_734 = vector.shape_cast %swap3A_733 : vector<1x16xf32> to vector<16xf32>
        %swap3A_735 = vector.shape_cast %mul3A_730 : vector<16xf32> to vector<1x16xf32>
        tpu.vector_store %arg8[%swap3A_731, %swap3A_732], %swap3A_735 {strides = array<i32>} : memref<16x1600xf32, #tpu.memory_space<vmem>>, vector<1x16xf32>,
        %slice3A_736 = vector.extract_strided_slice %get3A_553 {offsets = [13], sizes = [1], strides = [1]} : vector<16xf32> to vector<1xf32>
        %squeeze3A_737 = vector.extract %slice3A_736[0] : f32 from vector<1xf32>
        %get3A_738 = arith.constant 45 : i32
        %get3A_739 = arith.index_cast %get3A_738 : i32 to index
        %get3A_740 = arith.constant 0 : index
        %get3A_741 = tpu.vector_load %arg9[%get3A_739, %get3A_740] {strides = array<i32>} : memref<100x16xf32, #tpu.memory_space<vmem>>, vector<1x16xf32>,
        %get3A_742 = vector.shape_cast %get3A_741 : vector<1x16xf32> to vector<16xf32>
        %mul3A_743 = vector.broadcast %squeeze3A_737 : f32 to vector<16xf32>
        %mul3A_744 = arith.mulf %mul3A_743, %get3A_742 : vector<16xf32>
        %swap3A_745 = arith.index_cast %scan3A_96 : i32 to index
        %swap3A_746 = arith.constant 720 : index
        %swap3A_747 = tpu.vector_load %arg8[%swap3A_745, %swap3A_746] {strides = array<i32>} : memref<16x1600xf32, #tpu.memory_space<vmem>>, vector<1x16xf32>,
        %swap3A_748 = vector.shape_cast %swap3A_747 : vector<1x16xf32> to vector<16xf32>
        %swap3A_749 = vector.shape_cast %mul3A_744 : vector<16xf32> to vector<1x16xf32>
        tpu.vector_store %arg8[%swap3A_745, %swap3A_746], %swap3A_749 {strides = array<i32>} : memref<16x1600xf32, #tpu.memory_space<vmem>>, vector<1x16xf32>,
        %slice3A_750 = vector.extract_strided_slice %get3A_553 {offsets = [14], sizes = [1], strides = [1]} : vector<16xf32> to vector<1xf32>
        %squeeze3A_751 = vector.extract %slice3A_750[0] : f32 from vector<1xf32>
        %get3A_752 = arith.constant 46 : i32
        %get3A_753 = arith.index_cast %get3A_752 : i32 to index
        %get3A_754 = arith.constant 0 : index
        %get3A_755 = tpu.vector_load %arg9[%get3A_753, %get3A_754] {strides = array<i32>} : memref<100x16xf32, #tpu.memory_space<vmem>>, vector<1x16xf32>,
        %get3A_756 = vector.shape_cast %get3A_755 : vector<1x16xf32> to vector<16xf32>
        %mul3A_757 = vector.broadcast %squeeze3A_751 : f32 to vector<16xf32>
        %mul3A_758 = arith.mulf %mul3A_757, %get3A_756 : vector<16xf32>
        %swap3A_759 = arith.index_cast %scan3A_96 : i32 to index
        %swap3A_760 = arith.constant 736 : index
        %swap3A_761 = tpu.vector_load %arg8[%swap3A_759, %swap3A_760] {strides = array<i32>} : memref<16x1600xf32, #tpu.memory_space<vmem>>, vector<1x16xf32>,
        %swap3A_762 = vector.shape_cast %swap3A_761 : vector<1x16xf32> to vector<16xf32>
        %swap3A_763 = vector.shape_cast %mul3A_758 : vector<16xf32> to vector<1x16xf32>
        tpu.vector_store %arg8[%swap3A_759, %swap3A_760], %swap3A_763 {strides = array<i32>} : memref<16x1600xf32, #tpu.memory_space<vmem>>, vector<1x16xf32>,
        %slice3A_764 = vector.extract_strided_slice %get3A_553 {offsets = [15], sizes = [1], strides = [1]} : vector<16xf32> to vector<1xf32>
        %squeeze3A_765 = vector.extract %slice3A_764[0] : f32 from vector<1xf32>
        %get3A_766 = arith.constant 47 : i32
        %get3A_767 = arith.index_cast %get3A_766 : i32 to index
        %get3A_768 = arith.constant 0 : index
        %get3A_769 = tpu.vector_load %arg9[%get3A_767, %get3A_768] {strides = array<i32>} : memref<100x16xf32, #tpu.memory_space<vmem>>, vector<1x16xf32>,
        %get3A_770 = vector.shape_cast %get3A_769 : vector<1x16xf32> to vector<16xf32>
        %mul3A_771 = vector.broadcast %squeeze3A_765 : f32 to vector<16xf32>
        %mul3A_772 = arith.mulf %mul3A_771, %get3A_770 : vector<16xf32>
        %swap3A_773 = arith.index_cast %scan3A_96 : i32 to index
        %swap3A_774 = arith.constant 752 : index
        %swap3A_775 = tpu.vector_load %arg8[%swap3A_773, %swap3A_774] {strides = array<i32>} : memref<16x1600xf32, #tpu.memory_space<vmem>>, vector<1x16xf32>,
        %swap3A_776 = vector.shape_cast %swap3A_775 : vector<1x16xf32> to vector<16xf32>
        %swap3A_777 = vector.shape_cast %mul3A_772 : vector<16xf32> to vector<1x16xf32>
        tpu.vector_store %arg8[%swap3A_773, %swap3A_774], %swap3A_777 {strides = array<i32>} : memref<16x1600xf32, #tpu.memory_space<vmem>>, vector<1x16xf32>,
        %get3A_778 = arith.index_cast %scan3A_96 : i32 to index
        %get3A_779 = arith.constant 48 : index
        %get3A_780 = tpu.vector_load %arg6[%get3A_778, %get3A_779] {strides = array<i32>} : memref<16x100xf32, #tpu.memory_space<vmem>>, vector<1x16xf32>,
        %get3A_781 = vector.shape_cast %get3A_780 : vector<1x16xf32> to vector<16xf32>
        %slice3A_782 = vector.extract_strided_slice %get3A_781 {offsets = [0], sizes = [1], strides = [1]} : vector<16xf32> to vector<1xf32>
        %squeeze3A_783 = vector.extract %slice3A_782[0] : f32 from vector<1xf32>
        %get3A_784 = arith.constant 48 : i32
        %get3A_785 = arith.index_cast %get3A_784 : i32 to index
        %get3A_786 = arith.constant 0 : index
        %get3A_787 = tpu.vector_load %arg9[%get3A_785, %get3A_786] {strides = array<i32>} : memref<100x16xf32, #tpu.memory_space<vmem>>, vector<1x16xf32>,
        %get3A_788 = vector.shape_cast %get3A_787 : vector<1x16xf32> to vector<16xf32>
        %mul3A_789 = vector.broadcast %squeeze3A_783 : f32 to vector<16xf32>
        %mul3A_790 = arith.mulf %mul3A_789, %get3A_788 : vector<16xf32>
        %swap3A_791 = arith.index_cast %scan3A_96 : i32 to index
        %swap3A_792 = arith.constant 768 : index
        %swap3A_793 = tpu.vector_load %arg8[%swap3A_791, %swap3A_792] {strides = array<i32>} : memref<16x1600xf32, #tpu.memory_space<vmem>>, vector<1x16xf32>,
        %swap3A_794 = vector.shape_cast %swap3A_793 : vector<1x16xf32> to vector<16xf32>
        %swap3A_795 = vector.shape_cast %mul3A_790 : vector<16xf32> to vector<1x16xf32>
        tpu.vector_store %arg8[%swap3A_791, %swap3A_792], %swap3A_795 {strides = array<i32>} : memref<16x1600xf32, #tpu.memory_space<vmem>>, vector<1x16xf32>,
        %slice3A_796 = vector.extract_strided_slice %get3A_781 {offsets = [1], sizes = [1], strides = [1]} : vector<16xf32> to vector<1xf32>
        %squeeze3A_797 = vector.extract %slice3A_796[0] : f32 from vector<1xf32>
        %get3A_798 = arith.constant 49 : i32
        %get3A_799 = arith.index_cast %get3A_798 : i32 to index
        %get3A_800 = arith.constant 0 : index
        %get3A_801 = tpu.vector_load %arg9[%get3A_799, %get3A_800] {strides = array<i32>} : memref<100x16xf32, #tpu.memory_space<vmem>>, vector<1x16xf32>,
        %get3A_802 = vector.shape_cast %get3A_801 : vector<1x16xf32> to vector<16xf32>
        %mul3A_803 = vector.broadcast %squeeze3A_797 : f32 to vector<16xf32>
        %mul3A_804 = arith.mulf %mul3A_803, %get3A_802 : vector<16xf32>
        %swap3A_805 = arith.index_cast %scan3A_96 : i32 to index
        %swap3A_806 = arith.constant 784 : index
        %swap3A_807 = tpu.vector_load %arg8[%swap3A_805, %swap3A_806] {strides = array<i32>} : memref<16x1600xf32, #tpu.memory_space<vmem>>, vector<1x16xf32>,
        %swap3A_808 = vector.shape_cast %swap3A_807 : vector<1x16xf32> to vector<16xf32>
        %swap3A_809 = vector.shape_cast %mul3A_804 : vector<16xf32> to vector<1x16xf32>
        tpu.vector_store %arg8[%swap3A_805, %swap3A_806], %swap3A_809 {strides = array<i32>} : memref<16x1600xf32, #tpu.memory_space<vmem>>, vector<1x16xf32>,
        %slice3A_810 = vector.extract_strided_slice %get3A_781 {offsets = [2], sizes = [1], strides = [1]} : vector<16xf32> to vector<1xf32>
        %squeeze3A_811 = vector.extract %slice3A_810[0] : f32 from vector<1xf32>
        %get3A_812 = arith.constant 50 : i32
        %get3A_813 = arith.index_cast %get3A_812 : i32 to index
        %get3A_814 = arith.constant 0 : index
        %get3A_815 = tpu.vector_load %arg9[%get3A_813, %get3A_814] {strides = array<i32>} : memref<100x16xf32, #tpu.memory_space<vmem>>, vector<1x16xf32>,
        %get3A_816 = vector.shape_cast %get3A_815 : vector<1x16xf32> to vector<16xf32>
        %mul3A_817 = vector.broadcast %squeeze3A_811 : f32 to vector<16xf32>
        %mul3A_818 = arith.mulf %mul3A_817, %get3A_816 : vector<16xf32>
        %swap3A_819 = arith.index_cast %scan3A_96 : i32 to index
        %swap3A_820 = arith.constant 800 : index
        %swap3A_821 = tpu.vector_load %arg8[%swap3A_819, %swap3A_820] {strides = array<i32>} : memref<16x1600xf32, #tpu.memory_space<vmem>>, vector<1x16xf32>,
        %swap3A_822 = vector.shape_cast %swap3A_821 : vector<1x16xf32> to vector<16xf32>
        %swap3A_823 = vector.shape_cast %mul3A_818 : vector<16xf32> to vector<1x16xf32>
        tpu.vector_store %arg8[%swap3A_819, %swap3A_820], %swap3A_823 {strides = array<i32>} : memref<16x1600xf32, #tpu.memory_space<vmem>>, vector<1x16xf32>,
        %slice3A_824 = vector.extract_strided_slice %get3A_781 {offsets = [3], sizes = [1], strides = [1]} : vector<16xf32> to vector<1xf32>
        %squeeze3A_825 = vector.extract %slice3A_824[0] : f32 from vector<1xf32>
        %get3A_826 = arith.constant 51 : i32
        %get3A_827 = arith.index_cast %get3A_826 : i32 to index
        %get3A_828 = arith.constant 0 : index
        %get3A_829 = tpu.vector_load %arg9[%get3A_827, %get3A_828] {strides = array<i32>} : memref<100x16xf32, #tpu.memory_space<vmem>>, vector<1x16xf32>,
        %get3A_830 = vector.shape_cast %get3A_829 : vector<1x16xf32> to vector<16xf32>
        %mul3A_831 = vector.broadcast %squeeze3A_825 : f32 to vector<16xf32>
        %mul3A_832 = arith.mulf %mul3A_831, %get3A_830 : vector<16xf32>
        %swap3A_833 = arith.index_cast %scan3A_96 : i32 to index
        %swap3A_834 = arith.constant 816 : index
        %swap3A_835 = tpu.vector_load %arg8[%swap3A_833, %swap3A_834] {strides = array<i32>} : memref<16x1600xf32, #tpu.memory_space<vmem>>, vector<1x16xf32>,
        %swap3A_836 = vector.shape_cast %swap3A_835 : vector<1x16xf32> to vector<16xf32>
        %swap3A_837 = vector.shape_cast %mul3A_832 : vector<16xf32> to vector<1x16xf32>
        tpu.vector_store %arg8[%swap3A_833, %swap3A_834], %swap3A_837 {strides = array<i32>} : memref<16x1600xf32, #tpu.memory_space<vmem>>, vector<1x16xf32>,
        %slice3A_838 = vector.extract_strided_slice %get3A_781 {offsets = [4], sizes = [1], strides = [1]} : vector<16xf32> to vector<1xf32>
        %squeeze3A_839 = vector.extract %slice3A_838[0] : f32 from vector<1xf32>
        %get3A_840 = arith.constant 52 : i32
        %get3A_841 = arith.index_cast %get3A_840 : i32 to index
        %get3A_842 = arith.constant 0 : index
        %get3A_843 = tpu.vector_load %arg9[%get3A_841, %get3A_842] {strides = array<i32>} : memref<100x16xf32, #tpu.memory_space<vmem>>, vector<1x16xf32>,
        %get3A_844 = vector.shape_cast %get3A_843 : vector<1x16xf32> to vector<16xf32>
        %mul3A_845 = vector.broadcast %squeeze3A_839 : f32 to vector<16xf32>
        %mul3A_846 = arith.mulf %mul3A_845, %get3A_844 : vector<16xf32>
        %swap3A_847 = arith.index_cast %scan3A_96 : i32 to index
        %swap3A_848 = arith.constant 832 : index
        %swap3A_849 = tpu.vector_load %arg8[%swap3A_847, %swap3A_848] {strides = array<i32>} : memref<16x1600xf32, #tpu.memory_space<vmem>>, vector<1x16xf32>,
        %swap3A_850 = vector.shape_cast %swap3A_849 : vector<1x16xf32> to vector<16xf32>
        %swap3A_851 = vector.shape_cast %mul3A_846 : vector<16xf32> to vector<1x16xf32>
        tpu.vector_store %arg8[%swap3A_847, %swap3A_848], %swap3A_851 {strides = array<i32>} : memref<16x1600xf32, #tpu.memory_space<vmem>>, vector<1x16xf32>,
        %slice3A_852 = vector.extract_strided_slice %get3A_781 {offsets = [5], sizes = [1], strides = [1]} : vector<16xf32> to vector<1xf32>
        %squeeze3A_853 = vector.extract %slice3A_852[0] : f32 from vector<1xf32>
        %get3A_854 = arith.constant 53 : i32
        %get3A_855 = arith.index_cast %get3A_854 : i32 to index
        %get3A_856 = arith.constant 0 : index
        %get3A_857 = tpu.vector_load %arg9[%get3A_855, %get3A_856] {strides = array<i32>} : memref<100x16xf32, #tpu.memory_space<vmem>>, vector<1x16xf32>,
        %get3A_858 = vector.shape_cast %get3A_857 : vector<1x16xf32> to vector<16xf32>
        %mul3A_859 = vector.broadcast %squeeze3A_853 : f32 to vector<16xf32>
        %mul3A_860 = arith.mulf %mul3A_859, %get3A_858 : vector<16xf32>
        %swap3A_861 = arith.index_cast %scan3A_96 : i32 to index
        %swap3A_862 = arith.constant 848 : index
        %swap3A_863 = tpu.vector_load %arg8[%swap3A_861, %swap3A_862] {strides = array<i32>} : memref<16x1600xf32, #tpu.memory_space<vmem>>, vector<1x16xf32>,
        %swap3A_864 = vector.shape_cast %swap3A_863 : vector<1x16xf32> to vector<16xf32>
        %swap3A_865 = vector.shape_cast %mul3A_860 : vector<16xf32> to vector<1x16xf32>
        tpu.vector_store %arg8[%swap3A_861, %swap3A_862], %swap3A_865 {strides = array<i32>} : memref<16x1600xf32, #tpu.memory_space<vmem>>, vector<1x16xf32>,
        %slice3A_866 = vector.extract_strided_slice %get3A_781 {offsets = [6], sizes = [1], strides = [1]} : vector<16xf32> to vector<1xf32>
        %squeeze3A_867 = vector.extract %slice3A_866[0] : f32 from vector<1xf32>
        %get3A_868 = arith.constant 54 : i32
        %get3A_869 = arith.index_cast %get3A_868 : i32 to index
        %get3A_870 = arith.constant 0 : index
        %get3A_871 = tpu.vector_load %arg9[%get3A_869, %get3A_870] {strides = array<i32>} : memref<100x16xf32, #tpu.memory_space<vmem>>, vector<1x16xf32>,
        %get3A_872 = vector.shape_cast %get3A_871 : vector<1x16xf32> to vector<16xf32>
        %mul3A_873 = vector.broadcast %squeeze3A_867 : f32 to vector<16xf32>
        %mul3A_874 = arith.mulf %mul3A_873, %get3A_872 : vector<16xf32>
        %swap3A_875 = arith.index_cast %scan3A_96 : i32 to index
        %swap3A_876 = arith.constant 864 : index
        %swap3A_877 = tpu.vector_load %arg8[%swap3A_875, %swap3A_876] {strides = array<i32>} : memref<16x1600xf32, #tpu.memory_space<vmem>>, vector<1x16xf32>,
        %swap3A_878 = vector.shape_cast %swap3A_877 : vector<1x16xf32> to vector<16xf32>
        %swap3A_879 = vector.shape_cast %mul3A_874 : vector<16xf32> to vector<1x16xf32>
        tpu.vector_store %arg8[%swap3A_875, %swap3A_876], %swap3A_879 {strides = array<i32>} : memref<16x1600xf32, #tpu.memory_space<vmem>>, vector<1x16xf32>,
        %slice3A_880 = vector.extract_strided_slice %get3A_781 {offsets = [7], sizes = [1], strides = [1]} : vector<16xf32> to vector<1xf32>
        %squeeze3A_881 = vector.extract %slice3A_880[0] : f32 from vector<1xf32>
        %get3A_882 = arith.constant 55 : i32
        %get3A_883 = arith.index_cast %get3A_882 : i32 to index
        %get3A_884 = arith.constant 0 : index
        %get3A_885 = tpu.vector_load %arg9[%get3A_883, %get3A_884] {strides = array<i32>} : memref<100x16xf32, #tpu.memory_space<vmem>>, vector<1x16xf32>,
        %get3A_886 = vector.shape_cast %get3A_885 : vector<1x16xf32> to vector<16xf32>
        %mul3A_887 = vector.broadcast %squeeze3A_881 : f32 to vector<16xf32>
        %mul3A_888 = arith.mulf %mul3A_887, %get3A_886 : vector<16xf32>
        %swap3A_889 = arith.index_cast %scan3A_96 : i32 to index
        %swap3A_890 = arith.constant 880 : index
        %swap3A_891 = tpu.vector_load %arg8[%swap3A_889, %swap3A_890] {strides = array<i32>} : memref<16x1600xf32, #tpu.memory_space<vmem>>, vector<1x16xf32>,
        %swap3A_892 = vector.shape_cast %swap3A_891 : vector<1x16xf32> to vector<16xf32>
        %swap3A_893 = vector.shape_cast %mul3A_888 : vector<16xf32> to vector<1x16xf32>
        tpu.vector_store %arg8[%swap3A_889, %swap3A_890], %swap3A_893 {strides = array<i32>} : memref<16x1600xf32, #tpu.memory_space<vmem>>, vector<1x16xf32>,
        %slice3A_894 = vector.extract_strided_slice %get3A_781 {offsets = [8], sizes = [1], strides = [1]} : vector<16xf32> to vector<1xf32>
        %squeeze3A_895 = vector.extract %slice3A_894[0] : f32 from vector<1xf32>
        %get3A_896 = arith.constant 56 : i32
        %get3A_897 = arith.index_cast %get3A_896 : i32 to index
        %get3A_898 = arith.constant 0 : index
        %get3A_899 = tpu.vector_load %arg9[%get3A_897, %get3A_898] {strides = array<i32>} : memref<100x16xf32, #tpu.memory_space<vmem>>, vector<1x16xf32>,
        %get3A_900 = vector.shape_cast %get3A_899 : vector<1x16xf32> to vector<16xf32>
        %mul3A_901 = vector.broadcast %squeeze3A_895 : f32 to vector<16xf32>
        %mul3A_902 = arith.mulf %mul3A_901, %get3A_900 : vector<16xf32>
        %swap3A_903 = arith.index_cast %scan3A_96 : i32 to index
        %swap3A_904 = arith.constant 896 : index
        %swap3A_905 = tpu.vector_load %arg8[%swap3A_903, %swap3A_904] {strides = array<i32>} : memref<16x1600xf32, #tpu.memory_space<vmem>>, vector<1x16xf32>,
        %swap3A_906 = vector.shape_cast %swap3A_905 : vector<1x16xf32> to vector<16xf32>
        %swap3A_907 = vector.shape_cast %mul3A_902 : vector<16xf32> to vector<1x16xf32>
        tpu.vector_store %arg8[%swap3A_903, %swap3A_904], %swap3A_907 {strides = array<i32>} : memref<16x1600xf32, #tpu.memory_space<vmem>>, vector<1x16xf32>,
        %slice3A_908 = vector.extract_strided_slice %get3A_781 {offsets = [9], sizes = [1], strides = [1]} : vector<16xf32> to vector<1xf32>
        %squeeze3A_909 = vector.extract %slice3A_908[0] : f32 from vector<1xf32>
        %get3A_910 = arith.constant 57 : i32
        %get3A_911 = arith.index_cast %get3A_910 : i32 to index
        %get3A_912 = arith.constant 0 : index
        %get3A_913 = tpu.vector_load %arg9[%get3A_911, %get3A_912] {strides = array<i32>} : memref<100x16xf32, #tpu.memory_space<vmem>>, vector<1x16xf32>,
        %get3A_914 = vector.shape_cast %get3A_913 : vector<1x16xf32> to vector<16xf32>
        %mul3A_915 = vector.broadcast %squeeze3A_909 : f32 to vector<16xf32>
        %mul3A_916 = arith.mulf %mul3A_915, %get3A_914 : vector<16xf32>
        %swap3A_917 = arith.index_cast %scan3A_96 : i32 to index
        %swap3A_918 = arith.constant 912 : index
        %swap3A_919 = tpu.vector_load %arg8[%swap3A_917, %swap3A_918] {strides = array<i32>} : memref<16x1600xf32, #tpu.memory_space<vmem>>, vector<1x16xf32>,
        %swap3A_920 = vector.shape_cast %swap3A_919 : vector<1x16xf32> to vector<16xf32>
        %swap3A_921 = vector.shape_cast %mul3A_916 : vector<16xf32> to vector<1x16xf32>
        tpu.vector_store %arg8[%swap3A_917, %swap3A_918], %swap3A_921 {strides = array<i32>} : memref<16x1600xf32, #tpu.memory_space<vmem>>, vector<1x16xf32>,
        %slice3A_922 = vector.extract_strided_slice %get3A_781 {offsets = [10], sizes = [1], strides = [1]} : vector<16xf32> to vector<1xf32>
        %squeeze3A_923 = vector.extract %slice3A_922[0] : f32 from vector<1xf32>
        %get3A_924 = arith.constant 58 : i32
        %get3A_925 = arith.index_cast %get3A_924 : i32 to index
        %get3A_926 = arith.constant 0 : index
        %get3A_927 = tpu.vector_load %arg9[%get3A_925, %get3A_926] {strides = array<i32>} : memref<100x16xf32, #tpu.memory_space<vmem>>, vector<1x16xf32>,
        %get3A_928 = vector.shape_cast %get3A_927 : vector<1x16xf32> to vector<16xf32>
        %mul3A_929 = vector.broadcast %squeeze3A_923 : f32 to vector<16xf32>
        %mul3A_930 = arith.mulf %mul3A_929, %get3A_928 : vector<16xf32>
        %swap3A_931 = arith.index_cast %scan3A_96 : i32 to index
        %swap3A_932 = arith.constant 928 : index
        %swap3A_933 = tpu.vector_load %arg8[%swap3A_931, %swap3A_932] {strides = array<i32>} : memref<16x1600xf32, #tpu.memory_space<vmem>>, vector<1x16xf32>,
        %swap3A_934 = vector.shape_cast %swap3A_933 : vector<1x16xf32> to vector<16xf32>
        %swap3A_935 = vector.shape_cast %mul3A_930 : vector<16xf32> to vector<1x16xf32>
        tpu.vector_store %arg8[%swap3A_931, %swap3A_932], %swap3A_935 {strides = array<i32>} : memref<16x1600xf32, #tpu.memory_space<vmem>>, vector<1x16xf32>,
        %slice3A_936 = vector.extract_strided_slice %get3A_781 {offsets = [11], sizes = [1], strides = [1]} : vector<16xf32> to vector<1xf32>
        %squeeze3A_937 = vector.extract %slice3A_936[0] : f32 from vector<1xf32>
        %get3A_938 = arith.constant 59 : i32
        %get3A_939 = arith.index_cast %get3A_938 : i32 to index
        %get3A_940 = arith.constant 0 : index
        %get3A_941 = tpu.vector_load %arg9[%get3A_939, %get3A_940] {strides = array<i32>} : memref<100x16xf32, #tpu.memory_space<vmem>>, vector<1x16xf32>,
        %get3A_942 = vector.shape_cast %get3A_941 : vector<1x16xf32> to vector<16xf32>
        %mul3A_943 = vector.broadcast %squeeze3A_937 : f32 to vector<16xf32>
        %mul3A_944 = arith.mulf %mul3A_943, %get3A_942 : vector<16xf32>
        %swap3A_945 = arith.index_cast %scan3A_96 : i32 to index
        %swap3A_946 = arith.constant 944 : index
        %swap3A_947 = tpu.vector_load %arg8[%swap3A_945, %swap3A_946] {strides = array<i32>} : memref<16x1600xf32, #tpu.memory_space<vmem>>, vector<1x16xf32>,
        %swap3A_948 = vector.shape_cast %swap3A_947 : vector<1x16xf32> to vector<16xf32>
        %swap3A_949 = vector.shape_cast %mul3A_944 : vector<16xf32> to vector<1x16xf32>
        tpu.vector_store %arg8[%swap3A_945, %swap3A_946], %swap3A_949 {strides = array<i32>} : memref<16x1600xf32, #tpu.memory_space<vmem>>, vector<1x16xf32>,
        %slice3A_950 = vector.extract_strided_slice %get3A_781 {offsets = [12], sizes = [1], strides = [1]} : vector<16xf32> to vector<1xf32>
        %squeeze3A_951 = vector.extract %slice3A_950[0] : f32 from vector<1xf32>
        %get3A_952 = arith.constant 60 : i32
        %get3A_953 = arith.index_cast %get3A_952 : i32 to index
        %get3A_954 = arith.constant 0 : index
        %get3A_955 = tpu.vector_load %arg9[%get3A_953, %get3A_954] {strides = array<i32>} : memref<100x16xf32, #tpu.memory_space<vmem>>, vector<1x16xf32>,
        %get3A_956 = vector.shape_cast %get3A_955 : vector<1x16xf32> to vector<16xf32>
        %mul3A_957 = vector.broadcast %squeeze3A_951 : f32 to vector<16xf32>
        %mul3A_958 = arith.mulf %mul3A_957, %get3A_956 : vector<16xf32>
        %swap3A_959 = arith.index_cast %scan3A_96 : i32 to index
        %swap3A_960 = arith.constant 960 : index
        %swap3A_961 = tpu.vector_load %arg8[%swap3A_959, %swap3A_960] {strides = array<i32>} : memref<16x1600xf32, #tpu.memory_space<vmem>>, vector<1x16xf32>,
        %swap3A_962 = vector.shape_cast %swap3A_961 : vector<1x16xf32> to vector<16xf32>
        %swap3A_963 = vector.shape_cast %mul3A_958 : vector<16xf32> to vector<1x16xf32>
        tpu.vector_store %arg8[%swap3A_959, %swap3A_960], %swap3A_963 {strides = array<i32>} : memref<16x1600xf32, #tpu.memory_space<vmem>>, vector<1x16xf32>,
        %slice3A_964 = vector.extract_strided_slice %get3A_781 {offsets = [13], sizes = [1], strides = [1]} : vector<16xf32> to vector<1xf32>
        %squeeze3A_965 = vector.extract %slice3A_964[0] : f32 from vector<1xf32>
        %get3A_966 = arith.constant 61 : i32
        %get3A_967 = arith.index_cast %get3A_966 : i32 to index
        %get3A_968 = arith.constant 0 : index
        %get3A_969 = tpu.vector_load %arg9[%get3A_967, %get3A_968] {strides = array<i32>} : memref<100x16xf32, #tpu.memory_space<vmem>>, vector<1x16xf32>,
        %get3A_970 = vector.shape_cast %get3A_969 : vector<1x16xf32> to vector<16xf32>
        %mul3A_971 = vector.broadcast %squeeze3A_965 : f32 to vector<16xf32>
        %mul3A_972 = arith.mulf %mul3A_971, %get3A_970 : vector<16xf32>
        %swap3A_973 = arith.index_cast %scan3A_96 : i32 to index
        %swap3A_974 = arith.constant 976 : index
        %swap3A_975 = tpu.vector_load %arg8[%swap3A_973, %swap3A_974] {strides = array<i32>} : memref<16x1600xf32, #tpu.memory_space<vmem>>, vector<1x16xf32>,
        %swap3A_976 = vector.shape_cast %swap3A_975 : vector<1x16xf32> to vector<16xf32>
        %swap3A_977 = vector.shape_cast %mul3A_972 : vector<16xf32> to vector<1x16xf32>
        tpu.vector_store %arg8[%swap3A_973, %swap3A_974], %swap3A_977 {strides = array<i32>} : memref<16x1600xf32, #tpu.memory_space<vmem>>, vector<1x16xf32>,
        %slice3A_978 = vector.extract_strided_slice %get3A_781 {offsets = [14], sizes = [1], strides = [1]} : vector<16xf32> to vector<1xf32>
        %squeeze3A_979 = vector.extract %slice3A_978[0] : f32 from vector<1xf32>
        %get3A_980 = arith.constant 62 : i32
        %get3A_981 = arith.index_cast %get3A_980 : i32 to index
        %get3A_982 = arith.constant 0 : index
        %get3A_983 = tpu.vector_load %arg9[%get3A_981, %get3A_982] {strides = array<i32>} : memref<100x16xf32, #tpu.memory_space<vmem>>, vector<1x16xf32>,
        %get3A_984 = vector.shape_cast %get3A_983 : vector<1x16xf32> to vector<16xf32>
        %mul3A_985 = vector.broadcast %squeeze3A_979 : f32 to vector<16xf32>
        %mul3A_986 = arith.mulf %mul3A_985, %get3A_984 : vector<16xf32>
        %swap3A_987 = arith.index_cast %scan3A_96 : i32 to index
        %swap3A_988 = arith.constant 992 : index
        %swap3A_989 = tpu.vector_load %arg8[%swap3A_987, %swap3A_988] {strides = array<i32>} : memref<16x1600xf32, #tpu.memory_space<vmem>>, vector<1x16xf32>,
        %swap3A_990 = vector.shape_cast %swap3A_989 : vector<1x16xf32> to vector<16xf32>
        %swap3A_991 = vector.shape_cast %mul3A_986 : vector<16xf32> to vector<1x16xf32>
        tpu.vector_store %arg8[%swap3A_987, %swap3A_988], %swap3A_991 {strides = array<i32>} : memref<16x1600xf32, #tpu.memory_space<vmem>>, vector<1x16xf32>,
        %slice3A_992 = vector.extract_strided_slice %get3A_781 {offsets = [15], sizes = [1], strides = [1]} : vector<16xf32> to vector<1xf32>
        %squeeze3A_993 = vector.extract %slice3A_992[0] : f32 from vector<1xf32>
        %get3A_994 = arith.constant 63 : i32
        %get3A_995 = arith.index_cast %get3A_994 : i32 to index
        %get3A_996 = arith.constant 0 : index
        %get3A_997 = tpu.vector_load %arg9[%get3A_995, %get3A_996] {strides = array<i32>} : memref<100x16xf32, #tpu.memory_space<vmem>>, vector<1x16xf32>,
        %get3A_998 = vector.shape_cast %get3A_997 : vector<1x16xf32> to vector<16xf32>
        %mul3A_999 = vector.broadcast %squeeze3A_993 : f32 to vector<16xf32>
        %mul3A_1000 = arith.mulf %mul3A_999, %get3A_998 : vector<16xf32>
        %swap3A_1001 = arith.index_cast %scan3A_96 : i32 to index
        %swap3A_1002 = arith.constant 1008 : index
        %swap3A_1003 = tpu.vector_load %arg8[%swap3A_1001, %swap3A_1002] {strides = array<i32>} : memref<16x1600xf32, #tpu.memory_space<vmem>>, vector<1x16xf32>,
        %swap3A_1004 = vector.shape_cast %swap3A_1003 : vector<1x16xf32> to vector<16xf32>
        %swap3A_1005 = vector.shape_cast %mul3A_1000 : vector<16xf32> to vector<1x16xf32>
        tpu.vector_store %arg8[%swap3A_1001, %swap3A_1002], %swap3A_1005 {strides = array<i32>} : memref<16x1600xf32, #tpu.memory_space<vmem>>, vector<1x16xf32>,
        %get3A_1006 = arith.index_cast %scan3A_96 : i32 to index
        %get3A_1007 = arith.constant 64 : index
        %get3A_1008 = tpu.vector_load %arg6[%get3A_1006, %get3A_1007] {strides = array<i32>} : memref<16x100xf32, #tpu.memory_space<vmem>>, vector<1x16xf32>,
        %get3A_1009 = vector.shape_cast %get3A_1008 : vector<1x16xf32> to vector<16xf32>
        %slice3A_1010 = vector.extract_strided_slice %get3A_1009 {offsets = [0], sizes = [1], strides = [1]} : vector<16xf32> to vector<1xf32>
        %squeeze3A_1011 = vector.extract %slice3A_1010[0] : f32 from vector<1xf32>
        %get3A_1012 = arith.constant 64 : i32
        %get3A_1013 = arith.index_cast %get3A_1012 : i32 to index
        %get3A_1014 = arith.constant 0 : index
        %get3A_1015 = tpu.vector_load %arg9[%get3A_1013, %get3A_1014] {strides = array<i32>} : memref<100x16xf32, #tpu.memory_space<vmem>>, vector<1x16xf32>,
        %get3A_1016 = vector.shape_cast %get3A_1015 : vector<1x16xf32> to vector<16xf32>
        %mul3A_1017 = vector.broadcast %squeeze3A_1011 : f32 to vector<16xf32>
        %mul3A_1018 = arith.mulf %mul3A_1017, %get3A_1016 : vector<16xf32>
        %swap3A_1019 = arith.index_cast %scan3A_96 : i32 to index
        %swap3A_1020 = arith.constant 1024 : index
        %swap3A_1021 = tpu.vector_load %arg8[%swap3A_1019, %swap3A_1020] {strides = array<i32>} : memref<16x1600xf32, #tpu.memory_space<vmem>>, vector<1x16xf32>,
        %swap3A_1022 = vector.shape_cast %swap3A_1021 : vector<1x16xf32> to vector<16xf32>
        %swap3A_1023 = vector.shape_cast %mul3A_1018 : vector<16xf32> to vector<1x16xf32>
        tpu.vector_store %arg8[%swap3A_1019, %swap3A_1020], %swap3A_1023 {strides = array<i32>} : memref<16x1600xf32, #tpu.memory_space<vmem>>, vector<1x16xf32>,
        %slice3A_1024 = vector.extract_strided_slice %get3A_1009 {offsets = [1], sizes = [1], strides = [1]} : vector<16xf32> to vector<1xf32>
        %squeeze3A_1025 = vector.extract %slice3A_1024[0] : f32 from vector<1xf32>
        %get3A_1026 = arith.constant 65 : i32
        %get3A_1027 = arith.index_cast %get3A_1026 : i32 to index
        %get3A_1028 = arith.constant 0 : index
        %get3A_1029 = tpu.vector_load %arg9[%get3A_1027, %get3A_1028] {strides = array<i32>} : memref<100x16xf32, #tpu.memory_space<vmem>>, vector<1x16xf32>,
        %get3A_1030 = vector.shape_cast %get3A_1029 : vector<1x16xf32> to vector<16xf32>
        %mul3A_1031 = vector.broadcast %squeeze3A_1025 : f32 to vector<16xf32>
        %mul3A_1032 = arith.mulf %mul3A_1031, %get3A_1030 : vector<16xf32>
        %swap3A_1033 = arith.index_cast %scan3A_96 : i32 to index
        %swap3A_1034 = arith.constant 1040 : index
        %swap3A_1035 = tpu.vector_load %arg8[%swap3A_1033, %swap3A_1034] {strides = array<i32>} : memref<16x1600xf32, #tpu.memory_space<vmem>>, vector<1x16xf32>,
        %swap3A_1036 = vector.shape_cast %swap3A_1035 : vector<1x16xf32> to vector<16xf32>
        %swap3A_1037 = vector.shape_cast %mul3A_1032 : vector<16xf32> to vector<1x16xf32>
        tpu.vector_store %arg8[%swap3A_1033, %swap3A_1034], %swap3A_1037 {strides = array<i32>} : memref<16x1600xf32, #tpu.memory_space<vmem>>, vector<1x16xf32>,
        %slice3A_1038 = vector.extract_strided_slice %get3A_1009 {offsets = [2], sizes = [1], strides = [1]} : vector<16xf32> to vector<1xf32>
        %squeeze3A_1039 = vector.extract %slice3A_1038[0] : f32 from vector<1xf32>
        %get3A_1040 = arith.constant 66 : i32
        %get3A_1041 = arith.index_cast %get3A_1040 : i32 to index
        %get3A_1042 = arith.constant 0 : index
        %get3A_1043 = tpu.vector_load %arg9[%get3A_1041, %get3A_1042] {strides = array<i32>} : memref<100x16xf32, #tpu.memory_space<vmem>>, vector<1x16xf32>,
        %get3A_1044 = vector.shape_cast %get3A_1043 : vector<1x16xf32> to vector<16xf32>
        %mul3A_1045 = vector.broadcast %squeeze3A_1039 : f32 to vector<16xf32>
        %mul3A_1046 = arith.mulf %mul3A_1045, %get3A_1044 : vector<16xf32>
        %swap3A_1047 = arith.index_cast %scan3A_96 : i32 to index
        %swap3A_1048 = arith.constant 1056 : index
        %swap3A_1049 = tpu.vector_load %arg8[%swap3A_1047, %swap3A_1048] {strides = array<i32>} : memref<16x1600xf32, #tpu.memory_space<vmem>>, vector<1x16xf32>,
        %swap3A_1050 = vector.shape_cast %swap3A_1049 : vector<1x16xf32> to vector<16xf32>
        %swap3A_1051 = vector.shape_cast %mul3A_1046 : vector<16xf32> to vector<1x16xf32>
        tpu.vector_store %arg8[%swap3A_1047, %swap3A_1048], %swap3A_1051 {strides = array<i32>} : memref<16x1600xf32, #tpu.memory_space<vmem>>, vector<1x16xf32>,
        %slice3A_1052 = vector.extract_strided_slice %get3A_1009 {offsets = [3], sizes = [1], strides = [1]} : vector<16xf32> to vector<1xf32>
        %squeeze3A_1053 = vector.extract %slice3A_1052[0] : f32 from vector<1xf32>
        %get3A_1054 = arith.constant 67 : i32
        %get3A_1055 = arith.index_cast %get3A_1054 : i32 to index
        %get3A_1056 = arith.constant 0 : index
        %get3A_1057 = tpu.vector_load %arg9[%get3A_1055, %get3A_1056] {strides = array<i32>} : memref<100x16xf32, #tpu.memory_space<vmem>>, vector<1x16xf32>,
        %get3A_1058 = vector.shape_cast %get3A_1057 : vector<1x16xf32> to vector<16xf32>
        %mul3A_1059 = vector.broadcast %squeeze3A_1053 : f32 to vector<16xf32>
        %mul3A_1060 = arith.mulf %mul3A_1059, %get3A_1058 : vector<16xf32>
        %swap3A_1061 = arith.index_cast %scan3A_96 : i32 to index
        %swap3A_1062 = arith.constant 1072 : index
        %swap3A_1063 = tpu.vector_load %arg8[%swap3A_1061, %swap3A_1062] {strides = array<i32>} : memref<16x1600xf32, #tpu.memory_space<vmem>>, vector<1x16xf32>,
        %swap3A_1064 = vector.shape_cast %swap3A_1063 : vector<1x16xf32> to vector<16xf32>
        %swap3A_1065 = vector.shape_cast %mul3A_1060 : vector<16xf32> to vector<1x16xf32>
        tpu.vector_store %arg8[%swap3A_1061, %swap3A_1062], %swap3A_1065 {strides = array<i32>} : memref<16x1600xf32, #tpu.memory_space<vmem>>, vector<1x16xf32>,
        %slice3A_1066 = vector.extract_strided_slice %get3A_1009 {offsets = [4], sizes = [1], strides = [1]} : vector<16xf32> to vector<1xf32>
        %squeeze3A_1067 = vector.extract %slice3A_1066[0] : f32 from vector<1xf32>
        %get3A_1068 = arith.constant 68 : i32
        %get3A_1069 = arith.index_cast %get3A_1068 : i32 to index
        %get3A_1070 = arith.constant 0 : index
        %get3A_1071 = tpu.vector_load %arg9[%get3A_1069, %get3A_1070] {strides = array<i32>} : memref<100x16xf32, #tpu.memory_space<vmem>>, vector<1x16xf32>,
        %get3A_1072 = vector.shape_cast %get3A_1071 : vector<1x16xf32> to vector<16xf32>
        %mul3A_1073 = vector.broadcast %squeeze3A_1067 : f32 to vector<16xf32>
        %mul3A_1074 = arith.mulf %mul3A_1073, %get3A_1072 : vector<16xf32>
        %swap3A_1075 = arith.index_cast %scan3A_96 : i32 to index
        %swap3A_1076 = arith.constant 1088 : index
        %swap3A_1077 = tpu.vector_load %arg8[%swap3A_1075, %swap3A_1076] {strides = array<i32>} : memref<16x1600xf32, #tpu.memory_space<vmem>>, vector<1x16xf32>,
        %swap3A_1078 = vector.shape_cast %swap3A_1077 : vector<1x16xf32> to vector<16xf32>
        %swap3A_1079 = vector.shape_cast %mul3A_1074 : vector<16xf32> to vector<1x16xf32>
        tpu.vector_store %arg8[%swap3A_1075, %swap3A_1076], %swap3A_1079 {strides = array<i32>} : memref<16x1600xf32, #tpu.memory_space<vmem>>, vector<1x16xf32>,
        %slice3A_1080 = vector.extract_strided_slice %get3A_1009 {offsets = [5], sizes = [1], strides = [1]} : vector<16xf32> to vector<1xf32>
        %squeeze3A_1081 = vector.extract %slice3A_1080[0] : f32 from vector<1xf32>
        %get3A_1082 = arith.constant 69 : i32
        %get3A_1083 = arith.index_cast %get3A_1082 : i32 to index
        %get3A_1084 = arith.constant 0 : index
        %get3A_1085 = tpu.vector_load %arg9[%get3A_1083, %get3A_1084] {strides = array<i32>} : memref<100x16xf32, #tpu.memory_space<vmem>>, vector<1x16xf32>,
        %get3A_1086 = vector.shape_cast %get3A_1085 : vector<1x16xf32> to vector<16xf32>
        %mul3A_1087 = vector.broadcast %squeeze3A_1081 : f32 to vector<16xf32>
        %mul3A_1088 = arith.mulf %mul3A_1087, %get3A_1086 : vector<16xf32>
        %swap3A_1089 = arith.index_cast %scan3A_96 : i32 to index
        %swap3A_1090 = arith.constant 1104 : index
        %swap3A_1091 = tpu.vector_load %arg8[%swap3A_1089, %swap3A_1090] {strides = array<i32>} : memref<16x1600xf32, #tpu.memory_space<vmem>>, vector<1x16xf32>,
        %swap3A_1092 = vector.shape_cast %swap3A_1091 : vector<1x16xf32> to vector<16xf32>
        %swap3A_1093 = vector.shape_cast %mul3A_1088 : vector<16xf32> to vector<1x16xf32>
        tpu.vector_store %arg8[%swap3A_1089, %swap3A_1090], %swap3A_1093 {strides = array<i32>} : memref<16x1600xf32, #tpu.memory_space<vmem>>, vector<1x16xf32>,
        %slice3A_1094 = vector.extract_strided_slice %get3A_1009 {offsets = [6], sizes = [1], strides = [1]} : vector<16xf32> to vector<1xf32>
        %squeeze3A_1095 = vector.extract %slice3A_1094[0] : f32 from vector<1xf32>
        %get3A_1096 = arith.constant 70 : i32
        %get3A_1097 = arith.index_cast %get3A_1096 : i32 to index
        %get3A_1098 = arith.constant 0 : index
        %get3A_1099 = tpu.vector_load %arg9[%get3A_1097, %get3A_1098] {strides = array<i32>} : memref<100x16xf32, #tpu.memory_space<vmem>>, vector<1x16xf32>,
        %get3A_1100 = vector.shape_cast %get3A_1099 : vector<1x16xf32> to vector<16xf32>
        %mul3A_1101 = vector.broadcast %squeeze3A_1095 : f32 to vector<16xf32>
        %mul3A_1102 = arith.mulf %mul3A_1101, %get3A_1100 : vector<16xf32>
        %swap3A_1103 = arith.index_cast %scan3A_96 : i32 to index
        %swap3A_1104 = arith.constant 1120 : index
        %swap3A_1105 = tpu.vector_load %arg8[%swap3A_1103, %swap3A_1104] {strides = array<i32>} : memref<16x1600xf32, #tpu.memory_space<vmem>>, vector<1x16xf32>,
        %swap3A_1106 = vector.shape_cast %swap3A_1105 : vector<1x16xf32> to vector<16xf32>
        %swap3A_1107 = vector.shape_cast %mul3A_1102 : vector<16xf32> to vector<1x16xf32>
        tpu.vector_store %arg8[%swap3A_1103, %swap3A_1104], %swap3A_1107 {strides = array<i32>} : memref<16x1600xf32, #tpu.memory_space<vmem>>, vector<1x16xf32>,
        %slice3A_1108 = vector.extract_strided_slice %get3A_1009 {offsets = [7], sizes = [1], strides = [1]} : vector<16xf32> to vector<1xf32>
        %squeeze3A_1109 = vector.extract %slice3A_1108[0] : f32 from vector<1xf32>
        %get3A_1110 = arith.constant 71 : i32
        %get3A_1111 = arith.index_cast %get3A_1110 : i32 to index
        %get3A_1112 = arith.constant 0 : index
        %get3A_1113 = tpu.vector_load %arg9[%get3A_1111, %get3A_1112] {strides = array<i32>} : memref<100x16xf32, #tpu.memory_space<vmem>>, vector<1x16xf32>,
        %get3A_1114 = vector.shape_cast %get3A_1113 : vector<1x16xf32> to vector<16xf32>
        %mul3A_1115 = vector.broadcast %squeeze3A_1109 : f32 to vector<16xf32>
        %mul3A_1116 = arith.mulf %mul3A_1115, %get3A_1114 : vector<16xf32>
        %swap3A_1117 = arith.index_cast %scan3A_96 : i32 to index
        %swap3A_1118 = arith.constant 1136 : index
        %swap3A_1119 = tpu.vector_load %arg8[%swap3A_1117, %swap3A_1118] {strides = array<i32>} : memref<16x1600xf32, #tpu.memory_space<vmem>>, vector<1x16xf32>,
        %swap3A_1120 = vector.shape_cast %swap3A_1119 : vector<1x16xf32> to vector<16xf32>
        %swap3A_1121 = vector.shape_cast %mul3A_1116 : vector<16xf32> to vector<1x16xf32>
        tpu.vector_store %arg8[%swap3A_1117, %swap3A_1118], %swap3A_1121 {strides = array<i32>} : memref<16x1600xf32, #tpu.memory_space<vmem>>, vector<1x16xf32>,
        %slice3A_1122 = vector.extract_strided_slice %get3A_1009 {offsets = [8], sizes = [1], strides = [1]} : vector<16xf32> to vector<1xf32>
        %squeeze3A_1123 = vector.extract %slice3A_1122[0] : f32 from vector<1xf32>
        %get3A_1124 = arith.constant 72 : i32
        %get3A_1125 = arith.index_cast %get3A_1124 : i32 to index
        %get3A_1126 = arith.constant 0 : index
        %get3A_1127 = tpu.vector_load %arg9[%get3A_1125, %get3A_1126] {strides = array<i32>} : memref<100x16xf32, #tpu.memory_space<vmem>>, vector<1x16xf32>,
        %get3A_1128 = vector.shape_cast %get3A_1127 : vector<1x16xf32> to vector<16xf32>
        %mul3A_1129 = vector.broadcast %squeeze3A_1123 : f32 to vector<16xf32>
        %mul3A_1130 = arith.mulf %mul3A_1129, %get3A_1128 : vector<16xf32>
        %swap3A_1131 = arith.index_cast %scan3A_96 : i32 to index
        %swap3A_1132 = arith.constant 1152 : index
        %swap3A_1133 = tpu.vector_load %arg8[%swap3A_1131, %swap3A_1132] {strides = array<i32>} : memref<16x1600xf32, #tpu.memory_space<vmem>>, vector<1x16xf32>,
        %swap3A_1134 = vector.shape_cast %swap3A_1133 : vector<1x16xf32> to vector<16xf32>
        %swap3A_1135 = vector.shape_cast %mul3A_1130 : vector<16xf32> to vector<1x16xf32>
        tpu.vector_store %arg8[%swap3A_1131, %swap3A_1132], %swap3A_1135 {strides = array<i32>} : memref<16x1600xf32, #tpu.memory_space<vmem>>, vector<1x16xf32>,
        %slice3A_1136 = vector.extract_strided_slice %get3A_1009 {offsets = [9], sizes = [1], strides = [1]} : vector<16xf32> to vector<1xf32>
        %squeeze3A_1137 = vector.extract %slice3A_1136[0] : f32 from vector<1xf32>
        %get3A_1138 = arith.constant 73 : i32
        %get3A_1139 = arith.index_cast %get3A_1138 : i32 to index
        %get3A_1140 = arith.constant 0 : index
        %get3A_1141 = tpu.vector_load %arg9[%get3A_1139, %get3A_1140] {strides = array<i32>} : memref<100x16xf32, #tpu.memory_space<vmem>>, vector<1x16xf32>,
        %get3A_1142 = vector.shape_cast %get3A_1141 : vector<1x16xf32> to vector<16xf32>
        %mul3A_1143 = vector.broadcast %squeeze3A_1137 : f32 to vector<16xf32>
        %mul3A_1144 = arith.mulf %mul3A_1143, %get3A_1142 : vector<16xf32>
        %swap3A_1145 = arith.index_cast %scan3A_96 : i32 to index
        %swap3A_1146 = arith.constant 1168 : index
        %swap3A_1147 = tpu.vector_load %arg8[%swap3A_1145, %swap3A_1146] {strides = array<i32>} : memref<16x1600xf32, #tpu.memory_space<vmem>>, vector<1x16xf32>,
        %swap3A_1148 = vector.shape_cast %swap3A_1147 : vector<1x16xf32> to vector<16xf32>
        %swap3A_1149 = vector.shape_cast %mul3A_1144 : vector<16xf32> to vector<1x16xf32>
        tpu.vector_store %arg8[%swap3A_1145, %swap3A_1146], %swap3A_1149 {strides = array<i32>} : memref<16x1600xf32, #tpu.memory_space<vmem>>, vector<1x16xf32>,
        %slice3A_1150 = vector.extract_strided_slice %get3A_1009 {offsets = [10], sizes = [1], strides = [1]} : vector<16xf32> to vector<1xf32>
        %squeeze3A_1151 = vector.extract %slice3A_1150[0] : f32 from vector<1xf32>
        %get3A_1152 = arith.constant 74 : i32
        %get3A_1153 = arith.index_cast %get3A_1152 : i32 to index
        %get3A_1154 = arith.constant 0 : index
        %get3A_1155 = tpu.vector_load %arg9[%get3A_1153, %get3A_1154] {strides = array<i32>} : memref<100x16xf32, #tpu.memory_space<vmem>>, vector<1x16xf32>,
        %get3A_1156 = vector.shape_cast %get3A_1155 : vector<1x16xf32> to vector<16xf32>
        %mul3A_1157 = vector.broadcast %squeeze3A_1151 : f32 to vector<16xf32>
        %mul3A_1158 = arith.mulf %mul3A_1157, %get3A_1156 : vector<16xf32>
        %swap3A_1159 = arith.index_cast %scan3A_96 : i32 to index
        %swap3A_1160 = arith.constant 1184 : index
        %swap3A_1161 = tpu.vector_load %arg8[%swap3A_1159, %swap3A_1160] {strides = array<i32>} : memref<16x1600xf32, #tpu.memory_space<vmem>>, vector<1x16xf32>,
        %swap3A_1162 = vector.shape_cast %swap3A_1161 : vector<1x16xf32> to vector<16xf32>
        %swap3A_1163 = vector.shape_cast %mul3A_1158 : vector<16xf32> to vector<1x16xf32>
        tpu.vector_store %arg8[%swap3A_1159, %swap3A_1160], %swap3A_1163 {strides = array<i32>} : memref<16x1600xf32, #tpu.memory_space<vmem>>, vector<1x16xf32>,
        %slice3A_1164 = vector.extract_strided_slice %get3A_1009 {offsets = [11], sizes = [1], strides = [1]} : vector<16xf32> to vector<1xf32>
        %squeeze3A_1165 = vector.extract %slice3A_1164[0] : f32 from vector<1xf32>
        %get3A_1166 = arith.constant 75 : i32
        %get3A_1167 = arith.index_cast %get3A_1166 : i32 to index
        %get3A_1168 = arith.constant 0 : index
        %get3A_1169 = tpu.vector_load %arg9[%get3A_1167, %get3A_1168] {strides = array<i32>} : memref<100x16xf32, #tpu.memory_space<vmem>>, vector<1x16xf32>,
        %get3A_1170 = vector.shape_cast %get3A_1169 : vector<1x16xf32> to vector<16xf32>
        %mul3A_1171 = vector.broadcast %squeeze3A_1165 : f32 to vector<16xf32>
        %mul3A_1172 = arith.mulf %mul3A_1171, %get3A_1170 : vector<16xf32>
        %swap3A_1173 = arith.index_cast %scan3A_96 : i32 to index
        %swap3A_1174 = arith.constant 1200 : index
        %swap3A_1175 = tpu.vector_load %arg8[%swap3A_1173, %swap3A_1174] {strides = array<i32>} : memref<16x1600xf32, #tpu.memory_space<vmem>>, vector<1x16xf32>,
        %swap3A_1176 = vector.shape_cast %swap3A_1175 : vector<1x16xf32> to vector<16xf32>
        %swap3A_1177 = vector.shape_cast %mul3A_1172 : vector<16xf32> to vector<1x16xf32>
        tpu.vector_store %arg8[%swap3A_1173, %swap3A_1174], %swap3A_1177 {strides = array<i32>} : memref<16x1600xf32, #tpu.memory_space<vmem>>, vector<1x16xf32>,
        %slice3A_1178 = vector.extract_strided_slice %get3A_1009 {offsets = [12], sizes = [1], strides = [1]} : vector<16xf32> to vector<1xf32>
        %squeeze3A_1179 = vector.extract %slice3A_1178[0] : f32 from vector<1xf32>
        %get3A_1180 = arith.constant 76 : i32
        %get3A_1181 = arith.index_cast %get3A_1180 : i32 to index
        %get3A_1182 = arith.constant 0 : index
        %get3A_1183 = tpu.vector_load %arg9[%get3A_1181, %get3A_1182] {strides = array<i32>} : memref<100x16xf32, #tpu.memory_space<vmem>>, vector<1x16xf32>,
        %get3A_1184 = vector.shape_cast %get3A_1183 : vector<1x16xf32> to vector<16xf32>
        %mul3A_1185 = vector.broadcast %squeeze3A_1179 : f32 to vector<16xf32>
        %mul3A_1186 = arith.mulf %mul3A_1185, %get3A_1184 : vector<16xf32>
        %swap3A_1187 = arith.index_cast %scan3A_96 : i32 to index
        %swap3A_1188 = arith.constant 1216 : index
        %swap3A_1189 = tpu.vector_load %arg8[%swap3A_1187, %swap3A_1188] {strides = array<i32>} : memref<16x1600xf32, #tpu.memory_space<vmem>>, vector<1x16xf32>,
        %swap3A_1190 = vector.shape_cast %swap3A_1189 : vector<1x16xf32> to vector<16xf32>
        %swap3A_1191 = vector.shape_cast %mul3A_1186 : vector<16xf32> to vector<1x16xf32>
        tpu.vector_store %arg8[%swap3A_1187, %swap3A_1188], %swap3A_1191 {strides = array<i32>} : memref<16x1600xf32, #tpu.memory_space<vmem>>, vector<1x16xf32>,
        %slice3A_1192 = vector.extract_strided_slice %get3A_1009 {offsets = [13], sizes = [1], strides = [1]} : vector<16xf32> to vector<1xf32>
        %squeeze3A_1193 = vector.extract %slice3A_1192[0] : f32 from vector<1xf32>
        %get3A_1194 = arith.constant 77 : i32
        %get3A_1195 = arith.index_cast %get3A_1194 : i32 to index
        %get3A_1196 = arith.constant 0 : index
        %get3A_1197 = tpu.vector_load %arg9[%get3A_1195, %get3A_1196] {strides = array<i32>} : memref<100x16xf32, #tpu.memory_space<vmem>>, vector<1x16xf32>,
        %get3A_1198 = vector.shape_cast %get3A_1197 : vector<1x16xf32> to vector<16xf32>
        %mul3A_1199 = vector.broadcast %squeeze3A_1193 : f32 to vector<16xf32>
        %mul3A_1200 = arith.mulf %mul3A_1199, %get3A_1198 : vector<16xf32>
        %swap3A_1201 = arith.index_cast %scan3A_96 : i32 to index
        %swap3A_1202 = arith.constant 1232 : index
        %swap3A_1203 = tpu.vector_load %arg8[%swap3A_1201, %swap3A_1202] {strides = array<i32>} : memref<16x1600xf32, #tpu.memory_space<vmem>>, vector<1x16xf32>,
        %swap3A_1204 = vector.shape_cast %swap3A_1203 : vector<1x16xf32> to vector<16xf32>
        %swap3A_1205 = vector.shape_cast %mul3A_1200 : vector<16xf32> to vector<1x16xf32>
        tpu.vector_store %arg8[%swap3A_1201, %swap3A_1202], %swap3A_1205 {strides = array<i32>} : memref<16x1600xf32, #tpu.memory_space<vmem>>, vector<1x16xf32>,
        %slice3A_1206 = vector.extract_strided_slice %get3A_1009 {offsets = [14], sizes = [1], strides = [1]} : vector<16xf32> to vector<1xf32>
        %squeeze3A_1207 = vector.extract %slice3A_1206[0] : f32 from vector<1xf32>
        %get3A_1208 = arith.constant 78 : i32
        %get3A_1209 = arith.index_cast %get3A_1208 : i32 to index
        %get3A_1210 = arith.constant 0 : index
        %get3A_1211 = tpu.vector_load %arg9[%get3A_1209, %get3A_1210] {strides = array<i32>} : memref<100x16xf32, #tpu.memory_space<vmem>>, vector<1x16xf32>,
        %get3A_1212 = vector.shape_cast %get3A_1211 : vector<1x16xf32> to vector<16xf32>
        %mul3A_1213 = vector.broadcast %squeeze3A_1207 : f32 to vector<16xf32>
        %mul3A_1214 = arith.mulf %mul3A_1213, %get3A_1212 : vector<16xf32>
        %swap3A_1215 = arith.index_cast %scan3A_96 : i32 to index
        %swap3A_1216 = arith.constant 1248 : index
        %swap3A_1217 = tpu.vector_load %arg8[%swap3A_1215, %swap3A_1216] {strides = array<i32>} : memref<16x1600xf32, #tpu.memory_space<vmem>>, vector<1x16xf32>,
        %swap3A_1218 = vector.shape_cast %swap3A_1217 : vector<1x16xf32> to vector<16xf32>
        %swap3A_1219 = vector.shape_cast %mul3A_1214 : vector<16xf32> to vector<1x16xf32>
        tpu.vector_store %arg8[%swap3A_1215, %swap3A_1216], %swap3A_1219 {strides = array<i32>} : memref<16x1600xf32, #tpu.memory_space<vmem>>, vector<1x16xf32>,
        %slice3A_1220 = vector.extract_strided_slice %get3A_1009 {offsets = [15], sizes = [1], strides = [1]} : vector<16xf32> to vector<1xf32>
        %squeeze3A_1221 = vector.extract %slice3A_1220[0] : f32 from vector<1xf32>
        %get3A_1222 = arith.constant 79 : i32
        %get3A_1223 = arith.index_cast %get3A_1222 : i32 to index
        %get3A_1224 = arith.constant 0 : index
        %get3A_1225 = tpu.vector_load %arg9[%get3A_1223, %get3A_1224] {strides = array<i32>} : memref<100x16xf32, #tpu.memory_space<vmem>>, vector<1x16xf32>,
        %get3A_1226 = vector.shape_cast %get3A_1225 : vector<1x16xf32> to vector<16xf32>
        %mul3A_1227 = vector.broadcast %squeeze3A_1221 : f32 to vector<16xf32>
        %mul3A_1228 = arith.mulf %mul3A_1227, %get3A_1226 : vector<16xf32>
        %swap3A_1229 = arith.index_cast %scan3A_96 : i32 to index
        %swap3A_1230 = arith.constant 1264 : index
        %swap3A_1231 = tpu.vector_load %arg8[%swap3A_1229, %swap3A_1230] {strides = array<i32>} : memref<16x1600xf32, #tpu.memory_space<vmem>>, vector<1x16xf32>,
        %swap3A_1232 = vector.shape_cast %swap3A_1231 : vector<1x16xf32> to vector<16xf32>
        %swap3A_1233 = vector.shape_cast %mul3A_1228 : vector<16xf32> to vector<1x16xf32>
        tpu.vector_store %arg8[%swap3A_1229, %swap3A_1230], %swap3A_1233 {strides = array<i32>} : memref<16x1600xf32, #tpu.memory_space<vmem>>, vector<1x16xf32>,
        %get3A_1234 = arith.index_cast %scan3A_96 : i32 to index
        %get3A_1235 = arith.constant 80 : index
        %get3A_1236 = tpu.vector_load %arg6[%get3A_1234, %get3A_1235] {strides = array<i32>} : memref<16x100xf32, #tpu.memory_space<vmem>>, vector<1x16xf32>,
        %get3A_1237 = vector.shape_cast %get3A_1236 : vector<1x16xf32> to vector<16xf32>
        %slice3A_1238 = vector.extract_strided_slice %get3A_1237 {offsets = [0], sizes = [1], strides = [1]} : vector<16xf32> to vector<1xf32>
        %squeeze3A_1239 = vector.extract %slice3A_1238[0] : f32 from vector<1xf32>
        %get3A_1240 = arith.constant 80 : i32
        %get3A_1241 = arith.index_cast %get3A_1240 : i32 to index
        %get3A_1242 = arith.constant 0 : index
        %get3A_1243 = tpu.vector_load %arg9[%get3A_1241, %get3A_1242] {strides = array<i32>} : memref<100x16xf32, #tpu.memory_space<vmem>>, vector<1x16xf32>,
        %get3A_1244 = vector.shape_cast %get3A_1243 : vector<1x16xf32> to vector<16xf32>
        %mul3A_1245 = vector.broadcast %squeeze3A_1239 : f32 to vector<16xf32>
        %mul3A_1246 = arith.mulf %mul3A_1245, %get3A_1244 : vector<16xf32>
        %swap3A_1247 = arith.index_cast %scan3A_96 : i32 to index
        %swap3A_1248 = arith.constant 1280 : index
        %swap3A_1249 = tpu.vector_load %arg8[%swap3A_1247, %swap3A_1248] {strides = array<i32>} : memref<16x1600xf32, #tpu.memory_space<vmem>>, vector<1x16xf32>,
        %swap3A_1250 = vector.shape_cast %swap3A_1249 : vector<1x16xf32> to vector<16xf32>
        %swap3A_1251 = vector.shape_cast %mul3A_1246 : vector<16xf32> to vector<1x16xf32>
        tpu.vector_store %arg8[%swap3A_1247, %swap3A_1248], %swap3A_1251 {strides = array<i32>} : memref<16x1600xf32, #tpu.memory_space<vmem>>, vector<1x16xf32>,
        %slice3A_1252 = vector.extract_strided_slice %get3A_1237 {offsets = [1], sizes = [1], strides = [1]} : vector<16xf32> to vector<1xf32>
        %squeeze3A_1253 = vector.extract %slice3A_1252[0] : f32 from vector<1xf32>
        %get3A_1254 = arith.constant 81 : i32
        %get3A_1255 = arith.index_cast %get3A_1254 : i32 to index
        %get3A_1256 = arith.constant 0 : index
        %get3A_1257 = tpu.vector_load %arg9[%get3A_1255, %get3A_1256] {strides = array<i32>} : memref<100x16xf32, #tpu.memory_space<vmem>>, vector<1x16xf32>,
        %get3A_1258 = vector.shape_cast %get3A_1257 : vector<1x16xf32> to vector<16xf32>
        %mul3A_1259 = vector.broadcast %squeeze3A_1253 : f32 to vector<16xf32>
        %mul3A_1260 = arith.mulf %mul3A_1259, %get3A_1258 : vector<16xf32>
        %swap3A_1261 = arith.index_cast %scan3A_96 : i32 to index
        %swap3A_1262 = arith.constant 1296 : index
        %swap3A_1263 = tpu.vector_load %arg8[%swap3A_1261, %swap3A_1262] {strides = array<i32>} : memref<16x1600xf32, #tpu.memory_space<vmem>>, vector<1x16xf32>,
        %swap3A_1264 = vector.shape_cast %swap3A_1263 : vector<1x16xf32> to vector<16xf32>
        %swap3A_1265 = vector.shape_cast %mul3A_1260 : vector<16xf32> to vector<1x16xf32>
        tpu.vector_store %arg8[%swap3A_1261, %swap3A_1262], %swap3A_1265 {strides = array<i32>} : memref<16x1600xf32, #tpu.memory_space<vmem>>, vector<1x16xf32>,
        %slice3A_1266 = vector.extract_strided_slice %get3A_1237 {offsets = [2], sizes = [1], strides = [1]} : vector<16xf32> to vector<1xf32>
        %squeeze3A_1267 = vector.extract %slice3A_1266[0] : f32 from vector<1xf32>
        %get3A_1268 = arith.constant 82 : i32
        %get3A_1269 = arith.index_cast %get3A_1268 : i32 to index
        %get3A_1270 = arith.constant 0 : index
        %get3A_1271 = tpu.vector_load %arg9[%get3A_1269, %get3A_1270] {strides = array<i32>} : memref<100x16xf32, #tpu.memory_space<vmem>>, vector<1x16xf32>,
        %get3A_1272 = vector.shape_cast %get3A_1271 : vector<1x16xf32> to vector<16xf32>
        %mul3A_1273 = vector.broadcast %squeeze3A_1267 : f32 to vector<16xf32>
        %mul3A_1274 = arith.mulf %mul3A_1273, %get3A_1272 : vector<16xf32>
        %swap3A_1275 = arith.index_cast %scan3A_96 : i32 to index
        %swap3A_1276 = arith.constant 1312 : index
        %swap3A_1277 = tpu.vector_load %arg8[%swap3A_1275, %swap3A_1276] {strides = array<i32>} : memref<16x1600xf32, #tpu.memory_space<vmem>>, vector<1x16xf32>,
        %swap3A_1278 = vector.shape_cast %swap3A_1277 : vector<1x16xf32> to vector<16xf32>
        %swap3A_1279 = vector.shape_cast %mul3A_1274 : vector<16xf32> to vector<1x16xf32>
        tpu.vector_store %arg8[%swap3A_1275, %swap3A_1276], %swap3A_1279 {strides = array<i32>} : memref<16x1600xf32, #tpu.memory_space<vmem>>, vector<1x16xf32>,
        %slice3A_1280 = vector.extract_strided_slice %get3A_1237 {offsets = [3], sizes = [1], strides = [1]} : vector<16xf32> to vector<1xf32>
        %squeeze3A_1281 = vector.extract %slice3A_1280[0] : f32 from vector<1xf32>
        %get3A_1282 = arith.constant 83 : i32
        %get3A_1283 = arith.index_cast %get3A_1282 : i32 to index
        %get3A_1284 = arith.constant 0 : index
        %get3A_1285 = tpu.vector_load %arg9[%get3A_1283, %get3A_1284] {strides = array<i32>} : memref<100x16xf32, #tpu.memory_space<vmem>>, vector<1x16xf32>,
        %get3A_1286 = vector.shape_cast %get3A_1285 : vector<1x16xf32> to vector<16xf32>
        %mul3A_1287 = vector.broadcast %squeeze3A_1281 : f32 to vector<16xf32>
        %mul3A_1288 = arith.mulf %mul3A_1287, %get3A_1286 : vector<16xf32>
        %swap3A_1289 = arith.index_cast %scan3A_96 : i32 to index
        %swap3A_1290 = arith.constant 1328 : index
        %swap3A_1291 = tpu.vector_load %arg8[%swap3A_1289, %swap3A_1290] {strides = array<i32>} : memref<16x1600xf32, #tpu.memory_space<vmem>>, vector<1x16xf32>,
        %swap3A_1292 = vector.shape_cast %swap3A_1291 : vector<1x16xf32> to vector<16xf32>
        %swap3A_1293 = vector.shape_cast %mul3A_1288 : vector<16xf32> to vector<1x16xf32>
        tpu.vector_store %arg8[%swap3A_1289, %swap3A_1290], %swap3A_1293 {strides = array<i32>} : memref<16x1600xf32, #tpu.memory_space<vmem>>, vector<1x16xf32>,
        %slice3A_1294 = vector.extract_strided_slice %get3A_1237 {offsets = [4], sizes = [1], strides = [1]} : vector<16xf32> to vector<1xf32>
        %squeeze3A_1295 = vector.extract %slice3A_1294[0] : f32 from vector<1xf32>
        %get3A_1296 = arith.constant 84 : i32
        %get3A_1297 = arith.index_cast %get3A_1296 : i32 to index
        %get3A_1298 = arith.constant 0 : index
        %get3A_1299 = tpu.vector_load %arg9[%get3A_1297, %get3A_1298] {strides = array<i32>} : memref<100x16xf32, #tpu.memory_space<vmem>>, vector<1x16xf32>,
        %get3A_1300 = vector.shape_cast %get3A_1299 : vector<1x16xf32> to vector<16xf32>
        %mul3A_1301 = vector.broadcast %squeeze3A_1295 : f32 to vector<16xf32>
        %mul3A_1302 = arith.mulf %mul3A_1301, %get3A_1300 : vector<16xf32>
        %swap3A_1303 = arith.index_cast %scan3A_96 : i32 to index
        %swap3A_1304 = arith.constant 1344 : index
        %swap3A_1305 = tpu.vector_load %arg8[%swap3A_1303, %swap3A_1304] {strides = array<i32>} : memref<16x1600xf32, #tpu.memory_space<vmem>>, vector<1x16xf32>,
        %swap3A_1306 = vector.shape_cast %swap3A_1305 : vector<1x16xf32> to vector<16xf32>
        %swap3A_1307 = vector.shape_cast %mul3A_1302 : vector<16xf32> to vector<1x16xf32>
        tpu.vector_store %arg8[%swap3A_1303, %swap3A_1304], %swap3A_1307 {strides = array<i32>} : memref<16x1600xf32, #tpu.memory_space<vmem>>, vector<1x16xf32>,
        %slice3A_1308 = vector.extract_strided_slice %get3A_1237 {offsets = [5], sizes = [1], strides = [1]} : vector<16xf32> to vector<1xf32>
        %squeeze3A_1309 = vector.extract %slice3A_1308[0] : f32 from vector<1xf32>
        %get3A_1310 = arith.constant 85 : i32
        %get3A_1311 = arith.index_cast %get3A_1310 : i32 to index
        %get3A_1312 = arith.constant 0 : index
        %get3A_1313 = tpu.vector_load %arg9[%get3A_1311, %get3A_1312] {strides = array<i32>} : memref<100x16xf32, #tpu.memory_space<vmem>>, vector<1x16xf32>,
        %get3A_1314 = vector.shape_cast %get3A_1313 : vector<1x16xf32> to vector<16xf32>
        %mul3A_1315 = vector.broadcast %squeeze3A_1309 : f32 to vector<16xf32>
        %mul3A_1316 = arith.mulf %mul3A_1315, %get3A_1314 : vector<16xf32>
        %swap3A_1317 = arith.index_cast %scan3A_96 : i32 to index
        %swap3A_1318 = arith.constant 1360 : index
        %swap3A_1319 = tpu.vector_load %arg8[%swap3A_1317, %swap3A_1318] {strides = array<i32>} : memref<16x1600xf32, #tpu.memory_space<vmem>>, vector<1x16xf32>,
        %swap3A_1320 = vector.shape_cast %swap3A_1319 : vector<1x16xf32> to vector<16xf32>
        %swap3A_1321 = vector.shape_cast %mul3A_1316 : vector<16xf32> to vector<1x16xf32>
        tpu.vector_store %arg8[%swap3A_1317, %swap3A_1318], %swap3A_1321 {strides = array<i32>} : memref<16x1600xf32, #tpu.memory_space<vmem>>, vector<1x16xf32>,
        %slice3A_1322 = vector.extract_strided_slice %get3A_1237 {offsets = [6], sizes = [1], strides = [1]} : vector<16xf32> to vector<1xf32>
        %squeeze3A_1323 = vector.extract %slice3A_1322[0] : f32 from vector<1xf32>
        %get3A_1324 = arith.constant 86 : i32
        %get3A_1325 = arith.index_cast %get3A_1324 : i32 to index
        %get3A_1326 = arith.constant 0 : index
        %get3A_1327 = tpu.vector_load %arg9[%get3A_1325, %get3A_1326] {strides = array<i32>} : memref<100x16xf32, #tpu.memory_space<vmem>>, vector<1x16xf32>,
        %get3A_1328 = vector.shape_cast %get3A_1327 : vector<1x16xf32> to vector<16xf32>
        %mul3A_1329 = vector.broadcast %squeeze3A_1323 : f32 to vector<16xf32>
        %mul3A_1330 = arith.mulf %mul3A_1329, %get3A_1328 : vector<16xf32>
        %swap3A_1331 = arith.index_cast %scan3A_96 : i32 to index
        %swap3A_1332 = arith.constant 1376 : index
        %swap3A_1333 = tpu.vector_load %arg8[%swap3A_1331, %swap3A_1332] {strides = array<i32>} : memref<16x1600xf32, #tpu.memory_space<vmem>>, vector<1x16xf32>,
        %swap3A_1334 = vector.shape_cast %swap3A_1333 : vector<1x16xf32> to vector<16xf32>
        %swap3A_1335 = vector.shape_cast %mul3A_1330 : vector<16xf32> to vector<1x16xf32>
        tpu.vector_store %arg8[%swap3A_1331, %swap3A_1332], %swap3A_1335 {strides = array<i32>} : memref<16x1600xf32, #tpu.memory_space<vmem>>, vector<1x16xf32>,
        %slice3A_1336 = vector.extract_strided_slice %get3A_1237 {offsets = [7], sizes = [1], strides = [1]} : vector<16xf32> to vector<1xf32>
        %squeeze3A_1337 = vector.extract %slice3A_1336[0] : f32 from vector<1xf32>
        %get3A_1338 = arith.constant 87 : i32
        %get3A_1339 = arith.index_cast %get3A_1338 : i32 to index
        %get3A_1340 = arith.constant 0 : index
        %get3A_1341 = tpu.vector_load %arg9[%get3A_1339, %get3A_1340] {strides = array<i32>} : memref<100x16xf32, #tpu.memory_space<vmem>>, vector<1x16xf32>,
        %get3A_1342 = vector.shape_cast %get3A_1341 : vector<1x16xf32> to vector<16xf32>
        %mul3A_1343 = vector.broadcast %squeeze3A_1337 : f32 to vector<16xf32>
        %mul3A_1344 = arith.mulf %mul3A_1343, %get3A_1342 : vector<16xf32>
        %swap3A_1345 = arith.index_cast %scan3A_96 : i32 to index
        %swap3A_1346 = arith.constant 1392 : index
        %swap3A_1347 = tpu.vector_load %arg8[%swap3A_1345, %swap3A_1346] {strides = array<i32>} : memref<16x1600xf32, #tpu.memory_space<vmem>>, vector<1x16xf32>,
        %swap3A_1348 = vector.shape_cast %swap3A_1347 : vector<1x16xf32> to vector<16xf32>
        %swap3A_1349 = vector.shape_cast %mul3A_1344 : vector<16xf32> to vector<1x16xf32>
        tpu.vector_store %arg8[%swap3A_1345, %swap3A_1346], %swap3A_1349 {strides = array<i32>} : memref<16x1600xf32, #tpu.memory_space<vmem>>, vector<1x16xf32>,
        %slice3A_1350 = vector.extract_strided_slice %get3A_1237 {offsets = [8], sizes = [1], strides = [1]} : vector<16xf32> to vector<1xf32>
        %squeeze3A_1351 = vector.extract %slice3A_1350[0] : f32 from vector<1xf32>
        %get3A_1352 = arith.constant 88 : i32
        %get3A_1353 = arith.index_cast %get3A_1352 : i32 to index
        %get3A_1354 = arith.constant 0 : index
        %get3A_1355 = tpu.vector_load %arg9[%get3A_1353, %get3A_1354] {strides = array<i32>} : memref<100x16xf32, #tpu.memory_space<vmem>>, vector<1x16xf32>,
        %get3A_1356 = vector.shape_cast %get3A_1355 : vector<1x16xf32> to vector<16xf32>
        %mul3A_1357 = vector.broadcast %squeeze3A_1351 : f32 to vector<16xf32>
        %mul3A_1358 = arith.mulf %mul3A_1357, %get3A_1356 : vector<16xf32>
        %swap3A_1359 = arith.index_cast %scan3A_96 : i32 to index
        %swap3A_1360 = arith.constant 1408 : index
        %swap3A_1361 = tpu.vector_load %arg8[%swap3A_1359, %swap3A_1360] {strides = array<i32>} : memref<16x1600xf32, #tpu.memory_space<vmem>>, vector<1x16xf32>,
        %swap3A_1362 = vector.shape_cast %swap3A_1361 : vector<1x16xf32> to vector<16xf32>
        %swap3A_1363 = vector.shape_cast %mul3A_1358 : vector<16xf32> to vector<1x16xf32>
        tpu.vector_store %arg8[%swap3A_1359, %swap3A_1360], %swap3A_1363 {strides = array<i32>} : memref<16x1600xf32, #tpu.memory_space<vmem>>, vector<1x16xf32>,
        %slice3A_1364 = vector.extract_strided_slice %get3A_1237 {offsets = [9], sizes = [1], strides = [1]} : vector<16xf32> to vector<1xf32>
        %squeeze3A_1365 = vector.extract %slice3A_1364[0] : f32 from vector<1xf32>
        %get3A_1366 = arith.constant 89 : i32
        %get3A_1367 = arith.index_cast %get3A_1366 : i32 to index
        %get3A_1368 = arith.constant 0 : index
        %get3A_1369 = tpu.vector_load %arg9[%get3A_1367, %get3A_1368] {strides = array<i32>} : memref<100x16xf32, #tpu.memory_space<vmem>>, vector<1x16xf32>,
        %get3A_1370 = vector.shape_cast %get3A_1369 : vector<1x16xf32> to vector<16xf32>
        %mul3A_1371 = vector.broadcast %squeeze3A_1365 : f32 to vector<16xf32>
        %mul3A_1372 = arith.mulf %mul3A_1371, %get3A_1370 : vector<16xf32>
        %swap3A_1373 = arith.index_cast %scan3A_96 : i32 to index
        %swap3A_1374 = arith.constant 1424 : index
        %swap3A_1375 = tpu.vector_load %arg8[%swap3A_1373, %swap3A_1374] {strides = array<i32>} : memref<16x1600xf32, #tpu.memory_space<vmem>>, vector<1x16xf32>,
        %swap3A_1376 = vector.shape_cast %swap3A_1375 : vector<1x16xf32> to vector<16xf32>
        %swap3A_1377 = vector.shape_cast %mul3A_1372 : vector<16xf32> to vector<1x16xf32>
        tpu.vector_store %arg8[%swap3A_1373, %swap3A_1374], %swap3A_1377 {strides = array<i32>} : memref<16x1600xf32, #tpu.memory_space<vmem>>, vector<1x16xf32>,
        %slice3A_1378 = vector.extract_strided_slice %get3A_1237 {offsets = [10], sizes = [1], strides = [1]} : vector<16xf32> to vector<1xf32>
        %squeeze3A_1379 = vector.extract %slice3A_1378[0] : f32 from vector<1xf32>
        %get3A_1380 = arith.constant 90 : i32
        %get3A_1381 = arith.index_cast %get3A_1380 : i32 to index
        %get3A_1382 = arith.constant 0 : index
        %get3A_1383 = tpu.vector_load %arg9[%get3A_1381, %get3A_1382] {strides = array<i32>} : memref<100x16xf32, #tpu.memory_space<vmem>>, vector<1x16xf32>,
        %get3A_1384 = vector.shape_cast %get3A_1383 : vector<1x16xf32> to vector<16xf32>
        %mul3A_1385 = vector.broadcast %squeeze3A_1379 : f32 to vector<16xf32>
        %mul3A_1386 = arith.mulf %mul3A_1385, %get3A_1384 : vector<16xf32>
        %swap3A_1387 = arith.index_cast %scan3A_96 : i32 to index
        %swap3A_1388 = arith.constant 1440 : index
        %swap3A_1389 = tpu.vector_load %arg8[%swap3A_1387, %swap3A_1388] {strides = array<i32>} : memref<16x1600xf32, #tpu.memory_space<vmem>>, vector<1x16xf32>,
        %swap3A_1390 = vector.shape_cast %swap3A_1389 : vector<1x16xf32> to vector<16xf32>
        %swap3A_1391 = vector.shape_cast %mul3A_1386 : vector<16xf32> to vector<1x16xf32>
        tpu.vector_store %arg8[%swap3A_1387, %swap3A_1388], %swap3A_1391 {strides = array<i32>} : memref<16x1600xf32, #tpu.memory_space<vmem>>, vector<1x16xf32>,
        %slice3A_1392 = vector.extract_strided_slice %get3A_1237 {offsets = [11], sizes = [1], strides = [1]} : vector<16xf32> to vector<1xf32>
        %squeeze3A_1393 = vector.extract %slice3A_1392[0] : f32 from vector<1xf32>
        %get3A_1394 = arith.constant 91 : i32
        %get3A_1395 = arith.index_cast %get3A_1394 : i32 to index
        %get3A_1396 = arith.constant 0 : index
        %get3A_1397 = tpu.vector_load %arg9[%get3A_1395, %get3A_1396] {strides = array<i32>} : memref<100x16xf32, #tpu.memory_space<vmem>>, vector<1x16xf32>,
        %get3A_1398 = vector.shape_cast %get3A_1397 : vector<1x16xf32> to vector<16xf32>
        %mul3A_1399 = vector.broadcast %squeeze3A_1393 : f32 to vector<16xf32>
        %mul3A_1400 = arith.mulf %mul3A_1399, %get3A_1398 : vector<16xf32>
        %swap3A_1401 = arith.index_cast %scan3A_96 : i32 to index
        %swap3A_1402 = arith.constant 1456 : index
        %swap3A_1403 = tpu.vector_load %arg8[%swap3A_1401, %swap3A_1402] {strides = array<i32>} : memref<16x1600xf32, #tpu.memory_space<vmem>>, vector<1x16xf32>,
        %swap3A_1404 = vector.shape_cast %swap3A_1403 : vector<1x16xf32> to vector<16xf32>
        %swap3A_1405 = vector.shape_cast %mul3A_1400 : vector<16xf32> to vector<1x16xf32>
        tpu.vector_store %arg8[%swap3A_1401, %swap3A_1402], %swap3A_1405 {strides = array<i32>} : memref<16x1600xf32, #tpu.memory_space<vmem>>, vector<1x16xf32>,
        %slice3A_1406 = vector.extract_strided_slice %get3A_1237 {offsets = [12], sizes = [1], strides = [1]} : vector<16xf32> to vector<1xf32>
        %squeeze3A_1407 = vector.extract %slice3A_1406[0] : f32 from vector<1xf32>
        %get3A_1408 = arith.constant 92 : i32
        %get3A_1409 = arith.index_cast %get3A_1408 : i32 to index
        %get3A_1410 = arith.constant 0 : index
        %get3A_1411 = tpu.vector_load %arg9[%get3A_1409, %get3A_1410] {strides = array<i32>} : memref<100x16xf32, #tpu.memory_space<vmem>>, vector<1x16xf32>,
        %get3A_1412 = vector.shape_cast %get3A_1411 : vector<1x16xf32> to vector<16xf32>
        %mul3A_1413 = vector.broadcast %squeeze3A_1407 : f32 to vector<16xf32>
        %mul3A_1414 = arith.mulf %mul3A_1413, %get3A_1412 : vector<16xf32>
        %swap3A_1415 = arith.index_cast %scan3A_96 : i32 to index
        %swap3A_1416 = arith.constant 1472 : index
        %swap3A_1417 = tpu.vector_load %arg8[%swap3A_1415, %swap3A_1416] {strides = array<i32>} : memref<16x1600xf32, #tpu.memory_space<vmem>>, vector<1x16xf32>,
        %swap3A_1418 = vector.shape_cast %swap3A_1417 : vector<1x16xf32> to vector<16xf32>
        %swap3A_1419 = vector.shape_cast %mul3A_1414 : vector<16xf32> to vector<1x16xf32>
        tpu.vector_store %arg8[%swap3A_1415, %swap3A_1416], %swap3A_1419 {strides = array<i32>} : memref<16x1600xf32, #tpu.memory_space<vmem>>, vector<1x16xf32>,
        %slice3A_1420 = vector.extract_strided_slice %get3A_1237 {offsets = [13], sizes = [1], strides = [1]} : vector<16xf32> to vector<1xf32>
        %squeeze3A_1421 = vector.extract %slice3A_1420[0] : f32 from vector<1xf32>
        %get3A_1422 = arith.constant 93 : i32
        %get3A_1423 = arith.index_cast %get3A_1422 : i32 to index
        %get3A_1424 = arith.constant 0 : index
        %get3A_1425 = tpu.vector_load %arg9[%get3A_1423, %get3A_1424] {strides = array<i32>} : memref<100x16xf32, #tpu.memory_space<vmem>>, vector<1x16xf32>,
        %get3A_1426 = vector.shape_cast %get3A_1425 : vector<1x16xf32> to vector<16xf32>
        %mul3A_1427 = vector.broadcast %squeeze3A_1421 : f32 to vector<16xf32>
        %mul3A_1428 = arith.mulf %mul3A_1427, %get3A_1426 : vector<16xf32>
        %swap3A_1429 = arith.index_cast %scan3A_96 : i32 to index
        %swap3A_1430 = arith.constant 1488 : index
        %swap3A_1431 = tpu.vector_load %arg8[%swap3A_1429, %swap3A_1430] {strides = array<i32>} : memref<16x1600xf32, #tpu.memory_space<vmem>>, vector<1x16xf32>,
        %swap3A_1432 = vector.shape_cast %swap3A_1431 : vector<1x16xf32> to vector<16xf32>
        %swap3A_1433 = vector.shape_cast %mul3A_1428 : vector<16xf32> to vector<1x16xf32>
        tpu.vector_store %arg8[%swap3A_1429, %swap3A_1430], %swap3A_1433 {strides = array<i32>} : memref<16x1600xf32, #tpu.memory_space<vmem>>, vector<1x16xf32>,
        %slice3A_1434 = vector.extract_strided_slice %get3A_1237 {offsets = [14], sizes = [1], strides = [1]} : vector<16xf32> to vector<1xf32>
        %squeeze3A_1435 = vector.extract %slice3A_1434[0] : f32 from vector<1xf32>
        %get3A_1436 = arith.constant 94 : i32
        %get3A_1437 = arith.index_cast %get3A_1436 : i32 to index
        %get3A_1438 = arith.constant 0 : index
        %get3A_1439 = tpu.vector_load %arg9[%get3A_1437, %get3A_1438] {strides = array<i32>} : memref<100x16xf32, #tpu.memory_space<vmem>>, vector<1x16xf32>,
        %get3A_1440 = vector.shape_cast %get3A_1439 : vector<1x16xf32> to vector<16xf32>
        %mul3A_1441 = vector.broadcast %squeeze3A_1435 : f32 to vector<16xf32>
        %mul3A_1442 = arith.mulf %mul3A_1441, %get3A_1440 : vector<16xf32>
        %swap3A_1443 = arith.index_cast %scan3A_96 : i32 to index
        %swap3A_1444 = arith.constant 1504 : index
        %swap3A_1445 = tpu.vector_load %arg8[%swap3A_1443, %swap3A_1444] {strides = array<i32>} : memref<16x1600xf32, #tpu.memory_space<vmem>>, vector<1x16xf32>,
        %swap3A_1446 = vector.shape_cast %swap3A_1445 : vector<1x16xf32> to vector<16xf32>
        %swap3A_1447 = vector.shape_cast %mul3A_1442 : vector<16xf32> to vector<1x16xf32>
        tpu.vector_store %arg8[%swap3A_1443, %swap3A_1444], %swap3A_1447 {strides = array<i32>} : memref<16x1600xf32, #tpu.memory_space<vmem>>, vector<1x16xf32>,
        %slice3A_1448 = vector.extract_strided_slice %get3A_1237 {offsets = [15], sizes = [1], strides = [1]} : vector<16xf32> to vector<1xf32>
        %squeeze3A_1449 = vector.extract %slice3A_1448[0] : f32 from vector<1xf32>
        %get3A_1450 = arith.constant 95 : i32
        %get3A_1451 = arith.index_cast %get3A_1450 : i32 to index
        %get3A_1452 = arith.constant 0 : index
        %get3A_1453 = tpu.vector_load %arg9[%get3A_1451, %get3A_1452] {strides = array<i32>} : memref<100x16xf32, #tpu.memory_space<vmem>>, vector<1x16xf32>,
        %get3A_1454 = vector.shape_cast %get3A_1453 : vector<1x16xf32> to vector<16xf32>
        %mul3A_1455 = vector.broadcast %squeeze3A_1449 : f32 to vector<16xf32>
        %mul3A_1456 = arith.mulf %mul3A_1455, %get3A_1454 : vector<16xf32>
        %swap3A_1457 = arith.index_cast %scan3A_96 : i32 to index
        %swap3A_1458 = arith.constant 1520 : index
        %swap3A_1459 = tpu.vector_load %arg8[%swap3A_1457, %swap3A_1458] {strides = array<i32>} : memref<16x1600xf32, #tpu.memory_space<vmem>>, vector<1x16xf32>,
        %swap3A_1460 = vector.shape_cast %swap3A_1459 : vector<1x16xf32> to vector<16xf32>
        %swap3A_1461 = vector.shape_cast %mul3A_1456 : vector<16xf32> to vector<1x16xf32>
        tpu.vector_store %arg8[%swap3A_1457, %swap3A_1458], %swap3A_1461 {strides = array<i32>} : memref<16x1600xf32, #tpu.memory_space<vmem>>, vector<1x16xf32>,
        %get3A_1462 = arith.index_cast %scan3A_96 : i32 to index
        %get3A_1463 = arith.constant 84 : index
        %get3A_1464 = tpu.vector_load %arg6[%get3A_1462, %get3A_1463] {strides = array<i32>} : memref<16x100xf32, #tpu.memory_space<vmem>>, vector<1x16xf32>,
        %get3A_1465 = vector.shape_cast %get3A_1464 : vector<1x16xf32> to vector<16xf32>
        %slice3A_1466 = vector.extract_strided_slice %get3A_1465 {offsets = [12], sizes = [1], strides = [1]} : vector<16xf32> to vector<1xf32>
        %squeeze3A_1467 = vector.extract %slice3A_1466[0] : f32 from vector<1xf32>
        %get3A_1468 = arith.constant 96 : i32
        %get3A_1469 = arith.index_cast %get3A_1468 : i32 to index
        %get3A_1470 = arith.constant 0 : index
        %get3A_1471 = tpu.vector_load %arg9[%get3A_1469, %get3A_1470] {strides = array<i32>} : memref<100x16xf32, #tpu.memory_space<vmem>>, vector<1x16xf32>,
        %get3A_1472 = vector.shape_cast %get3A_1471 : vector<1x16xf32> to vector<16xf32>
        %mul3A_1473 = vector.broadcast %squeeze3A_1467 : f32 to vector<16xf32>
        %mul3A_1474 = arith.mulf %mul3A_1473, %get3A_1472 : vector<16xf32>
        %swap3A_1475 = arith.index_cast %scan3A_96 : i32 to index
        %swap3A_1476 = arith.constant 1536 : index
        %swap3A_1477 = tpu.vector_load %arg8[%swap3A_1475, %swap3A_1476] {strides = array<i32>} : memref<16x1600xf32, #tpu.memory_space<vmem>>, vector<1x16xf32>,
        %swap3A_1478 = vector.shape_cast %swap3A_1477 : vector<1x16xf32> to vector<16xf32>
        %swap3A_1479 = vector.shape_cast %mul3A_1474 : vector<16xf32> to vector<1x16xf32>
        tpu.vector_store %arg8[%swap3A_1475, %swap3A_1476], %swap3A_1479 {strides = array<i32>} : memref<16x1600xf32, #tpu.memory_space<vmem>>, vector<1x16xf32>,
        %slice3A_1480 = vector.extract_strided_slice %get3A_1465 {offsets = [13], sizes = [1], strides = [1]} : vector<16xf32> to vector<1xf32>
        %squeeze3A_1481 = vector.extract %slice3A_1480[0] : f32 from vector<1xf32>
        %get3A_1482 = arith.constant 97 : i32
        %get3A_1483 = arith.index_cast %get3A_1482 : i32 to index
        %get3A_1484 = arith.constant 0 : index
        %get3A_1485 = tpu.vector_load %arg9[%get3A_1483, %get3A_1484] {strides = array<i32>} : memref<100x16xf32, #tpu.memory_space<vmem>>, vector<1x16xf32>,
        %get3A_1486 = vector.shape_cast %get3A_1485 : vector<1x16xf32> to vector<16xf32>
        %mul3A_1487 = vector.broadcast %squeeze3A_1481 : f32 to vector<16xf32>
        %mul3A_1488 = arith.mulf %mul3A_1487, %get3A_1486 : vector<16xf32>
        %swap3A_1489 = arith.index_cast %scan3A_96 : i32 to index
        %swap3A_1490 = arith.constant 1552 : index
        %swap3A_1491 = tpu.vector_load %arg8[%swap3A_1489, %swap3A_1490] {strides = array<i32>} : memref<16x1600xf32, #tpu.memory_space<vmem>>, vector<1x16xf32>,
        %swap3A_1492 = vector.shape_cast %swap3A_1491 : vector<1x16xf32> to vector<16xf32>
        %swap3A_1493 = vector.shape_cast %mul3A_1488 : vector<16xf32> to vector<1x16xf32>
        tpu.vector_store %arg8[%swap3A_1489, %swap3A_1490], %swap3A_1493 {strides = array<i32>} : memref<16x1600xf32, #tpu.memory_space<vmem>>, vector<1x16xf32>,
        %slice3A_1494 = vector.extract_strided_slice %get3A_1465 {offsets = [14], sizes = [1], strides = [1]} : vector<16xf32> to vector<1xf32>
        %squeeze3A_1495 = vector.extract %slice3A_1494[0] : f32 from vector<1xf32>
        %get3A_1496 = arith.constant 98 : i32
        %get3A_1497 = arith.index_cast %get3A_1496 : i32 to index
        %get3A_1498 = arith.constant 0 : index
        %get3A_1499 = tpu.vector_load %arg9[%get3A_1497, %get3A_1498] {strides = array<i32>} : memref<100x16xf32, #tpu.memory_space<vmem>>, vector<1x16xf32>,
        %get3A_1500 = vector.shape_cast %get3A_1499 : vector<1x16xf32> to vector<16xf32>
        %mul3A_1501 = vector.broadcast %squeeze3A_1495 : f32 to vector<16xf32>
        %mul3A_1502 = arith.mulf %mul3A_1501, %get3A_1500 : vector<16xf32>
        %swap3A_1503 = arith.index_cast %scan3A_96 : i32 to index
        %swap3A_1504 = arith.constant 1568 : index
        %swap3A_1505 = tpu.vector_load %arg8[%swap3A_1503, %swap3A_1504] {strides = array<i32>} : memref<16x1600xf32, #tpu.memory_space<vmem>>, vector<1x16xf32>,
        %swap3A_1506 = vector.shape_cast %swap3A_1505 : vector<1x16xf32> to vector<16xf32>
        %swap3A_1507 = vector.shape_cast %mul3A_1502 : vector<16xf32> to vector<1x16xf32>
        tpu.vector_store %arg8[%swap3A_1503, %swap3A_1504], %swap3A_1507 {strides = array<i32>} : memref<16x1600xf32, #tpu.memory_space<vmem>>, vector<1x16xf32>,
        %slice3A_1508 = vector.extract_strided_slice %get3A_1465 {offsets = [15], sizes = [1], strides = [1]} : vector<16xf32> to vector<1xf32>
        %squeeze3A_1509 = vector.extract %slice3A_1508[0] : f32 from vector<1xf32>
        %get3A_1510 = arith.constant 99 : i32
        %get3A_1511 = arith.index_cast %get3A_1510 : i32 to index
        %get3A_1512 = arith.constant 0 : index
        %get3A_1513 = tpu.vector_load %arg9[%get3A_1511, %get3A_1512] {strides = array<i32>} : memref<100x16xf32, #tpu.memory_space<vmem>>, vector<1x16xf32>,
        %get3A_1514 = vector.shape_cast %get3A_1513 : vector<1x16xf32> to vector<16xf32>
        %mul3A_1515 = vector.broadcast %squeeze3A_1509 : f32 to vector<16xf32>
        %mul3A_1516 = arith.mulf %mul3A_1515, %get3A_1514 : vector<16xf32>
        %swap3A_1517 = arith.index_cast %scan3A_96 : i32 to index
        %swap3A_1518 = arith.constant 1584 : index
        %swap3A_1519 = tpu.vector_load %arg8[%swap3A_1517, %swap3A_1518] {strides = array<i32>} : memref<16x1600xf32, #tpu.memory_space<vmem>>, vector<1x16xf32>,
        %swap3A_1520 = vector.shape_cast %swap3A_1519 : vector<1x16xf32> to vector<16xf32>
        %swap3A_1521 = vector.shape_cast %mul3A_1516 : vector<16xf32> to vector<1x16xf32>
        tpu.vector_store %arg8[%swap3A_1517, %swap3A_1518], %swap3A_1521 {strides = array<i32>} : memref<16x1600xf32, #tpu.memory_space<vmem>>, vector<1x16xf32>,
        %scan3A_1522 = arith.constant 0 : i32
        scf.yield %scan3A_1522 : i32
      }
      %scan3A_87 = arith.constant 16 : i32
      %mul3A_88 = arith.constant 16 : i32
      %mul3A_89 = arith.muli %add3A_61, %mul3A_88 : i32
      %add3A_90 = arith.addi %mul3A_2, %mul3A_89 : i32
      %dma_start3A_91 = arith.constant 0 : i32
      %dma_start3A_92 = tpu.memref_slice %arg4[%add3A_90, %dma_start3A_91] : memref<16384x1600xf32, #tpu.memory_space<hbm>> -> memref<16x1600xf32, #tpu.memory_space<hbm>>
      %dma_start3A_93 = arith.constant 0 : i32
      %dma_start3A_94 = tpu.memref_slice %arg4[%add3A_90, %dma_start3A_93] : memref<16384x1600xf32, #tpu.memory_space<hbm>> -> memref<16x1600xf32, #tpu.memory_space<hbm>>
      tpu.enqueue_dma source(%arg8 : memref<16x1600xf32, #tpu.memory_space<vmem>>) target(%dma_start3A_94 : memref<16x1600xf32, #tpu.memory_space<hbm>>) target_semaphore(%arg13 : memref<!tpu.dma_semaphore, #tpu.memory_space<semaphore_mem>>)
      %scan3A_95 = arith.constant 0 : i32
      scf.yield %scan3A_95 : i32
    }
    %scan3A_13 = arith.constant 16 : i32
    %add3A_14 = arith.constant 480 : i32
    %add3A_15 = arith.addi %mul3A_2, %add3A_14 : i32
    %dma_wait3A = arith.constant 0 : i32
    %dma_wait3A_16 = tpu.memref_slice %arg4[%add3A_15, %dma_wait3A] : memref<16384x1600xf32, #tpu.memory_space<hbm>> -> memref<16x1600xf32, #tpu.memory_space<hbm>>
    %dma_wait3A_17 = arith.constant 0 : i32
    %dma_wait3A_18 = tpu.memref_slice %arg4[%add3A_15, %dma_wait3A_17] : memref<16384x1600xf32, #tpu.memory_space<hbm>> -> memref<16x1600xf32, #tpu.memory_space<hbm>>
    tpu.wait_dma2 semaphore(%arg12 : memref<!tpu.dma_semaphore, #tpu.memory_space<semaphore_mem>>) src(%arg7 : memref<16x1600xf32, #tpu.memory_space<vmem>>) dst(%dma_wait3A_18 : memref<16x1600xf32, #tpu.memory_space<hbm>>)
    %add3A_19 = arith.constant 496 : i32
    %add3A_20 = arith.addi %mul3A_2, %add3A_19 : i32
    %dma_wait3A_21 = arith.constant 0 : i32
    %dma_wait3A_22 = tpu.memref_slice %arg4[%add3A_20, %dma_wait3A_21] : memref<16384x1600xf32, #tpu.memory_space<hbm>> -> memref<16x1600xf32, #tpu.memory_space<hbm>>
    %dma_wait3A_23 = arith.constant 0 : i32
    %dma_wait3A_24 = tpu.memref_slice %arg4[%add3A_20, %dma_wait3A_23] : memref<16384x1600xf32, #tpu.memory_space<hbm>> -> memref<16x1600xf32, #tpu.memory_space<hbm>>
    tpu.wait_dma2 semaphore(%arg13 : memref<!tpu.dma_semaphore, #tpu.memory_space<semaphore_mem>>) src(%arg8 : memref<16x1600xf32, #tpu.memory_space<vmem>>) dst(%dma_wait3A_24 : memref<16x1600xf32, #tpu.memory_space<hbm>>)
    return
  }
}

</mosaic_0001>

<sc_bundles>
// kernel: kernel.3.cloned.1.call-start
scs
__scs_entry_jumppad:
0x0: {  	(pc) =	sbr.rel $0x88, $3  }
0x1: {  	(tag) =	ssettag $0x0;
	lr =	simm.s32 $0x1  }
0x2: {  	[smem:$0x3F9F] =	sst lr;
	_ =	strace $0xD0000000  }
0x3: {  	_ = 	snop  }
0x4: {  	_ = 	snop  }
0x5: {  	_ = 	snop  }
0x6: {  	_ = 	snop  }
0x7: {  	_ = 	snop  }
__scs_overlays_trampoline_lowered:
0x8: {  	[smem:$0x3FAE] =	sst s0  }
0x9: {  	[smem:$0x3FAF] =	sst s1  }
0xa: {  	[smem:$0x3FB0] =	sst s2  }
0xb: {  	[smem:$0x3FB1] =	sst s3  }
0xc: {  	[smem:$0x3FB2] =	sst s4  }
0xd: {  	[smem:$0x3FB3] =	sst s5  }
0xe: {  	[smem:$0x3FB4] =	sst s6  }
0xf: {  	[smem:$0x3FB5] =	sst s7  }
0x10: {  	[smem:$0x3FB6] =	sst s8  }
0x11: {  	[smem:$0x3FB7] =	sst s9;
	s0 =	simm.s32 @!p0 $0x0  }
0x12: {  	s1 =	sld [smem:$0x3F9D];
	s0 =	simm.s32 @p0 $0x1  }
0x13: {  	[smem:$0x3FB8] =	sst s0;
	s0 =	simm.s32 @!p1 $0x0  }
0x14: {  	s2 =	sld [smem:$0x3F9C];
	s0 =	simm.s32 @p1 $0x1  }
0x15: {  	[smem:$0x3FB9] =	sst s0;
	s0 =	simm.s32 @!p2 $0x0  }
0x16: {  	s3 =	sld [smem:$0x3FDB];
	s0 =	simm.s32 @p2 $0x1  }
0x17: {  	s4 =	simm.s32 $0x1BF5;
	[smem:$0x3FBB] =	sst s0  }
0x18: {  	s0 =	sld [smem:$0x3F9E];
	_ =	swait.ge [sflag:s4], $0x0  }
0x19: {  	s7 =	sld [smem:$0x3F9F]  }
0x1a: {  	s8 =	sadd.s32 $0xFFFFE003, lr  }
0x1b: {  	s9 =	sadd.s32 $0xFFFFFEF7, lr;
	s5 =	simm.s32 $0xFFFFFFFF;
	p2 =	slt.u32 s8, $0xFFFFF086  }
0x1c: {  	p1 =	slt.u32 s9, $0xF7A;
	s5 =	simm.s32 @!p2 $0x0  }
0x1d: {  	s5 =	simm.s32 @p1 $0x1;
	p0 =	seq.s32 s7, s2  }
0x1e: {  	s7 =	smul.u32 @!p0 $0xF7A, s2;
	p2 =	seq.s32 @!p0 s5, $0x0  }
0x1f: {  	s9 =	smul.u32 $0xF7A, s1;
	s8 =	simm.s32 @!p0 $0x1BF5;
	p2 =	por !p2, p0  }
0x20: {  	[sflag:s8] =	ssyncset.s32 @!p0 $0xFFFFF086;
	s6 =	sadd.s32 @!p0 s3, s7;
	s7 =	simm.s32 @!p0 $0x108  }
0x21: {  	s3 =	sadd.s32 s3, s9;
	s6 =	sadd.s32 @!p0 $0x88, s6;
	s7 =	simm.s32 @p2 $0x1082  }
0x22: {  	[simem:s7], [sflag:s8] =	dma.local @!p0 [hbm:s6], $0xF7A  }
0x23: {  	s9 =	sor.u32 $0xD0000000, s2;
	s6 =	simm.s32 $0x108;
	_ =	swait.ge @!p0 [sflag:s8], $0x0  }
0x24: {  	s3 =	sadd.s32 $0x88, s3;
	s6 =	simm.s32 @!p1 $0x1082;
	[sflag:s4] =	ssyncset.s32 $0xFFFFF086  }
0x25: {  	[simem:s6], [sflag:s4] =	dma.local [hbm:s3], $0xF7A  }
0x26: {  	[smem:$0x3F9F] =	sst s1;
	(tag) =	ssettag s2;
	_ =	strace s9  }
0x27: {  	s1 =	sld [smem:$0x3FAF]  }
0x28: {  	s2 =	sld [smem:$0x3FB0]  }
0x29: {  	s4 =	sld [smem:$0x3FB2]  }
0x2a: {  	p0 =	seq.s32 s5, $0x0;
	s5 =	sld [smem:$0x3FB3]  }
0x2b: {  	s6 =	sld [smem:$0x3FB4]  }
0x2c: {  	s7 =	sld [smem:$0x3FB5]  }
0x2d: {  	s3 =	simm.s32 $0x108;
	s8 =	sld [smem:$0x3FB6]  }
0x2e: {  	s3 =	simm.s32 @!p0 $0x1082;
	s9 =	sld [smem:$0x3FB7]  }
0x2f: {  	lr =	sadd.s32 s0, s3;
	s0 =	sld [smem:$0x3FAE]  }
0x30: {  	s3 =	sld [smem:$0x3FB1]  }
0x31: {  	[smem:$0x3FBA] =	sst s10  }
0x32: {  	s10 =	sld [smem:$0x3FB8];
	_ =	sdelay $0x3  }
0x33: {  	p0 =	seq.s32 s10, $0x1;
	s10 =	sld [smem:$0x3FBA];
	_ =	sdelay $0x3  }
0x34: {  	[smem:$0x3FBA] =	sst s10  }
0x35: {  	s10 =	sld [smem:$0x3FB9];
	_ =	sdelay $0x3  }
0x36: {  	p1 =	seq.s32 s10, $0x1;
	s10 =	sld [smem:$0x3FBA];
	_ =	sdelay $0x3  }
0x37: {  	[smem:$0x3FBA] =	sst s10  }
0x38: {  	s10 =	sld [smem:$0x3FBB]  }
0x39: {  	_ = 	snop;
	(pc) =	sbr.ind lr, $3  }
0x3a: {  	_ = 	snop  }
0x3b: {  	_ = 	snop  }
0x3c: {  	p2 =	seq.s32 s10, $0x1;
	s10 =	sld [smem:$0x3FBA]  }
0x3d: {  	_ =	shalt  }
0x3e: {  	_ =	shalt  }
0x3f: {  	_ =	shalt  }
0x40: {  	_ =	shalt  }
0x41: {  	_ =	shalt  }
0x42: {  	_ =	shalt  }
0x43: {  	_ =	shalt  }
0x44: {  	_ =	shalt  }
0x45: {  	_ =	shalt  }
0x46: {  	_ =	shalt  }
0x47: {  	_ =	shalt  }
0x48: {  	_ =	shalt  }
0x49: {  	_ =	shalt  }
0x4a: {  	_ =	shalt  }
0x4b: {  	_ =	shalt  }
0x4c: {  	_ =	shalt  }
0x4d: {  	_ =	shalt  }
0x4e: {  	_ =	shalt  }
0x4f: {  	_ =	shalt  }
0x50: {  	_ =	shalt  }
0x51: {  	_ =	shalt  }
0x52: {  	_ =	shalt  }
0x53: {  	_ =	shalt  }
0x54: {  	_ =	shalt  }
0x55: {  	_ =	shalt  }
0x56: {  	_ =	shalt  }
0x57: {  	_ =	shalt  }
0x58: {  	_ =	shalt  }
0x59: {  	_ =	shalt  }
0x5a: {  	_ =	shalt  }
0x5b: {  	_ =	shalt  }
0x5c: {  	_ =	shalt  }
0x5d: {  	_ =	shalt  }
0x5e: {  	_ =	shalt  }
0x5f: {  	_ =	shalt  }
0x60: {  	_ =	shalt  }
0x61: {  	_ =	shalt  }
0x62: {  	_ =	shalt  }
0x63: {  	_ =	shalt  }
0x64: {  	_ =	shalt  }
0x65: {  	_ =	shalt  }
0x66: {  	_ =	shalt  }
0x67: {  	_ =	shalt  }
0x68: {  	_ =	shalt  }
0x69: {  	_ =	shalt  }
0x6a: {  	_ =	shalt  }
0x6b: {  	_ =	shalt  }
0x6c: {  	_ =	shalt  }
0x6d: {  	_ =	shalt  }
0x6e: {  	_ =	shalt  }
0x6f: {  	_ =	shalt  }
0x70: {  	_ =	shalt  }
0x71: {  	_ =	shalt  }
0x72: {  	_ =	shalt  }
0x73: {  	_ =	shalt  }
0x74: {  	_ =	shalt  }
0x75: {  	_ =	shalt  }
0x76: {  	_ =	shalt  }
0x77: {  	_ =	shalt  }
0x78: {  	_ =	shalt  }
0x79: {  	_ =	shalt  }
0x7a: {  	_ =	shalt  }
0x7b: {  	_ =	shalt  }
0x7c: {  	_ =	shalt  }
0x7d: {  	_ =	shalt  }
0x7e: {  	_ =	shalt  }
0x7f: {  	_ =	shalt  }
0x80: {  	_ =	shalt  }
0x81: {  	_ =	shalt  }
0x82: {  	_ =	shalt  }
0x83: {  	_ =	shalt  }
0x84: {  	_ =	shalt  }
0x85: {  	_ =	shalt  }
0x86: {  	_ =	shalt  }
0x87: {  	_ =	shalt  }
.Lfunc_end0:
.L_simem_size_0:
called_computation_lowered:
.L_overlay_start_0:
0x88: {  	s2 =	sld [smem:$0x3FD9]  }
0x89: {  	s3 =	sld [smem:$0x3FFE];
	_ =	sdelay $0x1  }
0x8a: {  	s1 =	srdreg.scid  }
0x8b: {  	s0 =	sand.u32 $0x1, s1  }
0x8c: {  	s17 =	sshll.u32 s0, $0xA;
	s2 =	sadd.s32 s3, s2  }
0x8d: {  	s2 =	sadd.s32 s2, s17  }
0x8e: {  	[smem:$0x3FC6] =	sst s2  }
0x8f: {  	_ = 	snop  }
0x90: {  	s2 =	sld [smem:$0x3FD0];
	(tm) =	ssettm $0x1  }
0x91: {  	s18 =	sld [smem:$0x3FFB];
	_ =	sdelay $0x3  }
0x92: {  	_ =	strace s18  }
0x93: {  	s3 =	sld [smem:$0x3FFC];
	_ =	sdelay $0x3  }
0x94: {  	_ =	strace s3  }
0x95: {  	s3 =	sld [smem:$0x3FFD];
	_ =	sdelay $0x3  }
0x96: {  	_ =	strace s3  }
0x97: {  	_ =	strace $0x8FFFFFFF  }
0x98: {  	s19 =	sld [smem:$0x3FDB];
	_ =	sdelay $0x1  }
0x99: {  	s4 =	simm.s32 $_scs_section_size  }
0x9a: {  	s5 =	simm.s32 $_size__tile_overlayer_lowered;
	s6 =	simm.s32 $_tile_overlayer_lowered  }
0x9b: {  	s22 =	simm.s32 $0x1BFF;
	s21 =	sshll.u32 s6, $0x1;
	s3 =	sadd.s32 s4, s19  }
0x9c: {  	s7 =	simm.s32 $0x0;
	s20 =	sshll.u32 s5, $0x1;
	s5 =	sadd.s32 s21, s3  }
0x9d: {  	[timem:s7], [sflag:s22] =	dma.local [hbm:s5], s20  }
0x9e: {  	_ =	swait.ge [sflag:s22], s20  }
0x9f: {  	s4 =	ssub.s32 $0x0, s20;
	[sflag:s22] =	ssyncset.done $0x0  }
0xa0: {  	[sflag:s22] =	ssyncadd.s32 s4;
	_ =	sdelay $0x1  }
0xa1: {  	s23 =	simm.s32 $0x1B8B  }
0xa2: {  	_ =	swait.ge [sflag:s23], $0x1  }
0xa3: {  	[sflag:s23] =	ssyncset.done $0x0  }
0xa4: {  	s25 =	simm.s32 $0x1B8E;
	s24 =	sld [smem:$0x3FFE];
	[sflag:s23] =	ssyncadd.s32 $0xFFFFFFFF  }
0xa5: {  	s26 =	simm.s32 $execute0_lowered;
	[smem:$0x3FD2] =	sst s25  }
0xa6: {  	s5 =	sshll.u32 s26, $0x1;
	_ =	strace $0x80000046;
	[dreg:$0x1] =	wrdreg $0xFFFFFFFF  }
0xa7: {  	s28 =	simm.s32 $_size_execute0_lowered;
	s3 =	sadd.s32 s3, s5;
	[dreg:$0x0] =	wrdreg $0x0  }
0xa8: {  	s5 =	sshll.u32 s28, $0x1;
	[dreg:$0x2] =	wrdreg s3  }
0xa9: {  	[dreg:$0x3] =	wrdreg s5  }
0xaa: {  	[dreg:$0x4] =	wrdreg $0xC0  }
0xab: {  	_ =	task [dreg:s7], $0x5FFFF  }
0xac: {  	[dreg:$0x1] =	wrdreg $0xFFFFFFFF  }
0xad: {  	[dreg:$0x0] =	wrdreg $0x60  }
0xae: {  	[dreg:$0x2] =	wrdreg s2  }
0xaf: {  	[dreg:$0x3] =	wrdreg s24  }
0xb0: {  	[dreg:$0x4] =	wrdreg $0x9  }
0xb1: {  	_ =	task.clear_ibuf [dreg:s7], $0x5FFFF;
	_ =	strace $0x90000046  }
0xb2: {  	s29 =	simm.s32 $0x9;
	_ =	strace $0x80000048  }
0xb3: {  	_ =	swait.ge [sflag:s29], $0x1  }
0xb4: {  	[sflag:s29] =	ssyncadd.s32 $0xFFFFFFFF  }
0xb5: {  	_ =	strace $0x90000048  }
0xb6: {  	_ =	sfence  }
0xb7: {  	s30 =	sld [smem:$0x0];
	_ =	sdelay $0x2  }
0xb8: {  	s31 =	sshll.u32 s1, $0xD;
	s1 =	sshrl.u32 s1, $0x2  }
0xb9: {  	s3 =	sand.u32 $0x4000, s31;
	s1 =	sadd.s32 s1, s30  }
0xba: {  	s0 =	sor.u32 s3, s0;
	s1 =	sshll.u32 s1, $0x11  }
0xbb: {  	s0 =	sor.u32 s1, s0  }
0xbc: {  	s0 =	sadd.s32 $0x8F2B, s0  }
0xbd: {  	[sflag:s0] =	ssyncadd.remote.s32 $0x1  }
0xbe: {  	_ =	sfence.sel $0xFFFF  }
0xbf: {  	[dreg:$0x0] =	wrdreg $0xFFFFFFFF;
	(pc) =	sbr.abs _section_cstart, $3  }
0xc0: {  	[dreg:$0x1] =	wrdreg $0xFFFFFFFF  }
0xc1: {  	_ =	task.clear_ibuf [dreg:s7], $0x2FFFF;
	_ =	strace $0x9FFFFFFF  }
0xc2: {  	(tm) =	ssettm $0x7FFFFFFF  }
0xc3: {  	_ =	shalt  }
tec
execute0_lowered:
.L_overlay_start_1:
0x0: {  	(tag) =	ssettag $0x1  }
0x1: {  	s6 =	rddreg [dreg:$0x0]  }
0x2: {  	s5 =	rddreg [dreg:$0x1]  }
0x3: {  	s0 =	rddreg [dreg:$0x2];
	s3 =	srdreg.scid  }
0x4: {  	s2 =	simm.s32 $0x0;
	s1 =	stileid.u32;
	s10 =	simm.s32 $0x5  }
0x5: {  	s11 =	simm.s32 $0x800;
	s12 =	simm.s32 $0x1;
	s13 =	simm.s32 $0x1000  }
0x6: {  	s14 =	simm.s32 $0x2;
	s15 =	simm.s32 $0x7800;
	s16 =	simm.s32 $0x3  }
0x7: {  	s17 =	simm.s32 $0x4;
	s18 =	simm.s32 $0x0;
	s3 =	sand.u32 $0x1, s3  }
0x8: {  	[smem:$0x7FF] =	sst s2;
	s4 =	sshll.u32 s1, $0xA;
	s7 =	sshll.u32 s3, $0x9  }
0x9: {  	_ =	strace $0x80000047;
	s8 =	ssub.s32 $0x2, s3;
	s3 =	sor.u32 s7, s4  }
0xa: {  	s4 =	sadd.s32 $0x400, s5;
	s31 =	sshrl.u32 s8, $0x1;
	s9 =	sshll.u32 s3, $0x4  }
0xb: {  	s5 =	sadd.s32 $0xC00, s5;
	s8 =	ssub.s32 s8, s31;
	s6 =	sadd.s32 s6, s9  }
0xc: {  	s8 =	smax.u32 s8, $0x1;
	s9 =	simm.s32 $0xE000;
	s7 =	sadd.s32 $0x200, s6  }
.LBB2_1:
0xd: {  	[tilespmem:s9], [sflag:$0x5] =	stream.linear.gather [hbm4b:s4+s2], $0x3200, $0x38;
	[tilespmem:$0x11400] =	vst v63  }
0xe: {  	_ =	swait.ge [sflag:s10], $0x3200  }
0xf: {  	[sflag:s10] =	ssyncset.done $0x0  }
0x10: {  	s19 =	simm.s32 $0x0;
	[sflag:s10] =	ssyncadd.s32 $0xFFFFCE00  }
0x11: {  	[tilespmem:s2], [sflag:$0x1] =	stream.linear.gather [hbm4b:s6+s2], $0x800, $0x38;
	[tilespmem:$0x11400] =	vst v63  }
.LBB2_2:
0x12: {  	s20 =	sshllo.u32 s19, $0x1  }
0x13: {  	s21 =	sshll.u32 s20, $0x8  }
0x14: {  	s21 =	sadd.s32 s21, s6  }
0x15: {  	[tilespmem:s11], [sflag:$0x2] =	stream.linear.gather [hbm4b:s21+s2], $0x800, $0x38;
	[tilespmem:$0x11400] =	vst v63  }
0x16: {  	_ =	swait.ge [sflag:s12], $0x800  }
0x17: {  	p0 =	seq.s32 s19, $0x0;
	[sflag:s12] =	ssyncset.done $0x0  }
0x18: {  	s22 =	simm.s32 @!p0 $0x3;
	[sflag:s12] =	ssyncadd.s32 $0xFFFFF800  }
0x19: {  	s31 =	sshll.u32 s19, $0x5;
	_ =	swait.ge @!p0 [sflag:s22], $0x6800  }
0x1a: {  	s23 =	simm.s32 $0x30;
	s24 =	simm.s32 $0x0;
	[sflag:s22] =	ssyncset.done @!p0 $0x0  }
0x1b: {  	s21 =	sadd.s32 s3, s31;
	[sflag:s22] =	ssyncadd.s32 @!p0 $0xFFFF9800;
	s22 =	simm.s32 $0x0  }
.LBB2_3:
0x1c: {  	v0 =	vld [tilespmem:s23+$0xFFFFFFD0];
	_ =	sdelay $0x1  }
0x1d: {  	v1 =	vld [tilespmem:$0xE000];
	_ =	sdelay $0x1  }
0x1e: {  	s25 =	sshrl.u32 s24, $0x3  }
0x1f: {  	s25 =	smul.u32 $0xD000, s25;
	v2 =	vbroadcast v0, $0x0;
	_ =	sdelay $0x1  }
0x20: {  	s26 =	sand.u32 $0x380, s22;
	s25 =	sshra.s32 s25, $0x2;
	v1 =	vmul.f32 v1, v2  }
0x21: {  	s25 =	sor.u32 s26, s25  }
0x22: {  	[tilespmem:s25+$0x1000] =	vst v1  }
0x23: {  	v1 =	vld [tilespmem:$0xE080];
	_ =	sdelay $0x2  }
0x24: {  	v26 =	vbroadcast v0, $0x1;
	_ =	sdelay $0x1  }
0x25: {  	v1 =	vmul.f32 v1, v26;
	_ =	sdelay $0x1  }
0x26: {  	[tilespmem:s25+$0x1010] =	vst v1  }
0x27: {  	v1 =	vld [tilespmem:$0xE100];
	_ =	sdelay $0x2  }
0x28: {  	v27 =	vbroadcast v0, $0x2;
	_ =	sdelay $0x1  }
0x29: {  	v1 =	vmul.f32 v1, v27;
	_ =	sdelay $0x1  }
0x2a: {  	[tilespmem:s25+$0x1020] =	vst v1  }
0x2b: {  	v1 =	vld [tilespmem:$0xE180];
	_ =	sdelay $0x2  }
0x2c: {  	v28 =	vbroadcast v0, $0x3;
	_ =	sdelay $0x1  }
0x2d: {  	v1 =	vmul.f32 v1, v28;
	_ =	sdelay $0x1  }
0x2e: {  	[tilespmem:s25+$0x1030] =	vst v1  }
0x2f: {  	v1 =	vld [tilespmem:$0xE200];
	_ =	sdelay $0x2  }
0x30: {  	v29 =	vbroadcast v0, $0x4;
	_ =	sdelay $0x1  }
0x31: {  	v1 =	vmul.f32 v1, v29;
	_ =	sdelay $0x1  }
0x32: {  	[tilespmem:s25+$0x1040] =	vst v1  }
0x33: {  	v1 =	vld [tilespmem:$0xE280];
	_ =	sdelay $0x2  }
0x34: {  	v30 =	vbroadcast v0, $0x5;
	_ =	sdelay $0x1  }
0x35: {  	v1 =	vmul.f32 v1, v30;
	_ =	sdelay $0x1  }
0x36: {  	[tilespmem:s25+$0x1050] =	vst v1  }
0x37: {  	v1 =	vld [tilespmem:$0xE300];
	_ =	sdelay $0x2  }
0x38: {  	v31 =	vbroadcast v0, $0x6;
	_ =	sdelay $0x1  }
0x39: {  	v1 =	vmul.f32 v1, v31;
	_ =	sdelay $0x1  }
0x3a: {  	[tilespmem:s25+$0x1060] =	vst v1  }
0x3b: {  	v1 =	vld [tilespmem:$0xE380];
	_ =	sdelay $0x2  }
0x3c: {  	v32 =	vbroadcast v0, $0x7;
	_ =	sdelay $0x1  }
0x3d: {  	v1 =	vmul.f32 v1, v32;
	_ =	sdelay $0x1  }
0x3e: {  	[tilespmem:s25+$0x1070] =	vst v1  }
0x3f: {  	v1 =	vld [tilespmem:$0xE400];
	_ =	sdelay $0x2  }
0x40: {  	v33 =	vbroadcast v0, $0x8;
	_ =	sdelay $0x1  }
0x41: {  	v1 =	vmul.f32 v1, v33;
	_ =	sdelay $0x1  }
0x42: {  	[tilespmem:s25+$0x1400] =	vst v1  }
0x43: {  	v1 =	vld [tilespmem:$0xE480];
	_ =	sdelay $0x2  }
0x44: {  	v34 =	vbroadcast v0, $0x9;
	_ =	sdelay $0x1  }
0x45: {  	v1 =	vmul.f32 v1, v34;
	_ =	sdelay $0x1  }
0x46: {  	[tilespmem:s25+$0x1410] =	vst v1  }
0x47: {  	v1 =	vld [tilespmem:$0xE500];
	_ =	sdelay $0x2  }
0x48: {  	v35 =	vbroadcast v0, $0xA;
	_ =	sdelay $0x1  }
0x49: {  	v1 =	vmul.f32 v1, v35;
	_ =	sdelay $0x1  }
0x4a: {  	[tilespmem:s25+$0x1420] =	vst v1  }
0x4b: {  	v1 =	vld [tilespmem:$0xE580];
	_ =	sdelay $0x2  }
0x4c: {  	v36 =	vbroadcast v0, $0xB;
	_ =	sdelay $0x1  }
0x4d: {  	v1 =	vmul.f32 v1, v36;
	_ =	sdelay $0x1  }
0x4e: {  	[tilespmem:s25+$0x1430] =	vst v1  }
0x4f: {  	v1 =	vld [tilespmem:$0xE600];
	_ =	sdelay $0x2  }
0x50: {  	v37 =	vbroadcast v0, $0xC;
	_ =	sdelay $0x1  }
0x51: {  	v1 =	vmul.f32 v1, v37;
	_ =	sdelay $0x1  }
0x52: {  	[tilespmem:s25+$0x1440] =	vst v1  }
0x53: {  	v1 =	vld [tilespmem:$0xE680];
	_ =	sdelay $0x2  }
0x54: {  	v38 =	vbroadcast v0, $0xD;
	_ =	sdelay $0x1  }
0x55: {  	v1 =	vmul.f32 v1, v38;
	_ =	sdelay $0x1  }
0x56: {  	[tilespmem:s25+$0x1450] =	vst v1  }
0x57: {  	v1 =	vld [tilespmem:$0xE700];
	_ =	sdelay $0x2  }
0x58: {  	v39 =	vbroadcast v0, $0xE;
	_ =	sdelay $0x1  }
0x59: {  	v1 =	vmul.f32 v1, v39;
	_ =	sdelay $0x1  }
0x5a: {  	[tilespmem:s25+$0x1460] =	vst v1  }
0x5b: {  	v1 =	vld [tilespmem:$0xE780];
	_ =	sdelay $0x2  }
0x5c: {  	v0 =	vbroadcast v0, $0xF;
	_ =	sdelay $0x1  }
0x5d: {  	v0 =	vmul.f32 v1, v0;
	_ =	sdelay $0x1  }
0x5e: {  	[tilespmem:s25+$0x1470] =	vst v0  }
0x5f: {  	v0 =	vld [tilespmem:s23+$0xFFFFFFE0];
	_ =	sdelay $0x1  }
0x60: {  	v40 =	vld [tilespmem:$0xE800];
	_ =	sdelay $0x2  }
0x61: {  	v41 =	vbroadcast v0, $0x0;
	_ =	sdelay $0x1  }
0x62: {  	v1 =	vmul.f32 v40, v41;
	_ =	sdelay $0x1  }
0x63: {  	[tilespmem:s25+$0x1800] =	vst v1  }
0x64: {  	v1 =	vld [tilespmem:$0xE880];
	_ =	sdelay $0x2  }
0x65: {  	v42 =	vbroadcast v0, $0x1;
	_ =	sdelay $0x1  }
0x66: {  	v1 =	vmul.f32 v1, v42;
	_ =	sdelay $0x1  }
0x67: {  	[tilespmem:s25+$0x1810] =	vst v1  }
0x68: {  	v1 =	vld [tilespmem:$0xE900];
	_ =	sdelay $0x2  }
0x69: {  	v43 =	vbroadcast v0, $0x2;
	_ =	sdelay $0x1  }
0x6a: {  	v1 =	vmul.f32 v1, v43;
	_ =	sdelay $0x1  }
0x6b: {  	[tilespmem:s25+$0x1820] =	vst v1  }
0x6c: {  	v1 =	vld [tilespmem:$0xE980];
	_ =	sdelay $0x2  }
0x6d: {  	v44 =	vbroadcast v0, $0x3;
	_ =	sdelay $0x1  }
0x6e: {  	v1 =	vmul.f32 v1, v44;
	_ =	sdelay $0x1  }
0x6f: {  	[tilespmem:s25+$0x1830] =	vst v1  }
0x70: {  	v1 =	vld [tilespmem:$0xEA00];
	_ =	sdelay $0x2  }
0x71: {  	v45 =	vbroadcast v0, $0x4;
	_ =	sdelay $0x1  }
0x72: {  	v1 =	vmul.f32 v1, v45;
	_ =	sdelay $0x1  }
0x73: {  	[tilespmem:s25+$0x1840] =	vst v1  }
0x74: {  	v1 =	vld [tilespmem:$0xEA80];
	_ =	sdelay $0x2  }
0x75: {  	v46 =	vbroadcast v0, $0x5;
	_ =	sdelay $0x1  }
0x76: {  	v1 =	vmul.f32 v1, v46;
	_ =	sdelay $0x1  }
0x77: {  	[tilespmem:s25+$0x1850] =	vst v1  }
0x78: {  	v1 =	vld [tilespmem:$0xEB00];
	_ =	sdelay $0x2  }
0x79: {  	v47 =	vbroadcast v0, $0x6;
	_ =	sdelay $0x1  }
0x7a: {  	v1 =	vmul.f32 v1, v47;
	_ =	sdelay $0x1  }
0x7b: {  	[tilespmem:s25+$0x1860] =	vst v1  }
0x7c: {  	v1 =	vld [tilespmem:$0xEB80];
	_ =	sdelay $0x2  }
0x7d: {  	v48 =	vbroadcast v0, $0x7;
	_ =	sdelay $0x1  }
0x7e: {  	v1 =	vmul.f32 v1, v48;
	_ =	sdelay $0x1  }
0x7f: {  	[tilespmem:s25+$0x1870] =	vst v1  }
0x80: {  	v1 =	vld [tilespmem:$0xEC00];
	_ =	sdelay $0x2  }
0x81: {  	v49 =	vbroadcast v0, $0x8;
	_ =	sdelay $0x1  }
0x82: {  	v1 =	vmul.f32 v1, v49;
	_ =	sdelay $0x1  }
0x83: {  	[tilespmem:s25+$0x1C00] =	vst v1  }
0x84: {  	v1 =	vld [tilespmem:$0xEC80];
	_ =	sdelay $0x2  }
0x85: {  	v50 =	vbroadcast v0, $0x9;
	_ =	sdelay $0x1  }
0x86: {  	v1 =	vmul.f32 v1, v50;
	_ =	sdelay $0x1  }
0x87: {  	[tilespmem:s25+$0x1C10] =	vst v1  }
0x88: {  	v1 =	vld [tilespmem:$0xED00];
	_ =	sdelay $0x2  }
0x89: {  	v51 =	vbroadcast v0, $0xA;
	_ =	sdelay $0x1  }
0x8a: {  	v1 =	vmul.f32 v1, v51;
	_ =	sdelay $0x1  }
0x8b: {  	[tilespmem:s25+$0x1C20] =	vst v1  }
0x8c: {  	v1 =	vld [tilespmem:$0xED80];
	_ =	sdelay $0x2  }
0x8d: {  	v52 =	vbroadcast v0, $0xB;
	_ =	sdelay $0x1  }
0x8e: {  	v1 =	vmul.f32 v1, v52;
	_ =	sdelay $0x1  }
0x8f: {  	[tilespmem:s25+$0x1C30] =	vst v1  }
0x90: {  	v1 =	vld [tilespmem:$0xEE00];
	_ =	sdelay $0x2  }
0x91: {  	v53 =	vbroadcast v0, $0xC;
	_ =	sdelay $0x1  }
0x92: {  	v1 =	vmul.f32 v1, v53;
	_ =	sdelay $0x1  }
0x93: {  	[tilespmem:s25+$0x1C40] =	vst v1  }
0x94: {  	v1 =	vld [tilespmem:$0xEE80];
	_ =	sdelay $0x2  }
0x95: {  	v54 =	vbroadcast v0, $0xD;
	_ =	sdelay $0x1  }
0x96: {  	v1 =	vmul.f32 v1, v54;
	_ =	sdelay $0x1  }
0x97: {  	[tilespmem:s25+$0x1C50] =	vst v1  }
0x98: {  	v1 =	vld [tilespmem:$0xEF00];
	_ =	sdelay $0x2  }
0x99: {  	v55 =	vbroadcast v0, $0xE;
	_ =	sdelay $0x1  }
0x9a: {  	v1 =	vmul.f32 v1, v55;
	_ =	sdelay $0x1  }
0x9b: {  	[tilespmem:s25+$0x1C60] =	vst v1  }
0x9c: {  	v1 =	vld [tilespmem:$0xEF80];
	_ =	sdelay $0x2  }
0x9d: {  	v0 =	vbroadcast v0, $0xF;
	_ =	sdelay $0x1  }
0x9e: {  	v0 =	vmul.f32 v1, v0;
	_ =	sdelay $0x1  }
0x9f: {  	[tilespmem:s25+$0x1C70] =	vst v0  }
0xa0: {  	v0 =	vld [tilespmem:s23+$0xFFFFFFF0];
	_ =	sdelay $0x1  }
0xa1: {  	v56 =	vld [tilespmem:$0xF000];
	_ =	sdelay $0x2  }
0xa2: {  	v57 =	vbroadcast v0, $0x0;
	_ =	sdelay $0x1  }
0xa3: {  	v1 =	vmul.f32 v56, v57;
	_ =	sdelay $0x1  }
0xa4: {  	[tilespmem:s25+$0x2000] =	vst v1  }
0xa5: {  	v1 =	vld [tilespmem:$0xF080];
	_ =	sdelay $0x2  }
0xa6: {  	v58 =	vbroadcast v0, $0x1;
	_ =	sdelay $0x1  }
0xa7: {  	v1 =	vmul.f32 v1, v58;
	_ =	sdelay $0x1  }
0xa8: {  	[tilespmem:s25+$0x2010] =	vst v1  }
0xa9: {  	v1 =	vld [tilespmem:$0xF100];
	_ =	sdelay $0x2  }
0xaa: {  	v59 =	vbroadcast v0, $0x2;
	_ =	sdelay $0x1  }
0xab: {  	v1 =	vmul.f32 v1, v59;
	_ =	sdelay $0x1  }
0xac: {  	[tilespmem:s25+$0x2020] =	vst v1  }
0xad: {  	v1 =	vld [tilespmem:$0xF180];
	_ =	sdelay $0x2  }
0xae: {  	v60 =	vbroadcast v0, $0x3;
	_ =	sdelay $0x1  }
0xaf: {  	v1 =	vmul.f32 v1, v60;
	_ =	sdelay $0x1  }
0xb0: {  	[tilespmem:s25+$0x2030] =	vst v1  }
0xb1: {  	v1 =	vld [tilespmem:$0xF200];
	_ =	sdelay $0x2  }
0xb2: {  	v61 =	vbroadcast v0, $0x4;
	_ =	sdelay $0x1  }
0xb3: {  	v1 =	vmul.f32 v1, v61;
	_ =	sdelay $0x1  }
0xb4: {  	[tilespmem:s25+$0x2040] =	vst v1  }
0xb5: {  	v1 =	vld [tilespmem:$0xF280];
	_ =	sdelay $0x2  }
0xb6: {  	v62 =	vbroadcast v0, $0x5;
	_ =	sdelay $0x1  }
0xb7: {  	v1 =	vmul.f32 v1, v62;
	_ =	sdelay $0x1  }
0xb8: {  	[tilespmem:s25+$0x2050] =	vst v1  }
0xb9: {  	v1 =	vld [tilespmem:$0xF300];
	_ =	sdelay $0x2  }
0xba: {  	v63 =	vbroadcast v0, $0x6;
	_ =	sdelay $0x1  }
0xbb: {  	v1 =	vmul.f32 v1, v63;
	_ =	sdelay $0x1  }
0xbc: {  	[tilespmem:s25+$0x2060] =	vst v1  }
0xbd: {  	v1 =	vld [tilespmem:$0xF380];
	_ =	sdelay $0x2  }
0xbe: {  	v4 =	vbroadcast v0, $0x7;
	_ =	sdelay $0x1  }
0xbf: {  	v1 =	vmul.f32 v1, v4;
	_ =	sdelay $0x1  }
0xc0: {  	[tilespmem:s25+$0x2070] =	vst v1  }
0xc1: {  	v1 =	vld [tilespmem:$0xF400];
	_ =	sdelay $0x2  }
0xc2: {  	v5 =	vbroadcast v0, $0x8;
	_ =	sdelay $0x1  }
0xc3: {  	v1 =	vmul.f32 v1, v5;
	_ =	sdelay $0x1  }
0xc4: {  	[tilespmem:s25+$0x2400] =	vst v1  }
0xc5: {  	v1 =	vld [tilespmem:$0xF480];
	_ =	sdelay $0x2  }
0xc6: {  	v6 =	vbroadcast v0, $0x9;
	_ =	sdelay $0x1  }
0xc7: {  	v1 =	vmul.f32 v1, v6;
	_ =	sdelay $0x1  }
0xc8: {  	[tilespmem:s25+$0x2410] =	vst v1  }
0xc9: {  	v1 =	vld [tilespmem:$0xF500];
	_ =	sdelay $0x2  }
0xca: {  	v7 =	vbroadcast v0, $0xA;
	_ =	sdelay $0x1  }
0xcb: {  	v1 =	vmul.f32 v1, v7;
	_ =	sdelay $0x1  }
0xcc: {  	[tilespmem:s25+$0x2420] =	vst v1  }
0xcd: {  	v1 =	vld [tilespmem:$0xF580];
	_ =	sdelay $0x2  }
0xce: {  	v8 =	vbroadcast v0, $0xB;
	_ =	sdelay $0x1  }
0xcf: {  	v1 =	vmul.f32 v1, v8;
	_ =	sdelay $0x1  }
0xd0: {  	[tilespmem:s25+$0x2430] =	vst v1  }
0xd1: {  	v1 =	vld [tilespmem:$0xF600];
	_ =	sdelay $0x2  }
0xd2: {  	v9 =	vbroadcast v0, $0xC;
	_ =	sdelay $0x1  }
0xd3: {  	v1 =	vmul.f32 v1, v9;
	_ =	sdelay $0x1  }
0xd4: {  	[tilespmem:s25+$0x2440] =	vst v1  }
0xd5: {  	v1 =	vld [tilespmem:$0xF680];
	_ =	sdelay $0x2  }
0xd6: {  	v10 =	vbroadcast v0, $0xD;
	_ =	sdelay $0x1  }
0xd7: {  	v1 =	vmul.f32 v1, v10;
	_ =	sdelay $0x1  }
0xd8: {  	[tilespmem:s25+$0x2450] =	vst v1  }
0xd9: {  	v1 =	vld [tilespmem:$0xF700];
	_ =	sdelay $0x2  }
0xda: {  	v11 =	vbroadcast v0, $0xE;
	_ =	sdelay $0x1  }
0xdb: {  	v1 =	vmul.f32 v1, v11;
	_ =	sdelay $0x1  }
0xdc: {  	[tilespmem:s25+$0x2460] =	vst v1  }
0xdd: {  	v1 =	vld [tilespmem:$0xF780];
	_ =	sdelay $0x2  }
0xde: {  	v0 =	vbroadcast v0, $0xF;
	_ =	sdelay $0x1  }
0xdf: {  	v0 =	vmul.f32 v1, v0;
	_ =	sdelay $0x1  }
0xe0: {  	[tilespmem:s25+$0x2470] =	vst v0  }
0xe1: {  	v0 =	vld [tilespmem:s23+$0x0];
	_ =	sdelay $0x1  }
0xe2: {  	v12 =	vld [tilespmem:$0xF800];
	_ =	sdelay $0x2  }
0xe3: {  	v13 =	vbroadcast v0, $0x0;
	_ =	sdelay $0x1  }
0xe4: {  	v1 =	vmul.f32 v12, v13;
	_ =	sdelay $0x1  }
0xe5: {  	[tilespmem:s25+$0x2800] =	vst v1  }
0xe6: {  	v1 =	vld [tilespmem:$0xF880];
	_ =	sdelay $0x2  }
0xe7: {  	v14 =	vbroadcast v0, $0x1;
	_ =	sdelay $0x1  }
0xe8: {  	v1 =	vmul.f32 v1, v14;
	_ =	sdelay $0x1  }
0xe9: {  	[tilespmem:s25+$0x2810] =	vst v1  }
0xea: {  	v1 =	vld [tilespmem:$0xF900];
	_ =	sdelay $0x2  }
0xeb: {  	v15 =	vbroadcast v0, $0x2;
	_ =	sdelay $0x1  }
0xec: {  	v1 =	vmul.f32 v1, v15;
	_ =	sdelay $0x1  }
0xed: {  	[tilespmem:s25+$0x2820] =	vst v1  }
0xee: {  	v1 =	vld [tilespmem:$0xF980];
	_ =	sdelay $0x2  }
0xef: {  	v16 =	vbroadcast v0, $0x3;
	_ =	sdelay $0x1  }
0xf0: {  	v1 =	vmul.f32 v1, v16;
	_ =	sdelay $0x1  }
0xf1: {  	[tilespmem:s25+$0x2830] =	vst v1  }
0xf2: {  	v1 =	vld [tilespmem:$0xFA00];
	_ =	sdelay $0x2  }
0xf3: {  	v17 =	vbroadcast v0, $0x4;
	_ =	sdelay $0x1  }
0xf4: {  	v1 =	vmul.f32 v1, v17;
	_ =	sdelay $0x1  }
0xf5: {  	[tilespmem:s25+$0x2840] =	vst v1  }
0xf6: {  	v1 =	vld [tilespmem:$0xFA80];
	_ =	sdelay $0x2  }
0xf7: {  	v18 =	vbroadcast v0, $0x5;
	_ =	sdelay $0x1  }
0xf8: {  	v1 =	vmul.f32 v1, v18;
	_ =	sdelay $0x1  }
0xf9: {  	[tilespmem:s25+$0x2850] =	vst v1  }
0xfa: {  	v1 =	vld [tilespmem:$0xFB00];
	_ =	sdelay $0x2  }
0xfb: {  	v19 =	vbroadcast v0, $0x6;
	_ =	sdelay $0x1  }
0xfc: {  	v1 =	vmul.f32 v1, v19;
	_ =	sdelay $0x1  }
0xfd: {  	[tilespmem:s25+$0x2860] =	vst v1  }
0xfe: {  	v1 =	vld [tilespmem:$0xFB80];
	_ =	sdelay $0x2  }
0xff: {  	v20 =	vbroadcast v0, $0x7;
	_ =	sdelay $0x1  }
0x100: {  	v1 =	vmul.f32 v1, v20;
	_ =	sdelay $0x1  }
0x101: {  	[tilespmem:s25+$0x2870] =	vst v1  }
0x102: {  	v1 =	vld [tilespmem:$0xFC00];
	_ =	sdelay $0x2  }
0x103: {  	v21 =	vbroadcast v0, $0x8;
	_ =	sdelay $0x1  }
0x104: {  	v1 =	vmul.f32 v1, v21;
	_ =	sdelay $0x1  }
0x105: {  	[tilespmem:s25+$0x2C00] =	vst v1  }
0x106: {  	v1 =	vld [tilespmem:$0xFC80];
	_ =	sdelay $0x2  }
0x107: {  	v22 =	vbroadcast v0, $0x9;
	_ =	sdelay $0x1  }
0x108: {  	v1 =	vmul.f32 v1, v22;
	_ =	sdelay $0x1  }
0x109: {  	[tilespmem:s25+$0x2C10] =	vst v1  }
0x10a: {  	v1 =	vld [tilespmem:$0xFD00];
	_ =	sdelay $0x2  }
0x10b: {  	v23 =	vbroadcast v0, $0xA;
	_ =	sdelay $0x1  }
0x10c: {  	v1 =	vmul.f32 v1, v23;
	_ =	sdelay $0x1  }
0x10d: {  	[tilespmem:s25+$0x2C20] =	vst v1  }
0x10e: {  	v1 =	vld [tilespmem:$0xFD80];
	_ =	sdelay $0x2  }
0x10f: {  	v24 =	vbroadcast v0, $0xB;
	_ =	sdelay $0x1  }
0x110: {  	v1 =	vmul.f32 v1, v24;
	_ =	sdelay $0x1  }
0x111: {  	[tilespmem:s25+$0x2C30] =	vst v1  }
0x112: {  	v1 =	vld [tilespmem:$0xFE00];
	_ =	sdelay $0x2  }
0x113: {  	v25 =	vbroadcast v0, $0xC;
	_ =	sdelay $0x1  }
0x114: {  	v1 =	vmul.f32 v1, v25;
	_ =	sdelay $0x1  }
0x115: {  	[tilespmem:s25+$0x2C40] =	vst v1  }
0x116: {  	v1 =	vld [tilespmem:$0xFE80];
	_ =	sdelay $0x2  }
0x117: {  	v26 =	vbroadcast v0, $0xD;
	_ =	sdelay $0x1  }
0x118: {  	v1 =	vmul.f32 v1, v26;
	_ =	sdelay $0x1  }
0x119: {  	[tilespmem:s25+$0x2C50] =	vst v1  }
0x11a: {  	v1 =	vld [tilespmem:$0xFF00];
	_ =	sdelay $0x2  }
0x11b: {  	v27 =	vbroadcast v0, $0xE;
	_ =	sdelay $0x1  }
0x11c: {  	v1 =	vmul.f32 v1, v27;
	_ =	sdelay $0x1  }
0x11d: {  	[tilespmem:s25+$0x2C60] =	vst v1  }
0x11e: {  	v1 =	vld [tilespmem:$0xFF80];
	_ =	sdelay $0x2  }
0x11f: {  	v0 =	vbroadcast v0, $0xF;
	_ =	sdelay $0x1  }
0x120: {  	v0 =	vmul.f32 v1, v0;
	_ =	sdelay $0x1  }
0x121: {  	[tilespmem:s25+$0x2C70] =	vst v0  }
0x122: {  	v0 =	vld [tilespmem:s23+$0x10];
	_ =	sdelay $0x1  }
0x123: {  	v28 =	vld [tilespmem:$0x10000];
	_ =	sdelay $0x2  }
0x124: {  	v29 =	vbroadcast v0, $0x0;
	_ =	sdelay $0x1  }
0x125: {  	v1 =	vmul.f32 v28, v29;
	_ =	sdelay $0x1  }
0x126: {  	[tilespmem:s25+$0x3000] =	vst v1  }
0x127: {  	v1 =	vld [tilespmem:$0x10080];
	_ =	sdelay $0x2  }
0x128: {  	v30 =	vbroadcast v0, $0x1;
	_ =	sdelay $0x1  }
0x129: {  	v1 =	vmul.f32 v1, v30;
	_ =	sdelay $0x1  }
0x12a: {  	[tilespmem:s25+$0x3010] =	vst v1  }
0x12b: {  	v1 =	vld [tilespmem:$0x10100];
	_ =	sdelay $0x2  }
0x12c: {  	v31 =	vbroadcast v0, $0x2;
	_ =	sdelay $0x1  }
0x12d: {  	v1 =	vmul.f32 v1, v31;
	_ =	sdelay $0x1  }
0x12e: {  	[tilespmem:s25+$0x3020] =	vst v1  }
0x12f: {  	v1 =	vld [tilespmem:$0x10180];
	_ =	sdelay $0x2  }
0x130: {  	v32 =	vbroadcast v0, $0x3;
	_ =	sdelay $0x1  }
0x131: {  	v1 =	vmul.f32 v1, v32;
	_ =	sdelay $0x1  }
0x132: {  	[tilespmem:s25+$0x3030] =	vst v1  }
0x133: {  	v1 =	vld [tilespmem:$0x10200];
	_ =	sdelay $0x2  }
0x134: {  	v33 =	vbroadcast v0, $0x4;
	_ =	sdelay $0x1  }
0x135: {  	v1 =	vmul.f32 v1, v33;
	_ =	sdelay $0x1  }
0x136: {  	[tilespmem:s25+$0x3040] =	vst v1  }
0x137: {  	v1 =	vld [tilespmem:$0x10280];
	_ =	sdelay $0x2  }
0x138: {  	v34 =	vbroadcast v0, $0x5;
	_ =	sdelay $0x1  }
0x139: {  	v1 =	vmul.f32 v1, v34;
	_ =	sdelay $0x1  }
0x13a: {  	[tilespmem:s25+$0x3050] =	vst v1  }
0x13b: {  	v1 =	vld [tilespmem:$0x10300];
	_ =	sdelay $0x2  }
0x13c: {  	v35 =	vbroadcast v0, $0x6;
	_ =	sdelay $0x1  }
0x13d: {  	v1 =	vmul.f32 v1, v35;
	_ =	sdelay $0x1  }
0x13e: {  	[tilespmem:s25+$0x3060] =	vst v1  }
0x13f: {  	v1 =	vld [tilespmem:$0x10380];
	_ =	sdelay $0x2  }
0x140: {  	v36 =	vbroadcast v0, $0x7;
	_ =	sdelay $0x1  }
0x141: {  	v1 =	vmul.f32 v1, v36;
	_ =	sdelay $0x1  }
0x142: {  	[tilespmem:s25+$0x3070] =	vst v1  }
0x143: {  	v1 =	vld [tilespmem:$0x10400];
	_ =	sdelay $0x2  }
0x144: {  	v37 =	vbroadcast v0, $0x8;
	_ =	sdelay $0x1  }
0x145: {  	v1 =	vmul.f32 v1, v37;
	_ =	sdelay $0x1  }
0x146: {  	[tilespmem:s25+$0x3400] =	vst v1  }
0x147: {  	v1 =	vld [tilespmem:$0x10480];
	_ =	sdelay $0x2  }
0x148: {  	v38 =	vbroadcast v0, $0x9;
	_ =	sdelay $0x1  }
0x149: {  	v1 =	vmul.f32 v1, v38;
	_ =	sdelay $0x1  }
0x14a: {  	[tilespmem:s25+$0x3410] =	vst v1  }
0x14b: {  	v1 =	vld [tilespmem:$0x10500];
	_ =	sdelay $0x2  }
0x14c: {  	v39 =	vbroadcast v0, $0xA;
	_ =	sdelay $0x1  }
0x14d: {  	v1 =	vmul.f32 v1, v39;
	_ =	sdelay $0x1  }
0x14e: {  	[tilespmem:s25+$0x3420] =	vst v1  }
0x14f: {  	v1 =	vld [tilespmem:$0x10580];
	_ =	sdelay $0x2  }
0x150: {  	v40 =	vbroadcast v0, $0xB;
	_ =	sdelay $0x1  }
0x151: {  	v1 =	vmul.f32 v1, v40;
	_ =	sdelay $0x1  }
0x152: {  	[tilespmem:s25+$0x3430] =	vst v1  }
0x153: {  	v1 =	vld [tilespmem:$0x10600];
	_ =	sdelay $0x2  }
0x154: {  	v41 =	vbroadcast v0, $0xC;
	_ =	sdelay $0x1  }
0x155: {  	v1 =	vmul.f32 v1, v41;
	_ =	sdelay $0x1  }
0x156: {  	[tilespmem:s25+$0x3440] =	vst v1  }
0x157: {  	v1 =	vld [tilespmem:$0x10680];
	_ =	sdelay $0x2  }
0x158: {  	v42 =	vbroadcast v0, $0xD;
	_ =	sdelay $0x1  }
0x159: {  	v1 =	vmul.f32 v1, v42;
	_ =	sdelay $0x1  }
0x15a: {  	[tilespmem:s25+$0x3450] =	vst v1  }
0x15b: {  	v1 =	vld [tilespmem:$0x10700];
	_ =	sdelay $0x2  }
0x15c: {  	v43 =	vbroadcast v0, $0xE;
	_ =	sdelay $0x1  }
0x15d: {  	v1 =	vmul.f32 v1, v43;
	_ =	sdelay $0x1  }
0x15e: {  	[tilespmem:s25+$0x3460] =	vst v1  }
0x15f: {  	v1 =	vld [tilespmem:$0x10780];
	_ =	sdelay $0x2  }
0x160: {  	v0 =	vbroadcast v0, $0xF;
	_ =	sdelay $0x1  }
0x161: {  	v0 =	vmul.f32 v1, v0;
	_ =	sdelay $0x1  }
0x162: {  	[tilespmem:s25+$0x3470] =	vst v0  }
0x163: {  	v0 =	vld [tilespmem:s23+$0x20];
	_ =	sdelay $0x1  }
0x164: {  	v44 =	vld [tilespmem:$0x10800];
	_ =	sdelay $0x2  }
0x165: {  	v45 =	vbroadcast v0, $0x0;
	_ =	sdelay $0x1  }
0x166: {  	v1 =	vmul.f32 v44, v45;
	_ =	sdelay $0x1  }
0x167: {  	[tilespmem:s25+$0x3800] =	vst v1  }
0x168: {  	v1 =	vld [tilespmem:$0x10880];
	_ =	sdelay $0x2  }
0x169: {  	v46 =	vbroadcast v0, $0x1;
	_ =	sdelay $0x1  }
0x16a: {  	v1 =	vmul.f32 v1, v46;
	_ =	sdelay $0x1  }
0x16b: {  	[tilespmem:s25+$0x3810] =	vst v1  }
0x16c: {  	v1 =	vld [tilespmem:$0x10900];
	_ =	sdelay $0x2  }
0x16d: {  	v47 =	vbroadcast v0, $0x2;
	_ =	sdelay $0x1  }
0x16e: {  	v1 =	vmul.f32 v1, v47;
	_ =	sdelay $0x1  }
0x16f: {  	[tilespmem:s25+$0x3820] =	vst v1  }
0x170: {  	v1 =	vld [tilespmem:$0x10980];
	_ =	sdelay $0x2  }
0x171: {  	v48 =	vbroadcast v0, $0x3;
	_ =	sdelay $0x1  }
0x172: {  	v1 =	vmul.f32 v1, v48;
	_ =	sdelay $0x1  }
0x173: {  	[tilespmem:s25+$0x3830] =	vst v1  }
0x174: {  	v1 =	vld [tilespmem:$0x10A00];
	_ =	sdelay $0x2  }
0x175: {  	v49 =	vbroadcast v0, $0x4;
	_ =	sdelay $0x1  }
0x176: {  	v1 =	vmul.f32 v1, v49;
	_ =	sdelay $0x1  }
0x177: {  	[tilespmem:s25+$0x3840] =	vst v1  }
0x178: {  	v1 =	vld [tilespmem:$0x10A80];
	_ =	sdelay $0x2  }
0x179: {  	v50 =	vbroadcast v0, $0x5;
	_ =	sdelay $0x1  }
0x17a: {  	v1 =	vmul.f32 v1, v50;
	_ =	sdelay $0x1  }
0x17b: {  	[tilespmem:s25+$0x3850] =	vst v1  }
0x17c: {  	v1 =	vld [tilespmem:$0x10B00];
	_ =	sdelay $0x2  }
0x17d: {  	v51 =	vbroadcast v0, $0x6;
	_ =	sdelay $0x1  }
0x17e: {  	v1 =	vmul.f32 v1, v51;
	_ =	sdelay $0x1  }
0x17f: {  	[tilespmem:s25+$0x3860] =	vst v1  }
0x180: {  	v1 =	vld [tilespmem:$0x10B80];
	_ =	sdelay $0x2  }
0x181: {  	v52 =	vbroadcast v0, $0x7;
	_ =	sdelay $0x1  }
0x182: {  	v1 =	vmul.f32 v1, v52;
	_ =	sdelay $0x1  }
0x183: {  	[tilespmem:s25+$0x3870] =	vst v1  }
0x184: {  	v1 =	vld [tilespmem:$0x10C00];
	_ =	sdelay $0x2  }
0x185: {  	v53 =	vbroadcast v0, $0x8;
	_ =	sdelay $0x1  }
0x186: {  	v1 =	vmul.f32 v1, v53;
	_ =	sdelay $0x1  }
0x187: {  	[tilespmem:s25+$0x3C00] =	vst v1  }
0x188: {  	v1 =	vld [tilespmem:$0x10C80];
	_ =	sdelay $0x2  }
0x189: {  	v54 =	vbroadcast v0, $0x9;
	_ =	sdelay $0x1  }
0x18a: {  	v1 =	vmul.f32 v1, v54;
	_ =	sdelay $0x1  }
0x18b: {  	[tilespmem:s25+$0x3C10] =	vst v1  }
0x18c: {  	v1 =	vld [tilespmem:$0x10D00];
	_ =	sdelay $0x2  }
0x18d: {  	v55 =	vbroadcast v0, $0xA;
	_ =	sdelay $0x1  }
0x18e: {  	v1 =	vmul.f32 v1, v55;
	_ =	sdelay $0x1  }
0x18f: {  	[tilespmem:s25+$0x3C20] =	vst v1  }
0x190: {  	v1 =	vld [tilespmem:$0x10D80];
	_ =	sdelay $0x2  }
0x191: {  	v56 =	vbroadcast v0, $0xB;
	_ =	sdelay $0x1  }
0x192: {  	v1 =	vmul.f32 v1, v56;
	_ =	sdelay $0x1  }
0x193: {  	[tilespmem:s25+$0x3C30] =	vst v1  }
0x194: {  	v1 =	vld [tilespmem:$0x10E00];
	_ =	sdelay $0x2  }
0x195: {  	v57 =	vbroadcast v0, $0xC;
	_ =	sdelay $0x1  }
0x196: {  	v1 =	vmul.f32 v1, v57;
	_ =	sdelay $0x1  }
0x197: {  	[tilespmem:s25+$0x3C40] =	vst v1  }
0x198: {  	v1 =	vld [tilespmem:$0x10E80];
	_ =	sdelay $0x2  }
0x199: {  	v58 =	vbroadcast v0, $0xD;
	_ =	sdelay $0x1  }
0x19a: {  	v1 =	vmul.f32 v1, v58;
	_ =	sdelay $0x1  }
0x19b: {  	[tilespmem:s25+$0x3C50] =	vst v1  }
0x19c: {  	v1 =	vld [tilespmem:$0x10F00];
	_ =	sdelay $0x2  }
0x19d: {  	v59 =	vbroadcast v0, $0xE;
	_ =	sdelay $0x1  }
0x19e: {  	v1 =	vmul.f32 v1, v59;
	_ =	sdelay $0x1  }
0x19f: {  	[tilespmem:s25+$0x3C60] =	vst v1  }
0x1a0: {  	v1 =	vld [tilespmem:$0x10F80];
	_ =	sdelay $0x2  }
0x1a1: {  	v0 =	vbroadcast v0, $0xF;
	_ =	sdelay $0x1  }
0x1a2: {  	v0 =	vmul.f32 v1, v0;
	_ =	sdelay $0x1  }
0x1a3: {  	[tilespmem:s25+$0x3C70] =	vst v0  }
0x1a4: {  	v0 =	vld [tilespmem:s23+$0x24];
	_ =	sdelay $0x1  }
0x1a5: {  	v60 =	vld [tilespmem:$0x11000];
	_ =	sdelay $0x2  }
0x1a6: {  	v61 =	vbroadcast v0, $0xC;
	_ =	sdelay $0x1  }
0x1a7: {  	v1 =	vmul.f32 v60, v61;
	_ =	sdelay $0x1  }
0x1a8: {  	[tilespmem:s25+$0x4000] =	vst v1  }
0x1a9: {  	v1 =	vld [tilespmem:$0x11080];
	_ =	sdelay $0x2  }
0x1aa: {  	v62 =	vbroadcast v0, $0xD;
	_ =	sdelay $0x1  }
0x1ab: {  	v1 =	vmul.f32 v1, v62;
	_ =	sdelay $0x1  }
0x1ac: {  	[tilespmem:s25+$0x4010] =	vst v1  }
0x1ad: {  	v1 =	vld [tilespmem:$0x11100];
	_ =	sdelay $0x2  }
0x1ae: {  	v63 =	vbroadcast v0, $0xE;
	_ =	sdelay $0x1  }
0x1af: {  	v1 =	vmul.f32 v1, v63;
	_ =	sdelay $0x1  }
0x1b0: {  	[tilespmem:s25+$0x4020] =	vst v1  }
0x1b1: {  	v1 =	vld [tilespmem:$0x11180];
	_ =	sdelay $0x1  }
0x1b2: {  	p1 =	sne.s32 s24, $0xF  }
.Ltmp0:
0x1b3: {  	v0 =	vbroadcast v0, $0xF;
	(pc) =	sbr.rel @p1 .LBB2_3-.Ltmp0, $3  }
0x1b4: {  	_ = 	snop  }
0x1b5: {  	v0 =	vmul.f32 v1, v0;
	_ =	sdelay $0x1  }
0x1b6: {  	s22 =	sadd.s32 $0x80, s22;
	s24 =	sadd.s32 $0x1, s24;
	s23 =	sadd.s32 $0x80, s23;
	[tilespmem:s25+$0x4030] =	vst v0  }
0x1b7: {  	s21 =	sshrl.u32 s21, $0x3  }
0x1b8: {  	s21 =	smul.u32 $0x680, s21;
	_ =	sdelay $0x1  }
0x1b9: {  	p1 =	seq.s32 s19, $0xF;
	s21 =	sadd.s32 s5, s21  }
0x1ba: {  	[hbm4b:s21+s2] =	stream.linear.scatter [tilespmem:s13], [sflag:$0x3], $0x6800, $0x38;
	[tilespmem:$0x11400] =	vst v63  }
0x1bb: {  	s21 =	sshll.u32 @!p1 s19, $0x9  }
0x1bc: {  	s22 =	simm.s32 @!p1 $0x0;
	s21 =	sadd.s32 @!p1 s21, s7  }
0x1bd: {  	[tilespmem:s22], [sflag:$0x1] =	stream.linear.gather @!p1 [hbm4b:s21+s22], $0x800, $0x38;
	[tilespmem:$0x11400] =	vst v63  }
0x1be: {  	_ =	swait.ge [sflag:s14], $0x800  }
0x1bf: {  	[sflag:s14] =	ssyncset.done $0x0  }
0x1c0: {  	s21 =	simm.s32 @!p0 $0x4;
	[sflag:s14] =	ssyncadd.s32 $0xFFFFF800  }
0x1c1: {  	s20 =	sshll.u32 s20, $0x4;
	_ =	swait.ge @!p0 [sflag:s21], $0x6800  }
0x1c2: {  	s23 =	simm.s32 $0x0;
	s20 =	sadd.s32 s3, s20;
	[sflag:s21] =	ssyncset.done @!p0 $0x0  }
0x1c3: {  	s22 =	simm.s32 $0x830;
	[sflag:s21] =	ssyncadd.s32 @!p0 $0xFFFF9800;
	s21 =	simm.s32 $0x0  }
.LBB2_5:
0x1c4: {  	v0 =	vld [tilespmem:s22+$0xFFFFFFD0];
	_ =	sdelay $0x1  }
0x1c5: {  	v1 =	vld [tilespmem:$0xE000];
	_ =	sdelay $0x1  }
0x1c6: {  	s24 =	sshrl.u32 s23, $0x3  }
0x1c7: {  	s24 =	smul.u32 $0xD000, s24;
	v2 =	vbroadcast v0, $0x0;
	_ =	sdelay $0x1  }
0x1c8: {  	s25 =	sand.u32 $0x380, s21;
	s24 =	sshra.s32 s24, $0x2;
	v1 =	vmul.f32 v1, v2  }
0x1c9: {  	s24 =	sor.u32 s25, s24  }
0x1ca: {  	[tilespmem:s24+$0x7800] =	vst v1  }
0x1cb: {  	v1 =	vld [tilespmem:$0xE080];
	_ =	sdelay $0x2  }
0x1cc: {  	v26 =	vbroadcast v0, $0x1;
	_ =	sdelay $0x1  }
0x1cd: {  	v1 =	vmul.f32 v1, v26;
	_ =	sdelay $0x1  }
0x1ce: {  	[tilespmem:s24+$0x7810] =	vst v1  }
0x1cf: {  	v1 =	vld [tilespmem:$0xE100];
	_ =	sdelay $0x2  }
0x1d0: {  	v27 =	vbroadcast v0, $0x2;
	_ =	sdelay $0x1  }
0x1d1: {  	v1 =	vmul.f32 v1, v27;
	_ =	sdelay $0x1  }
0x1d2: {  	[tilespmem:s24+$0x7820] =	vst v1  }
0x1d3: {  	v1 =	vld [tilespmem:$0xE180];
	_ =	sdelay $0x2  }
0x1d4: {  	v28 =	vbroadcast v0, $0x3;
	_ =	sdelay $0x1  }
0x1d5: {  	v1 =	vmul.f32 v1, v28;
	_ =	sdelay $0x1  }
0x1d6: {  	[tilespmem:s24+$0x7830] =	vst v1  }
0x1d7: {  	v1 =	vld [tilespmem:$0xE200];
	_ =	sdelay $0x2  }
0x1d8: {  	v29 =	vbroadcast v0, $0x4;
	_ =	sdelay $0x1  }
0x1d9: {  	v1 =	vmul.f32 v1, v29;
	_ =	sdelay $0x1  }
0x1da: {  	[tilespmem:s24+$0x7840] =	vst v1  }
0x1db: {  	v1 =	vld [tilespmem:$0xE280];
	_ =	sdelay $0x2  }
0x1dc: {  	v30 =	vbroadcast v0, $0x5;
	_ =	sdelay $0x1  }
0x1dd: {  	v1 =	vmul.f32 v1, v30;
	_ =	sdelay $0x1  }
0x1de: {  	[tilespmem:s24+$0x7850] =	vst v1  }
0x1df: {  	v1 =	vld [tilespmem:$0xE300];
	_ =	sdelay $0x2  }
0x1e0: {  	v31 =	vbroadcast v0, $0x6;
	_ =	sdelay $0x1  }
0x1e1: {  	v1 =	vmul.f32 v1, v31;
	_ =	sdelay $0x1  }
0x1e2: {  	[tilespmem:s24+$0x7860] =	vst v1  }
0x1e3: {  	v1 =	vld [tilespmem:$0xE380];
	_ =	sdelay $0x2  }
0x1e4: {  	v32 =	vbroadcast v0, $0x7;
	_ =	sdelay $0x1  }
0x1e5: {  	v1 =	vmul.f32 v1, v32;
	_ =	sdelay $0x1  }
0x1e6: {  	[tilespmem:s24+$0x7870] =	vst v1  }
0x1e7: {  	v1 =	vld [tilespmem:$0xE400];
	_ =	sdelay $0x2  }
0x1e8: {  	v33 =	vbroadcast v0, $0x8;
	_ =	sdelay $0x1  }
0x1e9: {  	v1 =	vmul.f32 v1, v33;
	_ =	sdelay $0x1  }
0x1ea: {  	[tilespmem:s24+$0x7C00] =	vst v1  }
0x1eb: {  	v1 =	vld [tilespmem:$0xE480];
	_ =	sdelay $0x2  }
0x1ec: {  	v34 =	vbroadcast v0, $0x9;
	_ =	sdelay $0x1  }
0x1ed: {  	v1 =	vmul.f32 v1, v34;
	_ =	sdelay $0x1  }
0x1ee: {  	[tilespmem:s24+$0x7C10] =	vst v1  }
0x1ef: {  	v1 =	vld [tilespmem:$0xE500];
	_ =	sdelay $0x2  }
0x1f0: {  	v35 =	vbroadcast v0, $0xA;
	_ =	sdelay $0x1  }
0x1f1: {  	v1 =	vmul.f32 v1, v35;
	_ =	sdelay $0x1  }
0x1f2: {  	[tilespmem:s24+$0x7C20] =	vst v1  }
0x1f3: {  	v1 =	vld [tilespmem:$0xE580];
	_ =	sdelay $0x2  }
0x1f4: {  	v36 =	vbroadcast v0, $0xB;
	_ =	sdelay $0x1  }
0x1f5: {  	v1 =	vmul.f32 v1, v36;
	_ =	sdelay $0x1  }
0x1f6: {  	[tilespmem:s24+$0x7C30] =	vst v1  }
0x1f7: {  	v1 =	vld [tilespmem:$0xE600];
	_ =	sdelay $0x2  }
0x1f8: {  	v37 =	vbroadcast v0, $0xC;
	_ =	sdelay $0x1  }
0x1f9: {  	v1 =	vmul.f32 v1, v37;
	_ =	sdelay $0x1  }
0x1fa: {  	[tilespmem:s24+$0x7C40] =	vst v1  }
0x1fb: {  	v1 =	vld [tilespmem:$0xE680];
	_ =	sdelay $0x2  }
0x1fc: {  	v38 =	vbroadcast v0, $0xD;
	_ =	sdelay $0x1  }
0x1fd: {  	v1 =	vmul.f32 v1, v38;
	_ =	sdelay $0x1  }
0x1fe: {  	[tilespmem:s24+$0x7C50] =	vst v1  }
0x1ff: {  	v1 =	vld [tilespmem:$0xE700];
	_ =	sdelay $0x2  }
0x200: {  	v39 =	vbroadcast v0, $0xE;
	_ =	sdelay $0x1  }
0x201: {  	v1 =	vmul.f32 v1, v39;
	_ =	sdelay $0x1  }
0x202: {  	[tilespmem:s24+$0x7C60] =	vst v1  }
0x203: {  	v1 =	vld [tilespmem:$0xE780];
	_ =	sdelay $0x2  }
0x204: {  	v0 =	vbroadcast v0, $0xF;
	_ =	sdelay $0x1  }
0x205: {  	v0 =	vmul.f32 v1, v0;
	_ =	sdelay $0x1  }
0x206: {  	[tilespmem:s24+$0x7C70] =	vst v0  }
0x207: {  	v0 =	vld [tilespmem:s22+$0xFFFFFFE0];
	_ =	sdelay $0x1  }
0x208: {  	v40 =	vld [tilespmem:$0xE800];
	_ =	sdelay $0x2  }
0x209: {  	v41 =	vbroadcast v0, $0x0;
	_ =	sdelay $0x1  }
0x20a: {  	v1 =	vmul.f32 v40, v41;
	_ =	sdelay $0x1  }
0x20b: {  	[tilespmem:s24+$0x8000] =	vst v1  }
0x20c: {  	v1 =	vld [tilespmem:$0xE880];
	_ =	sdelay $0x2  }
0x20d: {  	v42 =	vbroadcast v0, $0x1;
	_ =	sdelay $0x1  }
0x20e: {  	v1 =	vmul.f32 v1, v42;
	_ =	sdelay $0x1  }
0x20f: {  	[tilespmem:s24+$0x8010] =	vst v1  }
0x210: {  	v1 =	vld [tilespmem:$0xE900];
	_ =	sdelay $0x2  }
0x211: {  	v43 =	vbroadcast v0, $0x2;
	_ =	sdelay $0x1  }
0x212: {  	v1 =	vmul.f32 v1, v43;
	_ =	sdelay $0x1  }
0x213: {  	[tilespmem:s24+$0x8020] =	vst v1  }
0x214: {  	v1 =	vld [tilespmem:$0xE980];
	_ =	sdelay $0x2  }
0x215: {  	v44 =	vbroadcast v0, $0x3;
	_ =	sdelay $0x1  }
0x216: {  	v1 =	vmul.f32 v1, v44;
	_ =	sdelay $0x1  }
0x217: {  	[tilespmem:s24+$0x8030] =	vst v1  }
0x218: {  	v1 =	vld [tilespmem:$0xEA00];
	_ =	sdelay $0x2  }
0x219: {  	v45 =	vbroadcast v0, $0x4;
	_ =	sdelay $0x1  }
0x21a: {  	v1 =	vmul.f32 v1, v45;
	_ =	sdelay $0x1  }
0x21b: {  	[tilespmem:s24+$0x8040] =	vst v1  }
0x21c: {  	v1 =	vld [tilespmem:$0xEA80];
	_ =	sdelay $0x2  }
0x21d: {  	v46 =	vbroadcast v0, $0x5;
	_ =	sdelay $0x1  }
0x21e: {  	v1 =	vmul.f32 v1, v46;
	_ =	sdelay $0x1  }
0x21f: {  	[tilespmem:s24+$0x8050] =	vst v1  }
0x220: {  	v1 =	vld [tilespmem:$0xEB00];
	_ =	sdelay $0x2  }
0x221: {  	v47 =	vbroadcast v0, $0x6;
	_ =	sdelay $0x1  }
0x222: {  	v1 =	vmul.f32 v1, v47;
	_ =	sdelay $0x1  }
0x223: {  	[tilespmem:s24+$0x8060] =	vst v1  }
0x224: {  	v1 =	vld [tilespmem:$0xEB80];
	_ =	sdelay $0x2  }
0x225: {  	v48 =	vbroadcast v0, $0x7;
	_ =	sdelay $0x1  }
0x226: {  	v1 =	vmul.f32 v1, v48;
	_ =	sdelay $0x1  }
0x227: {  	[tilespmem:s24+$0x8070] =	vst v1  }
0x228: {  	v1 =	vld [tilespmem:$0xEC00];
	_ =	sdelay $0x2  }
0x229: {  	v49 =	vbroadcast v0, $0x8;
	_ =	sdelay $0x1  }
0x22a: {  	v1 =	vmul.f32 v1, v49;
	_ =	sdelay $0x1  }
0x22b: {  	[tilespmem:s24+$0x8400] =	vst v1  }
0x22c: {  	v1 =	vld [tilespmem:$0xEC80];
	_ =	sdelay $0x2  }
0x22d: {  	v50 =	vbroadcast v0, $0x9;
	_ =	sdelay $0x1  }
0x22e: {  	v1 =	vmul.f32 v1, v50;
	_ =	sdelay $0x1  }
0x22f: {  	[tilespmem:s24+$0x8410] =	vst v1  }
0x230: {  	v1 =	vld [tilespmem:$0xED00];
	_ =	sdelay $0x2  }
0x231: {  	v51 =	vbroadcast v0, $0xA;
	_ =	sdelay $0x1  }
0x232: {  	v1 =	vmul.f32 v1, v51;
	_ =	sdelay $0x1  }
0x233: {  	[tilespmem:s24+$0x8420] =	vst v1  }
0x234: {  	v1 =	vld [tilespmem:$0xED80];
	_ =	sdelay $0x2  }
0x235: {  	v52 =	vbroadcast v0, $0xB;
	_ =	sdelay $0x1  }
0x236: {  	v1 =	vmul.f32 v1, v52;
	_ =	sdelay $0x1  }
0x237: {  	[tilespmem:s24+$0x8430] =	vst v1  }
0x238: {  	v1 =	vld [tilespmem:$0xEE00];
	_ =	sdelay $0x2  }
0x239: {  	v53 =	vbroadcast v0, $0xC;
	_ =	sdelay $0x1  }
0x23a: {  	v1 =	vmul.f32 v1, v53;
	_ =	sdelay $0x1  }
0x23b: {  	[tilespmem:s24+$0x8440] =	vst v1  }
0x23c: {  	v1 =	vld [tilespmem:$0xEE80];
	_ =	sdelay $0x2  }
0x23d: {  	v54 =	vbroadcast v0, $0xD;
	_ =	sdelay $0x1  }
0x23e: {  	v1 =	vmul.f32 v1, v54;
	_ =	sdelay $0x1  }
0x23f: {  	[tilespmem:s24+$0x8450] =	vst v1  }
0x240: {  	v1 =	vld [tilespmem:$0xEF00];
	_ =	sdelay $0x2  }
0x241: {  	v55 =	vbroadcast v0, $0xE;
	_ =	sdelay $0x1  }
0x242: {  	v1 =	vmul.f32 v1, v55;
	_ =	sdelay $0x1  }
0x243: {  	[tilespmem:s24+$0x8460] =	vst v1  }
0x244: {  	v1 =	vld [tilespmem:$0xEF80];
	_ =	sdelay $0x2  }
0x245: {  	v0 =	vbroadcast v0, $0xF;
	_ =	sdelay $0x1  }
0x246: {  	v0 =	vmul.f32 v1, v0;
	_ =	sdelay $0x1  }
0x247: {  	[tilespmem:s24+$0x8470] =	vst v0  }
0x248: {  	v0 =	vld [tilespmem:s22+$0xFFFFFFF0];
	_ =	sdelay $0x1  }
0x249: {  	v56 =	vld [tilespmem:$0xF000];
	_ =	sdelay $0x2  }
0x24a: {  	v57 =	vbroadcast v0, $0x0;
	_ =	sdelay $0x1  }
0x24b: {  	v1 =	vmul.f32 v56, v57;
	_ =	sdelay $0x1  }
0x24c: {  	[tilespmem:s24+$0x8800] =	vst v1  }
0x24d: {  	v1 =	vld [tilespmem:$0xF080];
	_ =	sdelay $0x2  }
0x24e: {  	v58 =	vbroadcast v0, $0x1;
	_ =	sdelay $0x1  }
0x24f: {  	v1 =	vmul.f32 v1, v58;
	_ =	sdelay $0x1  }
0x250: {  	[tilespmem:s24+$0x8810] =	vst v1  }
0x251: {  	v1 =	vld [tilespmem:$0xF100];
	_ =	sdelay $0x2  }
0x252: {  	v59 =	vbroadcast v0, $0x2;
	_ =	sdelay $0x1  }
0x253: {  	v1 =	vmul.f32 v1, v59;
	_ =	sdelay $0x1  }
0x254: {  	[tilespmem:s24+$0x8820] =	vst v1  }
0x255: {  	v1 =	vld [tilespmem:$0xF180];
	_ =	sdelay $0x2  }
0x256: {  	v60 =	vbroadcast v0, $0x3;
	_ =	sdelay $0x1  }
0x257: {  	v1 =	vmul.f32 v1, v60;
	_ =	sdelay $0x1  }
0x258: {  	[tilespmem:s24+$0x8830] =	vst v1  }
0x259: {  	v1 =	vld [tilespmem:$0xF200];
	_ =	sdelay $0x2  }
0x25a: {  	v61 =	vbroadcast v0, $0x4;
	_ =	sdelay $0x1  }
0x25b: {  	v1 =	vmul.f32 v1, v61;
	_ =	sdelay $0x1  }
0x25c: {  	[tilespmem:s24+$0x8840] =	vst v1  }
0x25d: {  	v1 =	vld [tilespmem:$0xF280];
	_ =	sdelay $0x2  }
0x25e: {  	v62 =	vbroadcast v0, $0x5;
	_ =	sdelay $0x1  }
0x25f: {  	v1 =	vmul.f32 v1, v62;
	_ =	sdelay $0x1  }
0x260: {  	[tilespmem:s24+$0x8850] =	vst v1  }
0x261: {  	v1 =	vld [tilespmem:$0xF300];
	_ =	sdelay $0x2  }
0x262: {  	v63 =	vbroadcast v0, $0x6;
	_ =	sdelay $0x1  }
0x263: {  	v1 =	vmul.f32 v1, v63;
	_ =	sdelay $0x1  }
0x264: {  	[tilespmem:s24+$0x8860] =	vst v1  }
0x265: {  	v1 =	vld [tilespmem:$0xF380];
	_ =	sdelay $0x2  }
0x266: {  	v4 =	vbroadcast v0, $0x7;
	_ =	sdelay $0x1  }
0x267: {  	v1 =	vmul.f32 v1, v4;
	_ =	sdelay $0x1  }
0x268: {  	[tilespmem:s24+$0x8870] =	vst v1  }
0x269: {  	v1 =	vld [tilespmem:$0xF400];
	_ =	sdelay $0x2  }
0x26a: {  	v5 =	vbroadcast v0, $0x8;
	_ =	sdelay $0x1  }
0x26b: {  	v1 =	vmul.f32 v1, v5;
	_ =	sdelay $0x1  }
0x26c: {  	[tilespmem:s24+$0x8C00] =	vst v1  }
0x26d: {  	v1 =	vld [tilespmem:$0xF480];
	_ =	sdelay $0x2  }
0x26e: {  	v6 =	vbroadcast v0, $0x9;
	_ =	sdelay $0x1  }
0x26f: {  	v1 =	vmul.f32 v1, v6;
	_ =	sdelay $0x1  }
0x270: {  	[tilespmem:s24+$0x8C10] =	vst v1  }
0x271: {  	v1 =	vld [tilespmem:$0xF500];
	_ =	sdelay $0x2  }
0x272: {  	v7 =	vbroadcast v0, $0xA;
	_ =	sdelay $0x1  }
0x273: {  	v1 =	vmul.f32 v1, v7;
	_ =	sdelay $0x1  }
0x274: {  	[tilespmem:s24+$0x8C20] =	vst v1  }
0x275: {  	v1 =	vld [tilespmem:$0xF580];
	_ =	sdelay $0x2  }
0x276: {  	v8 =	vbroadcast v0, $0xB;
	_ =	sdelay $0x1  }
0x277: {  	v1 =	vmul.f32 v1, v8;
	_ =	sdelay $0x1  }
0x278: {  	[tilespmem:s24+$0x8C30] =	vst v1  }
0x279: {  	v1 =	vld [tilespmem:$0xF600];
	_ =	sdelay $0x2  }
0x27a: {  	v9 =	vbroadcast v0, $0xC;
	_ =	sdelay $0x1  }
0x27b: {  	v1 =	vmul.f32 v1, v9;
	_ =	sdelay $0x1  }
0x27c: {  	[tilespmem:s24+$0x8C40] =	vst v1  }
0x27d: {  	v1 =	vld [tilespmem:$0xF680];
	_ =	sdelay $0x2  }
0x27e: {  	v10 =	vbroadcast v0, $0xD;
	_ =	sdelay $0x1  }
0x27f: {  	v1 =	vmul.f32 v1, v10;
	_ =	sdelay $0x1  }
0x280: {  	[tilespmem:s24+$0x8C50] =	vst v1  }
0x281: {  	v1 =	vld [tilespmem:$0xF700];
	_ =	sdelay $0x2  }
0x282: {  	v11 =	vbroadcast v0, $0xE;
	_ =	sdelay $0x1  }
0x283: {  	v1 =	vmul.f32 v1, v11;
	_ =	sdelay $0x1  }
0x284: {  	[tilespmem:s24+$0x8C60] =	vst v1  }
0x285: {  	v1 =	vld [tilespmem:$0xF780];
	_ =	sdelay $0x2  }
0x286: {  	v0 =	vbroadcast v0, $0xF;
	_ =	sdelay $0x1  }
0x287: {  	v0 =	vmul.f32 v1, v0;
	_ =	sdelay $0x1  }
0x288: {  	[tilespmem:s24+$0x8C70] =	vst v0  }
0x289: {  	v0 =	vld [tilespmem:s22+$0x0];
	_ =	sdelay $0x1  }
0x28a: {  	v12 =	vld [tilespmem:$0xF800];
	_ =	sdelay $0x2  }
0x28b: {  	v13 =	vbroadcast v0, $0x0;
	_ =	sdelay $0x1  }
0x28c: {  	v1 =	vmul.f32 v12, v13;
	_ =	sdelay $0x1  }
0x28d: {  	[tilespmem:s24+$0x9000] =	vst v1  }
0x28e: {  	v1 =	vld [tilespmem:$0xF880];
	_ =	sdelay $0x2  }
0x28f: {  	v14 =	vbroadcast v0, $0x1;
	_ =	sdelay $0x1  }
0x290: {  	v1 =	vmul.f32 v1, v14;
	_ =	sdelay $0x1  }
0x291: {  	[tilespmem:s24+$0x9010] =	vst v1  }
0x292: {  	v1 =	vld [tilespmem:$0xF900];
	_ =	sdelay $0x2  }
0x293: {  	v15 =	vbroadcast v0, $0x2;
	_ =	sdelay $0x1  }
0x294: {  	v1 =	vmul.f32 v1, v15;
	_ =	sdelay $0x1  }
0x295: {  	[tilespmem:s24+$0x9020] =	vst v1  }
0x296: {  	v1 =	vld [tilespmem:$0xF980];
	_ =	sdelay $0x2  }
0x297: {  	v16 =	vbroadcast v0, $0x3;
	_ =	sdelay $0x1  }
0x298: {  	v1 =	vmul.f32 v1, v16;
	_ =	sdelay $0x1  }
0x299: {  	[tilespmem:s24+$0x9030] =	vst v1  }
0x29a: {  	v1 =	vld [tilespmem:$0xFA00];
	_ =	sdelay $0x2  }
0x29b: {  	v17 =	vbroadcast v0, $0x4;
	_ =	sdelay $0x1  }
0x29c: {  	v1 =	vmul.f32 v1, v17;
	_ =	sdelay $0x1  }
0x29d: {  	[tilespmem:s24+$0x9040] =	vst v1  }
0x29e: {  	v1 =	vld [tilespmem:$0xFA80];
	_ =	sdelay $0x2  }
0x29f: {  	v18 =	vbroadcast v0, $0x5;
	_ =	sdelay $0x1  }
0x2a0: {  	v1 =	vmul.f32 v1, v18;
	_ =	sdelay $0x1  }
0x2a1: {  	[tilespmem:s24+$0x9050] =	vst v1  }
0x2a2: {  	v1 =	vld [tilespmem:$0xFB00];
	_ =	sdelay $0x2  }
0x2a3: {  	v19 =	vbroadcast v0, $0x6;
	_ =	sdelay $0x1  }
0x2a4: {  	v1 =	vmul.f32 v1, v19;
	_ =	sdelay $0x1  }
0x2a5: {  	[tilespmem:s24+$0x9060] =	vst v1  }
0x2a6: {  	v1 =	vld [tilespmem:$0xFB80];
	_ =	sdelay $0x2  }
0x2a7: {  	v20 =	vbroadcast v0, $0x7;
	_ =	sdelay $0x1  }
0x2a8: {  	v1 =	vmul.f32 v1, v20;
	_ =	sdelay $0x1  }
0x2a9: {  	[tilespmem:s24+$0x9070] =	vst v1  }
0x2aa: {  	v1 =	vld [tilespmem:$0xFC00];
	_ =	sdelay $0x2  }
0x2ab: {  	v21 =	vbroadcast v0, $0x8;
	_ =	sdelay $0x1  }
0x2ac: {  	v1 =	vmul.f32 v1, v21;
	_ =	sdelay $0x1  }
0x2ad: {  	[tilespmem:s24+$0x9400] =	vst v1  }
0x2ae: {  	v1 =	vld [tilespmem:$0xFC80];
	_ =	sdelay $0x2  }
0x2af: {  	v22 =	vbroadcast v0, $0x9;
	_ =	sdelay $0x1  }
0x2b0: {  	v1 =	vmul.f32 v1, v22;
	_ =	sdelay $0x1  }
0x2b1: {  	[tilespmem:s24+$0x9410] =	vst v1  }
0x2b2: {  	v1 =	vld [tilespmem:$0xFD00];
	_ =	sdelay $0x2  }
0x2b3: {  	v23 =	vbroadcast v0, $0xA;
	_ =	sdelay $0x1  }
0x2b4: {  	v1 =	vmul.f32 v1, v23;
	_ =	sdelay $0x1  }
0x2b5: {  	[tilespmem:s24+$0x9420] =	vst v1  }
0x2b6: {  	v1 =	vld [tilespmem:$0xFD80];
	_ =	sdelay $0x2  }
0x2b7: {  	v24 =	vbroadcast v0, $0xB;
	_ =	sdelay $0x1  }
0x2b8: {  	v1 =	vmul.f32 v1, v24;
	_ =	sdelay $0x1  }
0x2b9: {  	[tilespmem:s24+$0x9430] =	vst v1  }
0x2ba: {  	v1 =	vld [tilespmem:$0xFE00];
	_ =	sdelay $0x2  }
0x2bb: {  	v25 =	vbroadcast v0, $0xC;
	_ =	sdelay $0x1  }
0x2bc: {  	v1 =	vmul.f32 v1, v25;
	_ =	sdelay $0x1  }
0x2bd: {  	[tilespmem:s24+$0x9440] =	vst v1  }
0x2be: {  	v1 =	vld [tilespmem:$0xFE80];
	_ =	sdelay $0x2  }
0x2bf: {  	v26 =	vbroadcast v0, $0xD;
	_ =	sdelay $0x1  }
0x2c0: {  	v1 =	vmul.f32 v1, v26;
	_ =	sdelay $0x1  }
0x2c1: {  	[tilespmem:s24+$0x9450] =	vst v1  }
0x2c2: {  	v1 =	vld [tilespmem:$0xFF00];
	_ =	sdelay $0x2  }
0x2c3: {  	v27 =	vbroadcast v0, $0xE;
	_ =	sdelay $0x1  }
0x2c4: {  	v1 =	vmul.f32 v1, v27;
	_ =	sdelay $0x1  }
0x2c5: {  	[tilespmem:s24+$0x9460] =	vst v1  }
0x2c6: {  	v1 =	vld [tilespmem:$0xFF80];
	_ =	sdelay $0x2  }
0x2c7: {  	v0 =	vbroadcast v0, $0xF;
	_ =	sdelay $0x1  }
0x2c8: {  	v0 =	vmul.f32 v1, v0;
	_ =	sdelay $0x1  }
0x2c9: {  	[tilespmem:s24+$0x9470] =	vst v0  }
0x2ca: {  	v0 =	vld [tilespmem:s22+$0x10];
	_ =	sdelay $0x1  }
0x2cb: {  	v28 =	vld [tilespmem:$0x10000];
	_ =	sdelay $0x2  }
0x2cc: {  	v29 =	vbroadcast v0, $0x0;
	_ =	sdelay $0x1  }
0x2cd: {  	v1 =	vmul.f32 v28, v29;
	_ =	sdelay $0x1  }
0x2ce: {  	[tilespmem:s24+$0x9800] =	vst v1  }
0x2cf: {  	v1 =	vld [tilespmem:$0x10080];
	_ =	sdelay $0x2  }
0x2d0: {  	v30 =	vbroadcast v0, $0x1;
	_ =	sdelay $0x1  }
0x2d1: {  	v1 =	vmul.f32 v1, v30;
	_ =	sdelay $0x1  }
0x2d2: {  	[tilespmem:s24+$0x9810] =	vst v1  }
0x2d3: {  	v1 =	vld [tilespmem:$0x10100];
	_ =	sdelay $0x2  }
0x2d4: {  	v31 =	vbroadcast v0, $0x2;
	_ =	sdelay $0x1  }
0x2d5: {  	v1 =	vmul.f32 v1, v31;
	_ =	sdelay $0x1  }
0x2d6: {  	[tilespmem:s24+$0x9820] =	vst v1  }
0x2d7: {  	v1 =	vld [tilespmem:$0x10180];
	_ =	sdelay $0x2  }
0x2d8: {  	v32 =	vbroadcast v0, $0x3;
	_ =	sdelay $0x1  }
0x2d9: {  	v1 =	vmul.f32 v1, v32;
	_ =	sdelay $0x1  }
0x2da: {  	[tilespmem:s24+$0x9830] =	vst v1  }
0x2db: {  	v1 =	vld [tilespmem:$0x10200];
	_ =	sdelay $0x2  }
0x2dc: {  	v33 =	vbroadcast v0, $0x4;
	_ =	sdelay $0x1  }
0x2dd: {  	v1 =	vmul.f32 v1, v33;
	_ =	sdelay $0x1  }
0x2de: {  	[tilespmem:s24+$0x9840] =	vst v1  }
0x2df: {  	v1 =	vld [tilespmem:$0x10280];
	_ =	sdelay $0x2  }
0x2e0: {  	v34 =	vbroadcast v0, $0x5;
	_ =	sdelay $0x1  }
0x2e1: {  	v1 =	vmul.f32 v1, v34;
	_ =	sdelay $0x1  }
0x2e2: {  	[tilespmem:s24+$0x9850] =	vst v1  }
0x2e3: {  	v1 =	vld [tilespmem:$0x10300];
	_ =	sdelay $0x2  }
0x2e4: {  	v35 =	vbroadcast v0, $0x6;
	_ =	sdelay $0x1  }
0x2e5: {  	v1 =	vmul.f32 v1, v35;
	_ =	sdelay $0x1  }
0x2e6: {  	[tilespmem:s24+$0x9860] =	vst v1  }
0x2e7: {  	v1 =	vld [tilespmem:$0x10380];
	_ =	sdelay $0x2  }
0x2e8: {  	v36 =	vbroadcast v0, $0x7;
	_ =	sdelay $0x1  }
0x2e9: {  	v1 =	vmul.f32 v1, v36;
	_ =	sdelay $0x1  }
0x2ea: {  	[tilespmem:s24+$0x9870] =	vst v1  }
0x2eb: {  	v1 =	vld [tilespmem:$0x10400];
	_ =	sdelay $0x2  }
0x2ec: {  	v37 =	vbroadcast v0, $0x8;
	_ =	sdelay $0x1  }
0x2ed: {  	v1 =	vmul.f32 v1, v37;
	_ =	sdelay $0x1  }
0x2ee: {  	[tilespmem:s24+$0x9C00] =	vst v1  }
0x2ef: {  	v1 =	vld [tilespmem:$0x10480];
	_ =	sdelay $0x2  }
0x2f0: {  	v38 =	vbroadcast v0, $0x9;
	_ =	sdelay $0x1  }
0x2f1: {  	v1 =	vmul.f32 v1, v38;
	_ =	sdelay $0x1  }
0x2f2: {  	[tilespmem:s24+$0x9C10] =	vst v1  }
0x2f3: {  	v1 =	vld [tilespmem:$0x10500];
	_ =	sdelay $0x2  }
0x2f4: {  	v39 =	vbroadcast v0, $0xA;
	_ =	sdelay $0x1  }
0x2f5: {  	v1 =	vmul.f32 v1, v39;
	_ =	sdelay $0x1  }
0x2f6: {  	[tilespmem:s24+$0x9C20] =	vst v1  }
0x2f7: {  	v1 =	vld [tilespmem:$0x10580];
	_ =	sdelay $0x2  }
0x2f8: {  	v40 =	vbroadcast v0, $0xB;
	_ =	sdelay $0x1  }
0x2f9: {  	v1 =	vmul.f32 v1, v40;
	_ =	sdelay $0x1  }
0x2fa: {  	[tilespmem:s24+$0x9C30] =	vst v1  }
0x2fb: {  	v1 =	vld [tilespmem:$0x10600];
	_ =	sdelay $0x2  }
0x2fc: {  	v41 =	vbroadcast v0, $0xC;
	_ =	sdelay $0x1  }
0x2fd: {  	v1 =	vmul.f32 v1, v41;
	_ =	sdelay $0x1  }
0x2fe: {  	[tilespmem:s24+$0x9C40] =	vst v1  }
0x2ff: {  	v1 =	vld [tilespmem:$0x10680];
	_ =	sdelay $0x2  }
0x300: {  	v42 =	vbroadcast v0, $0xD;
	_ =	sdelay $0x1  }
0x301: {  	v1 =	vmul.f32 v1, v42;
	_ =	sdelay $0x1  }
0x302: {  	[tilespmem:s24+$0x9C50] =	vst v1  }
0x303: {  	v1 =	vld [tilespmem:$0x10700];
	_ =	sdelay $0x2  }
0x304: {  	v43 =	vbroadcast v0, $0xE;
	_ =	sdelay $0x1  }
0x305: {  	v1 =	vmul.f32 v1, v43;
	_ =	sdelay $0x1  }
0x306: {  	[tilespmem:s24+$0x9C60] =	vst v1  }
0x307: {  	v1 =	vld [tilespmem:$0x10780];
	_ =	sdelay $0x2  }
0x308: {  	v0 =	vbroadcast v0, $0xF;
	_ =	sdelay $0x1  }
0x309: {  	v0 =	vmul.f32 v1, v0;
	_ =	sdelay $0x1  }
0x30a: {  	[tilespmem:s24+$0x9C70] =	vst v0  }
0x30b: {  	v0 =	vld [tilespmem:s22+$0x20];
	_ =	sdelay $0x1  }
0x30c: {  	v44 =	vld [tilespmem:$0x10800];
	_ =	sdelay $0x2  }
0x30d: {  	v45 =	vbroadcast v0, $0x0;
	_ =	sdelay $0x1  }
0x30e: {  	v1 =	vmul.f32 v44, v45;
	_ =	sdelay $0x1  }
0x30f: {  	[tilespmem:s24+$0xA000] =	vst v1  }
0x310: {  	v1 =	vld [tilespmem:$0x10880];
	_ =	sdelay $0x2  }
0x311: {  	v46 =	vbroadcast v0, $0x1;
	_ =	sdelay $0x1  }
0x312: {  	v1 =	vmul.f32 v1, v46;
	_ =	sdelay $0x1  }
0x313: {  	[tilespmem:s24+$0xA010] =	vst v1  }
0x314: {  	v1 =	vld [tilespmem:$0x10900];
	_ =	sdelay $0x2  }
0x315: {  	v47 =	vbroadcast v0, $0x2;
	_ =	sdelay $0x1  }
0x316: {  	v1 =	vmul.f32 v1, v47;
	_ =	sdelay $0x1  }
0x317: {  	[tilespmem:s24+$0xA020] =	vst v1  }
0x318: {  	v1 =	vld [tilespmem:$0x10980];
	_ =	sdelay $0x2  }
0x319: {  	v48 =	vbroadcast v0, $0x3;
	_ =	sdelay $0x1  }
0x31a: {  	v1 =	vmul.f32 v1, v48;
	_ =	sdelay $0x1  }
0x31b: {  	[tilespmem:s24+$0xA030] =	vst v1  }
0x31c: {  	v1 =	vld [tilespmem:$0x10A00];
	_ =	sdelay $0x2  }
0x31d: {  	v49 =	vbroadcast v0, $0x4;
	_ =	sdelay $0x1  }
0x31e: {  	v1 =	vmul.f32 v1, v49;
	_ =	sdelay $0x1  }
0x31f: {  	[tilespmem:s24+$0xA040] =	vst v1  }
0x320: {  	v1 =	vld [tilespmem:$0x10A80];
	_ =	sdelay $0x2  }
0x321: {  	v50 =	vbroadcast v0, $0x5;
	_ =	sdelay $0x1  }
0x322: {  	v1 =	vmul.f32 v1, v50;
	_ =	sdelay $0x1  }
0x323: {  	[tilespmem:s24+$0xA050] =	vst v1  }
0x324: {  	v1 =	vld [tilespmem:$0x10B00];
	_ =	sdelay $0x2  }
0x325: {  	v51 =	vbroadcast v0, $0x6;
	_ =	sdelay $0x1  }
0x326: {  	v1 =	vmul.f32 v1, v51;
	_ =	sdelay $0x1  }
0x327: {  	[tilespmem:s24+$0xA060] =	vst v1  }
0x328: {  	v1 =	vld [tilespmem:$0x10B80];
	_ =	sdelay $0x2  }
0x329: {  	v52 =	vbroadcast v0, $0x7;
	_ =	sdelay $0x1  }
0x32a: {  	v1 =	vmul.f32 v1, v52;
	_ =	sdelay $0x1  }
0x32b: {  	[tilespmem:s24+$0xA070] =	vst v1  }
0x32c: {  	v1 =	vld [tilespmem:$0x10C00];
	_ =	sdelay $0x2  }
0x32d: {  	v53 =	vbroadcast v0, $0x8;
	_ =	sdelay $0x1  }
0x32e: {  	v1 =	vmul.f32 v1, v53;
	_ =	sdelay $0x1  }
0x32f: {  	[tilespmem:s24+$0xA400] =	vst v1  }
0x330: {  	v1 =	vld [tilespmem:$0x10C80];
	_ =	sdelay $0x2  }
0x331: {  	v54 =	vbroadcast v0, $0x9;
	_ =	sdelay $0x1  }
0x332: {  	v1 =	vmul.f32 v1, v54;
	_ =	sdelay $0x1  }
0x333: {  	[tilespmem:s24+$0xA410] =	vst v1  }
0x334: {  	v1 =	vld [tilespmem:$0x10D00];
	_ =	sdelay $0x2  }
0x335: {  	v55 =	vbroadcast v0, $0xA;
	_ =	sdelay $0x1  }
0x336: {  	v1 =	vmul.f32 v1, v55;
	_ =	sdelay $0x1  }
0x337: {  	[tilespmem:s24+$0xA420] =	vst v1  }
0x338: {  	v1 =	vld [tilespmem:$0x10D80];
	_ =	sdelay $0x2  }
0x339: {  	v56 =	vbroadcast v0, $0xB;
	_ =	sdelay $0x1  }
0x33a: {  	v1 =	vmul.f32 v1, v56;
	_ =	sdelay $0x1  }
0x33b: {  	[tilespmem:s24+$0xA430] =	vst v1  }
0x33c: {  	v1 =	vld [tilespmem:$0x10E00];
	_ =	sdelay $0x2  }
0x33d: {  	v57 =	vbroadcast v0, $0xC;
	_ =	sdelay $0x1  }
0x33e: {  	v1 =	vmul.f32 v1, v57;
	_ =	sdelay $0x1  }
0x33f: {  	[tilespmem:s24+$0xA440] =	vst v1  }
0x340: {  	v1 =	vld [tilespmem:$0x10E80];
	_ =	sdelay $0x2  }
0x341: {  	v58 =	vbroadcast v0, $0xD;
	_ =	sdelay $0x1  }
0x342: {  	v1 =	vmul.f32 v1, v58;
	_ =	sdelay $0x1  }
0x343: {  	[tilespmem:s24+$0xA450] =	vst v1  }
0x344: {  	v1 =	vld [tilespmem:$0x10F00];
	_ =	sdelay $0x2  }
0x345: {  	v59 =	vbroadcast v0, $0xE;
	_ =	sdelay $0x1  }
0x346: {  	v1 =	vmul.f32 v1, v59;
	_ =	sdelay $0x1  }
0x347: {  	[tilespmem:s24+$0xA460] =	vst v1  }
0x348: {  	v1 =	vld [tilespmem:$0x10F80];
	_ =	sdelay $0x2  }
0x349: {  	v0 =	vbroadcast v0, $0xF;
	_ =	sdelay $0x1  }
0x34a: {  	v0 =	vmul.f32 v1, v0;
	_ =	sdelay $0x1  }
0x34b: {  	[tilespmem:s24+$0xA470] =	vst v0  }
0x34c: {  	v0 =	vld [tilespmem:s22+$0x24];
	_ =	sdelay $0x1  }
0x34d: {  	v60 =	vld [tilespmem:$0x11000];
	_ =	sdelay $0x2  }
0x34e: {  	v61 =	vbroadcast v0, $0xC;
	_ =	sdelay $0x1  }
0x34f: {  	v1 =	vmul.f32 v60, v61;
	_ =	sdelay $0x1  }
0x350: {  	[tilespmem:s24+$0xA800] =	vst v1  }
0x351: {  	v1 =	vld [tilespmem:$0x11080];
	_ =	sdelay $0x2  }
0x352: {  	v62 =	vbroadcast v0, $0xD;
	_ =	sdelay $0x1  }
0x353: {  	v1 =	vmul.f32 v1, v62;
	_ =	sdelay $0x1  }
0x354: {  	[tilespmem:s24+$0xA810] =	vst v1  }
0x355: {  	v1 =	vld [tilespmem:$0x11100];
	_ =	sdelay $0x2  }
0x356: {  	v63 =	vbroadcast v0, $0xE;
	_ =	sdelay $0x1  }
0x357: {  	v1 =	vmul.f32 v1, v63;
	_ =	sdelay $0x1  }
0x358: {  	[tilespmem:s24+$0xA820] =	vst v1  }
0x359: {  	v1 =	vld [tilespmem:$0x11180];
	_ =	sdelay $0x1  }
0x35a: {  	p0 =	sne.s32 s23, $0xF  }
.Ltmp1:
0x35b: {  	v0 =	vbroadcast v0, $0xF;
	(pc) =	sbr.rel @p0 .LBB2_5-.Ltmp1, $3  }
0x35c: {  	_ = 	snop  }
0x35d: {  	v0 =	vmul.f32 v1, v0;
	_ =	sdelay $0x1  }
0x35e: {  	s21 =	sadd.s32 $0x80, s21;
	s23 =	sadd.s32 $0x1, s23;
	s22 =	sadd.s32 $0x80, s22;
	[tilespmem:s24+$0xA830] =	vst v0  }
0x35f: {  	s19 =	sadd.s32 $0x1, s19  }
0x360: {  	p0 =	sne.s32 s19, $0x10  }
.Ltmp2:
0x361: {  	s20 =	sshrl.u32 s20, $0x3;
	(pc) =	sbr.rel @p0 .LBB2_2-.Ltmp2, $3  }
0x362: {  	s20 =	smul.u32 $0x680, s20;
	_ =	sdelay $0x1  }
0x363: {  	s20 =	sadd.s32 s5, s20  }
0x364: {  	[hbm4b:s20+s2] =	stream.linear.scatter [tilespmem:s15], [sflag:$0x4], $0x6800, $0x38;
	[tilespmem:$0x11400] =	vst v63  }
0x365: {  	s18 =	sadd.s32 $0x1, s18  }
0x366: {  	_ =	swait.ge [sflag:s16], $0x6800;
	p0 =	sne.s32 s18, s8  }
.Ltmp3:
0x367: {  	[sflag:s16] =	ssyncset.done $0x0;
	(pc) =	sbr.rel @p0 .LBB2_1-.Ltmp3, $4  }
0x368: {  	[sflag:s16] =	ssyncadd.s32 $0xFFFF9800  }
0x369: {  	_ =	swait.ge [sflag:s17], $0x6800  }
0x36a: {  	[sflag:s17] =	ssyncset.done $0x0  }
0x36b: {  	[sflag:s17] =	ssyncadd.s32 $0xFFFF9800  }
0x36c: {  	_ =	sfence.sel $0x180000  }
0x36d: {  	[bflag:$0x0] =	sbarrier.arrive $0xFFFF  }
0x36e: {  	p0 =	sne.s32 s1, $0x0;
	_ =	strace $0x90000047  }
0x36f: {  	s0 =	sadd.s32 @!p0 $0x100000, s0;
	[bflag:$0x2] =	sbarrier.arrive $0xFFFF  }
0x370: {  	[sflag:s0] =	ssyncadd.tile.s32 @!p0 $0x1;
	_ =	shalt  }
.Lfunc_end2:
_tile_overlayer_lowered:
.L_overlay_start_2:
0x371: {  	(tag) =	ssettag $0x2  }
0x372: {  	s0 =	rddreg [dreg:$0x0];
	s2 =	stileid.u32  }
0x373: {  	s1 =	rddreg [dreg:$0x1];
	p0 =	sne.s32 s2, $0x0  }
0x374: {  	s3 =	rddreg [dreg:$0x2];
	[bflag:$0x3] =	sbarrier.arrive $0xFFFF;
	s2 =	simm.s32 @!p0 $0x1C05  }
0x375: {  	[timem:s3], [sflag:s2] =	dma.local @!p0 [hbm:s0], s1  }
0x376: {  	s0 =	simm.s32 @!p0 $0x5  }
0x377: {  	_ =	swait.ge @!p0 [sflag:s0], s1  }
0x378: {  	s1 =	ssub.s32 @!p0 $0x0, s1;
	[sflag:s0] =	ssyncset.done @!p0 $0x0  }
0x379: {  	[sflag:s0] =	ssyncadd.s32 @!p0 s1  }
0x37a: {  	[bflag:$0x3] =	sbarrier.arrive $0xFFFF  }
0x37b: {  	_ =	shalt  }

</sc_bundles>
